<compile_context>
chip_gen: v7x
topology: tpu7x:2x2x1
jax: 0.10.2.dev20260603
libtpu: 0.0.44.dev20260713+nightly
codegen_flags: <defaults>
</compile_context>

<pallas_src>
import jax
import jax.numpy as jnp
from jax import lax
from jax.experimental import pallas as pl
from jax.experimental.pallas import tpu as pltpu
from jax.experimental.pallas import tpu_sc as plsc

N = 10000
E = 320000
F = 128
NS = 16
L = 16
EB = 128
NB = 158
E_PAD = NB * EB * NS
N_PAD = 10240
RPT = N_PAD // NS
BLK = 512


def _d_body(x_ref, dum_ref, o_ref):
    o_ref[...] = jnp.dot(x_ref[...], dum_ref[...],
                         preferred_element_type=jnp.float32)


def _final_body(x_ref, b_acc_ref, s_acc_ref, cnt_ref, wd_ref, w1_ref, ws_ref,
                bias_ref, o_ref):
    acc = jnp.dot(b_acc_ref[...], wd_ref[...],
                  preferred_element_type=jnp.float32)
    acc = acc + jnp.dot(s_acc_ref[...], w1_ref[...],
                        preferred_element_type=jnp.float32)
    acc = acc + jnp.dot(x_ref[...], ws_ref[...],
                        preferred_element_type=jnp.float32)
    cnt = jnp.sum(cnt_ref[...], axis=0)[:, None]
    conv = acc / (cnt + 1.0) + bias_ref[...]
    o_ref[...] = x_ref[...] + jnp.maximum(conv, 0.0)


def _sc_edges(src_ref, dst_ref, x_ref, d_ref, c01_ref,
              b_out, s_out, cnt_out,
              acc, rows0, rows1, srcb0, srcb1, dstb0, dstb1, wb, dc, c01v,
              gsem0, gsem1):
    cid = lax.axis_index("c")
    wid = lax.axis_index("s")
    rows = (rows0, rows1)
    srcb = (srcb0, srcb1)
    dstb = (dstb0, dstb1)
    gsem = (gsem0, gsem1)
    dloc = dc
    cntloc = dc

    def _zrow(r, _):
        for t in range(F // L):
            rows0[r, pl.ds(t * L, L)] = jnp.zeros((L,), jnp.float32)
        return 0
    lax.fori_loop(0, EB, _zrow, 0)
    for k in range(RPT // EB):
        pltpu.sync_copy(rows0, acc.at[pl.ds(wid * RPT + k * EB, EB)])

    @pl.when(cid == 0)
    def _():
        pltpu.sync_copy(d_ref, dloc.at[pl.ds(0, N)])

    @pl.when(cid == 1)
    def _():
        def _zcnt(r, _):
            cntloc[pl.ds(r * L, L)] = jnp.zeros((L,), jnp.float32)
            return 0
        lax.fori_loop(0, N_PAD // L, _zcnt, 0)

    pltpu.sync_copy(c01_ref, c01v)
    plsc.subcore_barrier()

    base = wid * (NB * EB)

    def _fetch(i, b):
        off = base + i * EB
        pltpu.sync_copy(src_ref.at[pl.ds(off, EB)], srcb[b])
        pltpu.sync_copy(dst_ref.at[pl.ds(off, EB)], dstb[b])
        pltpu.async_copy(x_ref.at[srcb[b]], rows[b], gsem[b])

    def _gwait(b):
        pltpu.make_async_copy(x_ref.at[srcb[b]], rows[b], gsem[b]).wait()

    def _compute_sc0(b):
        c01 = c01v[...]
        for g in range(EB // L):
            sv = srcb[b][pl.ds(g * L, L)]
            dv = dstb[b][pl.ds(g * L, L)]
            dsv = plsc.load_gather(dloc, [sv])
            ddv = plsc.load_gather(dloc, [dv])
            z = dsv - ddv + c01
            w = 1.0 / (1.0 + jnp.exp(-z))
            w = jnp.where(sv == dv, 0.0, w)
            wb[pl.ds(g * L, L)] = w

        def _scale(g, _):
            wv = wb[pl.ds(g * L, L)]
            for j in range(L):
                wj = wv[j]
                row = g * L + j
                for t in range(F // L):
                    sl = pl.ds(t * L, L)
                    rows[b][row, sl] = rows[b][row, sl] * wj
            return 0
        lax.fori_loop(0, EB // L, _scale, 0)

    def _compute_sc1(b):
        ones = jnp.ones((L,), jnp.float32)
        for g in range(EB // L):
            sl = pl.ds(g * L, L)
            sv = srcb[b][sl]
            dv = dstb[b][sl]
            valid = sv != dv
            dstb[b][sl] = jnp.where(valid, dv, N)
            plsc.addupdate_scatter(cntloc, [dv], ones, mask=valid)

    def _make_loop(compute):
        def _body(g, _):
            for b in (0, 1):
                i = 2 * g + b
                _gwait(b)

                @pl.when(i + 1 < NB)
                def _():
                    _fetch(i + 1, 1 - b)
                compute(b)
                pltpu.sync_copy(rows[b], acc.at[dstb[b]], add=True)
            return 0
        return _body

    _fetch(0, 0)

    @pl.when(cid == 0)
    def _():
        lax.fori_loop(0, NB // 2, _make_loop(_compute_sc0), 0)

    @pl.when(cid == 1)
    def _():
        lax.fori_loop(0, NB // 2, _make_loop(_compute_sc1), 0)

    plsc.subcore_barrier()
    stripe = pl.ds(wid * RPT, RPT)

    @pl.when(cid == 0)
    def _():
        pltpu.sync_copy(acc.at[stripe], b_out.at[stripe])

    @pl.when(cid == 1)
    def _():
        pltpu.sync_copy(acc.at[stripe], s_out.at[stripe])
        pltpu.sync_copy(cntloc, cnt_out.at[wid])


def _run_sc(src_p, dst_p, x, d, c01):
    mesh = plsc.VectorSubcoreMesh(core_axis_name="c", subcore_axis_name="s")
    return pl.kernel(
        _sc_edges,
        out_type=(jax.ShapeDtypeStruct((N_PAD, F), jnp.float32),
                  jax.ShapeDtypeStruct((N_PAD, F), jnp.float32),
                  jax.ShapeDtypeStruct((NS, N_PAD), jnp.float32)),
        mesh=mesh,
        compiler_params=pltpu.CompilerParams(needs_layout_passes=False),
        scratch_types=[
            pltpu.VMEM_SHARED((N_PAD, F), jnp.float32),
            pltpu.VMEM((EB, F), jnp.float32),
            pltpu.VMEM((EB, F), jnp.float32),
            pltpu.VMEM((EB,), jnp.int32),
            pltpu.VMEM((EB,), jnp.int32),
            pltpu.VMEM((EB,), jnp.int32),
            pltpu.VMEM((EB,), jnp.int32),
            pltpu.VMEM((EB,), jnp.float32),
            pltpu.VMEM((N_PAD,), jnp.float32),
            pltpu.VMEM((L,), jnp.float32),
            pltpu.SemaphoreType.DMA,
            pltpu.SemaphoreType.DMA,
        ],
    )(src_p, dst_p, x, d, c01)


def kernel(x, edge_index, W, U, c, b):
    W0 = W[:F]
    W1 = W[F:]
    qs = jax.nn.softmax(c)
    wd_t = (W0 - W1).T
    w1_t = W1.T
    ws_t = (qs[0] * W0 + qs[1] * W1).T
    du = U[0] - U[1]
    dum = jnp.zeros((F, 128), jnp.float32).at[:, 0].set(du)
    c01 = jnp.full((L,), c[0] - c[1], jnp.float32)

    src_p = jnp.zeros((E_PAD,), jnp.int32).at[:E].set(edge_index[0])
    dst_p = jnp.zeros((E_PAD,), jnp.int32).at[:E].set(edge_index[1])

    dmat = pl.pallas_call(
        _d_body,
        grid=(N // 400,),
        in_specs=[pl.BlockSpec((400, F), lambda i: (i, 0)),
                  pl.BlockSpec((F, 128), lambda i: (0, 0))],
        out_specs=pl.BlockSpec((400, 128), lambda i: (i, 0)),
        out_shape=jax.ShapeDtypeStruct((N, 128), jnp.float32),
    )(x, dum)
    d = dmat[:, 0]

    b_acc, s_acc, cnt_parts = _run_sc(src_p, dst_p, x, d, c01)

    x_pad = jnp.zeros((N_PAD, F), jnp.float32).at[:N].set(x)

    out = pl.pallas_call(
        _final_body,
        grid=(N_PAD // BLK,),
        in_specs=[pl.BlockSpec((BLK, F), lambda i: (i, 0)),
                  pl.BlockSpec((BLK, F), lambda i: (i, 0)),
                  pl.BlockSpec((BLK, F), lambda i: (i, 0)),
                  pl.BlockSpec((NS, BLK), lambda i: (0, i)),
                  pl.BlockSpec((F, F), lambda i: (0, 0)),
                  pl.BlockSpec((F, F), lambda i: (0, 0)),
                  pl.BlockSpec((F, F), lambda i: (0, 0)),
                  pl.BlockSpec((1, F), lambda i: (0, 0))],
        out_specs=pl.BlockSpec((BLK, F), lambda i: (i, 0)),
        out_shape=jax.ShapeDtypeStruct((N_PAD, F), jnp.float32),
    )(x_pad, b_acc, s_acc, cnt_parts, wd_t, w1_t, ws_t, b.reshape(1, F))
    return out[:N]

# --- scband reference (transcript-rebuilt; emitter-appended) ---
"""Pipeline reference for scband-fea-st-conv-31138512896570 (READ-ONLY COPY).

The authoritative reference and input builder live on the scoring server;
editing this copy changes nothing except your own understanding.
"""

import jax, jax.numpy as jnp
import numpy as np

N = 10000
E = 320000
F = 128
H = 2


def setup_inputs(seed: int = 0) -> dict:
    key = jax.random.key(seed)
    k1, k2, k3, k4, k5, k6 = jax.random.split(key, 6)
    x = jax.random.normal(k1, (N, F), dtype=jnp.float32)
    edge_index = jax.random.randint(k2, (2, E), 0, N, dtype=jnp.int32)
    # FeaStConv params (PyG): lin [H*F_out, F_in], u [H, F_in], c [H], bias [F_out]
    W = jax.random.normal(k3, (H * F, F), dtype=jnp.float32) * 0.1
    U = jax.random.normal(k4, (H, F), dtype=jnp.float32) * 0.1
    c = jax.random.normal(k5, (H,), dtype=jnp.float32) * 0.1
    b = jax.random.normal(k6, (F,), dtype=jnp.float32) * 0.1
    return {"x": x, "edge_index": edge_index, "W": W, "U": U, "c": c, "b": b}


def reference(x, edge_index, W, U, c, b):
    # PyG FeaStConv(nfeat, nfeat, heads=2): remove_self_loops + add_self_loops,
    # message: q = softmax(u(x_j - x_i) + c); msg = sum_h q_h * (W_h x_j); aggr='mean'
    src = edge_index[0]
    dst = edge_index[1]
    valid = (src != dst).astype(x.dtype)  # remove_self_loops mask
    x_j = x[src]
    x_i = x[dst]
    q = jax.nn.softmax((x_j - x_i) @ U.T + c, axis=1)          # [E, H]
    xl = (x_j @ W.T).reshape(-1, H, F)                          # [E, H, F]
    msg = (xl * q[:, :, None]).sum(axis=1) * valid[:, None]     # [E, F]
    sums = jax.ops.segment_sum(msg, dst, num_segments=N)        # [N, F]
    # self-loops added once per node: x_j - x_i = 0 -> q = softmax(c)
    q_self = jax.nn.softmax(c)                                  # [H]
    xl_self = (x @ W.T).reshape(-1, H, F)                       # [N, H, F]
    msg_self = (xl_self * q_self[None, :, None]).sum(axis=1)    # [N, F]
    counts = jax.ops.segment_sum(valid, dst, num_segments=N) + 1.0
    conv = (sums + msg_self) / counts[:, None] + b
    return x + jax.nn.relu(conv)

if __name__ == "__main__":
    import jax
    _d = setup_inputs()
    print(jax.jit(kernel)(*tuple(_d.values())))

</pallas_src>

<mosaic_0001>
#map = affine_map<(d0, d1) -> (0)>
#map1 = affine_map<(d0, d1) -> (0, 0)>
module attributes {stable_mosaic.version = 14 : i64} {
  func.func @_sc_edges(%arg0: i32, %arg1: i32, %arg2: memref<323584xi32, #tpu.memory_space<hbm>>, %arg3: memref<323584xi32, #tpu.memory_space<hbm>>, %arg4: memref<10000x128xf32, #tpu.memory_space<hbm>>, %arg5: memref<10000xf32, #tpu.memory_space<hbm>>, %arg6: memref<16xf32, #tpu.memory_space<hbm>>, %arg7: memref<10240x128xf32, #tpu.memory_space<hbm>>, %arg8: memref<10240x128xf32, #tpu.memory_space<hbm>>, %arg9: memref<16x10240xf32, #tpu.memory_space<hbm>>, %arg10: memref<10240x128xf32, #tpu.memory_space<vmem_shared>>, %arg11: memref<128x128xf32, #tpu.memory_space<vmem>>, %arg12: memref<128x128xf32, #tpu.memory_space<vmem>>, %arg13: memref<128xi32, #tpu.memory_space<vmem>>, %arg14: memref<128xi32, #tpu.memory_space<vmem>>, %arg15: memref<128xi32, #tpu.memory_space<vmem>>, %arg16: memref<128xi32, #tpu.memory_space<vmem>>, %arg17: memref<128xf32, #tpu.memory_space<vmem>>, %arg18: memref<10240xf32, #tpu.memory_space<vmem>>, %arg19: memref<16xf32, #tpu.memory_space<vmem>>, %arg20: memref<!tpu.dma_semaphore, #tpu.memory_space<semaphore_mem>>, %arg21: memref<!tpu.dma_semaphore, #tpu.memory_space<semaphore_mem>>) attributes {dimension_semantics = [#tpu.dimension_semantics<core_parallel>, #tpu.dimension_semantics<subcore_parallel>], iteration_bounds = array<i64: 2, 16>, scalar_prefetch = 0 : i64, scratch_operands = 12 : i64, tpu.core_type = #tpu.core_type<sc_vector_subcore>, window_params = [{transform_indices = #map}, {transform_indices = #map}, {transform_indices = #map1}, {transform_indices = #map}, {transform_indices = #map}, {transform_indices = #map1}, {transform_indices = #map1}, {transform_indices = #map1}]} {
    %scan3A = arith.constant 0 : i32
    %scan3A_0 = arith.constant 0 : i32
    %scan3A_1 = arith.constant 128 : i32
    %scan3A_2 = arith.addi %scan3A_0, %scan3A_1 : i32
    %scan3A_3 = arith.constant 1 : i32
    %scan3A_4 = scf.for %scan3A_60 = %scan3A_0 to %scan3A_2 step %scan3A_3 iter_args(%scan3A_61 = %scan3A) -> (i32)  : i32 {
      %broadcast_in_dim3A = arith.constant 0.000000e+00 : f32
      %broadcast_in_dim3A_62 = vector.broadcast %broadcast_in_dim3A : f32 to vector<16xf32>
      %swap3A = arith.index_cast %scan3A_60 : i32 to index
      %swap3A_63 = arith.constant 0 : index
      %swap3A_64 = tpu.vector_load %arg11[%swap3A, %swap3A_63] {strides = array<i32>} : memref<128x128xf32, #tpu.memory_space<vmem>>, vector<16xf32>,
      tpu.vector_store %arg11[%swap3A, %swap3A_63], %broadcast_in_dim3A_62 {strides = array<i32>} : memref<128x128xf32, #tpu.memory_space<vmem>>, vector<16xf32>,
      %broadcast_in_dim3A_65 = arith.constant 0.000000e+00 : f32
      %broadcast_in_dim3A_66 = vector.broadcast %broadcast_in_dim3A_65 : f32 to vector<16xf32>
      %swap3A_67 = arith.index_cast %scan3A_60 : i32 to index
      %swap3A_68 = arith.constant 16 : index
      %swap3A_69 = tpu.vector_load %arg11[%swap3A_67, %swap3A_68] {strides = array<i32>} : memref<128x128xf32, #tpu.memory_space<vmem>>, vector<16xf32>,
      tpu.vector_store %arg11[%swap3A_67, %swap3A_68], %broadcast_in_dim3A_66 {strides = array<i32>} : memref<128x128xf32, #tpu.memory_space<vmem>>, vector<16xf32>,
      %broadcast_in_dim3A_70 = arith.constant 0.000000e+00 : f32
      %broadcast_in_dim3A_71 = vector.broadcast %broadcast_in_dim3A_70 : f32 to vector<16xf32>
      %swap3A_72 = arith.index_cast %scan3A_60 : i32 to index
      %swap3A_73 = arith.constant 32 : index
      %swap3A_74 = tpu.vector_load %arg11[%swap3A_72, %swap3A_73] {strides = array<i32>} : memref<128x128xf32, #tpu.memory_space<vmem>>, vector<16xf32>,
      tpu.vector_store %arg11[%swap3A_72, %swap3A_73], %broadcast_in_dim3A_71 {strides = array<i32>} : memref<128x128xf32, #tpu.memory_space<vmem>>, vector<16xf32>,
      %broadcast_in_dim3A_75 = arith.constant 0.000000e+00 : f32
      %broadcast_in_dim3A_76 = vector.broadcast %broadcast_in_dim3A_75 : f32 to vector<16xf32>
      %swap3A_77 = arith.index_cast %scan3A_60 : i32 to index
      %swap3A_78 = arith.constant 48 : index
      %swap3A_79 = tpu.vector_load %arg11[%swap3A_77, %swap3A_78] {strides = array<i32>} : memref<128x128xf32, #tpu.memory_space<vmem>>, vector<16xf32>,
      tpu.vector_store %arg11[%swap3A_77, %swap3A_78], %broadcast_in_dim3A_76 {strides = array<i32>} : memref<128x128xf32, #tpu.memory_space<vmem>>, vector<16xf32>,
      %broadcast_in_dim3A_80 = arith.constant 0.000000e+00 : f32
      %broadcast_in_dim3A_81 = vector.broadcast %broadcast_in_dim3A_80 : f32 to vector<16xf32>
      %swap3A_82 = arith.index_cast %scan3A_60 : i32 to index
      %swap3A_83 = arith.constant 64 : index
      %swap3A_84 = tpu.vector_load %arg11[%swap3A_82, %swap3A_83] {strides = array<i32>} : memref<128x128xf32, #tpu.memory_space<vmem>>, vector<16xf32>,
      tpu.vector_store %arg11[%swap3A_82, %swap3A_83], %broadcast_in_dim3A_81 {strides = array<i32>} : memref<128x128xf32, #tpu.memory_space<vmem>>, vector<16xf32>,
      %broadcast_in_dim3A_85 = arith.constant 0.000000e+00 : f32
      %broadcast_in_dim3A_86 = vector.broadcast %broadcast_in_dim3A_85 : f32 to vector<16xf32>
      %swap3A_87 = arith.index_cast %scan3A_60 : i32 to index
      %swap3A_88 = arith.constant 80 : index
      %swap3A_89 = tpu.vector_load %arg11[%swap3A_87, %swap3A_88] {strides = array<i32>} : memref<128x128xf32, #tpu.memory_space<vmem>>, vector<16xf32>,
      tpu.vector_store %arg11[%swap3A_87, %swap3A_88], %broadcast_in_dim3A_86 {strides = array<i32>} : memref<128x128xf32, #tpu.memory_space<vmem>>, vector<16xf32>,
      %broadcast_in_dim3A_90 = arith.constant 0.000000e+00 : f32
      %broadcast_in_dim3A_91 = vector.broadcast %broadcast_in_dim3A_90 : f32 to vector<16xf32>
      %swap3A_92 = arith.index_cast %scan3A_60 : i32 to index
      %swap3A_93 = arith.constant 96 : index
      %swap3A_94 = tpu.vector_load %arg11[%swap3A_92, %swap3A_93] {strides = array<i32>} : memref<128x128xf32, #tpu.memory_space<vmem>>, vector<16xf32>,
      tpu.vector_store %arg11[%swap3A_92, %swap3A_93], %broadcast_in_dim3A_91 {strides = array<i32>} : memref<128x128xf32, #tpu.memory_space<vmem>>, vector<16xf32>,
      %broadcast_in_dim3A_95 = arith.constant 0.000000e+00 : f32
      %broadcast_in_dim3A_96 = vector.broadcast %broadcast_in_dim3A_95 : f32 to vector<16xf32>
      %swap3A_97 = arith.index_cast %scan3A_60 : i32 to index
      %swap3A_98 = arith.constant 112 : index
      %swap3A_99 = tpu.vector_load %arg11[%swap3A_97, %swap3A_98] {strides = array<i32>} : memref<128x128xf32, #tpu.memory_space<vmem>>, vector<16xf32>,
      tpu.vector_store %arg11[%swap3A_97, %swap3A_98], %broadcast_in_dim3A_96 {strides = array<i32>} : memref<128x128xf32, #tpu.memory_space<vmem>>, vector<16xf32>,
      %scan3A_100 = arith.constant 0 : i32
      scf.yield %scan3A_100 : i32
    }
    %scan3A_5 = arith.constant 128 : i32
    %mul3A = arith.constant 640 : i32
    %mul3A_6 = arith.muli %arg1, %mul3A : i32
    %add3A = arith.constant 0 : i32
    %add3A_7 = arith.addi %mul3A_6, %add3A : i32
    "tpu.region"() ({
      %run_scoped3A = tpu.sem_alloc : memref<!tpu.dma_semaphore, #tpu.memory_space<semaphore_mem>>
      %dma_start3A_60 = arith.constant 0 : i32
      %dma_start3A_61 = tpu.memref_slice %arg10[%add3A_7, %dma_start3A_60] : memref<10240x128xf32, #tpu.memory_space<vmem_shared>> -> memref<128x128xf32, #tpu.memory_space<vmem_shared>>
      %dma_start3A_62 = arith.constant 0 : i32
      %dma_start3A_63 = tpu.memref_slice %arg10[%add3A_7, %dma_start3A_62] : memref<10240x128xf32, #tpu.memory_space<vmem_shared>> -> memref<128x128xf32, #tpu.memory_space<vmem_shared>>
      tpu.enqueue_dma source(%arg11 : memref<128x128xf32, #tpu.memory_space<vmem>>) target(%dma_start3A_63 : memref<128x128xf32, #tpu.memory_space<vmem_shared>>) target_semaphore(%run_scoped3A : memref<!tpu.dma_semaphore, #tpu.memory_space<semaphore_mem>>)
      %dma_wait3A = arith.constant 0 : i32
      %dma_wait3A_64 = tpu.memref_slice %arg10[%add3A_7, %dma_wait3A] : memref<10240x128xf32, #tpu.memory_space<vmem_shared>> -> memref<128x128xf32, #tpu.memory_space<vmem_shared>>
      %dma_wait3A_65 = arith.constant 0 : i32
      %dma_wait3A_66 = tpu.memref_slice %arg10[%add3A_7, %dma_wait3A_65] : memref<10240x128xf32, #tpu.memory_space<vmem_shared>> -> memref<128x128xf32, #tpu.memory_space<vmem_shared>>
      tpu.wait_dma2 semaphore(%run_scoped3A : memref<!tpu.dma_semaphore, #tpu.memory_space<semaphore_mem>>) src(%arg11 : memref<128x128xf32, #tpu.memory_space<vmem>>) dst(%dma_wait3A_66 : memref<128x128xf32, #tpu.memory_space<vmem_shared>>)
      tpu.yield
    }) : () -> ()
    %mul3A_8 = arith.constant 640 : i32
    %mul3A_9 = arith.muli %arg1, %mul3A_8 : i32
    %add3A_10 = arith.constant 128 : i32
    %add3A_11 = arith.addi %mul3A_9, %add3A_10 : i32
    "tpu.region"() ({
      %run_scoped3A = tpu.sem_alloc : memref<!tpu.dma_semaphore, #tpu.memory_space<semaphore_mem>>
      %dma_start3A_60 = arith.constant 0 : i32
      %dma_start3A_61 = tpu.memref_slice %arg10[%add3A_11, %dma_start3A_60] : memref<10240x128xf32, #tpu.memory_space<vmem_shared>> -> memref<128x128xf32, #tpu.memory_space<vmem_shared>>
      %dma_start3A_62 = arith.constant 0 : i32
      %dma_start3A_63 = tpu.memref_slice %arg10[%add3A_11, %dma_start3A_62] : memref<10240x128xf32, #tpu.memory_space<vmem_shared>> -> memref<128x128xf32, #tpu.memory_space<vmem_shared>>
      tpu.enqueue_dma source(%arg11 : memref<128x128xf32, #tpu.memory_space<vmem>>) target(%dma_start3A_63 : memref<128x128xf32, #tpu.memory_space<vmem_shared>>) target_semaphore(%run_scoped3A : memref<!tpu.dma_semaphore, #tpu.memory_space<semaphore_mem>>)
      %dma_wait3A = arith.constant 0 : i32
      %dma_wait3A_64 = tpu.memref_slice %arg10[%add3A_11, %dma_wait3A] : memref<10240x128xf32, #tpu.memory_space<vmem_shared>> -> memref<128x128xf32, #tpu.memory_space<vmem_shared>>
      %dma_wait3A_65 = arith.constant 0 : i32
      %dma_wait3A_66 = tpu.memref_slice %arg10[%add3A_11, %dma_wait3A_65] : memref<10240x128xf32, #tpu.memory_space<vmem_shared>> -> memref<128x128xf32, #tpu.memory_space<vmem_shared>>
      tpu.wait_dma2 semaphore(%run_scoped3A : memref<!tpu.dma_semaphore, #tpu.memory_space<semaphore_mem>>) src(%arg11 : memref<128x128xf32, #tpu.memory_space<vmem>>) dst(%dma_wait3A_66 : memref<128x128xf32, #tpu.memory_space<vmem_shared>>)
      tpu.yield
    }) : () -> ()
    %mul3A_12 = arith.constant 640 : i32
    %mul3A_13 = arith.muli %arg1, %mul3A_12 : i32
    %add3A_14 = arith.constant 256 : i32
    %add3A_15 = arith.addi %mul3A_13, %add3A_14 : i32
    "tpu.region"() ({
      %run_scoped3A = tpu.sem_alloc : memref<!tpu.dma_semaphore, #tpu.memory_space<semaphore_mem>>
      %dma_start3A_60 = arith.constant 0 : i32
      %dma_start3A_61 = tpu.memref_slice %arg10[%add3A_15, %dma_start3A_60] : memref<10240x128xf32, #tpu.memory_space<vmem_shared>> -> memref<128x128xf32, #tpu.memory_space<vmem_shared>>
      %dma_start3A_62 = arith.constant 0 : i32
      %dma_start3A_63 = tpu.memref_slice %arg10[%add3A_15, %dma_start3A_62] : memref<10240x128xf32, #tpu.memory_space<vmem_shared>> -> memref<128x128xf32, #tpu.memory_space<vmem_shared>>
      tpu.enqueue_dma source(%arg11 : memref<128x128xf32, #tpu.memory_space<vmem>>) target(%dma_start3A_63 : memref<128x128xf32, #tpu.memory_space<vmem_shared>>) target_semaphore(%run_scoped3A : memref<!tpu.dma_semaphore, #tpu.memory_space<semaphore_mem>>)
      %dma_wait3A = arith.constant 0 : i32
      %dma_wait3A_64 = tpu.memref_slice %arg10[%add3A_15, %dma_wait3A] : memref<10240x128xf32, #tpu.memory_space<vmem_shared>> -> memref<128x128xf32, #tpu.memory_space<vmem_shared>>
      %dma_wait3A_65 = arith.constant 0 : i32
      %dma_wait3A_66 = tpu.memref_slice %arg10[%add3A_15, %dma_wait3A_65] : memref<10240x128xf32, #tpu.memory_space<vmem_shared>> -> memref<128x128xf32, #tpu.memory_space<vmem_shared>>
      tpu.wait_dma2 semaphore(%run_scoped3A : memref<!tpu.dma_semaphore, #tpu.memory_space<semaphore_mem>>) src(%arg11 : memref<128x128xf32, #tpu.memory_space<vmem>>) dst(%dma_wait3A_66 : memref<128x128xf32, #tpu.memory_space<vmem_shared>>)
      tpu.yield
    }) : () -> ()
    %mul3A_16 = arith.constant 640 : i32
    %mul3A_17 = arith.muli %arg1, %mul3A_16 : i32
    %add3A_18 = arith.constant 384 : i32
    %add3A_19 = arith.addi %mul3A_17, %add3A_18 : i32
    "tpu.region"() ({
      %run_scoped3A = tpu.sem_alloc : memref<!tpu.dma_semaphore, #tpu.memory_space<semaphore_mem>>
      %dma_start3A_60 = arith.constant 0 : i32
      %dma_start3A_61 = tpu.memref_slice %arg10[%add3A_19, %dma_start3A_60] : memref<10240x128xf32, #tpu.memory_space<vmem_shared>> -> memref<128x128xf32, #tpu.memory_space<vmem_shared>>
      %dma_start3A_62 = arith.constant 0 : i32
      %dma_start3A_63 = tpu.memref_slice %arg10[%add3A_19, %dma_start3A_62] : memref<10240x128xf32, #tpu.memory_space<vmem_shared>> -> memref<128x128xf32, #tpu.memory_space<vmem_shared>>
      tpu.enqueue_dma source(%arg11 : memref<128x128xf32, #tpu.memory_space<vmem>>) target(%dma_start3A_63 : memref<128x128xf32, #tpu.memory_space<vmem_shared>>) target_semaphore(%run_scoped3A : memref<!tpu.dma_semaphore, #tpu.memory_space<semaphore_mem>>)
      %dma_wait3A = arith.constant 0 : i32
      %dma_wait3A_64 = tpu.memref_slice %arg10[%add3A_19, %dma_wait3A] : memref<10240x128xf32, #tpu.memory_space<vmem_shared>> -> memref<128x128xf32, #tpu.memory_space<vmem_shared>>
      %dma_wait3A_65 = arith.constant 0 : i32
      %dma_wait3A_66 = tpu.memref_slice %arg10[%add3A_19, %dma_wait3A_65] : memref<10240x128xf32, #tpu.memory_space<vmem_shared>> -> memref<128x128xf32, #tpu.memory_space<vmem_shared>>
      tpu.wait_dma2 semaphore(%run_scoped3A : memref<!tpu.dma_semaphore, #tpu.memory_space<semaphore_mem>>) src(%arg11 : memref<128x128xf32, #tpu.memory_space<vmem>>) dst(%dma_wait3A_66 : memref<128x128xf32, #tpu.memory_space<vmem_shared>>)
      tpu.yield
    }) : () -> ()
    %mul3A_20 = arith.constant 640 : i32
    %mul3A_21 = arith.muli %arg1, %mul3A_20 : i32
    %add3A_22 = arith.constant 512 : i32
    %add3A_23 = arith.addi %mul3A_21, %add3A_22 : i32
    "tpu.region"() ({
      %run_scoped3A = tpu.sem_alloc : memref<!tpu.dma_semaphore, #tpu.memory_space<semaphore_mem>>
      %dma_start3A_60 = arith.constant 0 : i32
      %dma_start3A_61 = tpu.memref_slice %arg10[%add3A_23, %dma_start3A_60] : memref<10240x128xf32, #tpu.memory_space<vmem_shared>> -> memref<128x128xf32, #tpu.memory_space<vmem_shared>>
      %dma_start3A_62 = arith.constant 0 : i32
      %dma_start3A_63 = tpu.memref_slice %arg10[%add3A_23, %dma_start3A_62] : memref<10240x128xf32, #tpu.memory_space<vmem_shared>> -> memref<128x128xf32, #tpu.memory_space<vmem_shared>>
      tpu.enqueue_dma source(%arg11 : memref<128x128xf32, #tpu.memory_space<vmem>>) target(%dma_start3A_63 : memref<128x128xf32, #tpu.memory_space<vmem_shared>>) target_semaphore(%run_scoped3A : memref<!tpu.dma_semaphore, #tpu.memory_space<semaphore_mem>>)
      %dma_wait3A = arith.constant 0 : i32
      %dma_wait3A_64 = tpu.memref_slice %arg10[%add3A_23, %dma_wait3A] : memref<10240x128xf32, #tpu.memory_space<vmem_shared>> -> memref<128x128xf32, #tpu.memory_space<vmem_shared>>
      %dma_wait3A_65 = arith.constant 0 : i32
      %dma_wait3A_66 = tpu.memref_slice %arg10[%add3A_23, %dma_wait3A_65] : memref<10240x128xf32, #tpu.memory_space<vmem_shared>> -> memref<128x128xf32, #tpu.memory_space<vmem_shared>>
      tpu.wait_dma2 semaphore(%run_scoped3A : memref<!tpu.dma_semaphore, #tpu.memory_space<semaphore_mem>>) src(%arg11 : memref<128x128xf32, #tpu.memory_space<vmem>>) dst(%dma_wait3A_66 : memref<128x128xf32, #tpu.memory_space<vmem_shared>>)
      tpu.yield
    }) : () -> ()
    %eq3A = arith.constant 0 : i32
    %eq3A_24 = arith.cmpi eq, %arg0, %eq3A : i32
    %convert_element_type3A = arith.extui %eq3A_24 : i1 to i32
    %cond3A = arith.constant 0 : i32
    %cond3A_25 = arith.cmpi ne, %convert_element_type3A, %cond3A : i32
    scf.if %cond3A_25 {
      "tpu.region"() ({
        %run_scoped3A = tpu.sem_alloc : memref<!tpu.dma_semaphore, #tpu.memory_space<semaphore_mem>>
        %dma_start3A_60 = arith.constant 0 : i32
        %dma_start3A_61 = tpu.memref_slice %arg18[%dma_start3A_60] : memref<10240xf32, #tpu.memory_space<vmem>> -> memref<10000xf32, #tpu.memory_space<vmem>>
        %dma_start3A_62 = arith.constant 0 : i32
        %dma_start3A_63 = tpu.memref_slice %arg18[%dma_start3A_62] : memref<10240xf32, #tpu.memory_space<vmem>> -> memref<10000xf32, #tpu.memory_space<vmem>>
        tpu.enqueue_dma source(%arg5 : memref<10000xf32, #tpu.memory_space<hbm>>) target(%dma_start3A_63 : memref<10000xf32, #tpu.memory_space<vmem>>) target_semaphore(%run_scoped3A : memref<!tpu.dma_semaphore, #tpu.memory_space<semaphore_mem>>)
        %dma_wait3A = arith.constant 0 : i32
        %dma_wait3A_64 = tpu.memref_slice %arg18[%dma_wait3A] : memref<10240xf32, #tpu.memory_space<vmem>> -> memref<10000xf32, #tpu.memory_space<vmem>>
        %dma_wait3A_65 = arith.constant 0 : i32
        %dma_wait3A_66 = tpu.memref_slice %arg18[%dma_wait3A_65] : memref<10240xf32, #tpu.memory_space<vmem>> -> memref<10000xf32, #tpu.memory_space<vmem>>
        tpu.wait_dma2 semaphore(%run_scoped3A : memref<!tpu.dma_semaphore, #tpu.memory_space<semaphore_mem>>) src(%arg5 : memref<10000xf32, #tpu.memory_space<hbm>>) dst(%dma_wait3A_66 : memref<10000xf32, #tpu.memory_space<vmem>>)
        tpu.yield
      }) : () -> ()
    } else {
    }
    %eq3A_26 = arith.constant 1 : i32
    %eq3A_27 = arith.cmpi eq, %arg0, %eq3A_26 : i32
    %convert_element_type3A_28 = arith.extui %eq3A_27 : i1 to i32
    %cond3A_29 = arith.constant 0 : i32
    %cond3A_30 = arith.cmpi ne, %convert_element_type3A_28, %cond3A_29 : i32
    scf.if %cond3A_30 {
      %scan3A_60 = arith.constant 0 : i32
      %scan3A_61 = arith.constant 0 : i32
      %scan3A_62 = arith.constant 640 : i32
      %scan3A_63 = arith.addi %scan3A_61, %scan3A_62 : i32
      %scan3A_64 = arith.constant 1 : i32
      %scan3A_65 = scf.for %scan3A_67 = %scan3A_61 to %scan3A_63 step %scan3A_64 iter_args(%scan3A_68 = %scan3A_60) -> (i32)  : i32 {
        %broadcast_in_dim3A = arith.constant 0.000000e+00 : f32
        %broadcast_in_dim3A_69 = vector.broadcast %broadcast_in_dim3A : f32 to vector<16xf32>
        %mul3A_70 = arith.constant 16 : i32
        %mul3A_71 = arith.muli %scan3A_67, %mul3A_70 : i32
        %swap3A = arith.index_cast %mul3A_71 : i32 to index
        %swap3A_72 = tpu.vector_load %arg18[%swap3A] {strides = array<i32>} : memref<10240xf32, #tpu.memory_space<vmem>>, vector<16xf32>,
        tpu.vector_store %arg18[%swap3A], %broadcast_in_dim3A_69 {strides = array<i32>} : memref<10240xf32, #tpu.memory_space<vmem>>, vector<16xf32>,
        %scan3A_73 = arith.constant 0 : i32
        scf.yield %scan3A_73 : i32
      }
      %scan3A_66 = arith.constant 640 : i32
    } else {
    }
    "tpu.region"() ({
      %run_scoped3A = tpu.sem_alloc : memref<!tpu.dma_semaphore, #tpu.memory_space<semaphore_mem>>
      tpu.enqueue_dma source(%arg6 : memref<16xf32, #tpu.memory_space<hbm>>) target(%arg19 : memref<16xf32, #tpu.memory_space<vmem>>) target_semaphore(%run_scoped3A : memref<!tpu.dma_semaphore, #tpu.memory_space<semaphore_mem>>)
      tpu.wait_dma2 semaphore(%run_scoped3A : memref<!tpu.dma_semaphore, #tpu.memory_space<semaphore_mem>>) src(%arg6 : memref<16xf32, #tpu.memory_space<hbm>>) dst(%arg19 : memref<16xf32, #tpu.memory_space<vmem>>)
      tpu.yield
    }) : () -> ()
    %barrier3A = arith.constant 0 : index
    tpu.barrier barrier_id(%barrier3A)
    %mul3A_31 = arith.constant 20224 : i32
    %mul3A_32 = arith.muli %arg1, %mul3A_31 : i32
    %add3A_33 = arith.constant 0 : i32
    %add3A_34 = arith.addi %mul3A_32, %add3A_33 : i32
    "tpu.region"() ({
      %run_scoped3A = tpu.sem_alloc : memref<!tpu.dma_semaphore, #tpu.memory_space<semaphore_mem>>
      %dma_start3A_60 = tpu.memref_slice %arg2[%add3A_34] : memref<323584xi32, #tpu.memory_space<hbm>> -> memref<128xi32, #tpu.memory_space<hbm>>
      %dma_start3A_61 = tpu.memref_slice %arg2[%add3A_34] : memref<323584xi32, #tpu.memory_space<hbm>> -> memref<128xi32, #tpu.memory_space<hbm>>
      tpu.enqueue_dma source(%dma_start3A_61 : memref<128xi32, #tpu.memory_space<hbm>>) target(%arg13 : memref<128xi32, #tpu.memory_space<vmem>>) target_semaphore(%run_scoped3A : memref<!tpu.dma_semaphore, #tpu.memory_space<semaphore_mem>>)
      %dma_wait3A = tpu.memref_slice %arg2[%add3A_34] : memref<323584xi32, #tpu.memory_space<hbm>> -> memref<128xi32, #tpu.memory_space<hbm>>
      %dma_wait3A_62 = tpu.memref_slice %arg2[%add3A_34] : memref<323584xi32, #tpu.memory_space<hbm>> -> memref<128xi32, #tpu.memory_space<hbm>>
      tpu.wait_dma2 semaphore(%run_scoped3A : memref<!tpu.dma_semaphore, #tpu.memory_space<semaphore_mem>>) src(%dma_wait3A_62 : memref<128xi32, #tpu.memory_space<hbm>>) dst(%arg13 : memref<128xi32, #tpu.memory_space<vmem>>)
      tpu.yield
    }) : () -> ()
    "tpu.region"() ({
      %run_scoped3A = tpu.sem_alloc : memref<!tpu.dma_semaphore, #tpu.memory_space<semaphore_mem>>
      %dma_start3A_60 = tpu.memref_slice %arg3[%add3A_34] : memref<323584xi32, #tpu.memory_space<hbm>> -> memref<128xi32, #tpu.memory_space<hbm>>
      %dma_start3A_61 = tpu.memref_slice %arg3[%add3A_34] : memref<323584xi32, #tpu.memory_space<hbm>> -> memref<128xi32, #tpu.memory_space<hbm>>
      tpu.enqueue_dma source(%dma_start3A_61 : memref<128xi32, #tpu.memory_space<hbm>>) target(%arg15 : memref<128xi32, #tpu.memory_space<vmem>>) target_semaphore(%run_scoped3A : memref<!tpu.dma_semaphore, #tpu.memory_space<semaphore_mem>>)
      %dma_wait3A = tpu.memref_slice %arg3[%add3A_34] : memref<323584xi32, #tpu.memory_space<hbm>> -> memref<128xi32, #tpu.memory_space<hbm>>
      %dma_wait3A_62 = tpu.memref_slice %arg3[%add3A_34] : memref<323584xi32, #tpu.memory_space<hbm>> -> memref<128xi32, #tpu.memory_space<hbm>>
      tpu.wait_dma2 semaphore(%run_scoped3A : memref<!tpu.dma_semaphore, #tpu.memory_space<semaphore_mem>>) src(%dma_wait3A_62 : memref<128xi32, #tpu.memory_space<hbm>>) dst(%arg15 : memref<128xi32, #tpu.memory_space<vmem>>)
      tpu.yield
    }) : () -> ()
    %dma_start3A = arith.constant 0 : i32
    %dma_start3A_35 = arith.constant 0 : i32
    %dma_start3A_36 = tpu.memref_slice %arg4[%dma_start3A, %dma_start3A_35] : memref<10000x128xf32, #tpu.memory_space<hbm>> -> memref<10000x128xf32, #tpu.memory_space<hbm>>
    tpu.enqueue_indirect_dma source(%dma_start3A_36 : memref<10000x128xf32, #tpu.memory_space<hbm>>) target(%arg11 : memref<128x128xf32, #tpu.memory_space<vmem>>) offsets(%arg13 : memref<128xi32, #tpu.memory_space<vmem>>) semaphore(%arg20 : memref<!tpu.dma_semaphore, #tpu.memory_space<semaphore_mem>>)
    %eq3A_37 = arith.constant 0 : i32
    %eq3A_38 = arith.cmpi eq, %arg0, %eq3A_37 : i32
    %convert_element_type3A_39 = arith.extui %eq3A_38 : i1 to i32
    %cond3A_40 = arith.constant 0 : i32
    %cond3A_41 = arith.cmpi ne, %convert_element_type3A_39, %cond3A_40 : i32
    scf.if %cond3A_41 {
      %scan3A_60 = arith.constant 0 : i32
      %scan3A_61 = arith.constant 0 : i32
      %scan3A_62 = arith.constant 79 : i32
      %scan3A_63 = arith.addi %scan3A_61, %scan3A_62 : i32
      %scan3A_64 = arith.constant 1 : i32
      %scan3A_65 = scf.for %scan3A_67 = %scan3A_61 to %scan3A_63 step %scan3A_64 iter_args(%scan3A_68 = %scan3A_60) -> (i32)  : i32 {
        %mul3A_69 = arith.constant 2 : i32
        %mul3A_70 = arith.muli %mul3A_69, %scan3A_67 : i32
        %add3A_71 = arith.constant 0 : i32
        %add3A_72 = arith.addi %mul3A_70, %add3A_71 : i32
        %dma_wait3A = arith.constant 0 : i32
        %dma_wait3A_73 = arith.constant 0 : i32
        %dma_wait3A_74 = tpu.memref_slice %arg4[%dma_wait3A, %dma_wait3A_73] : memref<10000x128xf32, #tpu.memory_space<hbm>> -> memref<10000x128xf32, #tpu.memory_space<hbm>>
        tpu.wait_indirect_dma semaphore(%arg20 : memref<!tpu.dma_semaphore, #tpu.memory_space<semaphore_mem>>) src(%dma_wait3A_74 : memref<10000x128xf32, #tpu.memory_space<hbm>>) dst(%arg11 : memref<128x128xf32, #tpu.memory_space<vmem>>)
        %add3A_75 = arith.constant 1 : i32
        %add3A_76 = arith.addi %add3A_72, %add3A_75 : i32
        %lt3A = arith.constant 158 : i32
        %lt3A_77 = arith.cmpi slt, %add3A_76, %lt3A : i32
        %convert_element_type3A_78 = arith.extui %lt3A_77 : i1 to i32
        %cond3A_79 = arith.constant 0 : i32
        %cond3A_80 = arith.cmpi ne, %convert_element_type3A_78, %cond3A_79 : i32
        scf.if %cond3A_80 {
          %add3A_488 = arith.constant 1 : i32
          %add3A_489 = arith.addi %add3A_72, %add3A_488 : i32
          %mul3A_490 = arith.constant 128 : i32
          %mul3A_491 = arith.muli %add3A_489, %mul3A_490 : i32
          %add3A_492 = arith.addi %mul3A_32, %mul3A_491 : i32
          "tpu.region"() ({
            %run_scoped3A = tpu.sem_alloc : memref<!tpu.dma_semaphore, #tpu.memory_space<semaphore_mem>>
            %dma_start3A_496 = tpu.memref_slice %arg2[%add3A_492] : memref<323584xi32, #tpu.memory_space<hbm>> -> memref<128xi32, #tpu.memory_space<hbm>>
            %dma_start3A_497 = tpu.memref_slice %arg2[%add3A_492] : memref<323584xi32, #tpu.memory_space<hbm>> -> memref<128xi32, #tpu.memory_space<hbm>>
            tpu.enqueue_dma source(%dma_start3A_497 : memref<128xi32, #tpu.memory_space<hbm>>) target(%arg14 : memref<128xi32, #tpu.memory_space<vmem>>) target_semaphore(%run_scoped3A : memref<!tpu.dma_semaphore, #tpu.memory_space<semaphore_mem>>)
            %dma_wait3A_498 = tpu.memref_slice %arg2[%add3A_492] : memref<323584xi32, #tpu.memory_space<hbm>> -> memref<128xi32, #tpu.memory_space<hbm>>
            %dma_wait3A_499 = tpu.memref_slice %arg2[%add3A_492] : memref<323584xi32, #tpu.memory_space<hbm>> -> memref<128xi32, #tpu.memory_space<hbm>>
            tpu.wait_dma2 semaphore(%run_scoped3A : memref<!tpu.dma_semaphore, #tpu.memory_space<semaphore_mem>>) src(%dma_wait3A_499 : memref<128xi32, #tpu.memory_space<hbm>>) dst(%arg14 : memref<128xi32, #tpu.memory_space<vmem>>)
            tpu.yield
          }) : () -> ()
          "tpu.region"() ({
            %run_scoped3A = tpu.sem_alloc : memref<!tpu.dma_semaphore, #tpu.memory_space<semaphore_mem>>
            %dma_start3A_496 = tpu.memref_slice %arg3[%add3A_492] : memref<323584xi32, #tpu.memory_space<hbm>> -> memref<128xi32, #tpu.memory_space<hbm>>
            %dma_start3A_497 = tpu.memref_slice %arg3[%add3A_492] : memref<323584xi32, #tpu.memory_space<hbm>> -> memref<128xi32, #tpu.memory_space<hbm>>
            tpu.enqueue_dma source(%dma_start3A_497 : memref<128xi32, #tpu.memory_space<hbm>>) target(%arg16 : memref<128xi32, #tpu.memory_space<vmem>>) target_semaphore(%run_scoped3A : memref<!tpu.dma_semaphore, #tpu.memory_space<semaphore_mem>>)
            %dma_wait3A_498 = tpu.memref_slice %arg3[%add3A_492] : memref<323584xi32, #tpu.memory_space<hbm>> -> memref<128xi32, #tpu.memory_space<hbm>>
            %dma_wait3A_499 = tpu.memref_slice %arg3[%add3A_492] : memref<323584xi32, #tpu.memory_space<hbm>> -> memref<128xi32, #tpu.memory_space<hbm>>
            tpu.wait_dma2 semaphore(%run_scoped3A : memref<!tpu.dma_semaphore, #tpu.memory_space<semaphore_mem>>) src(%dma_wait3A_499 : memref<128xi32, #tpu.memory_space<hbm>>) dst(%arg16 : memref<128xi32, #tpu.memory_space<vmem>>)
            tpu.yield
          }) : () -> ()
          %dma_start3A_493 = arith.constant 0 : i32
          %dma_start3A_494 = arith.constant 0 : i32
          %dma_start3A_495 = tpu.memref_slice %arg4[%dma_start3A_493, %dma_start3A_494] : memref<10000x128xf32, #tpu.memory_space<hbm>> -> memref<10000x128xf32, #tpu.memory_space<hbm>>
          tpu.enqueue_indirect_dma source(%dma_start3A_495 : memref<10000x128xf32, #tpu.memory_space<hbm>>) target(%arg12 : memref<128x128xf32, #tpu.memory_space<vmem>>) offsets(%arg14 : memref<128xi32, #tpu.memory_space<vmem>>) semaphore(%arg21 : memref<!tpu.dma_semaphore, #tpu.memory_space<semaphore_mem>>)
        } else {
        }
        %get3A = arith.constant 0 : index
        %get3A_81 = tpu.vector_load %arg19[%get3A] {strides = array<i32>} : memref<16xf32, #tpu.memory_space<vmem>>, vector<16xf32>,
        %get3A_82 = arith.constant 0 : index
        %get3A_83 = tpu.vector_load %arg13[%get3A_82] {strides = array<i32>} : memref<128xi32, #tpu.memory_space<vmem>>, vector<16xi32>,
        %get3A_84 = arith.constant 0 : index
        %get3A_85 = tpu.vector_load %arg15[%get3A_84] {strides = array<i32>} : memref<128xi32, #tpu.memory_space<vmem>>, vector<16xi32>,
        %gather3A = tpu.vector_load_idx %arg18[%get3A_83] : memref<10240xf32, #tpu.memory_space<vmem>>[vector<16xi32>], vector<16xf32>,
        %gather3A_86 = tpu.vector_load_idx %arg18[%get3A_85] : memref<10240xf32, #tpu.memory_space<vmem>>[vector<16xi32>], vector<16xf32>,
        %sub3A = arith.subf %gather3A, %gather3A_86 : vector<16xf32>
        %add3A_87 = arith.addf %sub3A, %get3A_81 : vector<16xf32>
        %neg3A = arith.constant 0.000000e+00 : f32
        %neg3A_88 = vector.broadcast %neg3A : f32 to vector<16xf32>
        %neg3A_89 = arith.subf %neg3A_88, %add3A_87 : vector<16xf32>
        %exp3A = math.exp %neg3A_89 : vector<16xf32>
        %add3A_90 = arith.constant 1.000000e+00 : f32
        %add3A_91 = vector.broadcast %add3A_90 : f32 to vector<16xf32>
        %add3A_92 = arith.addf %add3A_91, %exp3A : vector<16xf32>
        %div3A = arith.constant 1.000000e+00 : f32
        %div3A_93 = vector.broadcast %div3A : f32 to vector<16xf32>
        %div3A_94 = arith.divf %div3A_93, %add3A_92 : vector<16xf32>
        %eq3A_95 = arith.cmpi eq, %get3A_83, %get3A_85 : vector<16xi32>
        %jit3A = arith.constant 0.000000e+00 : f32
        %broadcast_in_dim3A = vector.broadcast %jit3A : f32 to vector<16xf32>
        %select_n3A = arith.select %eq3A_95, %broadcast_in_dim3A, %div3A_94 : vector<16xi1>, vector<16xf32>
        %swap3A = arith.constant 0 : index
        %swap3A_96 = tpu.vector_load %arg17[%swap3A] {strides = array<i32>} : memref<128xf32, #tpu.memory_space<vmem>>, vector<16xf32>,
        tpu.vector_store %arg17[%swap3A], %select_n3A {strides = array<i32>} : memref<128xf32, #tpu.memory_space<vmem>>, vector<16xf32>,
        %get3A_97 = arith.constant 16 : index
        %get3A_98 = tpu.vector_load %arg13[%get3A_97] {strides = array<i32>} : memref<128xi32, #tpu.memory_space<vmem>>, vector<16xi32>,
        %get3A_99 = arith.constant 16 : index
        %get3A_100 = tpu.vector_load %arg15[%get3A_99] {strides = array<i32>} : memref<128xi32, #tpu.memory_space<vmem>>, vector<16xi32>,
        %gather3A_101 = tpu.vector_load_idx %arg18[%get3A_98] : memref<10240xf32, #tpu.memory_space<vmem>>[vector<16xi32>], vector<16xf32>,
        %gather3A_102 = tpu.vector_load_idx %arg18[%get3A_100] : memref<10240xf32, #tpu.memory_space<vmem>>[vector<16xi32>], vector<16xf32>,
        %sub3A_103 = arith.subf %gather3A_101, %gather3A_102 : vector<16xf32>
        %add3A_104 = arith.addf %sub3A_103, %get3A_81 : vector<16xf32>
        %neg3A_105 = arith.constant 0.000000e+00 : f32
        %neg3A_106 = vector.broadcast %neg3A_105 : f32 to vector<16xf32>
        %neg3A_107 = arith.subf %neg3A_106, %add3A_104 : vector<16xf32>
        %exp3A_108 = math.exp %neg3A_107 : vector<16xf32>
        %add3A_109 = arith.constant 1.000000e+00 : f32
        %add3A_110 = vector.broadcast %add3A_109 : f32 to vector<16xf32>
        %add3A_111 = arith.addf %add3A_110, %exp3A_108 : vector<16xf32>
        %div3A_112 = arith.constant 1.000000e+00 : f32
        %div3A_113 = vector.broadcast %div3A_112 : f32 to vector<16xf32>
        %div3A_114 = arith.divf %div3A_113, %add3A_111 : vector<16xf32>
        %eq3A_115 = arith.cmpi eq, %get3A_98, %get3A_100 : vector<16xi32>
        %jit3A_116 = arith.constant 0.000000e+00 : f32
        %broadcast_in_dim3A_117 = vector.broadcast %jit3A_116 : f32 to vector<16xf32>
        %select_n3A_118 = arith.select %eq3A_115, %broadcast_in_dim3A_117, %div3A_114 : vector<16xi1>, vector<16xf32>
        %swap3A_119 = arith.constant 16 : index
        %swap3A_120 = tpu.vector_load %arg17[%swap3A_119] {strides = array<i32>} : memref<128xf32, #tpu.memory_space<vmem>>, vector<16xf32>,
        tpu.vector_store %arg17[%swap3A_119], %select_n3A_118 {strides = array<i32>} : memref<128xf32, #tpu.memory_space<vmem>>, vector<16xf32>,
        %get3A_121 = arith.constant 32 : index
        %get3A_122 = tpu.vector_load %arg13[%get3A_121] {strides = array<i32>} : memref<128xi32, #tpu.memory_space<vmem>>, vector<16xi32>,
        %get3A_123 = arith.constant 32 : index
        %get3A_124 = tpu.vector_load %arg15[%get3A_123] {strides = array<i32>} : memref<128xi32, #tpu.memory_space<vmem>>, vector<16xi32>,
        %gather3A_125 = tpu.vector_load_idx %arg18[%get3A_122] : memref<10240xf32, #tpu.memory_space<vmem>>[vector<16xi32>], vector<16xf32>,
        %gather3A_126 = tpu.vector_load_idx %arg18[%get3A_124] : memref<10240xf32, #tpu.memory_space<vmem>>[vector<16xi32>], vector<16xf32>,
        %sub3A_127 = arith.subf %gather3A_125, %gather3A_126 : vector<16xf32>
        %add3A_128 = arith.addf %sub3A_127, %get3A_81 : vector<16xf32>
        %neg3A_129 = arith.constant 0.000000e+00 : f32
        %neg3A_130 = vector.broadcast %neg3A_129 : f32 to vector<16xf32>
        %neg3A_131 = arith.subf %neg3A_130, %add3A_128 : vector<16xf32>
        %exp3A_132 = math.exp %neg3A_131 : vector<16xf32>
        %add3A_133 = arith.constant 1.000000e+00 : f32
        %add3A_134 = vector.broadcast %add3A_133 : f32 to vector<16xf32>
        %add3A_135 = arith.addf %add3A_134, %exp3A_132 : vector<16xf32>
        %div3A_136 = arith.constant 1.000000e+00 : f32
        %div3A_137 = vector.broadcast %div3A_136 : f32 to vector<16xf32>
        %div3A_138 = arith.divf %div3A_137, %add3A_135 : vector<16xf32>
        %eq3A_139 = arith.cmpi eq, %get3A_122, %get3A_124 : vector<16xi32>
        %jit3A_140 = arith.constant 0.000000e+00 : f32
        %broadcast_in_dim3A_141 = vector.broadcast %jit3A_140 : f32 to vector<16xf32>
        %select_n3A_142 = arith.select %eq3A_139, %broadcast_in_dim3A_141, %div3A_138 : vector<16xi1>, vector<16xf32>
        %swap3A_143 = arith.constant 32 : index
        %swap3A_144 = tpu.vector_load %arg17[%swap3A_143] {strides = array<i32>} : memref<128xf32, #tpu.memory_space<vmem>>, vector<16xf32>,
        tpu.vector_store %arg17[%swap3A_143], %select_n3A_142 {strides = array<i32>} : memref<128xf32, #tpu.memory_space<vmem>>, vector<16xf32>,
        %get3A_145 = arith.constant 48 : index
        %get3A_146 = tpu.vector_load %arg13[%get3A_145] {strides = array<i32>} : memref<128xi32, #tpu.memory_space<vmem>>, vector<16xi32>,
        %get3A_147 = arith.constant 48 : index
        %get3A_148 = tpu.vector_load %arg15[%get3A_147] {strides = array<i32>} : memref<128xi32, #tpu.memory_space<vmem>>, vector<16xi32>,
        %gather3A_149 = tpu.vector_load_idx %arg18[%get3A_146] : memref<10240xf32, #tpu.memory_space<vmem>>[vector<16xi32>], vector<16xf32>,
        %gather3A_150 = tpu.vector_load_idx %arg18[%get3A_148] : memref<10240xf32, #tpu.memory_space<vmem>>[vector<16xi32>], vector<16xf32>,
        %sub3A_151 = arith.subf %gather3A_149, %gather3A_150 : vector<16xf32>
        %add3A_152 = arith.addf %sub3A_151, %get3A_81 : vector<16xf32>
        %neg3A_153 = arith.constant 0.000000e+00 : f32
        %neg3A_154 = vector.broadcast %neg3A_153 : f32 to vector<16xf32>
        %neg3A_155 = arith.subf %neg3A_154, %add3A_152 : vector<16xf32>
        %exp3A_156 = math.exp %neg3A_155 : vector<16xf32>
        %add3A_157 = arith.constant 1.000000e+00 : f32
        %add3A_158 = vector.broadcast %add3A_157 : f32 to vector<16xf32>
        %add3A_159 = arith.addf %add3A_158, %exp3A_156 : vector<16xf32>
        %div3A_160 = arith.constant 1.000000e+00 : f32
        %div3A_161 = vector.broadcast %div3A_160 : f32 to vector<16xf32>
        %div3A_162 = arith.divf %div3A_161, %add3A_159 : vector<16xf32>
        %eq3A_163 = arith.cmpi eq, %get3A_146, %get3A_148 : vector<16xi32>
        %jit3A_164 = arith.constant 0.000000e+00 : f32
        %broadcast_in_dim3A_165 = vector.broadcast %jit3A_164 : f32 to vector<16xf32>
        %select_n3A_166 = arith.select %eq3A_163, %broadcast_in_dim3A_165, %div3A_162 : vector<16xi1>, vector<16xf32>
        %swap3A_167 = arith.constant 48 : index
        %swap3A_168 = tpu.vector_load %arg17[%swap3A_167] {strides = array<i32>} : memref<128xf32, #tpu.memory_space<vmem>>, vector<16xf32>,
        tpu.vector_store %arg17[%swap3A_167], %select_n3A_166 {strides = array<i32>} : memref<128xf32, #tpu.memory_space<vmem>>, vector<16xf32>,
        %get3A_169 = arith.constant 64 : index
        %get3A_170 = tpu.vector_load %arg13[%get3A_169] {strides = array<i32>} : memref<128xi32, #tpu.memory_space<vmem>>, vector<16xi32>,
        %get3A_171 = arith.constant 64 : index
        %get3A_172 = tpu.vector_load %arg15[%get3A_171] {strides = array<i32>} : memref<128xi32, #tpu.memory_space<vmem>>, vector<16xi32>,
        %gather3A_173 = tpu.vector_load_idx %arg18[%get3A_170] : memref<10240xf32, #tpu.memory_space<vmem>>[vector<16xi32>], vector<16xf32>,
        %gather3A_174 = tpu.vector_load_idx %arg18[%get3A_172] : memref<10240xf32, #tpu.memory_space<vmem>>[vector<16xi32>], vector<16xf32>,
        %sub3A_175 = arith.subf %gather3A_173, %gather3A_174 : vector<16xf32>
        %add3A_176 = arith.addf %sub3A_175, %get3A_81 : vector<16xf32>
        %neg3A_177 = arith.constant 0.000000e+00 : f32
        %neg3A_178 = vector.broadcast %neg3A_177 : f32 to vector<16xf32>
        %neg3A_179 = arith.subf %neg3A_178, %add3A_176 : vector<16xf32>
        %exp3A_180 = math.exp %neg3A_179 : vector<16xf32>
        %add3A_181 = arith.constant 1.000000e+00 : f32
        %add3A_182 = vector.broadcast %add3A_181 : f32 to vector<16xf32>
        %add3A_183 = arith.addf %add3A_182, %exp3A_180 : vector<16xf32>
        %div3A_184 = arith.constant 1.000000e+00 : f32
        %div3A_185 = vector.broadcast %div3A_184 : f32 to vector<16xf32>
        %div3A_186 = arith.divf %div3A_185, %add3A_183 : vector<16xf32>
        %eq3A_187 = arith.cmpi eq, %get3A_170, %get3A_172 : vector<16xi32>
        %jit3A_188 = arith.constant 0.000000e+00 : f32
        %broadcast_in_dim3A_189 = vector.broadcast %jit3A_188 : f32 to vector<16xf32>
        %select_n3A_190 = arith.select %eq3A_187, %broadcast_in_dim3A_189, %div3A_186 : vector<16xi1>, vector<16xf32>
        %swap3A_191 = arith.constant 64 : index
        %swap3A_192 = tpu.vector_load %arg17[%swap3A_191] {strides = array<i32>} : memref<128xf32, #tpu.memory_space<vmem>>, vector<16xf32>,
        tpu.vector_store %arg17[%swap3A_191], %select_n3A_190 {strides = array<i32>} : memref<128xf32, #tpu.memory_space<vmem>>, vector<16xf32>,
        %get3A_193 = arith.constant 80 : index
        %get3A_194 = tpu.vector_load %arg13[%get3A_193] {strides = array<i32>} : memref<128xi32, #tpu.memory_space<vmem>>, vector<16xi32>,
        %get3A_195 = arith.constant 80 : index
        %get3A_196 = tpu.vector_load %arg15[%get3A_195] {strides = array<i32>} : memref<128xi32, #tpu.memory_space<vmem>>, vector<16xi32>,
        %gather3A_197 = tpu.vector_load_idx %arg18[%get3A_194] : memref<10240xf32, #tpu.memory_space<vmem>>[vector<16xi32>], vector<16xf32>,
        %gather3A_198 = tpu.vector_load_idx %arg18[%get3A_196] : memref<10240xf32, #tpu.memory_space<vmem>>[vector<16xi32>], vector<16xf32>,
        %sub3A_199 = arith.subf %gather3A_197, %gather3A_198 : vector<16xf32>
        %add3A_200 = arith.addf %sub3A_199, %get3A_81 : vector<16xf32>
        %neg3A_201 = arith.constant 0.000000e+00 : f32
        %neg3A_202 = vector.broadcast %neg3A_201 : f32 to vector<16xf32>
        %neg3A_203 = arith.subf %neg3A_202, %add3A_200 : vector<16xf32>
        %exp3A_204 = math.exp %neg3A_203 : vector<16xf32>
        %add3A_205 = arith.constant 1.000000e+00 : f32
        %add3A_206 = vector.broadcast %add3A_205 : f32 to vector<16xf32>
        %add3A_207 = arith.addf %add3A_206, %exp3A_204 : vector<16xf32>
        %div3A_208 = arith.constant 1.000000e+00 : f32
        %div3A_209 = vector.broadcast %div3A_208 : f32 to vector<16xf32>
        %div3A_210 = arith.divf %div3A_209, %add3A_207 : vector<16xf32>
        %eq3A_211 = arith.cmpi eq, %get3A_194, %get3A_196 : vector<16xi32>
        %jit3A_212 = arith.constant 0.000000e+00 : f32
        %broadcast_in_dim3A_213 = vector.broadcast %jit3A_212 : f32 to vector<16xf32>
        %select_n3A_214 = arith.select %eq3A_211, %broadcast_in_dim3A_213, %div3A_210 : vector<16xi1>, vector<16xf32>
        %swap3A_215 = arith.constant 80 : index
        %swap3A_216 = tpu.vector_load %arg17[%swap3A_215] {strides = array<i32>} : memref<128xf32, #tpu.memory_space<vmem>>, vector<16xf32>,
        tpu.vector_store %arg17[%swap3A_215], %select_n3A_214 {strides = array<i32>} : memref<128xf32, #tpu.memory_space<vmem>>, vector<16xf32>,
        %get3A_217 = arith.constant 96 : index
        %get3A_218 = tpu.vector_load %arg13[%get3A_217] {strides = array<i32>} : memref<128xi32, #tpu.memory_space<vmem>>, vector<16xi32>,
        %get3A_219 = arith.constant 96 : index
        %get3A_220 = tpu.vector_load %arg15[%get3A_219] {strides = array<i32>} : memref<128xi32, #tpu.memory_space<vmem>>, vector<16xi32>,
        %gather3A_221 = tpu.vector_load_idx %arg18[%get3A_218] : memref<10240xf32, #tpu.memory_space<vmem>>[vector<16xi32>], vector<16xf32>,
        %gather3A_222 = tpu.vector_load_idx %arg18[%get3A_220] : memref<10240xf32, #tpu.memory_space<vmem>>[vector<16xi32>], vector<16xf32>,
        %sub3A_223 = arith.subf %gather3A_221, %gather3A_222 : vector<16xf32>
        %add3A_224 = arith.addf %sub3A_223, %get3A_81 : vector<16xf32>
        %neg3A_225 = arith.constant 0.000000e+00 : f32
        %neg3A_226 = vector.broadcast %neg3A_225 : f32 to vector<16xf32>
        %neg3A_227 = arith.subf %neg3A_226, %add3A_224 : vector<16xf32>
        %exp3A_228 = math.exp %neg3A_227 : vector<16xf32>
        %add3A_229 = arith.constant 1.000000e+00 : f32
        %add3A_230 = vector.broadcast %add3A_229 : f32 to vector<16xf32>
        %add3A_231 = arith.addf %add3A_230, %exp3A_228 : vector<16xf32>
        %div3A_232 = arith.constant 1.000000e+00 : f32
        %div3A_233 = vector.broadcast %div3A_232 : f32 to vector<16xf32>
        %div3A_234 = arith.divf %div3A_233, %add3A_231 : vector<16xf32>
        %eq3A_235 = arith.cmpi eq, %get3A_218, %get3A_220 : vector<16xi32>
        %jit3A_236 = arith.constant 0.000000e+00 : f32
        %broadcast_in_dim3A_237 = vector.broadcast %jit3A_236 : f32 to vector<16xf32>
        %select_n3A_238 = arith.select %eq3A_235, %broadcast_in_dim3A_237, %div3A_234 : vector<16xi1>, vector<16xf32>
        %swap3A_239 = arith.constant 96 : index
        %swap3A_240 = tpu.vector_load %arg17[%swap3A_239] {strides = array<i32>} : memref<128xf32, #tpu.memory_space<vmem>>, vector<16xf32>,
        tpu.vector_store %arg17[%swap3A_239], %select_n3A_238 {strides = array<i32>} : memref<128xf32, #tpu.memory_space<vmem>>, vector<16xf32>,
        %get3A_241 = arith.constant 112 : index
        %get3A_242 = tpu.vector_load %arg13[%get3A_241] {strides = array<i32>} : memref<128xi32, #tpu.memory_space<vmem>>, vector<16xi32>,
        %get3A_243 = arith.constant 112 : index
        %get3A_244 = tpu.vector_load %arg15[%get3A_243] {strides = array<i32>} : memref<128xi32, #tpu.memory_space<vmem>>, vector<16xi32>,
        %gather3A_245 = tpu.vector_load_idx %arg18[%get3A_242] : memref<10240xf32, #tpu.memory_space<vmem>>[vector<16xi32>], vector<16xf32>,
        %gather3A_246 = tpu.vector_load_idx %arg18[%get3A_244] : memref<10240xf32, #tpu.memory_space<vmem>>[vector<16xi32>], vector<16xf32>,
        %sub3A_247 = arith.subf %gather3A_245, %gather3A_246 : vector<16xf32>
        %add3A_248 = arith.addf %sub3A_247, %get3A_81 : vector<16xf32>
        %neg3A_249 = arith.constant 0.000000e+00 : f32
        %neg3A_250 = vector.broadcast %neg3A_249 : f32 to vector<16xf32>
        %neg3A_251 = arith.subf %neg3A_250, %add3A_248 : vector<16xf32>
        %exp3A_252 = math.exp %neg3A_251 : vector<16xf32>
        %add3A_253 = arith.constant 1.000000e+00 : f32
        %add3A_254 = vector.broadcast %add3A_253 : f32 to vector<16xf32>
        %add3A_255 = arith.addf %add3A_254, %exp3A_252 : vector<16xf32>
        %div3A_256 = arith.constant 1.000000e+00 : f32
        %div3A_257 = vector.broadcast %div3A_256 : f32 to vector<16xf32>
        %div3A_258 = arith.divf %div3A_257, %add3A_255 : vector<16xf32>
        %eq3A_259 = arith.cmpi eq, %get3A_242, %get3A_244 : vector<16xi32>
        %jit3A_260 = arith.constant 0.000000e+00 : f32
        %broadcast_in_dim3A_261 = vector.broadcast %jit3A_260 : f32 to vector<16xf32>
        %select_n3A_262 = arith.select %eq3A_259, %broadcast_in_dim3A_261, %div3A_258 : vector<16xi1>, vector<16xf32>
        %swap3A_263 = arith.constant 112 : index
        %swap3A_264 = tpu.vector_load %arg17[%swap3A_263] {strides = array<i32>} : memref<128xf32, #tpu.memory_space<vmem>>, vector<16xf32>,
        tpu.vector_store %arg17[%swap3A_263], %select_n3A_262 {strides = array<i32>} : memref<128xf32, #tpu.memory_space<vmem>>, vector<16xf32>,
        %scan3A_265 = arith.constant 0 : i32
        %scan3A_266 = arith.constant 0 : i32
        %scan3A_267 = arith.constant 8 : i32
        %scan3A_268 = arith.addi %scan3A_266, %scan3A_267 : i32
        %scan3A_269 = arith.constant 1 : i32
        %scan3A_270 = scf.for %scan3A_488 = %scan3A_266 to %scan3A_268 step %scan3A_269 iter_args(%scan3A_489 = %scan3A_265) -> (i32)  : i32 {
          %mul3A_490 = arith.constant 16 : i32
          %mul3A_491 = arith.muli %scan3A_488, %mul3A_490 : i32
          %get3A_492 = arith.index_cast %mul3A_491 : i32 to index
          %get3A_493 = tpu.vector_load %arg17[%get3A_492] {strides = array<i32>} : memref<128xf32, #tpu.memory_space<vmem>>, vector<16xf32>,
          %slice3A = vector.extract_strided_slice %get3A_493 {offsets = [0], sizes = [1], strides = [1]} : vector<16xf32> to vector<1xf32>
          %squeeze3A = vector.extract %slice3A[0] : f32 from vector<1xf32>
          %mul3A_494 = arith.constant 16 : i32
          %mul3A_495 = arith.muli %scan3A_488, %mul3A_494 : i32
          %add3A_496 = arith.constant 0 : i32
          %add3A_497 = arith.addi %mul3A_495, %add3A_496 : i32
          %get3A_498 = arith.index_cast %add3A_497 : i32 to index
          %get3A_499 = arith.constant 0 : index
          %get3A_500 = tpu.vector_load %arg11[%get3A_498, %get3A_499] {strides = array<i32>} : memref<128x128xf32, #tpu.memory_space<vmem>>, vector<16xf32>,
          %mul3A_501 = vector.broadcast %squeeze3A : f32 to vector<16xf32>
          %mul3A_502 = arith.mulf %get3A_500, %mul3A_501 : vector<16xf32>
          %swap3A_503 = arith.index_cast %add3A_497 : i32 to index
          %swap3A_504 = arith.constant 0 : index
          %swap3A_505 = tpu.vector_load %arg11[%swap3A_503, %swap3A_504] {strides = array<i32>} : memref<128x128xf32, #tpu.memory_space<vmem>>, vector<16xf32>,
          tpu.vector_store %arg11[%swap3A_503, %swap3A_504], %mul3A_502 {strides = array<i32>} : memref<128x128xf32, #tpu.memory_space<vmem>>, vector<16xf32>,
          %get3A_506 = arith.index_cast %add3A_497 : i32 to index
          %get3A_507 = arith.constant 16 : index
          %get3A_508 = tpu.vector_load %arg11[%get3A_506, %get3A_507] {strides = array<i32>} : memref<128x128xf32, #tpu.memory_space<vmem>>, vector<16xf32>,
          %mul3A_509 = vector.broadcast %squeeze3A : f32 to vector<16xf32>
          %mul3A_510 = arith.mulf %get3A_508, %mul3A_509 : vector<16xf32>
          %swap3A_511 = arith.index_cast %add3A_497 : i32 to index
          %swap3A_512 = arith.constant 16 : index
          %swap3A_513 = tpu.vector_load %arg11[%swap3A_511, %swap3A_512] {strides = array<i32>} : memref<128x128xf32, #tpu.memory_space<vmem>>, vector<16xf32>,
          tpu.vector_store %arg11[%swap3A_511, %swap3A_512], %mul3A_510 {strides = array<i32>} : memref<128x128xf32, #tpu.memory_space<vmem>>, vector<16xf32>,
          %get3A_514 = arith.index_cast %add3A_497 : i32 to index
          %get3A_515 = arith.constant 32 : index
          %get3A_516 = tpu.vector_load %arg11[%get3A_514, %get3A_515] {strides = array<i32>} : memref<128x128xf32, #tpu.memory_space<vmem>>, vector<16xf32>,
          %mul3A_517 = vector.broadcast %squeeze3A : f32 to vector<16xf32>
          %mul3A_518 = arith.mulf %get3A_516, %mul3A_517 : vector<16xf32>
          %swap3A_519 = arith.index_cast %add3A_497 : i32 to index
          %swap3A_520 = arith.constant 32 : index
          %swap3A_521 = tpu.vector_load %arg11[%swap3A_519, %swap3A_520] {strides = array<i32>} : memref<128x128xf32, #tpu.memory_space<vmem>>, vector<16xf32>,
          tpu.vector_store %arg11[%swap3A_519, %swap3A_520], %mul3A_518 {strides = array<i32>} : memref<128x128xf32, #tpu.memory_space<vmem>>, vector<16xf32>,
          %get3A_522 = arith.index_cast %add3A_497 : i32 to index
          %get3A_523 = arith.constant 48 : index
          %get3A_524 = tpu.vector_load %arg11[%get3A_522, %get3A_523] {strides = array<i32>} : memref<128x128xf32, #tpu.memory_space<vmem>>, vector<16xf32>,
          %mul3A_525 = vector.broadcast %squeeze3A : f32 to vector<16xf32>
          %mul3A_526 = arith.mulf %get3A_524, %mul3A_525 : vector<16xf32>
          %swap3A_527 = arith.index_cast %add3A_497 : i32 to index
          %swap3A_528 = arith.constant 48 : index
          %swap3A_529 = tpu.vector_load %arg11[%swap3A_527, %swap3A_528] {strides = array<i32>} : memref<128x128xf32, #tpu.memory_space<vmem>>, vector<16xf32>,
          tpu.vector_store %arg11[%swap3A_527, %swap3A_528], %mul3A_526 {strides = array<i32>} : memref<128x128xf32, #tpu.memory_space<vmem>>, vector<16xf32>,
          %get3A_530 = arith.index_cast %add3A_497 : i32 to index
          %get3A_531 = arith.constant 64 : index
          %get3A_532 = tpu.vector_load %arg11[%get3A_530, %get3A_531] {strides = array<i32>} : memref<128x128xf32, #tpu.memory_space<vmem>>, vector<16xf32>,
          %mul3A_533 = vector.broadcast %squeeze3A : f32 to vector<16xf32>
          %mul3A_534 = arith.mulf %get3A_532, %mul3A_533 : vector<16xf32>
          %swap3A_535 = arith.index_cast %add3A_497 : i32 to index
          %swap3A_536 = arith.constant 64 : index
          %swap3A_537 = tpu.vector_load %arg11[%swap3A_535, %swap3A_536] {strides = array<i32>} : memref<128x128xf32, #tpu.memory_space<vmem>>, vector<16xf32>,
          tpu.vector_store %arg11[%swap3A_535, %swap3A_536], %mul3A_534 {strides = array<i32>} : memref<128x128xf32, #tpu.memory_space<vmem>>, vector<16xf32>,
          %get3A_538 = arith.index_cast %add3A_497 : i32 to index
          %get3A_539 = arith.constant 80 : index
          %get3A_540 = tpu.vector_load %arg11[%get3A_538, %get3A_539] {strides = array<i32>} : memref<128x128xf32, #tpu.memory_space<vmem>>, vector<16xf32>,
          %mul3A_541 = vector.broadcast %squeeze3A : f32 to vector<16xf32>
          %mul3A_542 = arith.mulf %get3A_540, %mul3A_541 : vector<16xf32>
          %swap3A_543 = arith.index_cast %add3A_497 : i32 to index
          %swap3A_544 = arith.constant 80 : index
          %swap3A_545 = tpu.vector_load %arg11[%swap3A_543, %swap3A_544] {strides = array<i32>} : memref<128x128xf32, #tpu.memory_space<vmem>>, vector<16xf32>,
          tpu.vector_store %arg11[%swap3A_543, %swap3A_544], %mul3A_542 {strides = array<i32>} : memref<128x128xf32, #tpu.memory_space<vmem>>, vector<16xf32>,
          %get3A_546 = arith.index_cast %add3A_497 : i32 to index
          %get3A_547 = arith.constant 96 : index
          %get3A_548 = tpu.vector_load %arg11[%get3A_546, %get3A_547] {strides = array<i32>} : memref<128x128xf32, #tpu.memory_space<vmem>>, vector<16xf32>,
          %mul3A_549 = vector.broadcast %squeeze3A : f32 to vector<16xf32>
          %mul3A_550 = arith.mulf %get3A_548, %mul3A_549 : vector<16xf32>
          %swap3A_551 = arith.index_cast %add3A_497 : i32 to index
          %swap3A_552 = arith.constant 96 : index
          %swap3A_553 = tpu.vector_load %arg11[%swap3A_551, %swap3A_552] {strides = array<i32>} : memref<128x128xf32, #tpu.memory_space<vmem>>, vector<16xf32>,
          tpu.vector_store %arg11[%swap3A_551, %swap3A_552], %mul3A_550 {strides = array<i32>} : memref<128x128xf32, #tpu.memory_space<vmem>>, vector<16xf32>,
          %get3A_554 = arith.index_cast %add3A_497 : i32 to index
          %get3A_555 = arith.constant 112 : index
          %get3A_556 = tpu.vector_load %arg11[%get3A_554, %get3A_555] {strides = array<i32>} : memref<128x128xf32, #tpu.memory_space<vmem>>, vector<16xf32>,
          %mul3A_557 = vector.broadcast %squeeze3A : f32 to vector<16xf32>
          %mul3A_558 = arith.mulf %get3A_556, %mul3A_557 : vector<16xf32>
          %swap3A_559 = arith.index_cast %add3A_497 : i32 to index
          %swap3A_560 = arith.constant 112 : index
          %swap3A_561 = tpu.vector_load %arg11[%swap3A_559, %swap3A_560] {strides = array<i32>} : memref<128x128xf32, #tpu.memory_space<vmem>>, vector<16xf32>,
          tpu.vector_store %arg11[%swap3A_559, %swap3A_560], %mul3A_558 {strides = array<i32>} : memref<128x128xf32, #tpu.memory_space<vmem>>, vector<16xf32>,
          %slice3A_562 = vector.extract_strided_slice %get3A_493 {offsets = [1], sizes = [1], strides = [1]} : vector<16xf32> to vector<1xf32>
          %squeeze3A_563 = vector.extract %slice3A_562[0] : f32 from vector<1xf32>
          %mul3A_564 = arith.constant 16 : i32
          %mul3A_565 = arith.muli %scan3A_488, %mul3A_564 : i32
          %add3A_566 = arith.constant 1 : i32
          %add3A_567 = arith.addi %mul3A_565, %add3A_566 : i32
          %get3A_568 = arith.index_cast %add3A_567 : i32 to index
          %get3A_569 = arith.constant 0 : index
          %get3A_570 = tpu.vector_load %arg11[%get3A_568, %get3A_569] {strides = array<i32>} : memref<128x128xf32, #tpu.memory_space<vmem>>, vector<16xf32>,
          %mul3A_571 = vector.broadcast %squeeze3A_563 : f32 to vector<16xf32>
          %mul3A_572 = arith.mulf %get3A_570, %mul3A_571 : vector<16xf32>
          %swap3A_573 = arith.index_cast %add3A_567 : i32 to index
          %swap3A_574 = arith.constant 0 : index
          %swap3A_575 = tpu.vector_load %arg11[%swap3A_573, %swap3A_574] {strides = array<i32>} : memref<128x128xf32, #tpu.memory_space<vmem>>, vector<16xf32>,
          tpu.vector_store %arg11[%swap3A_573, %swap3A_574], %mul3A_572 {strides = array<i32>} : memref<128x128xf32, #tpu.memory_space<vmem>>, vector<16xf32>,
          %get3A_576 = arith.index_cast %add3A_567 : i32 to index
          %get3A_577 = arith.constant 16 : index
          %get3A_578 = tpu.vector_load %arg11[%get3A_576, %get3A_577] {strides = array<i32>} : memref<128x128xf32, #tpu.memory_space<vmem>>, vector<16xf32>,
          %mul3A_579 = vector.broadcast %squeeze3A_563 : f32 to vector<16xf32>
          %mul3A_580 = arith.mulf %get3A_578, %mul3A_579 : vector<16xf32>
          %swap3A_581 = arith.index_cast %add3A_567 : i32 to index
          %swap3A_582 = arith.constant 16 : index
          %swap3A_583 = tpu.vector_load %arg11[%swap3A_581, %swap3A_582] {strides = array<i32>} : memref<128x128xf32, #tpu.memory_space<vmem>>, vector<16xf32>,
          tpu.vector_store %arg11[%swap3A_581, %swap3A_582], %mul3A_580 {strides = array<i32>} : memref<128x128xf32, #tpu.memory_space<vmem>>, vector<16xf32>,
          %get3A_584 = arith.index_cast %add3A_567 : i32 to index
          %get3A_585 = arith.constant 32 : index
          %get3A_586 = tpu.vector_load %arg11[%get3A_584, %get3A_585] {strides = array<i32>} : memref<128x128xf32, #tpu.memory_space<vmem>>, vector<16xf32>,
          %mul3A_587 = vector.broadcast %squeeze3A_563 : f32 to vector<16xf32>
          %mul3A_588 = arith.mulf %get3A_586, %mul3A_587 : vector<16xf32>
          %swap3A_589 = arith.index_cast %add3A_567 : i32 to index
          %swap3A_590 = arith.constant 32 : index
          %swap3A_591 = tpu.vector_load %arg11[%swap3A_589, %swap3A_590] {strides = array<i32>} : memref<128x128xf32, #tpu.memory_space<vmem>>, vector<16xf32>,
          tpu.vector_store %arg11[%swap3A_589, %swap3A_590], %mul3A_588 {strides = array<i32>} : memref<128x128xf32, #tpu.memory_space<vmem>>, vector<16xf32>,
          %get3A_592 = arith.index_cast %add3A_567 : i32 to index
          %get3A_593 = arith.constant 48 : index
          %get3A_594 = tpu.vector_load %arg11[%get3A_592, %get3A_593] {strides = array<i32>} : memref<128x128xf32, #tpu.memory_space<vmem>>, vector<16xf32>,
          %mul3A_595 = vector.broadcast %squeeze3A_563 : f32 to vector<16xf32>
          %mul3A_596 = arith.mulf %get3A_594, %mul3A_595 : vector<16xf32>
          %swap3A_597 = arith.index_cast %add3A_567 : i32 to index
          %swap3A_598 = arith.constant 48 : index
          %swap3A_599 = tpu.vector_load %arg11[%swap3A_597, %swap3A_598] {strides = array<i32>} : memref<128x128xf32, #tpu.memory_space<vmem>>, vector<16xf32>,
          tpu.vector_store %arg11[%swap3A_597, %swap3A_598], %mul3A_596 {strides = array<i32>} : memref<128x128xf32, #tpu.memory_space<vmem>>, vector<16xf32>,
          %get3A_600 = arith.index_cast %add3A_567 : i32 to index
          %get3A_601 = arith.constant 64 : index
          %get3A_602 = tpu.vector_load %arg11[%get3A_600, %get3A_601] {strides = array<i32>} : memref<128x128xf32, #tpu.memory_space<vmem>>, vector<16xf32>,
          %mul3A_603 = vector.broadcast %squeeze3A_563 : f32 to vector<16xf32>
          %mul3A_604 = arith.mulf %get3A_602, %mul3A_603 : vector<16xf32>
          %swap3A_605 = arith.index_cast %add3A_567 : i32 to index
          %swap3A_606 = arith.constant 64 : index
          %swap3A_607 = tpu.vector_load %arg11[%swap3A_605, %swap3A_606] {strides = array<i32>} : memref<128x128xf32, #tpu.memory_space<vmem>>, vector<16xf32>,
          tpu.vector_store %arg11[%swap3A_605, %swap3A_606], %mul3A_604 {strides = array<i32>} : memref<128x128xf32, #tpu.memory_space<vmem>>, vector<16xf32>,
          %get3A_608 = arith.index_cast %add3A_567 : i32 to index
          %get3A_609 = arith.constant 80 : index
          %get3A_610 = tpu.vector_load %arg11[%get3A_608, %get3A_609] {strides = array<i32>} : memref<128x128xf32, #tpu.memory_space<vmem>>, vector<16xf32>,
          %mul3A_611 = vector.broadcast %squeeze3A_563 : f32 to vector<16xf32>
          %mul3A_612 = arith.mulf %get3A_610, %mul3A_611 : vector<16xf32>
          %swap3A_613 = arith.index_cast %add3A_567 : i32 to index
          %swap3A_614 = arith.constant 80 : index
          %swap3A_615 = tpu.vector_load %arg11[%swap3A_613, %swap3A_614] {strides = array<i32>} : memref<128x128xf32, #tpu.memory_space<vmem>>, vector<16xf32>,
          tpu.vector_store %arg11[%swap3A_613, %swap3A_614], %mul3A_612 {strides = array<i32>} : memref<128x128xf32, #tpu.memory_space<vmem>>, vector<16xf32>,
          %get3A_616 = arith.index_cast %add3A_567 : i32 to index
          %get3A_617 = arith.constant 96 : index
          %get3A_618 = tpu.vector_load %arg11[%get3A_616, %get3A_617] {strides = array<i32>} : memref<128x128xf32, #tpu.memory_space<vmem>>, vector<16xf32>,
          %mul3A_619 = vector.broadcast %squeeze3A_563 : f32 to vector<16xf32>
          %mul3A_620 = arith.mulf %get3A_618, %mul3A_619 : vector<16xf32>
          %swap3A_621 = arith.index_cast %add3A_567 : i32 to index
          %swap3A_622 = arith.constant 96 : index
          %swap3A_623 = tpu.vector_load %arg11[%swap3A_621, %swap3A_622] {strides = array<i32>} : memref<128x128xf32, #tpu.memory_space<vmem>>, vector<16xf32>,
          tpu.vector_store %arg11[%swap3A_621, %swap3A_622], %mul3A_620 {strides = array<i32>} : memref<128x128xf32, #tpu.memory_space<vmem>>, vector<16xf32>,
          %get3A_624 = arith.index_cast %add3A_567 : i32 to index
          %get3A_625 = arith.constant 112 : index
          %get3A_626 = tpu.vector_load %arg11[%get3A_624, %get3A_625] {strides = array<i32>} : memref<128x128xf32, #tpu.memory_space<vmem>>, vector<16xf32>,
          %mul3A_627 = vector.broadcast %squeeze3A_563 : f32 to vector<16xf32>
          %mul3A_628 = arith.mulf %get3A_626, %mul3A_627 : vector<16xf32>
          %swap3A_629 = arith.index_cast %add3A_567 : i32 to index
          %swap3A_630 = arith.constant 112 : index
          %swap3A_631 = tpu.vector_load %arg11[%swap3A_629, %swap3A_630] {strides = array<i32>} : memref<128x128xf32, #tpu.memory_space<vmem>>, vector<16xf32>,
          tpu.vector_store %arg11[%swap3A_629, %swap3A_630], %mul3A_628 {strides = array<i32>} : memref<128x128xf32, #tpu.memory_space<vmem>>, vector<16xf32>,
          %slice3A_632 = vector.extract_strided_slice %get3A_493 {offsets = [2], sizes = [1], strides = [1]} : vector<16xf32> to vector<1xf32>
          %squeeze3A_633 = vector.extract %slice3A_632[0] : f32 from vector<1xf32>
          %mul3A_634 = arith.constant 16 : i32
          %mul3A_635 = arith.muli %scan3A_488, %mul3A_634 : i32
          %add3A_636 = arith.constant 2 : i32
          %add3A_637 = arith.addi %mul3A_635, %add3A_636 : i32
          %get3A_638 = arith.index_cast %add3A_637 : i32 to index
          %get3A_639 = arith.constant 0 : index
          %get3A_640 = tpu.vector_load %arg11[%get3A_638, %get3A_639] {strides = array<i32>} : memref<128x128xf32, #tpu.memory_space<vmem>>, vector<16xf32>,
          %mul3A_641 = vector.broadcast %squeeze3A_633 : f32 to vector<16xf32>
          %mul3A_642 = arith.mulf %get3A_640, %mul3A_641 : vector<16xf32>
          %swap3A_643 = arith.index_cast %add3A_637 : i32 to index
          %swap3A_644 = arith.constant 0 : index
          %swap3A_645 = tpu.vector_load %arg11[%swap3A_643, %swap3A_644] {strides = array<i32>} : memref<128x128xf32, #tpu.memory_space<vmem>>, vector<16xf32>,
          tpu.vector_store %arg11[%swap3A_643, %swap3A_644], %mul3A_642 {strides = array<i32>} : memref<128x128xf32, #tpu.memory_space<vmem>>, vector<16xf32>,
          %get3A_646 = arith.index_cast %add3A_637 : i32 to index
          %get3A_647 = arith.constant 16 : index
          %get3A_648 = tpu.vector_load %arg11[%get3A_646, %get3A_647] {strides = array<i32>} : memref<128x128xf32, #tpu.memory_space<vmem>>, vector<16xf32>,
          %mul3A_649 = vector.broadcast %squeeze3A_633 : f32 to vector<16xf32>
          %mul3A_650 = arith.mulf %get3A_648, %mul3A_649 : vector<16xf32>
          %swap3A_651 = arith.index_cast %add3A_637 : i32 to index
          %swap3A_652 = arith.constant 16 : index
          %swap3A_653 = tpu.vector_load %arg11[%swap3A_651, %swap3A_652] {strides = array<i32>} : memref<128x128xf32, #tpu.memory_space<vmem>>, vector<16xf32>,
          tpu.vector_store %arg11[%swap3A_651, %swap3A_652], %mul3A_650 {strides = array<i32>} : memref<128x128xf32, #tpu.memory_space<vmem>>, vector<16xf32>,
          %get3A_654 = arith.index_cast %add3A_637 : i32 to index
          %get3A_655 = arith.constant 32 : index
          %get3A_656 = tpu.vector_load %arg11[%get3A_654, %get3A_655] {strides = array<i32>} : memref<128x128xf32, #tpu.memory_space<vmem>>, vector<16xf32>,
          %mul3A_657 = vector.broadcast %squeeze3A_633 : f32 to vector<16xf32>
          %mul3A_658 = arith.mulf %get3A_656, %mul3A_657 : vector<16xf32>
          %swap3A_659 = arith.index_cast %add3A_637 : i32 to index
          %swap3A_660 = arith.constant 32 : index
          %swap3A_661 = tpu.vector_load %arg11[%swap3A_659, %swap3A_660] {strides = array<i32>} : memref<128x128xf32, #tpu.memory_space<vmem>>, vector<16xf32>,
          tpu.vector_store %arg11[%swap3A_659, %swap3A_660], %mul3A_658 {strides = array<i32>} : memref<128x128xf32, #tpu.memory_space<vmem>>, vector<16xf32>,
          %get3A_662 = arith.index_cast %add3A_637 : i32 to index
          %get3A_663 = arith.constant 48 : index
          %get3A_664 = tpu.vector_load %arg11[%get3A_662, %get3A_663] {strides = array<i32>} : memref<128x128xf32, #tpu.memory_space<vmem>>, vector<16xf32>,
          %mul3A_665 = vector.broadcast %squeeze3A_633 : f32 to vector<16xf32>
          %mul3A_666 = arith.mulf %get3A_664, %mul3A_665 : vector<16xf32>
          %swap3A_667 = arith.index_cast %add3A_637 : i32 to index
          %swap3A_668 = arith.constant 48 : index
          %swap3A_669 = tpu.vector_load %arg11[%swap3A_667, %swap3A_668] {strides = array<i32>} : memref<128x128xf32, #tpu.memory_space<vmem>>, vector<16xf32>,
          tpu.vector_store %arg11[%swap3A_667, %swap3A_668], %mul3A_666 {strides = array<i32>} : memref<128x128xf32, #tpu.memory_space<vmem>>, vector<16xf32>,
          %get3A_670 = arith.index_cast %add3A_637 : i32 to index
          %get3A_671 = arith.constant 64 : index
          %get3A_672 = tpu.vector_load %arg11[%get3A_670, %get3A_671] {strides = array<i32>} : memref<128x128xf32, #tpu.memory_space<vmem>>, vector<16xf32>,
          %mul3A_673 = vector.broadcast %squeeze3A_633 : f32 to vector<16xf32>
          %mul3A_674 = arith.mulf %get3A_672, %mul3A_673 : vector<16xf32>
          %swap3A_675 = arith.index_cast %add3A_637 : i32 to index
          %swap3A_676 = arith.constant 64 : index
          %swap3A_677 = tpu.vector_load %arg11[%swap3A_675, %swap3A_676] {strides = array<i32>} : memref<128x128xf32, #tpu.memory_space<vmem>>, vector<16xf32>,
          tpu.vector_store %arg11[%swap3A_675, %swap3A_676], %mul3A_674 {strides = array<i32>} : memref<128x128xf32, #tpu.memory_space<vmem>>, vector<16xf32>,
          %get3A_678 = arith.index_cast %add3A_637 : i32 to index
          %get3A_679 = arith.constant 80 : index
          %get3A_680 = tpu.vector_load %arg11[%get3A_678, %get3A_679] {strides = array<i32>} : memref<128x128xf32, #tpu.memory_space<vmem>>, vector<16xf32>,
          %mul3A_681 = vector.broadcast %squeeze3A_633 : f32 to vector<16xf32>
          %mul3A_682 = arith.mulf %get3A_680, %mul3A_681 : vector<16xf32>
          %swap3A_683 = arith.index_cast %add3A_637 : i32 to index
          %swap3A_684 = arith.constant 80 : index
          %swap3A_685 = tpu.vector_load %arg11[%swap3A_683, %swap3A_684] {strides = array<i32>} : memref<128x128xf32, #tpu.memory_space<vmem>>, vector<16xf32>,
          tpu.vector_store %arg11[%swap3A_683, %swap3A_684], %mul3A_682 {strides = array<i32>} : memref<128x128xf32, #tpu.memory_space<vmem>>, vector<16xf32>,
          %get3A_686 = arith.index_cast %add3A_637 : i32 to index
          %get3A_687 = arith.constant 96 : index
          %get3A_688 = tpu.vector_load %arg11[%get3A_686, %get3A_687] {strides = array<i32>} : memref<128x128xf32, #tpu.memory_space<vmem>>, vector<16xf32>,
          %mul3A_689 = vector.broadcast %squeeze3A_633 : f32 to vector<16xf32>
          %mul3A_690 = arith.mulf %get3A_688, %mul3A_689 : vector<16xf32>
          %swap3A_691 = arith.index_cast %add3A_637 : i32 to index
          %swap3A_692 = arith.constant 96 : index
          %swap3A_693 = tpu.vector_load %arg11[%swap3A_691, %swap3A_692] {strides = array<i32>} : memref<128x128xf32, #tpu.memory_space<vmem>>, vector<16xf32>,
          tpu.vector_store %arg11[%swap3A_691, %swap3A_692], %mul3A_690 {strides = array<i32>} : memref<128x128xf32, #tpu.memory_space<vmem>>, vector<16xf32>,
          %get3A_694 = arith.index_cast %add3A_637 : i32 to index
          %get3A_695 = arith.constant 112 : index
          %get3A_696 = tpu.vector_load %arg11[%get3A_694, %get3A_695] {strides = array<i32>} : memref<128x128xf32, #tpu.memory_space<vmem>>, vector<16xf32>,
          %mul3A_697 = vector.broadcast %squeeze3A_633 : f32 to vector<16xf32>
          %mul3A_698 = arith.mulf %get3A_696, %mul3A_697 : vector<16xf32>
          %swap3A_699 = arith.index_cast %add3A_637 : i32 to index
          %swap3A_700 = arith.constant 112 : index
          %swap3A_701 = tpu.vector_load %arg11[%swap3A_699, %swap3A_700] {strides = array<i32>} : memref<128x128xf32, #tpu.memory_space<vmem>>, vector<16xf32>,
          tpu.vector_store %arg11[%swap3A_699, %swap3A_700], %mul3A_698 {strides = array<i32>} : memref<128x128xf32, #tpu.memory_space<vmem>>, vector<16xf32>,
          %slice3A_702 = vector.extract_strided_slice %get3A_493 {offsets = [3], sizes = [1], strides = [1]} : vector<16xf32> to vector<1xf32>
          %squeeze3A_703 = vector.extract %slice3A_702[0] : f32 from vector<1xf32>
          %mul3A_704 = arith.constant 16 : i32
          %mul3A_705 = arith.muli %scan3A_488, %mul3A_704 : i32
          %add3A_706 = arith.constant 3 : i32
          %add3A_707 = arith.addi %mul3A_705, %add3A_706 : i32
          %get3A_708 = arith.index_cast %add3A_707 : i32 to index
          %get3A_709 = arith.constant 0 : index
          %get3A_710 = tpu.vector_load %arg11[%get3A_708, %get3A_709] {strides = array<i32>} : memref<128x128xf32, #tpu.memory_space<vmem>>, vector<16xf32>,
          %mul3A_711 = vector.broadcast %squeeze3A_703 : f32 to vector<16xf32>
          %mul3A_712 = arith.mulf %get3A_710, %mul3A_711 : vector<16xf32>
          %swap3A_713 = arith.index_cast %add3A_707 : i32 to index
          %swap3A_714 = arith.constant 0 : index
          %swap3A_715 = tpu.vector_load %arg11[%swap3A_713, %swap3A_714] {strides = array<i32>} : memref<128x128xf32, #tpu.memory_space<vmem>>, vector<16xf32>,
          tpu.vector_store %arg11[%swap3A_713, %swap3A_714], %mul3A_712 {strides = array<i32>} : memref<128x128xf32, #tpu.memory_space<vmem>>, vector<16xf32>,
          %get3A_716 = arith.index_cast %add3A_707 : i32 to index
          %get3A_717 = arith.constant 16 : index
          %get3A_718 = tpu.vector_load %arg11[%get3A_716, %get3A_717] {strides = array<i32>} : memref<128x128xf32, #tpu.memory_space<vmem>>, vector<16xf32>,
          %mul3A_719 = vector.broadcast %squeeze3A_703 : f32 to vector<16xf32>
          %mul3A_720 = arith.mulf %get3A_718, %mul3A_719 : vector<16xf32>
          %swap3A_721 = arith.index_cast %add3A_707 : i32 to index
          %swap3A_722 = arith.constant 16 : index
          %swap3A_723 = tpu.vector_load %arg11[%swap3A_721, %swap3A_722] {strides = array<i32>} : memref<128x128xf32, #tpu.memory_space<vmem>>, vector<16xf32>,
          tpu.vector_store %arg11[%swap3A_721, %swap3A_722], %mul3A_720 {strides = array<i32>} : memref<128x128xf32, #tpu.memory_space<vmem>>, vector<16xf32>,
          %get3A_724 = arith.index_cast %add3A_707 : i32 to index
          %get3A_725 = arith.constant 32 : index
          %get3A_726 = tpu.vector_load %arg11[%get3A_724, %get3A_725] {strides = array<i32>} : memref<128x128xf32, #tpu.memory_space<vmem>>, vector<16xf32>,
          %mul3A_727 = vector.broadcast %squeeze3A_703 : f32 to vector<16xf32>
          %mul3A_728 = arith.mulf %get3A_726, %mul3A_727 : vector<16xf32>
          %swap3A_729 = arith.index_cast %add3A_707 : i32 to index
          %swap3A_730 = arith.constant 32 : index
          %swap3A_731 = tpu.vector_load %arg11[%swap3A_729, %swap3A_730] {strides = array<i32>} : memref<128x128xf32, #tpu.memory_space<vmem>>, vector<16xf32>,
          tpu.vector_store %arg11[%swap3A_729, %swap3A_730], %mul3A_728 {strides = array<i32>} : memref<128x128xf32, #tpu.memory_space<vmem>>, vector<16xf32>,
          %get3A_732 = arith.index_cast %add3A_707 : i32 to index
          %get3A_733 = arith.constant 48 : index
          %get3A_734 = tpu.vector_load %arg11[%get3A_732, %get3A_733] {strides = array<i32>} : memref<128x128xf32, #tpu.memory_space<vmem>>, vector<16xf32>,
          %mul3A_735 = vector.broadcast %squeeze3A_703 : f32 to vector<16xf32>
          %mul3A_736 = arith.mulf %get3A_734, %mul3A_735 : vector<16xf32>
          %swap3A_737 = arith.index_cast %add3A_707 : i32 to index
          %swap3A_738 = arith.constant 48 : index
          %swap3A_739 = tpu.vector_load %arg11[%swap3A_737, %swap3A_738] {strides = array<i32>} : memref<128x128xf32, #tpu.memory_space<vmem>>, vector<16xf32>,
          tpu.vector_store %arg11[%swap3A_737, %swap3A_738], %mul3A_736 {strides = array<i32>} : memref<128x128xf32, #tpu.memory_space<vmem>>, vector<16xf32>,
          %get3A_740 = arith.index_cast %add3A_707 : i32 to index
          %get3A_741 = arith.constant 64 : index
          %get3A_742 = tpu.vector_load %arg11[%get3A_740, %get3A_741] {strides = array<i32>} : memref<128x128xf32, #tpu.memory_space<vmem>>, vector<16xf32>,
          %mul3A_743 = vector.broadcast %squeeze3A_703 : f32 to vector<16xf32>
          %mul3A_744 = arith.mulf %get3A_742, %mul3A_743 : vector<16xf32>
          %swap3A_745 = arith.index_cast %add3A_707 : i32 to index
          %swap3A_746 = arith.constant 64 : index
          %swap3A_747 = tpu.vector_load %arg11[%swap3A_745, %swap3A_746] {strides = array<i32>} : memref<128x128xf32, #tpu.memory_space<vmem>>, vector<16xf32>,
          tpu.vector_store %arg11[%swap3A_745, %swap3A_746], %mul3A_744 {strides = array<i32>} : memref<128x128xf32, #tpu.memory_space<vmem>>, vector<16xf32>,
          %get3A_748 = arith.index_cast %add3A_707 : i32 to index
          %get3A_749 = arith.constant 80 : index
          %get3A_750 = tpu.vector_load %arg11[%get3A_748, %get3A_749] {strides = array<i32>} : memref<128x128xf32, #tpu.memory_space<vmem>>, vector<16xf32>,
          %mul3A_751 = vector.broadcast %squeeze3A_703 : f32 to vector<16xf32>
          %mul3A_752 = arith.mulf %get3A_750, %mul3A_751 : vector<16xf32>
          %swap3A_753 = arith.index_cast %add3A_707 : i32 to index
          %swap3A_754 = arith.constant 80 : index
          %swap3A_755 = tpu.vector_load %arg11[%swap3A_753, %swap3A_754] {strides = array<i32>} : memref<128x128xf32, #tpu.memory_space<vmem>>, vector<16xf32>,
          tpu.vector_store %arg11[%swap3A_753, %swap3A_754], %mul3A_752 {strides = array<i32>} : memref<128x128xf32, #tpu.memory_space<vmem>>, vector<16xf32>,
          %get3A_756 = arith.index_cast %add3A_707 : i32 to index
          %get3A_757 = arith.constant 96 : index
          %get3A_758 = tpu.vector_load %arg11[%get3A_756, %get3A_757] {strides = array<i32>} : memref<128x128xf32, #tpu.memory_space<vmem>>, vector<16xf32>,
          %mul3A_759 = vector.broadcast %squeeze3A_703 : f32 to vector<16xf32>
          %mul3A_760 = arith.mulf %get3A_758, %mul3A_759 : vector<16xf32>
          %swap3A_761 = arith.index_cast %add3A_707 : i32 to index
          %swap3A_762 = arith.constant 96 : index
          %swap3A_763 = tpu.vector_load %arg11[%swap3A_761, %swap3A_762] {strides = array<i32>} : memref<128x128xf32, #tpu.memory_space<vmem>>, vector<16xf32>,
          tpu.vector_store %arg11[%swap3A_761, %swap3A_762], %mul3A_760 {strides = array<i32>} : memref<128x128xf32, #tpu.memory_space<vmem>>, vector<16xf32>,
          %get3A_764 = arith.index_cast %add3A_707 : i32 to index
          %get3A_765 = arith.constant 112 : index
          %get3A_766 = tpu.vector_load %arg11[%get3A_764, %get3A_765] {strides = array<i32>} : memref<128x128xf32, #tpu.memory_space<vmem>>, vector<16xf32>,
          %mul3A_767 = vector.broadcast %squeeze3A_703 : f32 to vector<16xf32>
          %mul3A_768 = arith.mulf %get3A_766, %mul3A_767 : vector<16xf32>
          %swap3A_769 = arith.index_cast %add3A_707 : i32 to index
          %swap3A_770 = arith.constant 112 : index
          %swap3A_771 = tpu.vector_load %arg11[%swap3A_769, %swap3A_770] {strides = array<i32>} : memref<128x128xf32, #tpu.memory_space<vmem>>, vector<16xf32>,
          tpu.vector_store %arg11[%swap3A_769, %swap3A_770], %mul3A_768 {strides = array<i32>} : memref<128x128xf32, #tpu.memory_space<vmem>>, vector<16xf32>,
          %slice3A_772 = vector.extract_strided_slice %get3A_493 {offsets = [4], sizes = [1], strides = [1]} : vector<16xf32> to vector<1xf32>
          %squeeze3A_773 = vector.extract %slice3A_772[0] : f32 from vector<1xf32>
          %mul3A_774 = arith.constant 16 : i32
          %mul3A_775 = arith.muli %scan3A_488, %mul3A_774 : i32
          %add3A_776 = arith.constant 4 : i32
          %add3A_777 = arith.addi %mul3A_775, %add3A_776 : i32
          %get3A_778 = arith.index_cast %add3A_777 : i32 to index
          %get3A_779 = arith.constant 0 : index
          %get3A_780 = tpu.vector_load %arg11[%get3A_778, %get3A_779] {strides = array<i32>} : memref<128x128xf32, #tpu.memory_space<vmem>>, vector<16xf32>,
          %mul3A_781 = vector.broadcast %squeeze3A_773 : f32 to vector<16xf32>
          %mul3A_782 = arith.mulf %get3A_780, %mul3A_781 : vector<16xf32>
          %swap3A_783 = arith.index_cast %add3A_777 : i32 to index
          %swap3A_784 = arith.constant 0 : index
          %swap3A_785 = tpu.vector_load %arg11[%swap3A_783, %swap3A_784] {strides = array<i32>} : memref<128x128xf32, #tpu.memory_space<vmem>>, vector<16xf32>,
          tpu.vector_store %arg11[%swap3A_783, %swap3A_784], %mul3A_782 {strides = array<i32>} : memref<128x128xf32, #tpu.memory_space<vmem>>, vector<16xf32>,
          %get3A_786 = arith.index_cast %add3A_777 : i32 to index
          %get3A_787 = arith.constant 16 : index
          %get3A_788 = tpu.vector_load %arg11[%get3A_786, %get3A_787] {strides = array<i32>} : memref<128x128xf32, #tpu.memory_space<vmem>>, vector<16xf32>,
          %mul3A_789 = vector.broadcast %squeeze3A_773 : f32 to vector<16xf32>
          %mul3A_790 = arith.mulf %get3A_788, %mul3A_789 : vector<16xf32>
          %swap3A_791 = arith.index_cast %add3A_777 : i32 to index
          %swap3A_792 = arith.constant 16 : index
          %swap3A_793 = tpu.vector_load %arg11[%swap3A_791, %swap3A_792] {strides = array<i32>} : memref<128x128xf32, #tpu.memory_space<vmem>>, vector<16xf32>,
          tpu.vector_store %arg11[%swap3A_791, %swap3A_792], %mul3A_790 {strides = array<i32>} : memref<128x128xf32, #tpu.memory_space<vmem>>, vector<16xf32>,
          %get3A_794 = arith.index_cast %add3A_777 : i32 to index
          %get3A_795 = arith.constant 32 : index
          %get3A_796 = tpu.vector_load %arg11[%get3A_794, %get3A_795] {strides = array<i32>} : memref<128x128xf32, #tpu.memory_space<vmem>>, vector<16xf32>,
          %mul3A_797 = vector.broadcast %squeeze3A_773 : f32 to vector<16xf32>
          %mul3A_798 = arith.mulf %get3A_796, %mul3A_797 : vector<16xf32>
          %swap3A_799 = arith.index_cast %add3A_777 : i32 to index
          %swap3A_800 = arith.constant 32 : index
          %swap3A_801 = tpu.vector_load %arg11[%swap3A_799, %swap3A_800] {strides = array<i32>} : memref<128x128xf32, #tpu.memory_space<vmem>>, vector<16xf32>,
          tpu.vector_store %arg11[%swap3A_799, %swap3A_800], %mul3A_798 {strides = array<i32>} : memref<128x128xf32, #tpu.memory_space<vmem>>, vector<16xf32>,
          %get3A_802 = arith.index_cast %add3A_777 : i32 to index
          %get3A_803 = arith.constant 48 : index
          %get3A_804 = tpu.vector_load %arg11[%get3A_802, %get3A_803] {strides = array<i32>} : memref<128x128xf32, #tpu.memory_space<vmem>>, vector<16xf32>,
          %mul3A_805 = vector.broadcast %squeeze3A_773 : f32 to vector<16xf32>
          %mul3A_806 = arith.mulf %get3A_804, %mul3A_805 : vector<16xf32>
          %swap3A_807 = arith.index_cast %add3A_777 : i32 to index
          %swap3A_808 = arith.constant 48 : index
          %swap3A_809 = tpu.vector_load %arg11[%swap3A_807, %swap3A_808] {strides = array<i32>} : memref<128x128xf32, #tpu.memory_space<vmem>>, vector<16xf32>,
          tpu.vector_store %arg11[%swap3A_807, %swap3A_808], %mul3A_806 {strides = array<i32>} : memref<128x128xf32, #tpu.memory_space<vmem>>, vector<16xf32>,
          %get3A_810 = arith.index_cast %add3A_777 : i32 to index
          %get3A_811 = arith.constant 64 : index
          %get3A_812 = tpu.vector_load %arg11[%get3A_810, %get3A_811] {strides = array<i32>} : memref<128x128xf32, #tpu.memory_space<vmem>>, vector<16xf32>,
          %mul3A_813 = vector.broadcast %squeeze3A_773 : f32 to vector<16xf32>
          %mul3A_814 = arith.mulf %get3A_812, %mul3A_813 : vector<16xf32>
          %swap3A_815 = arith.index_cast %add3A_777 : i32 to index
          %swap3A_816 = arith.constant 64 : index
          %swap3A_817 = tpu.vector_load %arg11[%swap3A_815, %swap3A_816] {strides = array<i32>} : memref<128x128xf32, #tpu.memory_space<vmem>>, vector<16xf32>,
          tpu.vector_store %arg11[%swap3A_815, %swap3A_816], %mul3A_814 {strides = array<i32>} : memref<128x128xf32, #tpu.memory_space<vmem>>, vector<16xf32>,
          %get3A_818 = arith.index_cast %add3A_777 : i32 to index
          %get3A_819 = arith.constant 80 : index
          %get3A_820 = tpu.vector_load %arg11[%get3A_818, %get3A_819] {strides = array<i32>} : memref<128x128xf32, #tpu.memory_space<vmem>>, vector<16xf32>,
          %mul3A_821 = vector.broadcast %squeeze3A_773 : f32 to vector<16xf32>
          %mul3A_822 = arith.mulf %get3A_820, %mul3A_821 : vector<16xf32>
          %swap3A_823 = arith.index_cast %add3A_777 : i32 to index
          %swap3A_824 = arith.constant 80 : index
          %swap3A_825 = tpu.vector_load %arg11[%swap3A_823, %swap3A_824] {strides = array<i32>} : memref<128x128xf32, #tpu.memory_space<vmem>>, vector<16xf32>,
          tpu.vector_store %arg11[%swap3A_823, %swap3A_824], %mul3A_822 {strides = array<i32>} : memref<128x128xf32, #tpu.memory_space<vmem>>, vector<16xf32>,
          %get3A_826 = arith.index_cast %add3A_777 : i32 to index
          %get3A_827 = arith.constant 96 : index
          %get3A_828 = tpu.vector_load %arg11[%get3A_826, %get3A_827] {strides = array<i32>} : memref<128x128xf32, #tpu.memory_space<vmem>>, vector<16xf32>,
          %mul3A_829 = vector.broadcast %squeeze3A_773 : f32 to vector<16xf32>
          %mul3A_830 = arith.mulf %get3A_828, %mul3A_829 : vector<16xf32>
          %swap3A_831 = arith.index_cast %add3A_777 : i32 to index
          %swap3A_832 = arith.constant 96 : index
          %swap3A_833 = tpu.vector_load %arg11[%swap3A_831, %swap3A_832] {strides = array<i32>} : memref<128x128xf32, #tpu.memory_space<vmem>>, vector<16xf32>,
          tpu.vector_store %arg11[%swap3A_831, %swap3A_832], %mul3A_830 {strides = array<i32>} : memref<128x128xf32, #tpu.memory_space<vmem>>, vector<16xf32>,
          %get3A_834 = arith.index_cast %add3A_777 : i32 to index
          %get3A_835 = arith.constant 112 : index
          %get3A_836 = tpu.vector_load %arg11[%get3A_834, %get3A_835] {strides = array<i32>} : memref<128x128xf32, #tpu.memory_space<vmem>>, vector<16xf32>,
          %mul3A_837 = vector.broadcast %squeeze3A_773 : f32 to vector<16xf32>
          %mul3A_838 = arith.mulf %get3A_836, %mul3A_837 : vector<16xf32>
          %swap3A_839 = arith.index_cast %add3A_777 : i32 to index
          %swap3A_840 = arith.constant 112 : index
          %swap3A_841 = tpu.vector_load %arg11[%swap3A_839, %swap3A_840] {strides = array<i32>} : memref<128x128xf32, #tpu.memory_space<vmem>>, vector<16xf32>,
          tpu.vector_store %arg11[%swap3A_839, %swap3A_840], %mul3A_838 {strides = array<i32>} : memref<128x128xf32, #tpu.memory_space<vmem>>, vector<16xf32>,
          %slice3A_842 = vector.extract_strided_slice %get3A_493 {offsets = [5], sizes = [1], strides = [1]} : vector<16xf32> to vector<1xf32>
          %squeeze3A_843 = vector.extract %slice3A_842[0] : f32 from vector<1xf32>
          %mul3A_844 = arith.constant 16 : i32
          %mul3A_845 = arith.muli %scan3A_488, %mul3A_844 : i32
          %add3A_846 = arith.constant 5 : i32
          %add3A_847 = arith.addi %mul3A_845, %add3A_846 : i32
          %get3A_848 = arith.index_cast %add3A_847 : i32 to index
          %get3A_849 = arith.constant 0 : index
          %get3A_850 = tpu.vector_load %arg11[%get3A_848, %get3A_849] {strides = array<i32>} : memref<128x128xf32, #tpu.memory_space<vmem>>, vector<16xf32>,
          %mul3A_851 = vector.broadcast %squeeze3A_843 : f32 to vector<16xf32>
          %mul3A_852 = arith.mulf %get3A_850, %mul3A_851 : vector<16xf32>
          %swap3A_853 = arith.index_cast %add3A_847 : i32 to index
          %swap3A_854 = arith.constant 0 : index
          %swap3A_855 = tpu.vector_load %arg11[%swap3A_853, %swap3A_854] {strides = array<i32>} : memref<128x128xf32, #tpu.memory_space<vmem>>, vector<16xf32>,
          tpu.vector_store %arg11[%swap3A_853, %swap3A_854], %mul3A_852 {strides = array<i32>} : memref<128x128xf32, #tpu.memory_space<vmem>>, vector<16xf32>,
          %get3A_856 = arith.index_cast %add3A_847 : i32 to index
          %get3A_857 = arith.constant 16 : index
          %get3A_858 = tpu.vector_load %arg11[%get3A_856, %get3A_857] {strides = array<i32>} : memref<128x128xf32, #tpu.memory_space<vmem>>, vector<16xf32>,
          %mul3A_859 = vector.broadcast %squeeze3A_843 : f32 to vector<16xf32>
          %mul3A_860 = arith.mulf %get3A_858, %mul3A_859 : vector<16xf32>
          %swap3A_861 = arith.index_cast %add3A_847 : i32 to index
          %swap3A_862 = arith.constant 16 : index
          %swap3A_863 = tpu.vector_load %arg11[%swap3A_861, %swap3A_862] {strides = array<i32>} : memref<128x128xf32, #tpu.memory_space<vmem>>, vector<16xf32>,
          tpu.vector_store %arg11[%swap3A_861, %swap3A_862], %mul3A_860 {strides = array<i32>} : memref<128x128xf32, #tpu.memory_space<vmem>>, vector<16xf32>,
          %get3A_864 = arith.index_cast %add3A_847 : i32 to index
          %get3A_865 = arith.constant 32 : index
          %get3A_866 = tpu.vector_load %arg11[%get3A_864, %get3A_865] {strides = array<i32>} : memref<128x128xf32, #tpu.memory_space<vmem>>, vector<16xf32>,
          %mul3A_867 = vector.broadcast %squeeze3A_843 : f32 to vector<16xf32>
          %mul3A_868 = arith.mulf %get3A_866, %mul3A_867 : vector<16xf32>
          %swap3A_869 = arith.index_cast %add3A_847 : i32 to index
          %swap3A_870 = arith.constant 32 : index
          %swap3A_871 = tpu.vector_load %arg11[%swap3A_869, %swap3A_870] {strides = array<i32>} : memref<128x128xf32, #tpu.memory_space<vmem>>, vector<16xf32>,
          tpu.vector_store %arg11[%swap3A_869, %swap3A_870], %mul3A_868 {strides = array<i32>} : memref<128x128xf32, #tpu.memory_space<vmem>>, vector<16xf32>,
          %get3A_872 = arith.index_cast %add3A_847 : i32 to index
          %get3A_873 = arith.constant 48 : index
          %get3A_874 = tpu.vector_load %arg11[%get3A_872, %get3A_873] {strides = array<i32>} : memref<128x128xf32, #tpu.memory_space<vmem>>, vector<16xf32>,
          %mul3A_875 = vector.broadcast %squeeze3A_843 : f32 to vector<16xf32>
          %mul3A_876 = arith.mulf %get3A_874, %mul3A_875 : vector<16xf32>
          %swap3A_877 = arith.index_cast %add3A_847 : i32 to index
          %swap3A_878 = arith.constant 48 : index
          %swap3A_879 = tpu.vector_load %arg11[%swap3A_877, %swap3A_878] {strides = array<i32>} : memref<128x128xf32, #tpu.memory_space<vmem>>, vector<16xf32>,
          tpu.vector_store %arg11[%swap3A_877, %swap3A_878], %mul3A_876 {strides = array<i32>} : memref<128x128xf32, #tpu.memory_space<vmem>>, vector<16xf32>,
          %get3A_880 = arith.index_cast %add3A_847 : i32 to index
          %get3A_881 = arith.constant 64 : index
          %get3A_882 = tpu.vector_load %arg11[%get3A_880, %get3A_881] {strides = array<i32>} : memref<128x128xf32, #tpu.memory_space<vmem>>, vector<16xf32>,
          %mul3A_883 = vector.broadcast %squeeze3A_843 : f32 to vector<16xf32>
          %mul3A_884 = arith.mulf %get3A_882, %mul3A_883 : vector<16xf32>
          %swap3A_885 = arith.index_cast %add3A_847 : i32 to index
          %swap3A_886 = arith.constant 64 : index
          %swap3A_887 = tpu.vector_load %arg11[%swap3A_885, %swap3A_886] {strides = array<i32>} : memref<128x128xf32, #tpu.memory_space<vmem>>, vector<16xf32>,
          tpu.vector_store %arg11[%swap3A_885, %swap3A_886], %mul3A_884 {strides = array<i32>} : memref<128x128xf32, #tpu.memory_space<vmem>>, vector<16xf32>,
          %get3A_888 = arith.index_cast %add3A_847 : i32 to index
          %get3A_889 = arith.constant 80 : index
          %get3A_890 = tpu.vector_load %arg11[%get3A_888, %get3A_889] {strides = array<i32>} : memref<128x128xf32, #tpu.memory_space<vmem>>, vector<16xf32>,
          %mul3A_891 = vector.broadcast %squeeze3A_843 : f32 to vector<16xf32>
          %mul3A_892 = arith.mulf %get3A_890, %mul3A_891 : vector<16xf32>
          %swap3A_893 = arith.index_cast %add3A_847 : i32 to index
          %swap3A_894 = arith.constant 80 : index
          %swap3A_895 = tpu.vector_load %arg11[%swap3A_893, %swap3A_894] {strides = array<i32>} : memref<128x128xf32, #tpu.memory_space<vmem>>, vector<16xf32>,
          tpu.vector_store %arg11[%swap3A_893, %swap3A_894], %mul3A_892 {strides = array<i32>} : memref<128x128xf32, #tpu.memory_space<vmem>>, vector<16xf32>,
          %get3A_896 = arith.index_cast %add3A_847 : i32 to index
          %get3A_897 = arith.constant 96 : index
          %get3A_898 = tpu.vector_load %arg11[%get3A_896, %get3A_897] {strides = array<i32>} : memref<128x128xf32, #tpu.memory_space<vmem>>, vector<16xf32>,
          %mul3A_899 = vector.broadcast %squeeze3A_843 : f32 to vector<16xf32>
          %mul3A_900 = arith.mulf %get3A_898, %mul3A_899 : vector<16xf32>
          %swap3A_901 = arith.index_cast %add3A_847 : i32 to index
          %swap3A_902 = arith.constant 96 : index
          %swap3A_903 = tpu.vector_load %arg11[%swap3A_901, %swap3A_902] {strides = array<i32>} : memref<128x128xf32, #tpu.memory_space<vmem>>, vector<16xf32>,
          tpu.vector_store %arg11[%swap3A_901, %swap3A_902], %mul3A_900 {strides = array<i32>} : memref<128x128xf32, #tpu.memory_space<vmem>>, vector<16xf32>,
          %get3A_904 = arith.index_cast %add3A_847 : i32 to index
          %get3A_905 = arith.constant 112 : index
          %get3A_906 = tpu.vector_load %arg11[%get3A_904, %get3A_905] {strides = array<i32>} : memref<128x128xf32, #tpu.memory_space<vmem>>, vector<16xf32>,
          %mul3A_907 = vector.broadcast %squeeze3A_843 : f32 to vector<16xf32>
          %mul3A_908 = arith.mulf %get3A_906, %mul3A_907 : vector<16xf32>
          %swap3A_909 = arith.index_cast %add3A_847 : i32 to index
          %swap3A_910 = arith.constant 112 : index
          %swap3A_911 = tpu.vector_load %arg11[%swap3A_909, %swap3A_910] {strides = array<i32>} : memref<128x128xf32, #tpu.memory_space<vmem>>, vector<16xf32>,
          tpu.vector_store %arg11[%swap3A_909, %swap3A_910], %mul3A_908 {strides = array<i32>} : memref<128x128xf32, #tpu.memory_space<vmem>>, vector<16xf32>,
          %slice3A_912 = vector.extract_strided_slice %get3A_493 {offsets = [6], sizes = [1], strides = [1]} : vector<16xf32> to vector<1xf32>
          %squeeze3A_913 = vector.extract %slice3A_912[0] : f32 from vector<1xf32>
          %mul3A_914 = arith.constant 16 : i32
          %mul3A_915 = arith.muli %scan3A_488, %mul3A_914 : i32
          %add3A_916 = arith.constant 6 : i32
          %add3A_917 = arith.addi %mul3A_915, %add3A_916 : i32
          %get3A_918 = arith.index_cast %add3A_917 : i32 to index
          %get3A_919 = arith.constant 0 : index
          %get3A_920 = tpu.vector_load %arg11[%get3A_918, %get3A_919] {strides = array<i32>} : memref<128x128xf32, #tpu.memory_space<vmem>>, vector<16xf32>,
          %mul3A_921 = vector.broadcast %squeeze3A_913 : f32 to vector<16xf32>
          %mul3A_922 = arith.mulf %get3A_920, %mul3A_921 : vector<16xf32>
          %swap3A_923 = arith.index_cast %add3A_917 : i32 to index
          %swap3A_924 = arith.constant 0 : index
          %swap3A_925 = tpu.vector_load %arg11[%swap3A_923, %swap3A_924] {strides = array<i32>} : memref<128x128xf32, #tpu.memory_space<vmem>>, vector<16xf32>,
          tpu.vector_store %arg11[%swap3A_923, %swap3A_924], %mul3A_922 {strides = array<i32>} : memref<128x128xf32, #tpu.memory_space<vmem>>, vector<16xf32>,
          %get3A_926 = arith.index_cast %add3A_917 : i32 to index
          %get3A_927 = arith.constant 16 : index
          %get3A_928 = tpu.vector_load %arg11[%get3A_926, %get3A_927] {strides = array<i32>} : memref<128x128xf32, #tpu.memory_space<vmem>>, vector<16xf32>,
          %mul3A_929 = vector.broadcast %squeeze3A_913 : f32 to vector<16xf32>
          %mul3A_930 = arith.mulf %get3A_928, %mul3A_929 : vector<16xf32>
          %swap3A_931 = arith.index_cast %add3A_917 : i32 to index
          %swap3A_932 = arith.constant 16 : index
          %swap3A_933 = tpu.vector_load %arg11[%swap3A_931, %swap3A_932] {strides = array<i32>} : memref<128x128xf32, #tpu.memory_space<vmem>>, vector<16xf32>,
          tpu.vector_store %arg11[%swap3A_931, %swap3A_932], %mul3A_930 {strides = array<i32>} : memref<128x128xf32, #tpu.memory_space<vmem>>, vector<16xf32>,
          %get3A_934 = arith.index_cast %add3A_917 : i32 to index
          %get3A_935 = arith.constant 32 : index
          %get3A_936 = tpu.vector_load %arg11[%get3A_934, %get3A_935] {strides = array<i32>} : memref<128x128xf32, #tpu.memory_space<vmem>>, vector<16xf32>,
          %mul3A_937 = vector.broadcast %squeeze3A_913 : f32 to vector<16xf32>
          %mul3A_938 = arith.mulf %get3A_936, %mul3A_937 : vector<16xf32>
          %swap3A_939 = arith.index_cast %add3A_917 : i32 to index
          %swap3A_940 = arith.constant 32 : index
          %swap3A_941 = tpu.vector_load %arg11[%swap3A_939, %swap3A_940] {strides = array<i32>} : memref<128x128xf32, #tpu.memory_space<vmem>>, vector<16xf32>,
          tpu.vector_store %arg11[%swap3A_939, %swap3A_940], %mul3A_938 {strides = array<i32>} : memref<128x128xf32, #tpu.memory_space<vmem>>, vector<16xf32>,
          %get3A_942 = arith.index_cast %add3A_917 : i32 to index
          %get3A_943 = arith.constant 48 : index
          %get3A_944 = tpu.vector_load %arg11[%get3A_942, %get3A_943] {strides = array<i32>} : memref<128x128xf32, #tpu.memory_space<vmem>>, vector<16xf32>,
          %mul3A_945 = vector.broadcast %squeeze3A_913 : f32 to vector<16xf32>
          %mul3A_946 = arith.mulf %get3A_944, %mul3A_945 : vector<16xf32>
          %swap3A_947 = arith.index_cast %add3A_917 : i32 to index
          %swap3A_948 = arith.constant 48 : index
          %swap3A_949 = tpu.vector_load %arg11[%swap3A_947, %swap3A_948] {strides = array<i32>} : memref<128x128xf32, #tpu.memory_space<vmem>>, vector<16xf32>,
          tpu.vector_store %arg11[%swap3A_947, %swap3A_948], %mul3A_946 {strides = array<i32>} : memref<128x128xf32, #tpu.memory_space<vmem>>, vector<16xf32>,
          %get3A_950 = arith.index_cast %add3A_917 : i32 to index
          %get3A_951 = arith.constant 64 : index
          %get3A_952 = tpu.vector_load %arg11[%get3A_950, %get3A_951] {strides = array<i32>} : memref<128x128xf32, #tpu.memory_space<vmem>>, vector<16xf32>,
          %mul3A_953 = vector.broadcast %squeeze3A_913 : f32 to vector<16xf32>
          %mul3A_954 = arith.mulf %get3A_952, %mul3A_953 : vector<16xf32>
          %swap3A_955 = arith.index_cast %add3A_917 : i32 to index
          %swap3A_956 = arith.constant 64 : index
          %swap3A_957 = tpu.vector_load %arg11[%swap3A_955, %swap3A_956] {strides = array<i32>} : memref<128x128xf32, #tpu.memory_space<vmem>>, vector<16xf32>,
          tpu.vector_store %arg11[%swap3A_955, %swap3A_956], %mul3A_954 {strides = array<i32>} : memref<128x128xf32, #tpu.memory_space<vmem>>, vector<16xf32>,
          %get3A_958 = arith.index_cast %add3A_917 : i32 to index
          %get3A_959 = arith.constant 80 : index
          %get3A_960 = tpu.vector_load %arg11[%get3A_958, %get3A_959] {strides = array<i32>} : memref<128x128xf32, #tpu.memory_space<vmem>>, vector<16xf32>,
          %mul3A_961 = vector.broadcast %squeeze3A_913 : f32 to vector<16xf32>
          %mul3A_962 = arith.mulf %get3A_960, %mul3A_961 : vector<16xf32>
          %swap3A_963 = arith.index_cast %add3A_917 : i32 to index
          %swap3A_964 = arith.constant 80 : index
          %swap3A_965 = tpu.vector_load %arg11[%swap3A_963, %swap3A_964] {strides = array<i32>} : memref<128x128xf32, #tpu.memory_space<vmem>>, vector<16xf32>,
          tpu.vector_store %arg11[%swap3A_963, %swap3A_964], %mul3A_962 {strides = array<i32>} : memref<128x128xf32, #tpu.memory_space<vmem>>, vector<16xf32>,
          %get3A_966 = arith.index_cast %add3A_917 : i32 to index
          %get3A_967 = arith.constant 96 : index
          %get3A_968 = tpu.vector_load %arg11[%get3A_966, %get3A_967] {strides = array<i32>} : memref<128x128xf32, #tpu.memory_space<vmem>>, vector<16xf32>,
          %mul3A_969 = vector.broadcast %squeeze3A_913 : f32 to vector<16xf32>
          %mul3A_970 = arith.mulf %get3A_968, %mul3A_969 : vector<16xf32>
          %swap3A_971 = arith.index_cast %add3A_917 : i32 to index
          %swap3A_972 = arith.constant 96 : index
          %swap3A_973 = tpu.vector_load %arg11[%swap3A_971, %swap3A_972] {strides = array<i32>} : memref<128x128xf32, #tpu.memory_space<vmem>>, vector<16xf32>,
          tpu.vector_store %arg11[%swap3A_971, %swap3A_972], %mul3A_970 {strides = array<i32>} : memref<128x128xf32, #tpu.memory_space<vmem>>, vector<16xf32>,
          %get3A_974 = arith.index_cast %add3A_917 : i32 to index
          %get3A_975 = arith.constant 112 : index
          %get3A_976 = tpu.vector_load %arg11[%get3A_974, %get3A_975] {strides = array<i32>} : memref<128x128xf32, #tpu.memory_space<vmem>>, vector<16xf32>,
          %mul3A_977 = vector.broadcast %squeeze3A_913 : f32 to vector<16xf32>
          %mul3A_978 = arith.mulf %get3A_976, %mul3A_977 : vector<16xf32>
          %swap3A_979 = arith.index_cast %add3A_917 : i32 to index
          %swap3A_980 = arith.constant 112 : index
          %swap3A_981 = tpu.vector_load %arg11[%swap3A_979, %swap3A_980] {strides = array<i32>} : memref<128x128xf32, #tpu.memory_space<vmem>>, vector<16xf32>,
          tpu.vector_store %arg11[%swap3A_979, %swap3A_980], %mul3A_978 {strides = array<i32>} : memref<128x128xf32, #tpu.memory_space<vmem>>, vector<16xf32>,
          %slice3A_982 = vector.extract_strided_slice %get3A_493 {offsets = [7], sizes = [1], strides = [1]} : vector<16xf32> to vector<1xf32>
          %squeeze3A_983 = vector.extract %slice3A_982[0] : f32 from vector<1xf32>
          %mul3A_984 = arith.constant 16 : i32
          %mul3A_985 = arith.muli %scan3A_488, %mul3A_984 : i32
          %add3A_986 = arith.constant 7 : i32
          %add3A_987 = arith.addi %mul3A_985, %add3A_986 : i32
          %get3A_988 = arith.index_cast %add3A_987 : i32 to index
          %get3A_989 = arith.constant 0 : index
          %get3A_990 = tpu.vector_load %arg11[%get3A_988, %get3A_989] {strides = array<i32>} : memref<128x128xf32, #tpu.memory_space<vmem>>, vector<16xf32>,
          %mul3A_991 = vector.broadcast %squeeze3A_983 : f32 to vector<16xf32>
          %mul3A_992 = arith.mulf %get3A_990, %mul3A_991 : vector<16xf32>
          %swap3A_993 = arith.index_cast %add3A_987 : i32 to index
          %swap3A_994 = arith.constant 0 : index
          %swap3A_995 = tpu.vector_load %arg11[%swap3A_993, %swap3A_994] {strides = array<i32>} : memref<128x128xf32, #tpu.memory_space<vmem>>, vector<16xf32>,
          tpu.vector_store %arg11[%swap3A_993, %swap3A_994], %mul3A_992 {strides = array<i32>} : memref<128x128xf32, #tpu.memory_space<vmem>>, vector<16xf32>,
          %get3A_996 = arith.index_cast %add3A_987 : i32 to index
          %get3A_997 = arith.constant 16 : index
          %get3A_998 = tpu.vector_load %arg11[%get3A_996, %get3A_997] {strides = array<i32>} : memref<128x128xf32, #tpu.memory_space<vmem>>, vector<16xf32>,
          %mul3A_999 = vector.broadcast %squeeze3A_983 : f32 to vector<16xf32>
          %mul3A_1000 = arith.mulf %get3A_998, %mul3A_999 : vector<16xf32>
          %swap3A_1001 = arith.index_cast %add3A_987 : i32 to index
          %swap3A_1002 = arith.constant 16 : index
          %swap3A_1003 = tpu.vector_load %arg11[%swap3A_1001, %swap3A_1002] {strides = array<i32>} : memref<128x128xf32, #tpu.memory_space<vmem>>, vector<16xf32>,
          tpu.vector_store %arg11[%swap3A_1001, %swap3A_1002], %mul3A_1000 {strides = array<i32>} : memref<128x128xf32, #tpu.memory_space<vmem>>, vector<16xf32>,
          %get3A_1004 = arith.index_cast %add3A_987 : i32 to index
          %get3A_1005 = arith.constant 32 : index
          %get3A_1006 = tpu.vector_load %arg11[%get3A_1004, %get3A_1005] {strides = array<i32>} : memref<128x128xf32, #tpu.memory_space<vmem>>, vector<16xf32>,
          %mul3A_1007 = vector.broadcast %squeeze3A_983 : f32 to vector<16xf32>
          %mul3A_1008 = arith.mulf %get3A_1006, %mul3A_1007 : vector<16xf32>
          %swap3A_1009 = arith.index_cast %add3A_987 : i32 to index
          %swap3A_1010 = arith.constant 32 : index
          %swap3A_1011 = tpu.vector_load %arg11[%swap3A_1009, %swap3A_1010] {strides = array<i32>} : memref<128x128xf32, #tpu.memory_space<vmem>>, vector<16xf32>,
          tpu.vector_store %arg11[%swap3A_1009, %swap3A_1010], %mul3A_1008 {strides = array<i32>} : memref<128x128xf32, #tpu.memory_space<vmem>>, vector<16xf32>,
          %get3A_1012 = arith.index_cast %add3A_987 : i32 to index
          %get3A_1013 = arith.constant 48 : index
          %get3A_1014 = tpu.vector_load %arg11[%get3A_1012, %get3A_1013] {strides = array<i32>} : memref<128x128xf32, #tpu.memory_space<vmem>>, vector<16xf32>,
          %mul3A_1015 = vector.broadcast %squeeze3A_983 : f32 to vector<16xf32>
          %mul3A_1016 = arith.mulf %get3A_1014, %mul3A_1015 : vector<16xf32>
          %swap3A_1017 = arith.index_cast %add3A_987 : i32 to index
          %swap3A_1018 = arith.constant 48 : index
          %swap3A_1019 = tpu.vector_load %arg11[%swap3A_1017, %swap3A_1018] {strides = array<i32>} : memref<128x128xf32, #tpu.memory_space<vmem>>, vector<16xf32>,
          tpu.vector_store %arg11[%swap3A_1017, %swap3A_1018], %mul3A_1016 {strides = array<i32>} : memref<128x128xf32, #tpu.memory_space<vmem>>, vector<16xf32>,
          %get3A_1020 = arith.index_cast %add3A_987 : i32 to index
          %get3A_1021 = arith.constant 64 : index
          %get3A_1022 = tpu.vector_load %arg11[%get3A_1020, %get3A_1021] {strides = array<i32>} : memref<128x128xf32, #tpu.memory_space<vmem>>, vector<16xf32>,
          %mul3A_1023 = vector.broadcast %squeeze3A_983 : f32 to vector<16xf32>
          %mul3A_1024 = arith.mulf %get3A_1022, %mul3A_1023 : vector<16xf32>
          %swap3A_1025 = arith.index_cast %add3A_987 : i32 to index
          %swap3A_1026 = arith.constant 64 : index
          %swap3A_1027 = tpu.vector_load %arg11[%swap3A_1025, %swap3A_1026] {strides = array<i32>} : memref<128x128xf32, #tpu.memory_space<vmem>>, vector<16xf32>,
          tpu.vector_store %arg11[%swap3A_1025, %swap3A_1026], %mul3A_1024 {strides = array<i32>} : memref<128x128xf32, #tpu.memory_space<vmem>>, vector<16xf32>,
          %get3A_1028 = arith.index_cast %add3A_987 : i32 to index
          %get3A_1029 = arith.constant 80 : index
          %get3A_1030 = tpu.vector_load %arg11[%get3A_1028, %get3A_1029] {strides = array<i32>} : memref<128x128xf32, #tpu.memory_space<vmem>>, vector<16xf32>,
          %mul3A_1031 = vector.broadcast %squeeze3A_983 : f32 to vector<16xf32>
          %mul3A_1032 = arith.mulf %get3A_1030, %mul3A_1031 : vector<16xf32>
          %swap3A_1033 = arith.index_cast %add3A_987 : i32 to index
          %swap3A_1034 = arith.constant 80 : index
          %swap3A_1035 = tpu.vector_load %arg11[%swap3A_1033, %swap3A_1034] {strides = array<i32>} : memref<128x128xf32, #tpu.memory_space<vmem>>, vector<16xf32>,
          tpu.vector_store %arg11[%swap3A_1033, %swap3A_1034], %mul3A_1032 {strides = array<i32>} : memref<128x128xf32, #tpu.memory_space<vmem>>, vector<16xf32>,
          %get3A_1036 = arith.index_cast %add3A_987 : i32 to index
          %get3A_1037 = arith.constant 96 : index
          %get3A_1038 = tpu.vector_load %arg11[%get3A_1036, %get3A_1037] {strides = array<i32>} : memref<128x128xf32, #tpu.memory_space<vmem>>, vector<16xf32>,
          %mul3A_1039 = vector.broadcast %squeeze3A_983 : f32 to vector<16xf32>
          %mul3A_1040 = arith.mulf %get3A_1038, %mul3A_1039 : vector<16xf32>
          %swap3A_1041 = arith.index_cast %add3A_987 : i32 to index
          %swap3A_1042 = arith.constant 96 : index
          %swap3A_1043 = tpu.vector_load %arg11[%swap3A_1041, %swap3A_1042] {strides = array<i32>} : memref<128x128xf32, #tpu.memory_space<vmem>>, vector<16xf32>,
          tpu.vector_store %arg11[%swap3A_1041, %swap3A_1042], %mul3A_1040 {strides = array<i32>} : memref<128x128xf32, #tpu.memory_space<vmem>>, vector<16xf32>,
          %get3A_1044 = arith.index_cast %add3A_987 : i32 to index
          %get3A_1045 = arith.constant 112 : index
          %get3A_1046 = tpu.vector_load %arg11[%get3A_1044, %get3A_1045] {strides = array<i32>} : memref<128x128xf32, #tpu.memory_space<vmem>>, vector<16xf32>,
          %mul3A_1047 = vector.broadcast %squeeze3A_983 : f32 to vector<16xf32>
          %mul3A_1048 = arith.mulf %get3A_1046, %mul3A_1047 : vector<16xf32>
          %swap3A_1049 = arith.index_cast %add3A_987 : i32 to index
          %swap3A_1050 = arith.constant 112 : index
          %swap3A_1051 = tpu.vector_load %arg11[%swap3A_1049, %swap3A_1050] {strides = array<i32>} : memref<128x128xf32, #tpu.memory_space<vmem>>, vector<16xf32>,
          tpu.vector_store %arg11[%swap3A_1049, %swap3A_1050], %mul3A_1048 {strides = array<i32>} : memref<128x128xf32, #tpu.memory_space<vmem>>, vector<16xf32>,
          %slice3A_1052 = vector.extract_strided_slice %get3A_493 {offsets = [8], sizes = [1], strides = [1]} : vector<16xf32> to vector<1xf32>
          %squeeze3A_1053 = vector.extract %slice3A_1052[0] : f32 from vector<1xf32>
          %mul3A_1054 = arith.constant 16 : i32
          %mul3A_1055 = arith.muli %scan3A_488, %mul3A_1054 : i32
          %add3A_1056 = arith.constant 8 : i32
          %add3A_1057 = arith.addi %mul3A_1055, %add3A_1056 : i32
          %get3A_1058 = arith.index_cast %add3A_1057 : i32 to index
          %get3A_1059 = arith.constant 0 : index
          %get3A_1060 = tpu.vector_load %arg11[%get3A_1058, %get3A_1059] {strides = array<i32>} : memref<128x128xf32, #tpu.memory_space<vmem>>, vector<16xf32>,
          %mul3A_1061 = vector.broadcast %squeeze3A_1053 : f32 to vector<16xf32>
          %mul3A_1062 = arith.mulf %get3A_1060, %mul3A_1061 : vector<16xf32>
          %swap3A_1063 = arith.index_cast %add3A_1057 : i32 to index
          %swap3A_1064 = arith.constant 0 : index
          %swap3A_1065 = tpu.vector_load %arg11[%swap3A_1063, %swap3A_1064] {strides = array<i32>} : memref<128x128xf32, #tpu.memory_space<vmem>>, vector<16xf32>,
          tpu.vector_store %arg11[%swap3A_1063, %swap3A_1064], %mul3A_1062 {strides = array<i32>} : memref<128x128xf32, #tpu.memory_space<vmem>>, vector<16xf32>,
          %get3A_1066 = arith.index_cast %add3A_1057 : i32 to index
          %get3A_1067 = arith.constant 16 : index
          %get3A_1068 = tpu.vector_load %arg11[%get3A_1066, %get3A_1067] {strides = array<i32>} : memref<128x128xf32, #tpu.memory_space<vmem>>, vector<16xf32>,
          %mul3A_1069 = vector.broadcast %squeeze3A_1053 : f32 to vector<16xf32>
          %mul3A_1070 = arith.mulf %get3A_1068, %mul3A_1069 : vector<16xf32>
          %swap3A_1071 = arith.index_cast %add3A_1057 : i32 to index
          %swap3A_1072 = arith.constant 16 : index
          %swap3A_1073 = tpu.vector_load %arg11[%swap3A_1071, %swap3A_1072] {strides = array<i32>} : memref<128x128xf32, #tpu.memory_space<vmem>>, vector<16xf32>,
          tpu.vector_store %arg11[%swap3A_1071, %swap3A_1072], %mul3A_1070 {strides = array<i32>} : memref<128x128xf32, #tpu.memory_space<vmem>>, vector<16xf32>,
          %get3A_1074 = arith.index_cast %add3A_1057 : i32 to index
          %get3A_1075 = arith.constant 32 : index
          %get3A_1076 = tpu.vector_load %arg11[%get3A_1074, %get3A_1075] {strides = array<i32>} : memref<128x128xf32, #tpu.memory_space<vmem>>, vector<16xf32>,
          %mul3A_1077 = vector.broadcast %squeeze3A_1053 : f32 to vector<16xf32>
          %mul3A_1078 = arith.mulf %get3A_1076, %mul3A_1077 : vector<16xf32>
          %swap3A_1079 = arith.index_cast %add3A_1057 : i32 to index
          %swap3A_1080 = arith.constant 32 : index
          %swap3A_1081 = tpu.vector_load %arg11[%swap3A_1079, %swap3A_1080] {strides = array<i32>} : memref<128x128xf32, #tpu.memory_space<vmem>>, vector<16xf32>,
          tpu.vector_store %arg11[%swap3A_1079, %swap3A_1080], %mul3A_1078 {strides = array<i32>} : memref<128x128xf32, #tpu.memory_space<vmem>>, vector<16xf32>,
          %get3A_1082 = arith.index_cast %add3A_1057 : i32 to index
          %get3A_1083 = arith.constant 48 : index
          %get3A_1084 = tpu.vector_load %arg11[%get3A_1082, %get3A_1083] {strides = array<i32>} : memref<128x128xf32, #tpu.memory_space<vmem>>, vector<16xf32>,
          %mul3A_1085 = vector.broadcast %squeeze3A_1053 : f32 to vector<16xf32>
          %mul3A_1086 = arith.mulf %get3A_1084, %mul3A_1085 : vector<16xf32>
          %swap3A_1087 = arith.index_cast %add3A_1057 : i32 to index
          %swap3A_1088 = arith.constant 48 : index
          %swap3A_1089 = tpu.vector_load %arg11[%swap3A_1087, %swap3A_1088] {strides = array<i32>} : memref<128x128xf32, #tpu.memory_space<vmem>>, vector<16xf32>,
          tpu.vector_store %arg11[%swap3A_1087, %swap3A_1088], %mul3A_1086 {strides = array<i32>} : memref<128x128xf32, #tpu.memory_space<vmem>>, vector<16xf32>,
          %get3A_1090 = arith.index_cast %add3A_1057 : i32 to index
          %get3A_1091 = arith.constant 64 : index
          %get3A_1092 = tpu.vector_load %arg11[%get3A_1090, %get3A_1091] {strides = array<i32>} : memref<128x128xf32, #tpu.memory_space<vmem>>, vector<16xf32>,
          %mul3A_1093 = vector.broadcast %squeeze3A_1053 : f32 to vector<16xf32>
          %mul3A_1094 = arith.mulf %get3A_1092, %mul3A_1093 : vector<16xf32>
          %swap3A_1095 = arith.index_cast %add3A_1057 : i32 to index
          %swap3A_1096 = arith.constant 64 : index
          %swap3A_1097 = tpu.vector_load %arg11[%swap3A_1095, %swap3A_1096] {strides = array<i32>} : memref<128x128xf32, #tpu.memory_space<vmem>>, vector<16xf32>,
          tpu.vector_store %arg11[%swap3A_1095, %swap3A_1096], %mul3A_1094 {strides = array<i32>} : memref<128x128xf32, #tpu.memory_space<vmem>>, vector<16xf32>,
          %get3A_1098 = arith.index_cast %add3A_1057 : i32 to index
          %get3A_1099 = arith.constant 80 : index
          %get3A_1100 = tpu.vector_load %arg11[%get3A_1098, %get3A_1099] {strides = array<i32>} : memref<128x128xf32, #tpu.memory_space<vmem>>, vector<16xf32>,
          %mul3A_1101 = vector.broadcast %squeeze3A_1053 : f32 to vector<16xf32>
          %mul3A_1102 = arith.mulf %get3A_1100, %mul3A_1101 : vector<16xf32>
          %swap3A_1103 = arith.index_cast %add3A_1057 : i32 to index
          %swap3A_1104 = arith.constant 80 : index
          %swap3A_1105 = tpu.vector_load %arg11[%swap3A_1103, %swap3A_1104] {strides = array<i32>} : memref<128x128xf32, #tpu.memory_space<vmem>>, vector<16xf32>,
          tpu.vector_store %arg11[%swap3A_1103, %swap3A_1104], %mul3A_1102 {strides = array<i32>} : memref<128x128xf32, #tpu.memory_space<vmem>>, vector<16xf32>,
          %get3A_1106 = arith.index_cast %add3A_1057 : i32 to index
          %get3A_1107 = arith.constant 96 : index
          %get3A_1108 = tpu.vector_load %arg11[%get3A_1106, %get3A_1107] {strides = array<i32>} : memref<128x128xf32, #tpu.memory_space<vmem>>, vector<16xf32>,
          %mul3A_1109 = vector.broadcast %squeeze3A_1053 : f32 to vector<16xf32>
          %mul3A_1110 = arith.mulf %get3A_1108, %mul3A_1109 : vector<16xf32>
          %swap3A_1111 = arith.index_cast %add3A_1057 : i32 to index
          %swap3A_1112 = arith.constant 96 : index
          %swap3A_1113 = tpu.vector_load %arg11[%swap3A_1111, %swap3A_1112] {strides = array<i32>} : memref<128x128xf32, #tpu.memory_space<vmem>>, vector<16xf32>,
          tpu.vector_store %arg11[%swap3A_1111, %swap3A_1112], %mul3A_1110 {strides = array<i32>} : memref<128x128xf32, #tpu.memory_space<vmem>>, vector<16xf32>,
          %get3A_1114 = arith.index_cast %add3A_1057 : i32 to index
          %get3A_1115 = arith.constant 112 : index
          %get3A_1116 = tpu.vector_load %arg11[%get3A_1114, %get3A_1115] {strides = array<i32>} : memref<128x128xf32, #tpu.memory_space<vmem>>, vector<16xf32>,
          %mul3A_1117 = vector.broadcast %squeeze3A_1053 : f32 to vector<16xf32>
          %mul3A_1118 = arith.mulf %get3A_1116, %mul3A_1117 : vector<16xf32>
          %swap3A_1119 = arith.index_cast %add3A_1057 : i32 to index
          %swap3A_1120 = arith.constant 112 : index
          %swap3A_1121 = tpu.vector_load %arg11[%swap3A_1119, %swap3A_1120] {strides = array<i32>} : memref<128x128xf32, #tpu.memory_space<vmem>>, vector<16xf32>,
          tpu.vector_store %arg11[%swap3A_1119, %swap3A_1120], %mul3A_1118 {strides = array<i32>} : memref<128x128xf32, #tpu.memory_space<vmem>>, vector<16xf32>,
          %slice3A_1122 = vector.extract_strided_slice %get3A_493 {offsets = [9], sizes = [1], strides = [1]} : vector<16xf32> to vector<1xf32>
          %squeeze3A_1123 = vector.extract %slice3A_1122[0] : f32 from vector<1xf32>
          %mul3A_1124 = arith.constant 16 : i32
          %mul3A_1125 = arith.muli %scan3A_488, %mul3A_1124 : i32
          %add3A_1126 = arith.constant 9 : i32
          %add3A_1127 = arith.addi %mul3A_1125, %add3A_1126 : i32
          %get3A_1128 = arith.index_cast %add3A_1127 : i32 to index
          %get3A_1129 = arith.constant 0 : index
          %get3A_1130 = tpu.vector_load %arg11[%get3A_1128, %get3A_1129] {strides = array<i32>} : memref<128x128xf32, #tpu.memory_space<vmem>>, vector<16xf32>,
          %mul3A_1131 = vector.broadcast %squeeze3A_1123 : f32 to vector<16xf32>
          %mul3A_1132 = arith.mulf %get3A_1130, %mul3A_1131 : vector<16xf32>
          %swap3A_1133 = arith.index_cast %add3A_1127 : i32 to index
          %swap3A_1134 = arith.constant 0 : index
          %swap3A_1135 = tpu.vector_load %arg11[%swap3A_1133, %swap3A_1134] {strides = array<i32>} : memref<128x128xf32, #tpu.memory_space<vmem>>, vector<16xf32>,
          tpu.vector_store %arg11[%swap3A_1133, %swap3A_1134], %mul3A_1132 {strides = array<i32>} : memref<128x128xf32, #tpu.memory_space<vmem>>, vector<16xf32>,
          %get3A_1136 = arith.index_cast %add3A_1127 : i32 to index
          %get3A_1137 = arith.constant 16 : index
          %get3A_1138 = tpu.vector_load %arg11[%get3A_1136, %get3A_1137] {strides = array<i32>} : memref<128x128xf32, #tpu.memory_space<vmem>>, vector<16xf32>,
          %mul3A_1139 = vector.broadcast %squeeze3A_1123 : f32 to vector<16xf32>
          %mul3A_1140 = arith.mulf %get3A_1138, %mul3A_1139 : vector<16xf32>
          %swap3A_1141 = arith.index_cast %add3A_1127 : i32 to index
          %swap3A_1142 = arith.constant 16 : index
          %swap3A_1143 = tpu.vector_load %arg11[%swap3A_1141, %swap3A_1142] {strides = array<i32>} : memref<128x128xf32, #tpu.memory_space<vmem>>, vector<16xf32>,
          tpu.vector_store %arg11[%swap3A_1141, %swap3A_1142], %mul3A_1140 {strides = array<i32>} : memref<128x128xf32, #tpu.memory_space<vmem>>, vector<16xf32>,
          %get3A_1144 = arith.index_cast %add3A_1127 : i32 to index
          %get3A_1145 = arith.constant 32 : index
          %get3A_1146 = tpu.vector_load %arg11[%get3A_1144, %get3A_1145] {strides = array<i32>} : memref<128x128xf32, #tpu.memory_space<vmem>>, vector<16xf32>,
          %mul3A_1147 = vector.broadcast %squeeze3A_1123 : f32 to vector<16xf32>
          %mul3A_1148 = arith.mulf %get3A_1146, %mul3A_1147 : vector<16xf32>
          %swap3A_1149 = arith.index_cast %add3A_1127 : i32 to index
          %swap3A_1150 = arith.constant 32 : index
          %swap3A_1151 = tpu.vector_load %arg11[%swap3A_1149, %swap3A_1150] {strides = array<i32>} : memref<128x128xf32, #tpu.memory_space<vmem>>, vector<16xf32>,
          tpu.vector_store %arg11[%swap3A_1149, %swap3A_1150], %mul3A_1148 {strides = array<i32>} : memref<128x128xf32, #tpu.memory_space<vmem>>, vector<16xf32>,
          %get3A_1152 = arith.index_cast %add3A_1127 : i32 to index
          %get3A_1153 = arith.constant 48 : index
          %get3A_1154 = tpu.vector_load %arg11[%get3A_1152, %get3A_1153] {strides = array<i32>} : memref<128x128xf32, #tpu.memory_space<vmem>>, vector<16xf32>,
          %mul3A_1155 = vector.broadcast %squeeze3A_1123 : f32 to vector<16xf32>
          %mul3A_1156 = arith.mulf %get3A_1154, %mul3A_1155 : vector<16xf32>
          %swap3A_1157 = arith.index_cast %add3A_1127 : i32 to index
          %swap3A_1158 = arith.constant 48 : index
          %swap3A_1159 = tpu.vector_load %arg11[%swap3A_1157, %swap3A_1158] {strides = array<i32>} : memref<128x128xf32, #tpu.memory_space<vmem>>, vector<16xf32>,
          tpu.vector_store %arg11[%swap3A_1157, %swap3A_1158], %mul3A_1156 {strides = array<i32>} : memref<128x128xf32, #tpu.memory_space<vmem>>, vector<16xf32>,
          %get3A_1160 = arith.index_cast %add3A_1127 : i32 to index
          %get3A_1161 = arith.constant 64 : index
          %get3A_1162 = tpu.vector_load %arg11[%get3A_1160, %get3A_1161] {strides = array<i32>} : memref<128x128xf32, #tpu.memory_space<vmem>>, vector<16xf32>,
          %mul3A_1163 = vector.broadcast %squeeze3A_1123 : f32 to vector<16xf32>
          %mul3A_1164 = arith.mulf %get3A_1162, %mul3A_1163 : vector<16xf32>
          %swap3A_1165 = arith.index_cast %add3A_1127 : i32 to index
          %swap3A_1166 = arith.constant 64 : index
          %swap3A_1167 = tpu.vector_load %arg11[%swap3A_1165, %swap3A_1166] {strides = array<i32>} : memref<128x128xf32, #tpu.memory_space<vmem>>, vector<16xf32>,
          tpu.vector_store %arg11[%swap3A_1165, %swap3A_1166], %mul3A_1164 {strides = array<i32>} : memref<128x128xf32, #tpu.memory_space<vmem>>, vector<16xf32>,
          %get3A_1168 = arith.index_cast %add3A_1127 : i32 to index
          %get3A_1169 = arith.constant 80 : index
          %get3A_1170 = tpu.vector_load %arg11[%get3A_1168, %get3A_1169] {strides = array<i32>} : memref<128x128xf32, #tpu.memory_space<vmem>>, vector<16xf32>,
          %mul3A_1171 = vector.broadcast %squeeze3A_1123 : f32 to vector<16xf32>
          %mul3A_1172 = arith.mulf %get3A_1170, %mul3A_1171 : vector<16xf32>
          %swap3A_1173 = arith.index_cast %add3A_1127 : i32 to index
          %swap3A_1174 = arith.constant 80 : index
          %swap3A_1175 = tpu.vector_load %arg11[%swap3A_1173, %swap3A_1174] {strides = array<i32>} : memref<128x128xf32, #tpu.memory_space<vmem>>, vector<16xf32>,
          tpu.vector_store %arg11[%swap3A_1173, %swap3A_1174], %mul3A_1172 {strides = array<i32>} : memref<128x128xf32, #tpu.memory_space<vmem>>, vector<16xf32>,
          %get3A_1176 = arith.index_cast %add3A_1127 : i32 to index
          %get3A_1177 = arith.constant 96 : index
          %get3A_1178 = tpu.vector_load %arg11[%get3A_1176, %get3A_1177] {strides = array<i32>} : memref<128x128xf32, #tpu.memory_space<vmem>>, vector<16xf32>,
          %mul3A_1179 = vector.broadcast %squeeze3A_1123 : f32 to vector<16xf32>
          %mul3A_1180 = arith.mulf %get3A_1178, %mul3A_1179 : vector<16xf32>
          %swap3A_1181 = arith.index_cast %add3A_1127 : i32 to index
          %swap3A_1182 = arith.constant 96 : index
          %swap3A_1183 = tpu.vector_load %arg11[%swap3A_1181, %swap3A_1182] {strides = array<i32>} : memref<128x128xf32, #tpu.memory_space<vmem>>, vector<16xf32>,
          tpu.vector_store %arg11[%swap3A_1181, %swap3A_1182], %mul3A_1180 {strides = array<i32>} : memref<128x128xf32, #tpu.memory_space<vmem>>, vector<16xf32>,
          %get3A_1184 = arith.index_cast %add3A_1127 : i32 to index
          %get3A_1185 = arith.constant 112 : index
          %get3A_1186 = tpu.vector_load %arg11[%get3A_1184, %get3A_1185] {strides = array<i32>} : memref<128x128xf32, #tpu.memory_space<vmem>>, vector<16xf32>,
          %mul3A_1187 = vector.broadcast %squeeze3A_1123 : f32 to vector<16xf32>
          %mul3A_1188 = arith.mulf %get3A_1186, %mul3A_1187 : vector<16xf32>
          %swap3A_1189 = arith.index_cast %add3A_1127 : i32 to index
          %swap3A_1190 = arith.constant 112 : index
          %swap3A_1191 = tpu.vector_load %arg11[%swap3A_1189, %swap3A_1190] {strides = array<i32>} : memref<128x128xf32, #tpu.memory_space<vmem>>, vector<16xf32>,
          tpu.vector_store %arg11[%swap3A_1189, %swap3A_1190], %mul3A_1188 {strides = array<i32>} : memref<128x128xf32, #tpu.memory_space<vmem>>, vector<16xf32>,
          %slice3A_1192 = vector.extract_strided_slice %get3A_493 {offsets = [10], sizes = [1], strides = [1]} : vector<16xf32> to vector<1xf32>
          %squeeze3A_1193 = vector.extract %slice3A_1192[0] : f32 from vector<1xf32>
          %mul3A_1194 = arith.constant 16 : i32
          %mul3A_1195 = arith.muli %scan3A_488, %mul3A_1194 : i32
          %add3A_1196 = arith.constant 10 : i32
          %add3A_1197 = arith.addi %mul3A_1195, %add3A_1196 : i32
          %get3A_1198 = arith.index_cast %add3A_1197 : i32 to index
          %get3A_1199 = arith.constant 0 : index
          %get3A_1200 = tpu.vector_load %arg11[%get3A_1198, %get3A_1199] {strides = array<i32>} : memref<128x128xf32, #tpu.memory_space<vmem>>, vector<16xf32>,
          %mul3A_1201 = vector.broadcast %squeeze3A_1193 : f32 to vector<16xf32>
          %mul3A_1202 = arith.mulf %get3A_1200, %mul3A_1201 : vector<16xf32>
          %swap3A_1203 = arith.index_cast %add3A_1197 : i32 to index
          %swap3A_1204 = arith.constant 0 : index
          %swap3A_1205 = tpu.vector_load %arg11[%swap3A_1203, %swap3A_1204] {strides = array<i32>} : memref<128x128xf32, #tpu.memory_space<vmem>>, vector<16xf32>,
          tpu.vector_store %arg11[%swap3A_1203, %swap3A_1204], %mul3A_1202 {strides = array<i32>} : memref<128x128xf32, #tpu.memory_space<vmem>>, vector<16xf32>,
          %get3A_1206 = arith.index_cast %add3A_1197 : i32 to index
          %get3A_1207 = arith.constant 16 : index
          %get3A_1208 = tpu.vector_load %arg11[%get3A_1206, %get3A_1207] {strides = array<i32>} : memref<128x128xf32, #tpu.memory_space<vmem>>, vector<16xf32>,
          %mul3A_1209 = vector.broadcast %squeeze3A_1193 : f32 to vector<16xf32>
          %mul3A_1210 = arith.mulf %get3A_1208, %mul3A_1209 : vector<16xf32>
          %swap3A_1211 = arith.index_cast %add3A_1197 : i32 to index
          %swap3A_1212 = arith.constant 16 : index
          %swap3A_1213 = tpu.vector_load %arg11[%swap3A_1211, %swap3A_1212] {strides = array<i32>} : memref<128x128xf32, #tpu.memory_space<vmem>>, vector<16xf32>,
          tpu.vector_store %arg11[%swap3A_1211, %swap3A_1212], %mul3A_1210 {strides = array<i32>} : memref<128x128xf32, #tpu.memory_space<vmem>>, vector<16xf32>,
          %get3A_1214 = arith.index_cast %add3A_1197 : i32 to index
          %get3A_1215 = arith.constant 32 : index
          %get3A_1216 = tpu.vector_load %arg11[%get3A_1214, %get3A_1215] {strides = array<i32>} : memref<128x128xf32, #tpu.memory_space<vmem>>, vector<16xf32>,
          %mul3A_1217 = vector.broadcast %squeeze3A_1193 : f32 to vector<16xf32>
          %mul3A_1218 = arith.mulf %get3A_1216, %mul3A_1217 : vector<16xf32>
          %swap3A_1219 = arith.index_cast %add3A_1197 : i32 to index
          %swap3A_1220 = arith.constant 32 : index
          %swap3A_1221 = tpu.vector_load %arg11[%swap3A_1219, %swap3A_1220] {strides = array<i32>} : memref<128x128xf32, #tpu.memory_space<vmem>>, vector<16xf32>,
          tpu.vector_store %arg11[%swap3A_1219, %swap3A_1220], %mul3A_1218 {strides = array<i32>} : memref<128x128xf32, #tpu.memory_space<vmem>>, vector<16xf32>,
          %get3A_1222 = arith.index_cast %add3A_1197 : i32 to index
          %get3A_1223 = arith.constant 48 : index
          %get3A_1224 = tpu.vector_load %arg11[%get3A_1222, %get3A_1223] {strides = array<i32>} : memref<128x128xf32, #tpu.memory_space<vmem>>, vector<16xf32>,
          %mul3A_1225 = vector.broadcast %squeeze3A_1193 : f32 to vector<16xf32>
          %mul3A_1226 = arith.mulf %get3A_1224, %mul3A_1225 : vector<16xf32>
          %swap3A_1227 = arith.index_cast %add3A_1197 : i32 to index
          %swap3A_1228 = arith.constant 48 : index
          %swap3A_1229 = tpu.vector_load %arg11[%swap3A_1227, %swap3A_1228] {strides = array<i32>} : memref<128x128xf32, #tpu.memory_space<vmem>>, vector<16xf32>,
          tpu.vector_store %arg11[%swap3A_1227, %swap3A_1228], %mul3A_1226 {strides = array<i32>} : memref<128x128xf32, #tpu.memory_space<vmem>>, vector<16xf32>,
          %get3A_1230 = arith.index_cast %add3A_1197 : i32 to index
          %get3A_1231 = arith.constant 64 : index
          %get3A_1232 = tpu.vector_load %arg11[%get3A_1230, %get3A_1231] {strides = array<i32>} : memref<128x128xf32, #tpu.memory_space<vmem>>, vector<16xf32>,
          %mul3A_1233 = vector.broadcast %squeeze3A_1193 : f32 to vector<16xf32>
          %mul3A_1234 = arith.mulf %get3A_1232, %mul3A_1233 : vector<16xf32>
          %swap3A_1235 = arith.index_cast %add3A_1197 : i32 to index
          %swap3A_1236 = arith.constant 64 : index
          %swap3A_1237 = tpu.vector_load %arg11[%swap3A_1235, %swap3A_1236] {strides = array<i32>} : memref<128x128xf32, #tpu.memory_space<vmem>>, vector<16xf32>,
          tpu.vector_store %arg11[%swap3A_1235, %swap3A_1236], %mul3A_1234 {strides = array<i32>} : memref<128x128xf32, #tpu.memory_space<vmem>>, vector<16xf32>,
          %get3A_1238 = arith.index_cast %add3A_1197 : i32 to index
          %get3A_1239 = arith.constant 80 : index
          %get3A_1240 = tpu.vector_load %arg11[%get3A_1238, %get3A_1239] {strides = array<i32>} : memref<128x128xf32, #tpu.memory_space<vmem>>, vector<16xf32>,
          %mul3A_1241 = vector.broadcast %squeeze3A_1193 : f32 to vector<16xf32>
          %mul3A_1242 = arith.mulf %get3A_1240, %mul3A_1241 : vector<16xf32>
          %swap3A_1243 = arith.index_cast %add3A_1197 : i32 to index
          %swap3A_1244 = arith.constant 80 : index
          %swap3A_1245 = tpu.vector_load %arg11[%swap3A_1243, %swap3A_1244] {strides = array<i32>} : memref<128x128xf32, #tpu.memory_space<vmem>>, vector<16xf32>,
          tpu.vector_store %arg11[%swap3A_1243, %swap3A_1244], %mul3A_1242 {strides = array<i32>} : memref<128x128xf32, #tpu.memory_space<vmem>>, vector<16xf32>,
          %get3A_1246 = arith.index_cast %add3A_1197 : i32 to index
          %get3A_1247 = arith.constant 96 : index
          %get3A_1248 = tpu.vector_load %arg11[%get3A_1246, %get3A_1247] {strides = array<i32>} : memref<128x128xf32, #tpu.memory_space<vmem>>, vector<16xf32>,
          %mul3A_1249 = vector.broadcast %squeeze3A_1193 : f32 to vector<16xf32>
          %mul3A_1250 = arith.mulf %get3A_1248, %mul3A_1249 : vector<16xf32>
          %swap3A_1251 = arith.index_cast %add3A_1197 : i32 to index
          %swap3A_1252 = arith.constant 96 : index
          %swap3A_1253 = tpu.vector_load %arg11[%swap3A_1251, %swap3A_1252] {strides = array<i32>} : memref<128x128xf32, #tpu.memory_space<vmem>>, vector<16xf32>,
          tpu.vector_store %arg11[%swap3A_1251, %swap3A_1252], %mul3A_1250 {strides = array<i32>} : memref<128x128xf32, #tpu.memory_space<vmem>>, vector<16xf32>,
          %get3A_1254 = arith.index_cast %add3A_1197 : i32 to index
          %get3A_1255 = arith.constant 112 : index
          %get3A_1256 = tpu.vector_load %arg11[%get3A_1254, %get3A_1255] {strides = array<i32>} : memref<128x128xf32, #tpu.memory_space<vmem>>, vector<16xf32>,
          %mul3A_1257 = vector.broadcast %squeeze3A_1193 : f32 to vector<16xf32>
          %mul3A_1258 = arith.mulf %get3A_1256, %mul3A_1257 : vector<16xf32>
          %swap3A_1259 = arith.index_cast %add3A_1197 : i32 to index
          %swap3A_1260 = arith.constant 112 : index
          %swap3A_1261 = tpu.vector_load %arg11[%swap3A_1259, %swap3A_1260] {strides = array<i32>} : memref<128x128xf32, #tpu.memory_space<vmem>>, vector<16xf32>,
          tpu.vector_store %arg11[%swap3A_1259, %swap3A_1260], %mul3A_1258 {strides = array<i32>} : memref<128x128xf32, #tpu.memory_space<vmem>>, vector<16xf32>,
          %slice3A_1262 = vector.extract_strided_slice %get3A_493 {offsets = [11], sizes = [1], strides = [1]} : vector<16xf32> to vector<1xf32>
          %squeeze3A_1263 = vector.extract %slice3A_1262[0] : f32 from vector<1xf32>
          %mul3A_1264 = arith.constant 16 : i32
          %mul3A_1265 = arith.muli %scan3A_488, %mul3A_1264 : i32
          %add3A_1266 = arith.constant 11 : i32
          %add3A_1267 = arith.addi %mul3A_1265, %add3A_1266 : i32
          %get3A_1268 = arith.index_cast %add3A_1267 : i32 to index
          %get3A_1269 = arith.constant 0 : index
          %get3A_1270 = tpu.vector_load %arg11[%get3A_1268, %get3A_1269] {strides = array<i32>} : memref<128x128xf32, #tpu.memory_space<vmem>>, vector<16xf32>,
          %mul3A_1271 = vector.broadcast %squeeze3A_1263 : f32 to vector<16xf32>
          %mul3A_1272 = arith.mulf %get3A_1270, %mul3A_1271 : vector<16xf32>
          %swap3A_1273 = arith.index_cast %add3A_1267 : i32 to index
          %swap3A_1274 = arith.constant 0 : index
          %swap3A_1275 = tpu.vector_load %arg11[%swap3A_1273, %swap3A_1274] {strides = array<i32>} : memref<128x128xf32, #tpu.memory_space<vmem>>, vector<16xf32>,
          tpu.vector_store %arg11[%swap3A_1273, %swap3A_1274], %mul3A_1272 {strides = array<i32>} : memref<128x128xf32, #tpu.memory_space<vmem>>, vector<16xf32>,
          %get3A_1276 = arith.index_cast %add3A_1267 : i32 to index
          %get3A_1277 = arith.constant 16 : index
          %get3A_1278 = tpu.vector_load %arg11[%get3A_1276, %get3A_1277] {strides = array<i32>} : memref<128x128xf32, #tpu.memory_space<vmem>>, vector<16xf32>,
          %mul3A_1279 = vector.broadcast %squeeze3A_1263 : f32 to vector<16xf32>
          %mul3A_1280 = arith.mulf %get3A_1278, %mul3A_1279 : vector<16xf32>
          %swap3A_1281 = arith.index_cast %add3A_1267 : i32 to index
          %swap3A_1282 = arith.constant 16 : index
          %swap3A_1283 = tpu.vector_load %arg11[%swap3A_1281, %swap3A_1282] {strides = array<i32>} : memref<128x128xf32, #tpu.memory_space<vmem>>, vector<16xf32>,
          tpu.vector_store %arg11[%swap3A_1281, %swap3A_1282], %mul3A_1280 {strides = array<i32>} : memref<128x128xf32, #tpu.memory_space<vmem>>, vector<16xf32>,
          %get3A_1284 = arith.index_cast %add3A_1267 : i32 to index
          %get3A_1285 = arith.constant 32 : index
          %get3A_1286 = tpu.vector_load %arg11[%get3A_1284, %get3A_1285] {strides = array<i32>} : memref<128x128xf32, #tpu.memory_space<vmem>>, vector<16xf32>,
          %mul3A_1287 = vector.broadcast %squeeze3A_1263 : f32 to vector<16xf32>
          %mul3A_1288 = arith.mulf %get3A_1286, %mul3A_1287 : vector<16xf32>
          %swap3A_1289 = arith.index_cast %add3A_1267 : i32 to index
          %swap3A_1290 = arith.constant 32 : index
          %swap3A_1291 = tpu.vector_load %arg11[%swap3A_1289, %swap3A_1290] {strides = array<i32>} : memref<128x128xf32, #tpu.memory_space<vmem>>, vector<16xf32>,
          tpu.vector_store %arg11[%swap3A_1289, %swap3A_1290], %mul3A_1288 {strides = array<i32>} : memref<128x128xf32, #tpu.memory_space<vmem>>, vector<16xf32>,
          %get3A_1292 = arith.index_cast %add3A_1267 : i32 to index
          %get3A_1293 = arith.constant 48 : index
          %get3A_1294 = tpu.vector_load %arg11[%get3A_1292, %get3A_1293] {strides = array<i32>} : memref<128x128xf32, #tpu.memory_space<vmem>>, vector<16xf32>,
          %mul3A_1295 = vector.broadcast %squeeze3A_1263 : f32 to vector<16xf32>
          %mul3A_1296 = arith.mulf %get3A_1294, %mul3A_1295 : vector<16xf32>
          %swap3A_1297 = arith.index_cast %add3A_1267 : i32 to index
          %swap3A_1298 = arith.constant 48 : index
          %swap3A_1299 = tpu.vector_load %arg11[%swap3A_1297, %swap3A_1298] {strides = array<i32>} : memref<128x128xf32, #tpu.memory_space<vmem>>, vector<16xf32>,
          tpu.vector_store %arg11[%swap3A_1297, %swap3A_1298], %mul3A_1296 {strides = array<i32>} : memref<128x128xf32, #tpu.memory_space<vmem>>, vector<16xf32>,
          %get3A_1300 = arith.index_cast %add3A_1267 : i32 to index
          %get3A_1301 = arith.constant 64 : index
          %get3A_1302 = tpu.vector_load %arg11[%get3A_1300, %get3A_1301] {strides = array<i32>} : memref<128x128xf32, #tpu.memory_space<vmem>>, vector<16xf32>,
          %mul3A_1303 = vector.broadcast %squeeze3A_1263 : f32 to vector<16xf32>
          %mul3A_1304 = arith.mulf %get3A_1302, %mul3A_1303 : vector<16xf32>
          %swap3A_1305 = arith.index_cast %add3A_1267 : i32 to index
          %swap3A_1306 = arith.constant 64 : index
          %swap3A_1307 = tpu.vector_load %arg11[%swap3A_1305, %swap3A_1306] {strides = array<i32>} : memref<128x128xf32, #tpu.memory_space<vmem>>, vector<16xf32>,
          tpu.vector_store %arg11[%swap3A_1305, %swap3A_1306], %mul3A_1304 {strides = array<i32>} : memref<128x128xf32, #tpu.memory_space<vmem>>, vector<16xf32>,
          %get3A_1308 = arith.index_cast %add3A_1267 : i32 to index
          %get3A_1309 = arith.constant 80 : index
          %get3A_1310 = tpu.vector_load %arg11[%get3A_1308, %get3A_1309] {strides = array<i32>} : memref<128x128xf32, #tpu.memory_space<vmem>>, vector<16xf32>,
          %mul3A_1311 = vector.broadcast %squeeze3A_1263 : f32 to vector<16xf32>
          %mul3A_1312 = arith.mulf %get3A_1310, %mul3A_1311 : vector<16xf32>
          %swap3A_1313 = arith.index_cast %add3A_1267 : i32 to index
          %swap3A_1314 = arith.constant 80 : index
          %swap3A_1315 = tpu.vector_load %arg11[%swap3A_1313, %swap3A_1314] {strides = array<i32>} : memref<128x128xf32, #tpu.memory_space<vmem>>, vector<16xf32>,
          tpu.vector_store %arg11[%swap3A_1313, %swap3A_1314], %mul3A_1312 {strides = array<i32>} : memref<128x128xf32, #tpu.memory_space<vmem>>, vector<16xf32>,
          %get3A_1316 = arith.index_cast %add3A_1267 : i32 to index
          %get3A_1317 = arith.constant 96 : index
          %get3A_1318 = tpu.vector_load %arg11[%get3A_1316, %get3A_1317] {strides = array<i32>} : memref<128x128xf32, #tpu.memory_space<vmem>>, vector<16xf32>,
          %mul3A_1319 = vector.broadcast %squeeze3A_1263 : f32 to vector<16xf32>
          %mul3A_1320 = arith.mulf %get3A_1318, %mul3A_1319 : vector<16xf32>
          %swap3A_1321 = arith.index_cast %add3A_1267 : i32 to index
          %swap3A_1322 = arith.constant 96 : index
          %swap3A_1323 = tpu.vector_load %arg11[%swap3A_1321, %swap3A_1322] {strides = array<i32>} : memref<128x128xf32, #tpu.memory_space<vmem>>, vector<16xf32>,
          tpu.vector_store %arg11[%swap3A_1321, %swap3A_1322], %mul3A_1320 {strides = array<i32>} : memref<128x128xf32, #tpu.memory_space<vmem>>, vector<16xf32>,
          %get3A_1324 = arith.index_cast %add3A_1267 : i32 to index
          %get3A_1325 = arith.constant 112 : index
          %get3A_1326 = tpu.vector_load %arg11[%get3A_1324, %get3A_1325] {strides = array<i32>} : memref<128x128xf32, #tpu.memory_space<vmem>>, vector<16xf32>,
          %mul3A_1327 = vector.broadcast %squeeze3A_1263 : f32 to vector<16xf32>
          %mul3A_1328 = arith.mulf %get3A_1326, %mul3A_1327 : vector<16xf32>
          %swap3A_1329 = arith.index_cast %add3A_1267 : i32 to index
          %swap3A_1330 = arith.constant 112 : index
          %swap3A_1331 = tpu.vector_load %arg11[%swap3A_1329, %swap3A_1330] {strides = array<i32>} : memref<128x128xf32, #tpu.memory_space<vmem>>, vector<16xf32>,
          tpu.vector_store %arg11[%swap3A_1329, %swap3A_1330], %mul3A_1328 {strides = array<i32>} : memref<128x128xf32, #tpu.memory_space<vmem>>, vector<16xf32>,
          %slice3A_1332 = vector.extract_strided_slice %get3A_493 {offsets = [12], sizes = [1], strides = [1]} : vector<16xf32> to vector<1xf32>
          %squeeze3A_1333 = vector.extract %slice3A_1332[0] : f32 from vector<1xf32>
          %mul3A_1334 = arith.constant 16 : i32
          %mul3A_1335 = arith.muli %scan3A_488, %mul3A_1334 : i32
          %add3A_1336 = arith.constant 12 : i32
          %add3A_1337 = arith.addi %mul3A_1335, %add3A_1336 : i32
          %get3A_1338 = arith.index_cast %add3A_1337 : i32 to index
          %get3A_1339 = arith.constant 0 : index
          %get3A_1340 = tpu.vector_load %arg11[%get3A_1338, %get3A_1339] {strides = array<i32>} : memref<128x128xf32, #tpu.memory_space<vmem>>, vector<16xf32>,
          %mul3A_1341 = vector.broadcast %squeeze3A_1333 : f32 to vector<16xf32>
          %mul3A_1342 = arith.mulf %get3A_1340, %mul3A_1341 : vector<16xf32>
          %swap3A_1343 = arith.index_cast %add3A_1337 : i32 to index
          %swap3A_1344 = arith.constant 0 : index
          %swap3A_1345 = tpu.vector_load %arg11[%swap3A_1343, %swap3A_1344] {strides = array<i32>} : memref<128x128xf32, #tpu.memory_space<vmem>>, vector<16xf32>,
          tpu.vector_store %arg11[%swap3A_1343, %swap3A_1344], %mul3A_1342 {strides = array<i32>} : memref<128x128xf32, #tpu.memory_space<vmem>>, vector<16xf32>,
          %get3A_1346 = arith.index_cast %add3A_1337 : i32 to index
          %get3A_1347 = arith.constant 16 : index
          %get3A_1348 = tpu.vector_load %arg11[%get3A_1346, %get3A_1347] {strides = array<i32>} : memref<128x128xf32, #tpu.memory_space<vmem>>, vector<16xf32>,
          %mul3A_1349 = vector.broadcast %squeeze3A_1333 : f32 to vector<16xf32>
          %mul3A_1350 = arith.mulf %get3A_1348, %mul3A_1349 : vector<16xf32>
          %swap3A_1351 = arith.index_cast %add3A_1337 : i32 to index
          %swap3A_1352 = arith.constant 16 : index
          %swap3A_1353 = tpu.vector_load %arg11[%swap3A_1351, %swap3A_1352] {strides = array<i32>} : memref<128x128xf32, #tpu.memory_space<vmem>>, vector<16xf32>,
          tpu.vector_store %arg11[%swap3A_1351, %swap3A_1352], %mul3A_1350 {strides = array<i32>} : memref<128x128xf32, #tpu.memory_space<vmem>>, vector<16xf32>,
          %get3A_1354 = arith.index_cast %add3A_1337 : i32 to index
          %get3A_1355 = arith.constant 32 : index
          %get3A_1356 = tpu.vector_load %arg11[%get3A_1354, %get3A_1355] {strides = array<i32>} : memref<128x128xf32, #tpu.memory_space<vmem>>, vector<16xf32>,
          %mul3A_1357 = vector.broadcast %squeeze3A_1333 : f32 to vector<16xf32>
          %mul3A_1358 = arith.mulf %get3A_1356, %mul3A_1357 : vector<16xf32>
          %swap3A_1359 = arith.index_cast %add3A_1337 : i32 to index
          %swap3A_1360 = arith.constant 32 : index
          %swap3A_1361 = tpu.vector_load %arg11[%swap3A_1359, %swap3A_1360] {strides = array<i32>} : memref<128x128xf32, #tpu.memory_space<vmem>>, vector<16xf32>,
          tpu.vector_store %arg11[%swap3A_1359, %swap3A_1360], %mul3A_1358 {strides = array<i32>} : memref<128x128xf32, #tpu.memory_space<vmem>>, vector<16xf32>,
          %get3A_1362 = arith.index_cast %add3A_1337 : i32 to index
          %get3A_1363 = arith.constant 48 : index
          %get3A_1364 = tpu.vector_load %arg11[%get3A_1362, %get3A_1363] {strides = array<i32>} : memref<128x128xf32, #tpu.memory_space<vmem>>, vector<16xf32>,
          %mul3A_1365 = vector.broadcast %squeeze3A_1333 : f32 to vector<16xf32>
          %mul3A_1366 = arith.mulf %get3A_1364, %mul3A_1365 : vector<16xf32>
          %swap3A_1367 = arith.index_cast %add3A_1337 : i32 to index
          %swap3A_1368 = arith.constant 48 : index
          %swap3A_1369 = tpu.vector_load %arg11[%swap3A_1367, %swap3A_1368] {strides = array<i32>} : memref<128x128xf32, #tpu.memory_space<vmem>>, vector<16xf32>,
          tpu.vector_store %arg11[%swap3A_1367, %swap3A_1368], %mul3A_1366 {strides = array<i32>} : memref<128x128xf32, #tpu.memory_space<vmem>>, vector<16xf32>,
          %get3A_1370 = arith.index_cast %add3A_1337 : i32 to index
          %get3A_1371 = arith.constant 64 : index
          %get3A_1372 = tpu.vector_load %arg11[%get3A_1370, %get3A_1371] {strides = array<i32>} : memref<128x128xf32, #tpu.memory_space<vmem>>, vector<16xf32>,
          %mul3A_1373 = vector.broadcast %squeeze3A_1333 : f32 to vector<16xf32>
          %mul3A_1374 = arith.mulf %get3A_1372, %mul3A_1373 : vector<16xf32>
          %swap3A_1375 = arith.index_cast %add3A_1337 : i32 to index
          %swap3A_1376 = arith.constant 64 : index
          %swap3A_1377 = tpu.vector_load %arg11[%swap3A_1375, %swap3A_1376] {strides = array<i32>} : memref<128x128xf32, #tpu.memory_space<vmem>>, vector<16xf32>,
          tpu.vector_store %arg11[%swap3A_1375, %swap3A_1376], %mul3A_1374 {strides = array<i32>} : memref<128x128xf32, #tpu.memory_space<vmem>>, vector<16xf32>,
          %get3A_1378 = arith.index_cast %add3A_1337 : i32 to index
          %get3A_1379 = arith.constant 80 : index
          %get3A_1380 = tpu.vector_load %arg11[%get3A_1378, %get3A_1379] {strides = array<i32>} : memref<128x128xf32, #tpu.memory_space<vmem>>, vector<16xf32>,
          %mul3A_1381 = vector.broadcast %squeeze3A_1333 : f32 to vector<16xf32>
          %mul3A_1382 = arith.mulf %get3A_1380, %mul3A_1381 : vector<16xf32>
          %swap3A_1383 = arith.index_cast %add3A_1337 : i32 to index
          %swap3A_1384 = arith.constant 80 : index
          %swap3A_1385 = tpu.vector_load %arg11[%swap3A_1383, %swap3A_1384] {strides = array<i32>} : memref<128x128xf32, #tpu.memory_space<vmem>>, vector<16xf32>,
          tpu.vector_store %arg11[%swap3A_1383, %swap3A_1384], %mul3A_1382 {strides = array<i32>} : memref<128x128xf32, #tpu.memory_space<vmem>>, vector<16xf32>,
          %get3A_1386 = arith.index_cast %add3A_1337 : i32 to index
          %get3A_1387 = arith.constant 96 : index
          %get3A_1388 = tpu.vector_load %arg11[%get3A_1386, %get3A_1387] {strides = array<i32>} : memref<128x128xf32, #tpu.memory_space<vmem>>, vector<16xf32>,
          %mul3A_1389 = vector.broadcast %squeeze3A_1333 : f32 to vector<16xf32>
          %mul3A_1390 = arith.mulf %get3A_1388, %mul3A_1389 : vector<16xf32>
          %swap3A_1391 = arith.index_cast %add3A_1337 : i32 to index
          %swap3A_1392 = arith.constant 96 : index
          %swap3A_1393 = tpu.vector_load %arg11[%swap3A_1391, %swap3A_1392] {strides = array<i32>} : memref<128x128xf32, #tpu.memory_space<vmem>>, vector<16xf32>,
          tpu.vector_store %arg11[%swap3A_1391, %swap3A_1392], %mul3A_1390 {strides = array<i32>} : memref<128x128xf32, #tpu.memory_space<vmem>>, vector<16xf32>,
          %get3A_1394 = arith.index_cast %add3A_1337 : i32 to index
          %get3A_1395 = arith.constant 112 : index
          %get3A_1396 = tpu.vector_load %arg11[%get3A_1394, %get3A_1395] {strides = array<i32>} : memref<128x128xf32, #tpu.memory_space<vmem>>, vector<16xf32>,
          %mul3A_1397 = vector.broadcast %squeeze3A_1333 : f32 to vector<16xf32>
          %mul3A_1398 = arith.mulf %get3A_1396, %mul3A_1397 : vector<16xf32>
          %swap3A_1399 = arith.index_cast %add3A_1337 : i32 to index
          %swap3A_1400 = arith.constant 112 : index
          %swap3A_1401 = tpu.vector_load %arg11[%swap3A_1399, %swap3A_1400] {strides = array<i32>} : memref<128x128xf32, #tpu.memory_space<vmem>>, vector<16xf32>,
          tpu.vector_store %arg11[%swap3A_1399, %swap3A_1400], %mul3A_1398 {strides = array<i32>} : memref<128x128xf32, #tpu.memory_space<vmem>>, vector<16xf32>,
          %slice3A_1402 = vector.extract_strided_slice %get3A_493 {offsets = [13], sizes = [1], strides = [1]} : vector<16xf32> to vector<1xf32>
          %squeeze3A_1403 = vector.extract %slice3A_1402[0] : f32 from vector<1xf32>
          %mul3A_1404 = arith.constant 16 : i32
          %mul3A_1405 = arith.muli %scan3A_488, %mul3A_1404 : i32
          %add3A_1406 = arith.constant 13 : i32
          %add3A_1407 = arith.addi %mul3A_1405, %add3A_1406 : i32
          %get3A_1408 = arith.index_cast %add3A_1407 : i32 to index
          %get3A_1409 = arith.constant 0 : index
          %get3A_1410 = tpu.vector_load %arg11[%get3A_1408, %get3A_1409] {strides = array<i32>} : memref<128x128xf32, #tpu.memory_space<vmem>>, vector<16xf32>,
          %mul3A_1411 = vector.broadcast %squeeze3A_1403 : f32 to vector<16xf32>
          %mul3A_1412 = arith.mulf %get3A_1410, %mul3A_1411 : vector<16xf32>
          %swap3A_1413 = arith.index_cast %add3A_1407 : i32 to index
          %swap3A_1414 = arith.constant 0 : index
          %swap3A_1415 = tpu.vector_load %arg11[%swap3A_1413, %swap3A_1414] {strides = array<i32>} : memref<128x128xf32, #tpu.memory_space<vmem>>, vector<16xf32>,
          tpu.vector_store %arg11[%swap3A_1413, %swap3A_1414], %mul3A_1412 {strides = array<i32>} : memref<128x128xf32, #tpu.memory_space<vmem>>, vector<16xf32>,
          %get3A_1416 = arith.index_cast %add3A_1407 : i32 to index
          %get3A_1417 = arith.constant 16 : index
          %get3A_1418 = tpu.vector_load %arg11[%get3A_1416, %get3A_1417] {strides = array<i32>} : memref<128x128xf32, #tpu.memory_space<vmem>>, vector<16xf32>,
          %mul3A_1419 = vector.broadcast %squeeze3A_1403 : f32 to vector<16xf32>
          %mul3A_1420 = arith.mulf %get3A_1418, %mul3A_1419 : vector<16xf32>
          %swap3A_1421 = arith.index_cast %add3A_1407 : i32 to index
          %swap3A_1422 = arith.constant 16 : index
          %swap3A_1423 = tpu.vector_load %arg11[%swap3A_1421, %swap3A_1422] {strides = array<i32>} : memref<128x128xf32, #tpu.memory_space<vmem>>, vector<16xf32>,
          tpu.vector_store %arg11[%swap3A_1421, %swap3A_1422], %mul3A_1420 {strides = array<i32>} : memref<128x128xf32, #tpu.memory_space<vmem>>, vector<16xf32>,
          %get3A_1424 = arith.index_cast %add3A_1407 : i32 to index
          %get3A_1425 = arith.constant 32 : index
          %get3A_1426 = tpu.vector_load %arg11[%get3A_1424, %get3A_1425] {strides = array<i32>} : memref<128x128xf32, #tpu.memory_space<vmem>>, vector<16xf32>,
          %mul3A_1427 = vector.broadcast %squeeze3A_1403 : f32 to vector<16xf32>
          %mul3A_1428 = arith.mulf %get3A_1426, %mul3A_1427 : vector<16xf32>
          %swap3A_1429 = arith.index_cast %add3A_1407 : i32 to index
          %swap3A_1430 = arith.constant 32 : index
          %swap3A_1431 = tpu.vector_load %arg11[%swap3A_1429, %swap3A_1430] {strides = array<i32>} : memref<128x128xf32, #tpu.memory_space<vmem>>, vector<16xf32>,
          tpu.vector_store %arg11[%swap3A_1429, %swap3A_1430], %mul3A_1428 {strides = array<i32>} : memref<128x128xf32, #tpu.memory_space<vmem>>, vector<16xf32>,
          %get3A_1432 = arith.index_cast %add3A_1407 : i32 to index
          %get3A_1433 = arith.constant 48 : index
          %get3A_1434 = tpu.vector_load %arg11[%get3A_1432, %get3A_1433] {strides = array<i32>} : memref<128x128xf32, #tpu.memory_space<vmem>>, vector<16xf32>,
          %mul3A_1435 = vector.broadcast %squeeze3A_1403 : f32 to vector<16xf32>
          %mul3A_1436 = arith.mulf %get3A_1434, %mul3A_1435 : vector<16xf32>
          %swap3A_1437 = arith.index_cast %add3A_1407 : i32 to index
          %swap3A_1438 = arith.constant 48 : index
          %swap3A_1439 = tpu.vector_load %arg11[%swap3A_1437, %swap3A_1438] {strides = array<i32>} : memref<128x128xf32, #tpu.memory_space<vmem>>, vector<16xf32>,
          tpu.vector_store %arg11[%swap3A_1437, %swap3A_1438], %mul3A_1436 {strides = array<i32>} : memref<128x128xf32, #tpu.memory_space<vmem>>, vector<16xf32>,
          %get3A_1440 = arith.index_cast %add3A_1407 : i32 to index
          %get3A_1441 = arith.constant 64 : index
          %get3A_1442 = tpu.vector_load %arg11[%get3A_1440, %get3A_1441] {strides = array<i32>} : memref<128x128xf32, #tpu.memory_space<vmem>>, vector<16xf32>,
          %mul3A_1443 = vector.broadcast %squeeze3A_1403 : f32 to vector<16xf32>
          %mul3A_1444 = arith.mulf %get3A_1442, %mul3A_1443 : vector<16xf32>
          %swap3A_1445 = arith.index_cast %add3A_1407 : i32 to index
          %swap3A_1446 = arith.constant 64 : index
          %swap3A_1447 = tpu.vector_load %arg11[%swap3A_1445, %swap3A_1446] {strides = array<i32>} : memref<128x128xf32, #tpu.memory_space<vmem>>, vector<16xf32>,
          tpu.vector_store %arg11[%swap3A_1445, %swap3A_1446], %mul3A_1444 {strides = array<i32>} : memref<128x128xf32, #tpu.memory_space<vmem>>, vector<16xf32>,
          %get3A_1448 = arith.index_cast %add3A_1407 : i32 to index
          %get3A_1449 = arith.constant 80 : index
          %get3A_1450 = tpu.vector_load %arg11[%get3A_1448, %get3A_1449] {strides = array<i32>} : memref<128x128xf32, #tpu.memory_space<vmem>>, vector<16xf32>,
          %mul3A_1451 = vector.broadcast %squeeze3A_1403 : f32 to vector<16xf32>
          %mul3A_1452 = arith.mulf %get3A_1450, %mul3A_1451 : vector<16xf32>
          %swap3A_1453 = arith.index_cast %add3A_1407 : i32 to index
          %swap3A_1454 = arith.constant 80 : index
          %swap3A_1455 = tpu.vector_load %arg11[%swap3A_1453, %swap3A_1454] {strides = array<i32>} : memref<128x128xf32, #tpu.memory_space<vmem>>, vector<16xf32>,
          tpu.vector_store %arg11[%swap3A_1453, %swap3A_1454], %mul3A_1452 {strides = array<i32>} : memref<128x128xf32, #tpu.memory_space<vmem>>, vector<16xf32>,
          %get3A_1456 = arith.index_cast %add3A_1407 : i32 to index
          %get3A_1457 = arith.constant 96 : index
          %get3A_1458 = tpu.vector_load %arg11[%get3A_1456, %get3A_1457] {strides = array<i32>} : memref<128x128xf32, #tpu.memory_space<vmem>>, vector<16xf32>,
          %mul3A_1459 = vector.broadcast %squeeze3A_1403 : f32 to vector<16xf32>
          %mul3A_1460 = arith.mulf %get3A_1458, %mul3A_1459 : vector<16xf32>
          %swap3A_1461 = arith.index_cast %add3A_1407 : i32 to index
          %swap3A_1462 = arith.constant 96 : index
          %swap3A_1463 = tpu.vector_load %arg11[%swap3A_1461, %swap3A_1462] {strides = array<i32>} : memref<128x128xf32, #tpu.memory_space<vmem>>, vector<16xf32>,
          tpu.vector_store %arg11[%swap3A_1461, %swap3A_1462], %mul3A_1460 {strides = array<i32>} : memref<128x128xf32, #tpu.memory_space<vmem>>, vector<16xf32>,
          %get3A_1464 = arith.index_cast %add3A_1407 : i32 to index
          %get3A_1465 = arith.constant 112 : index
          %get3A_1466 = tpu.vector_load %arg11[%get3A_1464, %get3A_1465] {strides = array<i32>} : memref<128x128xf32, #tpu.memory_space<vmem>>, vector<16xf32>,
          %mul3A_1467 = vector.broadcast %squeeze3A_1403 : f32 to vector<16xf32>
          %mul3A_1468 = arith.mulf %get3A_1466, %mul3A_1467 : vector<16xf32>
          %swap3A_1469 = arith.index_cast %add3A_1407 : i32 to index
          %swap3A_1470 = arith.constant 112 : index
          %swap3A_1471 = tpu.vector_load %arg11[%swap3A_1469, %swap3A_1470] {strides = array<i32>} : memref<128x128xf32, #tpu.memory_space<vmem>>, vector<16xf32>,
          tpu.vector_store %arg11[%swap3A_1469, %swap3A_1470], %mul3A_1468 {strides = array<i32>} : memref<128x128xf32, #tpu.memory_space<vmem>>, vector<16xf32>,
          %slice3A_1472 = vector.extract_strided_slice %get3A_493 {offsets = [14], sizes = [1], strides = [1]} : vector<16xf32> to vector<1xf32>
          %squeeze3A_1473 = vector.extract %slice3A_1472[0] : f32 from vector<1xf32>
          %mul3A_1474 = arith.constant 16 : i32
          %mul3A_1475 = arith.muli %scan3A_488, %mul3A_1474 : i32
          %add3A_1476 = arith.constant 14 : i32
          %add3A_1477 = arith.addi %mul3A_1475, %add3A_1476 : i32
          %get3A_1478 = arith.index_cast %add3A_1477 : i32 to index
          %get3A_1479 = arith.constant 0 : index
          %get3A_1480 = tpu.vector_load %arg11[%get3A_1478, %get3A_1479] {strides = array<i32>} : memref<128x128xf32, #tpu.memory_space<vmem>>, vector<16xf32>,
          %mul3A_1481 = vector.broadcast %squeeze3A_1473 : f32 to vector<16xf32>
          %mul3A_1482 = arith.mulf %get3A_1480, %mul3A_1481 : vector<16xf32>
          %swap3A_1483 = arith.index_cast %add3A_1477 : i32 to index
          %swap3A_1484 = arith.constant 0 : index
          %swap3A_1485 = tpu.vector_load %arg11[%swap3A_1483, %swap3A_1484] {strides = array<i32>} : memref<128x128xf32, #tpu.memory_space<vmem>>, vector<16xf32>,
          tpu.vector_store %arg11[%swap3A_1483, %swap3A_1484], %mul3A_1482 {strides = array<i32>} : memref<128x128xf32, #tpu.memory_space<vmem>>, vector<16xf32>,
          %get3A_1486 = arith.index_cast %add3A_1477 : i32 to index
          %get3A_1487 = arith.constant 16 : index
          %get3A_1488 = tpu.vector_load %arg11[%get3A_1486, %get3A_1487] {strides = array<i32>} : memref<128x128xf32, #tpu.memory_space<vmem>>, vector<16xf32>,
          %mul3A_1489 = vector.broadcast %squeeze3A_1473 : f32 to vector<16xf32>
          %mul3A_1490 = arith.mulf %get3A_1488, %mul3A_1489 : vector<16xf32>
          %swap3A_1491 = arith.index_cast %add3A_1477 : i32 to index
          %swap3A_1492 = arith.constant 16 : index
          %swap3A_1493 = tpu.vector_load %arg11[%swap3A_1491, %swap3A_1492] {strides = array<i32>} : memref<128x128xf32, #tpu.memory_space<vmem>>, vector<16xf32>,
          tpu.vector_store %arg11[%swap3A_1491, %swap3A_1492], %mul3A_1490 {strides = array<i32>} : memref<128x128xf32, #tpu.memory_space<vmem>>, vector<16xf32>,
          %get3A_1494 = arith.index_cast %add3A_1477 : i32 to index
          %get3A_1495 = arith.constant 32 : index
          %get3A_1496 = tpu.vector_load %arg11[%get3A_1494, %get3A_1495] {strides = array<i32>} : memref<128x128xf32, #tpu.memory_space<vmem>>, vector<16xf32>,
          %mul3A_1497 = vector.broadcast %squeeze3A_1473 : f32 to vector<16xf32>
          %mul3A_1498 = arith.mulf %get3A_1496, %mul3A_1497 : vector<16xf32>
          %swap3A_1499 = arith.index_cast %add3A_1477 : i32 to index
          %swap3A_1500 = arith.constant 32 : index
          %swap3A_1501 = tpu.vector_load %arg11[%swap3A_1499, %swap3A_1500] {strides = array<i32>} : memref<128x128xf32, #tpu.memory_space<vmem>>, vector<16xf32>,
          tpu.vector_store %arg11[%swap3A_1499, %swap3A_1500], %mul3A_1498 {strides = array<i32>} : memref<128x128xf32, #tpu.memory_space<vmem>>, vector<16xf32>,
          %get3A_1502 = arith.index_cast %add3A_1477 : i32 to index
          %get3A_1503 = arith.constant 48 : index
          %get3A_1504 = tpu.vector_load %arg11[%get3A_1502, %get3A_1503] {strides = array<i32>} : memref<128x128xf32, #tpu.memory_space<vmem>>, vector<16xf32>,
          %mul3A_1505 = vector.broadcast %squeeze3A_1473 : f32 to vector<16xf32>
          %mul3A_1506 = arith.mulf %get3A_1504, %mul3A_1505 : vector<16xf32>
          %swap3A_1507 = arith.index_cast %add3A_1477 : i32 to index
          %swap3A_1508 = arith.constant 48 : index
          %swap3A_1509 = tpu.vector_load %arg11[%swap3A_1507, %swap3A_1508] {strides = array<i32>} : memref<128x128xf32, #tpu.memory_space<vmem>>, vector<16xf32>,
          tpu.vector_store %arg11[%swap3A_1507, %swap3A_1508], %mul3A_1506 {strides = array<i32>} : memref<128x128xf32, #tpu.memory_space<vmem>>, vector<16xf32>,
          %get3A_1510 = arith.index_cast %add3A_1477 : i32 to index
          %get3A_1511 = arith.constant 64 : index
          %get3A_1512 = tpu.vector_load %arg11[%get3A_1510, %get3A_1511] {strides = array<i32>} : memref<128x128xf32, #tpu.memory_space<vmem>>, vector<16xf32>,
          %mul3A_1513 = vector.broadcast %squeeze3A_1473 : f32 to vector<16xf32>
          %mul3A_1514 = arith.mulf %get3A_1512, %mul3A_1513 : vector<16xf32>
          %swap3A_1515 = arith.index_cast %add3A_1477 : i32 to index
          %swap3A_1516 = arith.constant 64 : index
          %swap3A_1517 = tpu.vector_load %arg11[%swap3A_1515, %swap3A_1516] {strides = array<i32>} : memref<128x128xf32, #tpu.memory_space<vmem>>, vector<16xf32>,
          tpu.vector_store %arg11[%swap3A_1515, %swap3A_1516], %mul3A_1514 {strides = array<i32>} : memref<128x128xf32, #tpu.memory_space<vmem>>, vector<16xf32>,
          %get3A_1518 = arith.index_cast %add3A_1477 : i32 to index
          %get3A_1519 = arith.constant 80 : index
          %get3A_1520 = tpu.vector_load %arg11[%get3A_1518, %get3A_1519] {strides = array<i32>} : memref<128x128xf32, #tpu.memory_space<vmem>>, vector<16xf32>,
          %mul3A_1521 = vector.broadcast %squeeze3A_1473 : f32 to vector<16xf32>
          %mul3A_1522 = arith.mulf %get3A_1520, %mul3A_1521 : vector<16xf32>
          %swap3A_1523 = arith.index_cast %add3A_1477 : i32 to index
          %swap3A_1524 = arith.constant 80 : index
          %swap3A_1525 = tpu.vector_load %arg11[%swap3A_1523, %swap3A_1524] {strides = array<i32>} : memref<128x128xf32, #tpu.memory_space<vmem>>, vector<16xf32>,
          tpu.vector_store %arg11[%swap3A_1523, %swap3A_1524], %mul3A_1522 {strides = array<i32>} : memref<128x128xf32, #tpu.memory_space<vmem>>, vector<16xf32>,
          %get3A_1526 = arith.index_cast %add3A_1477 : i32 to index
          %get3A_1527 = arith.constant 96 : index
          %get3A_1528 = tpu.vector_load %arg11[%get3A_1526, %get3A_1527] {strides = array<i32>} : memref<128x128xf32, #tpu.memory_space<vmem>>, vector<16xf32>,
          %mul3A_1529 = vector.broadcast %squeeze3A_1473 : f32 to vector<16xf32>
          %mul3A_1530 = arith.mulf %get3A_1528, %mul3A_1529 : vector<16xf32>
          %swap3A_1531 = arith.index_cast %add3A_1477 : i32 to index
          %swap3A_1532 = arith.constant 96 : index
          %swap3A_1533 = tpu.vector_load %arg11[%swap3A_1531, %swap3A_1532] {strides = array<i32>} : memref<128x128xf32, #tpu.memory_space<vmem>>, vector<16xf32>,
          tpu.vector_store %arg11[%swap3A_1531, %swap3A_1532], %mul3A_1530 {strides = array<i32>} : memref<128x128xf32, #tpu.memory_space<vmem>>, vector<16xf32>,
          %get3A_1534 = arith.index_cast %add3A_1477 : i32 to index
          %get3A_1535 = arith.constant 112 : index
          %get3A_1536 = tpu.vector_load %arg11[%get3A_1534, %get3A_1535] {strides = array<i32>} : memref<128x128xf32, #tpu.memory_space<vmem>>, vector<16xf32>,
          %mul3A_1537 = vector.broadcast %squeeze3A_1473 : f32 to vector<16xf32>
          %mul3A_1538 = arith.mulf %get3A_1536, %mul3A_1537 : vector<16xf32>
          %swap3A_1539 = arith.index_cast %add3A_1477 : i32 to index
          %swap3A_1540 = arith.constant 112 : index
          %swap3A_1541 = tpu.vector_load %arg11[%swap3A_1539, %swap3A_1540] {strides = array<i32>} : memref<128x128xf32, #tpu.memory_space<vmem>>, vector<16xf32>,
          tpu.vector_store %arg11[%swap3A_1539, %swap3A_1540], %mul3A_1538 {strides = array<i32>} : memref<128x128xf32, #tpu.memory_space<vmem>>, vector<16xf32>,
          %slice3A_1542 = vector.extract_strided_slice %get3A_493 {offsets = [15], sizes = [1], strides = [1]} : vector<16xf32> to vector<1xf32>
          %squeeze3A_1543 = vector.extract %slice3A_1542[0] : f32 from vector<1xf32>
          %mul3A_1544 = arith.constant 16 : i32
          %mul3A_1545 = arith.muli %scan3A_488, %mul3A_1544 : i32
          %add3A_1546 = arith.constant 15 : i32
          %add3A_1547 = arith.addi %mul3A_1545, %add3A_1546 : i32
          %get3A_1548 = arith.index_cast %add3A_1547 : i32 to index
          %get3A_1549 = arith.constant 0 : index
          %get3A_1550 = tpu.vector_load %arg11[%get3A_1548, %get3A_1549] {strides = array<i32>} : memref<128x128xf32, #tpu.memory_space<vmem>>, vector<16xf32>,
          %mul3A_1551 = vector.broadcast %squeeze3A_1543 : f32 to vector<16xf32>
          %mul3A_1552 = arith.mulf %get3A_1550, %mul3A_1551 : vector<16xf32>
          %swap3A_1553 = arith.index_cast %add3A_1547 : i32 to index
          %swap3A_1554 = arith.constant 0 : index
          %swap3A_1555 = tpu.vector_load %arg11[%swap3A_1553, %swap3A_1554] {strides = array<i32>} : memref<128x128xf32, #tpu.memory_space<vmem>>, vector<16xf32>,
          tpu.vector_store %arg11[%swap3A_1553, %swap3A_1554], %mul3A_1552 {strides = array<i32>} : memref<128x128xf32, #tpu.memory_space<vmem>>, vector<16xf32>,
          %get3A_1556 = arith.index_cast %add3A_1547 : i32 to index
          %get3A_1557 = arith.constant 16 : index
          %get3A_1558 = tpu.vector_load %arg11[%get3A_1556, %get3A_1557] {strides = array<i32>} : memref<128x128xf32, #tpu.memory_space<vmem>>, vector<16xf32>,
          %mul3A_1559 = vector.broadcast %squeeze3A_1543 : f32 to vector<16xf32>
          %mul3A_1560 = arith.mulf %get3A_1558, %mul3A_1559 : vector<16xf32>
          %swap3A_1561 = arith.index_cast %add3A_1547 : i32 to index
          %swap3A_1562 = arith.constant 16 : index
          %swap3A_1563 = tpu.vector_load %arg11[%swap3A_1561, %swap3A_1562] {strides = array<i32>} : memref<128x128xf32, #tpu.memory_space<vmem>>, vector<16xf32>,
          tpu.vector_store %arg11[%swap3A_1561, %swap3A_1562], %mul3A_1560 {strides = array<i32>} : memref<128x128xf32, #tpu.memory_space<vmem>>, vector<16xf32>,
          %get3A_1564 = arith.index_cast %add3A_1547 : i32 to index
          %get3A_1565 = arith.constant 32 : index
          %get3A_1566 = tpu.vector_load %arg11[%get3A_1564, %get3A_1565] {strides = array<i32>} : memref<128x128xf32, #tpu.memory_space<vmem>>, vector<16xf32>,
          %mul3A_1567 = vector.broadcast %squeeze3A_1543 : f32 to vector<16xf32>
          %mul3A_1568 = arith.mulf %get3A_1566, %mul3A_1567 : vector<16xf32>
          %swap3A_1569 = arith.index_cast %add3A_1547 : i32 to index
          %swap3A_1570 = arith.constant 32 : index
          %swap3A_1571 = tpu.vector_load %arg11[%swap3A_1569, %swap3A_1570] {strides = array<i32>} : memref<128x128xf32, #tpu.memory_space<vmem>>, vector<16xf32>,
          tpu.vector_store %arg11[%swap3A_1569, %swap3A_1570], %mul3A_1568 {strides = array<i32>} : memref<128x128xf32, #tpu.memory_space<vmem>>, vector<16xf32>,
          %get3A_1572 = arith.index_cast %add3A_1547 : i32 to index
          %get3A_1573 = arith.constant 48 : index
          %get3A_1574 = tpu.vector_load %arg11[%get3A_1572, %get3A_1573] {strides = array<i32>} : memref<128x128xf32, #tpu.memory_space<vmem>>, vector<16xf32>,
          %mul3A_1575 = vector.broadcast %squeeze3A_1543 : f32 to vector<16xf32>
          %mul3A_1576 = arith.mulf %get3A_1574, %mul3A_1575 : vector<16xf32>
          %swap3A_1577 = arith.index_cast %add3A_1547 : i32 to index
          %swap3A_1578 = arith.constant 48 : index
          %swap3A_1579 = tpu.vector_load %arg11[%swap3A_1577, %swap3A_1578] {strides = array<i32>} : memref<128x128xf32, #tpu.memory_space<vmem>>, vector<16xf32>,
          tpu.vector_store %arg11[%swap3A_1577, %swap3A_1578], %mul3A_1576 {strides = array<i32>} : memref<128x128xf32, #tpu.memory_space<vmem>>, vector<16xf32>,
          %get3A_1580 = arith.index_cast %add3A_1547 : i32 to index
          %get3A_1581 = arith.constant 64 : index
          %get3A_1582 = tpu.vector_load %arg11[%get3A_1580, %get3A_1581] {strides = array<i32>} : memref<128x128xf32, #tpu.memory_space<vmem>>, vector<16xf32>,
          %mul3A_1583 = vector.broadcast %squeeze3A_1543 : f32 to vector<16xf32>
          %mul3A_1584 = arith.mulf %get3A_1582, %mul3A_1583 : vector<16xf32>
          %swap3A_1585 = arith.index_cast %add3A_1547 : i32 to index
          %swap3A_1586 = arith.constant 64 : index
          %swap3A_1587 = tpu.vector_load %arg11[%swap3A_1585, %swap3A_1586] {strides = array<i32>} : memref<128x128xf32, #tpu.memory_space<vmem>>, vector<16xf32>,
          tpu.vector_store %arg11[%swap3A_1585, %swap3A_1586], %mul3A_1584 {strides = array<i32>} : memref<128x128xf32, #tpu.memory_space<vmem>>, vector<16xf32>,
          %get3A_1588 = arith.index_cast %add3A_1547 : i32 to index
          %get3A_1589 = arith.constant 80 : index
          %get3A_1590 = tpu.vector_load %arg11[%get3A_1588, %get3A_1589] {strides = array<i32>} : memref<128x128xf32, #tpu.memory_space<vmem>>, vector<16xf32>,
          %mul3A_1591 = vector.broadcast %squeeze3A_1543 : f32 to vector<16xf32>
          %mul3A_1592 = arith.mulf %get3A_1590, %mul3A_1591 : vector<16xf32>
          %swap3A_1593 = arith.index_cast %add3A_1547 : i32 to index
          %swap3A_1594 = arith.constant 80 : index
          %swap3A_1595 = tpu.vector_load %arg11[%swap3A_1593, %swap3A_1594] {strides = array<i32>} : memref<128x128xf32, #tpu.memory_space<vmem>>, vector<16xf32>,
          tpu.vector_store %arg11[%swap3A_1593, %swap3A_1594], %mul3A_1592 {strides = array<i32>} : memref<128x128xf32, #tpu.memory_space<vmem>>, vector<16xf32>,
          %get3A_1596 = arith.index_cast %add3A_1547 : i32 to index
          %get3A_1597 = arith.constant 96 : index
          %get3A_1598 = tpu.vector_load %arg11[%get3A_1596, %get3A_1597] {strides = array<i32>} : memref<128x128xf32, #tpu.memory_space<vmem>>, vector<16xf32>,
          %mul3A_1599 = vector.broadcast %squeeze3A_1543 : f32 to vector<16xf32>
          %mul3A_1600 = arith.mulf %get3A_1598, %mul3A_1599 : vector<16xf32>
          %swap3A_1601 = arith.index_cast %add3A_1547 : i32 to index
          %swap3A_1602 = arith.constant 96 : index
          %swap3A_1603 = tpu.vector_load %arg11[%swap3A_1601, %swap3A_1602] {strides = array<i32>} : memref<128x128xf32, #tpu.memory_space<vmem>>, vector<16xf32>,
          tpu.vector_store %arg11[%swap3A_1601, %swap3A_1602], %mul3A_1600 {strides = array<i32>} : memref<128x128xf32, #tpu.memory_space<vmem>>, vector<16xf32>,
          %get3A_1604 = arith.index_cast %add3A_1547 : i32 to index
          %get3A_1605 = arith.constant 112 : index
          %get3A_1606 = tpu.vector_load %arg11[%get3A_1604, %get3A_1605] {strides = array<i32>} : memref<128x128xf32, #tpu.memory_space<vmem>>, vector<16xf32>,
          %mul3A_1607 = vector.broadcast %squeeze3A_1543 : f32 to vector<16xf32>
          %mul3A_1608 = arith.mulf %get3A_1606, %mul3A_1607 : vector<16xf32>
          %swap3A_1609 = arith.index_cast %add3A_1547 : i32 to index
          %swap3A_1610 = arith.constant 112 : index
          %swap3A_1611 = tpu.vector_load %arg11[%swap3A_1609, %swap3A_1610] {strides = array<i32>} : memref<128x128xf32, #tpu.memory_space<vmem>>, vector<16xf32>,
          tpu.vector_store %arg11[%swap3A_1609, %swap3A_1610], %mul3A_1608 {strides = array<i32>} : memref<128x128xf32, #tpu.memory_space<vmem>>, vector<16xf32>,
          %scan3A_1612 = arith.constant 0 : i32
          scf.yield %scan3A_1612 : i32
        }
        %scan3A_271 = arith.constant 8 : i32
        "tpu.region"() ({
          %run_scoped3A = tpu.sem_alloc : memref<!tpu.dma_semaphore, #tpu.memory_space<semaphore_mem>>
          %dma_start3A_488 = arith.constant 0 : i32
          %dma_start3A_489 = arith.constant 0 : i32
          %dma_start3A_490 = tpu.memref_slice %arg10[%dma_start3A_488, %dma_start3A_489] : memref<10240x128xf32, #tpu.memory_space<vmem_shared>> -> memref<10240x128xf32, #tpu.memory_space<vmem_shared>>
          tpu.enqueue_indirect_dma source(%arg11 : memref<128x128xf32, #tpu.memory_space<vmem>>) target(%dma_start3A_490 : memref<10240x128xf32, #tpu.memory_space<vmem_shared>>) offsets(%arg15 : memref<128xi32, #tpu.memory_space<vmem>>) semaphore(%run_scoped3A : memref<!tpu.dma_semaphore, #tpu.memory_space<semaphore_mem>>) {add = true}
          %dma_wait3A_491 = arith.constant 0 : i32
          %dma_wait3A_492 = arith.constant 0 : i32
          %dma_wait3A_493 = tpu.memref_slice %arg10[%dma_wait3A_491, %dma_wait3A_492] : memref<10240x128xf32, #tpu.memory_space<vmem_shared>> -> memref<10240x128xf32, #tpu.memory_space<vmem_shared>>
          tpu.wait_indirect_dma semaphore(%run_scoped3A : memref<!tpu.dma_semaphore, #tpu.memory_space<semaphore_mem>>) src(%arg11 : memref<128x128xf32, #tpu.memory_space<vmem>>) dst(%dma_wait3A_493 : memref<10240x128xf32, #tpu.memory_space<vmem_shared>>)
          tpu.yield
        }) : () -> ()
        %mul3A_272 = arith.constant 2 : i32
        %mul3A_273 = arith.muli %mul3A_272, %scan3A_67 : i32
        %add3A_274 = arith.constant 1 : i32
        %add3A_275 = arith.addi %mul3A_273, %add3A_274 : i32
        %dma_wait3A_276 = arith.constant 0 : i32
        %dma_wait3A_277 = arith.constant 0 : i32
        %dma_wait3A_278 = tpu.memref_slice %arg4[%dma_wait3A_276, %dma_wait3A_277] : memref<10000x128xf32, #tpu.memory_space<hbm>> -> memref<10000x128xf32, #tpu.memory_space<hbm>>
        tpu.wait_indirect_dma semaphore(%arg21 : memref<!tpu.dma_semaphore, #tpu.memory_space<semaphore_mem>>) src(%dma_wait3A_278 : memref<10000x128xf32, #tpu.memory_space<hbm>>) dst(%arg12 : memref<128x128xf32, #tpu.memory_space<vmem>>)
        %add3A_279 = arith.constant 1 : i32
        %add3A_280 = arith.addi %add3A_275, %add3A_279 : i32
        %lt3A_281 = arith.constant 158 : i32
        %lt3A_282 = arith.cmpi slt, %add3A_280, %lt3A_281 : i32
        %convert_element_type3A_283 = arith.extui %lt3A_282 : i1 to i32
        %cond3A_284 = arith.constant 0 : i32
        %cond3A_285 = arith.cmpi ne, %convert_element_type3A_283, %cond3A_284 : i32
        scf.if %cond3A_285 {
          %add3A_488 = arith.constant 1 : i32
          %add3A_489 = arith.addi %add3A_275, %add3A_488 : i32
          %mul3A_490 = arith.constant 128 : i32
          %mul3A_491 = arith.muli %add3A_489, %mul3A_490 : i32
          %add3A_492 = arith.addi %mul3A_32, %mul3A_491 : i32
          "tpu.region"() ({
            %run_scoped3A = tpu.sem_alloc : memref<!tpu.dma_semaphore, #tpu.memory_space<semaphore_mem>>
            %dma_start3A_496 = tpu.memref_slice %arg2[%add3A_492] : memref<323584xi32, #tpu.memory_space<hbm>> -> memref<128xi32, #tpu.memory_space<hbm>>
            %dma_start3A_497 = tpu.memref_slice %arg2[%add3A_492] : memref<323584xi32, #tpu.memory_space<hbm>> -> memref<128xi32, #tpu.memory_space<hbm>>
            tpu.enqueue_dma source(%dma_start3A_497 : memref<128xi32, #tpu.memory_space<hbm>>) target(%arg13 : memref<128xi32, #tpu.memory_space<vmem>>) target_semaphore(%run_scoped3A : memref<!tpu.dma_semaphore, #tpu.memory_space<semaphore_mem>>)
            %dma_wait3A_498 = tpu.memref_slice %arg2[%add3A_492] : memref<323584xi32, #tpu.memory_space<hbm>> -> memref<128xi32, #tpu.memory_space<hbm>>
            %dma_wait3A_499 = tpu.memref_slice %arg2[%add3A_492] : memref<323584xi32, #tpu.memory_space<hbm>> -> memref<128xi32, #tpu.memory_space<hbm>>
            tpu.wait_dma2 semaphore(%run_scoped3A : memref<!tpu.dma_semaphore, #tpu.memory_space<semaphore_mem>>) src(%dma_wait3A_499 : memref<128xi32, #tpu.memory_space<hbm>>) dst(%arg13 : memref<128xi32, #tpu.memory_space<vmem>>)
            tpu.yield
          }) : () -> ()
          "tpu.region"() ({
            %run_scoped3A = tpu.sem_alloc : memref<!tpu.dma_semaphore, #tpu.memory_space<semaphore_mem>>
            %dma_start3A_496 = tpu.memref_slice %arg3[%add3A_492] : memref<323584xi32, #tpu.memory_space<hbm>> -> memref<128xi32, #tpu.memory_space<hbm>>
            %dma_start3A_497 = tpu.memref_slice %arg3[%add3A_492] : memref<323584xi32, #tpu.memory_space<hbm>> -> memref<128xi32, #tpu.memory_space<hbm>>
            tpu.enqueue_dma source(%dma_start3A_497 : memref<128xi32, #tpu.memory_space<hbm>>) target(%arg15 : memref<128xi32, #tpu.memory_space<vmem>>) target_semaphore(%run_scoped3A : memref<!tpu.dma_semaphore, #tpu.memory_space<semaphore_mem>>)
            %dma_wait3A_498 = tpu.memref_slice %arg3[%add3A_492] : memref<323584xi32, #tpu.memory_space<hbm>> -> memref<128xi32, #tpu.memory_space<hbm>>
            %dma_wait3A_499 = tpu.memref_slice %arg3[%add3A_492] : memref<323584xi32, #tpu.memory_space<hbm>> -> memref<128xi32, #tpu.memory_space<hbm>>
            tpu.wait_dma2 semaphore(%run_scoped3A : memref<!tpu.dma_semaphore, #tpu.memory_space<semaphore_mem>>) src(%dma_wait3A_499 : memref<128xi32, #tpu.memory_space<hbm>>) dst(%arg15 : memref<128xi32, #tpu.memory_space<vmem>>)
            tpu.yield
          }) : () -> ()
          %dma_start3A_493 = arith.constant 0 : i32
          %dma_start3A_494 = arith.constant 0 : i32
          %dma_start3A_495 = tpu.memref_slice %arg4[%dma_start3A_493, %dma_start3A_494] : memref<10000x128xf32, #tpu.memory_space<hbm>> -> memref<10000x128xf32, #tpu.memory_space<hbm>>
          tpu.enqueue_indirect_dma source(%dma_start3A_495 : memref<10000x128xf32, #tpu.memory_space<hbm>>) target(%arg11 : memref<128x128xf32, #tpu.memory_space<vmem>>) offsets(%arg13 : memref<128xi32, #tpu.memory_space<vmem>>) semaphore(%arg20 : memref<!tpu.dma_semaphore, #tpu.memory_space<semaphore_mem>>)
        } else {
        }
        %get3A_286 = arith.constant 0 : index
        %get3A_287 = tpu.vector_load %arg19[%get3A_286] {strides = array<i32>} : memref<16xf32, #tpu.memory_space<vmem>>, vector<16xf32>,
        %get3A_288 = arith.constant 0 : index
        %get3A_289 = tpu.vector_load %arg14[%get3A_288] {strides = array<i32>} : memref<128xi32, #tpu.memory_space<vmem>>, vector<16xi32>,
        %get3A_290 = arith.constant 0 : index
        %get3A_291 = tpu.vector_load %arg16[%get3A_290] {strides = array<i32>} : memref<128xi32, #tpu.memory_space<vmem>>, vector<16xi32>,
        %gather3A_292 = tpu.vector_load_idx %arg18[%get3A_289] : memref<10240xf32, #tpu.memory_space<vmem>>[vector<16xi32>], vector<16xf32>,
        %gather3A_293 = tpu.vector_load_idx %arg18[%get3A_291] : memref<10240xf32, #tpu.memory_space<vmem>>[vector<16xi32>], vector<16xf32>,
        %sub3A_294 = arith.subf %gather3A_292, %gather3A_293 : vector<16xf32>
        %add3A_295 = arith.addf %sub3A_294, %get3A_287 : vector<16xf32>
        %neg3A_296 = arith.constant 0.000000e+00 : f32
        %neg3A_297 = vector.broadcast %neg3A_296 : f32 to vector<16xf32>
        %neg3A_298 = arith.subf %neg3A_297, %add3A_295 : vector<16xf32>
        %exp3A_299 = math.exp %neg3A_298 : vector<16xf32>
        %add3A_300 = arith.constant 1.000000e+00 : f32
        %add3A_301 = vector.broadcast %add3A_300 : f32 to vector<16xf32>
        %add3A_302 = arith.addf %add3A_301, %exp3A_299 : vector<16xf32>
        %div3A_303 = arith.constant 1.000000e+00 : f32
        %div3A_304 = vector.broadcast %div3A_303 : f32 to vector<16xf32>
        %div3A_305 = arith.divf %div3A_304, %add3A_302 : vector<16xf32>
        %eq3A_306 = arith.cmpi eq, %get3A_289, %get3A_291 : vector<16xi32>
        %jit3A_307 = arith.constant 0.000000e+00 : f32
        %broadcast_in_dim3A_308 = vector.broadcast %jit3A_307 : f32 to vector<16xf32>
        %select_n3A_309 = arith.select %eq3A_306, %broadcast_in_dim3A_308, %div3A_305 : vector<16xi1>, vector<16xf32>
        %swap3A_310 = arith.constant 0 : index
        %swap3A_311 = tpu.vector_load %arg17[%swap3A_310] {strides = array<i32>} : memref<128xf32, #tpu.memory_space<vmem>>, vector<16xf32>,
        tpu.vector_store %arg17[%swap3A_310], %select_n3A_309 {strides = array<i32>} : memref<128xf32, #tpu.memory_space<vmem>>, vector<16xf32>,
        %get3A_312 = arith.constant 16 : index
        %get3A_313 = tpu.vector_load %arg14[%get3A_312] {strides = array<i32>} : memref<128xi32, #tpu.memory_space<vmem>>, vector<16xi32>,
        %get3A_314 = arith.constant 16 : index
        %get3A_315 = tpu.vector_load %arg16[%get3A_314] {strides = array<i32>} : memref<128xi32, #tpu.memory_space<vmem>>, vector<16xi32>,
        %gather3A_316 = tpu.vector_load_idx %arg18[%get3A_313] : memref<10240xf32, #tpu.memory_space<vmem>>[vector<16xi32>], vector<16xf32>,
        %gather3A_317 = tpu.vector_load_idx %arg18[%get3A_315] : memref<10240xf32, #tpu.memory_space<vmem>>[vector<16xi32>], vector<16xf32>,
        %sub3A_318 = arith.subf %gather3A_316, %gather3A_317 : vector<16xf32>
        %add3A_319 = arith.addf %sub3A_318, %get3A_287 : vector<16xf32>
        %neg3A_320 = arith.constant 0.000000e+00 : f32
        %neg3A_321 = vector.broadcast %neg3A_320 : f32 to vector<16xf32>
        %neg3A_322 = arith.subf %neg3A_321, %add3A_319 : vector<16xf32>
        %exp3A_323 = math.exp %neg3A_322 : vector<16xf32>
        %add3A_324 = arith.constant 1.000000e+00 : f32
        %add3A_325 = vector.broadcast %add3A_324 : f32 to vector<16xf32>
        %add3A_326 = arith.addf %add3A_325, %exp3A_323 : vector<16xf32>
        %div3A_327 = arith.constant 1.000000e+00 : f32
        %div3A_328 = vector.broadcast %div3A_327 : f32 to vector<16xf32>
        %div3A_329 = arith.divf %div3A_328, %add3A_326 : vector<16xf32>
        %eq3A_330 = arith.cmpi eq, %get3A_313, %get3A_315 : vector<16xi32>
        %jit3A_331 = arith.constant 0.000000e+00 : f32
        %broadcast_in_dim3A_332 = vector.broadcast %jit3A_331 : f32 to vector<16xf32>
        %select_n3A_333 = arith.select %eq3A_330, %broadcast_in_dim3A_332, %div3A_329 : vector<16xi1>, vector<16xf32>
        %swap3A_334 = arith.constant 16 : index
        %swap3A_335 = tpu.vector_load %arg17[%swap3A_334] {strides = array<i32>} : memref<128xf32, #tpu.memory_space<vmem>>, vector<16xf32>,
        tpu.vector_store %arg17[%swap3A_334], %select_n3A_333 {strides = array<i32>} : memref<128xf32, #tpu.memory_space<vmem>>, vector<16xf32>,
        %get3A_336 = arith.constant 32 : index
        %get3A_337 = tpu.vector_load %arg14[%get3A_336] {strides = array<i32>} : memref<128xi32, #tpu.memory_space<vmem>>, vector<16xi32>,
        %get3A_338 = arith.constant 32 : index
        %get3A_339 = tpu.vector_load %arg16[%get3A_338] {strides = array<i32>} : memref<128xi32, #tpu.memory_space<vmem>>, vector<16xi32>,
        %gather3A_340 = tpu.vector_load_idx %arg18[%get3A_337] : memref<10240xf32, #tpu.memory_space<vmem>>[vector<16xi32>], vector<16xf32>,
        %gather3A_341 = tpu.vector_load_idx %arg18[%get3A_339] : memref<10240xf32, #tpu.memory_space<vmem>>[vector<16xi32>], vector<16xf32>,
        %sub3A_342 = arith.subf %gather3A_340, %gather3A_341 : vector<16xf32>
        %add3A_343 = arith.addf %sub3A_342, %get3A_287 : vector<16xf32>
        %neg3A_344 = arith.constant 0.000000e+00 : f32
        %neg3A_345 = vector.broadcast %neg3A_344 : f32 to vector<16xf32>
        %neg3A_346 = arith.subf %neg3A_345, %add3A_343 : vector<16xf32>
        %exp3A_347 = math.exp %neg3A_346 : vector<16xf32>
        %add3A_348 = arith.constant 1.000000e+00 : f32
        %add3A_349 = vector.broadcast %add3A_348 : f32 to vector<16xf32>
        %add3A_350 = arith.addf %add3A_349, %exp3A_347 : vector<16xf32>
        %div3A_351 = arith.constant 1.000000e+00 : f32
        %div3A_352 = vector.broadcast %div3A_351 : f32 to vector<16xf32>
        %div3A_353 = arith.divf %div3A_352, %add3A_350 : vector<16xf32>
        %eq3A_354 = arith.cmpi eq, %get3A_337, %get3A_339 : vector<16xi32>
        %jit3A_355 = arith.constant 0.000000e+00 : f32
        %broadcast_in_dim3A_356 = vector.broadcast %jit3A_355 : f32 to vector<16xf32>
        %select_n3A_357 = arith.select %eq3A_354, %broadcast_in_dim3A_356, %div3A_353 : vector<16xi1>, vector<16xf32>
        %swap3A_358 = arith.constant 32 : index
        %swap3A_359 = tpu.vector_load %arg17[%swap3A_358] {strides = array<i32>} : memref<128xf32, #tpu.memory_space<vmem>>, vector<16xf32>,
        tpu.vector_store %arg17[%swap3A_358], %select_n3A_357 {strides = array<i32>} : memref<128xf32, #tpu.memory_space<vmem>>, vector<16xf32>,
        %get3A_360 = arith.constant 48 : index
        %get3A_361 = tpu.vector_load %arg14[%get3A_360] {strides = array<i32>} : memref<128xi32, #tpu.memory_space<vmem>>, vector<16xi32>,
        %get3A_362 = arith.constant 48 : index
        %get3A_363 = tpu.vector_load %arg16[%get3A_362] {strides = array<i32>} : memref<128xi32, #tpu.memory_space<vmem>>, vector<16xi32>,
        %gather3A_364 = tpu.vector_load_idx %arg18[%get3A_361] : memref<10240xf32, #tpu.memory_space<vmem>>[vector<16xi32>], vector<16xf32>,
        %gather3A_365 = tpu.vector_load_idx %arg18[%get3A_363] : memref<10240xf32, #tpu.memory_space<vmem>>[vector<16xi32>], vector<16xf32>,
        %sub3A_366 = arith.subf %gather3A_364, %gather3A_365 : vector<16xf32>
        %add3A_367 = arith.addf %sub3A_366, %get3A_287 : vector<16xf32>
        %neg3A_368 = arith.constant 0.000000e+00 : f32
        %neg3A_369 = vector.broadcast %neg3A_368 : f32 to vector<16xf32>
        %neg3A_370 = arith.subf %neg3A_369, %add3A_367 : vector<16xf32>
        %exp3A_371 = math.exp %neg3A_370 : vector<16xf32>
        %add3A_372 = arith.constant 1.000000e+00 : f32
        %add3A_373 = vector.broadcast %add3A_372 : f32 to vector<16xf32>
        %add3A_374 = arith.addf %add3A_373, %exp3A_371 : vector<16xf32>
        %div3A_375 = arith.constant 1.000000e+00 : f32
        %div3A_376 = vector.broadcast %div3A_375 : f32 to vector<16xf32>
        %div3A_377 = arith.divf %div3A_376, %add3A_374 : vector<16xf32>
        %eq3A_378 = arith.cmpi eq, %get3A_361, %get3A_363 : vector<16xi32>
        %jit3A_379 = arith.constant 0.000000e+00 : f32
        %broadcast_in_dim3A_380 = vector.broadcast %jit3A_379 : f32 to vector<16xf32>
        %select_n3A_381 = arith.select %eq3A_378, %broadcast_in_dim3A_380, %div3A_377 : vector<16xi1>, vector<16xf32>
        %swap3A_382 = arith.constant 48 : index
        %swap3A_383 = tpu.vector_load %arg17[%swap3A_382] {strides = array<i32>} : memref<128xf32, #tpu.memory_space<vmem>>, vector<16xf32>,
        tpu.vector_store %arg17[%swap3A_382], %select_n3A_381 {strides = array<i32>} : memref<128xf32, #tpu.memory_space<vmem>>, vector<16xf32>,
        %get3A_384 = arith.constant 64 : index
        %get3A_385 = tpu.vector_load %arg14[%get3A_384] {strides = array<i32>} : memref<128xi32, #tpu.memory_space<vmem>>, vector<16xi32>,
        %get3A_386 = arith.constant 64 : index
        %get3A_387 = tpu.vector_load %arg16[%get3A_386] {strides = array<i32>} : memref<128xi32, #tpu.memory_space<vmem>>, vector<16xi32>,
        %gather3A_388 = tpu.vector_load_idx %arg18[%get3A_385] : memref<10240xf32, #tpu.memory_space<vmem>>[vector<16xi32>], vector<16xf32>,
        %gather3A_389 = tpu.vector_load_idx %arg18[%get3A_387] : memref<10240xf32, #tpu.memory_space<vmem>>[vector<16xi32>], vector<16xf32>,
        %sub3A_390 = arith.subf %gather3A_388, %gather3A_389 : vector<16xf32>
        %add3A_391 = arith.addf %sub3A_390, %get3A_287 : vector<16xf32>
        %neg3A_392 = arith.constant 0.000000e+00 : f32
        %neg3A_393 = vector.broadcast %neg3A_392 : f32 to vector<16xf32>
        %neg3A_394 = arith.subf %neg3A_393, %add3A_391 : vector<16xf32>
        %exp3A_395 = math.exp %neg3A_394 : vector<16xf32>
        %add3A_396 = arith.constant 1.000000e+00 : f32
        %add3A_397 = vector.broadcast %add3A_396 : f32 to vector<16xf32>
        %add3A_398 = arith.addf %add3A_397, %exp3A_395 : vector<16xf32>
        %div3A_399 = arith.constant 1.000000e+00 : f32
        %div3A_400 = vector.broadcast %div3A_399 : f32 to vector<16xf32>
        %div3A_401 = arith.divf %div3A_400, %add3A_398 : vector<16xf32>
        %eq3A_402 = arith.cmpi eq, %get3A_385, %get3A_387 : vector<16xi32>
        %jit3A_403 = arith.constant 0.000000e+00 : f32
        %broadcast_in_dim3A_404 = vector.broadcast %jit3A_403 : f32 to vector<16xf32>
        %select_n3A_405 = arith.select %eq3A_402, %broadcast_in_dim3A_404, %div3A_401 : vector<16xi1>, vector<16xf32>
        %swap3A_406 = arith.constant 64 : index
        %swap3A_407 = tpu.vector_load %arg17[%swap3A_406] {strides = array<i32>} : memref<128xf32, #tpu.memory_space<vmem>>, vector<16xf32>,
        tpu.vector_store %arg17[%swap3A_406], %select_n3A_405 {strides = array<i32>} : memref<128xf32, #tpu.memory_space<vmem>>, vector<16xf32>,
        %get3A_408 = arith.constant 80 : index
        %get3A_409 = tpu.vector_load %arg14[%get3A_408] {strides = array<i32>} : memref<128xi32, #tpu.memory_space<vmem>>, vector<16xi32>,
        %get3A_410 = arith.constant 80 : index
        %get3A_411 = tpu.vector_load %arg16[%get3A_410] {strides = array<i32>} : memref<128xi32, #tpu.memory_space<vmem>>, vector<16xi32>,
        %gather3A_412 = tpu.vector_load_idx %arg18[%get3A_409] : memref<10240xf32, #tpu.memory_space<vmem>>[vector<16xi32>], vector<16xf32>,
        %gather3A_413 = tpu.vector_load_idx %arg18[%get3A_411] : memref<10240xf32, #tpu.memory_space<vmem>>[vector<16xi32>], vector<16xf32>,
        %sub3A_414 = arith.subf %gather3A_412, %gather3A_413 : vector<16xf32>
        %add3A_415 = arith.addf %sub3A_414, %get3A_287 : vector<16xf32>
        %neg3A_416 = arith.constant 0.000000e+00 : f32
        %neg3A_417 = vector.broadcast %neg3A_416 : f32 to vector<16xf32>
        %neg3A_418 = arith.subf %neg3A_417, %add3A_415 : vector<16xf32>
        %exp3A_419 = math.exp %neg3A_418 : vector<16xf32>
        %add3A_420 = arith.constant 1.000000e+00 : f32
        %add3A_421 = vector.broadcast %add3A_420 : f32 to vector<16xf32>
        %add3A_422 = arith.addf %add3A_421, %exp3A_419 : vector<16xf32>
        %div3A_423 = arith.constant 1.000000e+00 : f32
        %div3A_424 = vector.broadcast %div3A_423 : f32 to vector<16xf32>
        %div3A_425 = arith.divf %div3A_424, %add3A_422 : vector<16xf32>
        %eq3A_426 = arith.cmpi eq, %get3A_409, %get3A_411 : vector<16xi32>
        %jit3A_427 = arith.constant 0.000000e+00 : f32
        %broadcast_in_dim3A_428 = vector.broadcast %jit3A_427 : f32 to vector<16xf32>
        %select_n3A_429 = arith.select %eq3A_426, %broadcast_in_dim3A_428, %div3A_425 : vector<16xi1>, vector<16xf32>
        %swap3A_430 = arith.constant 80 : index
        %swap3A_431 = tpu.vector_load %arg17[%swap3A_430] {strides = array<i32>} : memref<128xf32, #tpu.memory_space<vmem>>, vector<16xf32>,
        tpu.vector_store %arg17[%swap3A_430], %select_n3A_429 {strides = array<i32>} : memref<128xf32, #tpu.memory_space<vmem>>, vector<16xf32>,
        %get3A_432 = arith.constant 96 : index
        %get3A_433 = tpu.vector_load %arg14[%get3A_432] {strides = array<i32>} : memref<128xi32, #tpu.memory_space<vmem>>, vector<16xi32>,
        %get3A_434 = arith.constant 96 : index
        %get3A_435 = tpu.vector_load %arg16[%get3A_434] {strides = array<i32>} : memref<128xi32, #tpu.memory_space<vmem>>, vector<16xi32>,
        %gather3A_436 = tpu.vector_load_idx %arg18[%get3A_433] : memref<10240xf32, #tpu.memory_space<vmem>>[vector<16xi32>], vector<16xf32>,
        %gather3A_437 = tpu.vector_load_idx %arg18[%get3A_435] : memref<10240xf32, #tpu.memory_space<vmem>>[vector<16xi32>], vector<16xf32>,
        %sub3A_438 = arith.subf %gather3A_436, %gather3A_437 : vector<16xf32>
        %add3A_439 = arith.addf %sub3A_438, %get3A_287 : vector<16xf32>
        %neg3A_440 = arith.constant 0.000000e+00 : f32
        %neg3A_441 = vector.broadcast %neg3A_440 : f32 to vector<16xf32>
        %neg3A_442 = arith.subf %neg3A_441, %add3A_439 : vector<16xf32>
        %exp3A_443 = math.exp %neg3A_442 : vector<16xf32>
        %add3A_444 = arith.constant 1.000000e+00 : f32
        %add3A_445 = vector.broadcast %add3A_444 : f32 to vector<16xf32>
        %add3A_446 = arith.addf %add3A_445, %exp3A_443 : vector<16xf32>
        %div3A_447 = arith.constant 1.000000e+00 : f32
        %div3A_448 = vector.broadcast %div3A_447 : f32 to vector<16xf32>
        %div3A_449 = arith.divf %div3A_448, %add3A_446 : vector<16xf32>
        %eq3A_450 = arith.cmpi eq, %get3A_433, %get3A_435 : vector<16xi32>
        %jit3A_451 = arith.constant 0.000000e+00 : f32
        %broadcast_in_dim3A_452 = vector.broadcast %jit3A_451 : f32 to vector<16xf32>
        %select_n3A_453 = arith.select %eq3A_450, %broadcast_in_dim3A_452, %div3A_449 : vector<16xi1>, vector<16xf32>
        %swap3A_454 = arith.constant 96 : index
        %swap3A_455 = tpu.vector_load %arg17[%swap3A_454] {strides = array<i32>} : memref<128xf32, #tpu.memory_space<vmem>>, vector<16xf32>,
        tpu.vector_store %arg17[%swap3A_454], %select_n3A_453 {strides = array<i32>} : memref<128xf32, #tpu.memory_space<vmem>>, vector<16xf32>,
        %get3A_456 = arith.constant 112 : index
        %get3A_457 = tpu.vector_load %arg14[%get3A_456] {strides = array<i32>} : memref<128xi32, #tpu.memory_space<vmem>>, vector<16xi32>,
        %get3A_458 = arith.constant 112 : index
        %get3A_459 = tpu.vector_load %arg16[%get3A_458] {strides = array<i32>} : memref<128xi32, #tpu.memory_space<vmem>>, vector<16xi32>,
        %gather3A_460 = tpu.vector_load_idx %arg18[%get3A_457] : memref<10240xf32, #tpu.memory_space<vmem>>[vector<16xi32>], vector<16xf32>,
        %gather3A_461 = tpu.vector_load_idx %arg18[%get3A_459] : memref<10240xf32, #tpu.memory_space<vmem>>[vector<16xi32>], vector<16xf32>,
        %sub3A_462 = arith.subf %gather3A_460, %gather3A_461 : vector<16xf32>
        %add3A_463 = arith.addf %sub3A_462, %get3A_287 : vector<16xf32>
        %neg3A_464 = arith.constant 0.000000e+00 : f32
        %neg3A_465 = vector.broadcast %neg3A_464 : f32 to vector<16xf32>
        %neg3A_466 = arith.subf %neg3A_465, %add3A_463 : vector<16xf32>
        %exp3A_467 = math.exp %neg3A_466 : vector<16xf32>
        %add3A_468 = arith.constant 1.000000e+00 : f32
        %add3A_469 = vector.broadcast %add3A_468 : f32 to vector<16xf32>
        %add3A_470 = arith.addf %add3A_469, %exp3A_467 : vector<16xf32>
        %div3A_471 = arith.constant 1.000000e+00 : f32
        %div3A_472 = vector.broadcast %div3A_471 : f32 to vector<16xf32>
        %div3A_473 = arith.divf %div3A_472, %add3A_470 : vector<16xf32>
        %eq3A_474 = arith.cmpi eq, %get3A_457, %get3A_459 : vector<16xi32>
        %jit3A_475 = arith.constant 0.000000e+00 : f32
        %broadcast_in_dim3A_476 = vector.broadcast %jit3A_475 : f32 to vector<16xf32>
        %select_n3A_477 = arith.select %eq3A_474, %broadcast_in_dim3A_476, %div3A_473 : vector<16xi1>, vector<16xf32>
        %swap3A_478 = arith.constant 112 : index
        %swap3A_479 = tpu.vector_load %arg17[%swap3A_478] {strides = array<i32>} : memref<128xf32, #tpu.memory_space<vmem>>, vector<16xf32>,
        tpu.vector_store %arg17[%swap3A_478], %select_n3A_477 {strides = array<i32>} : memref<128xf32, #tpu.memory_space<vmem>>, vector<16xf32>,
        %scan3A_480 = arith.constant 0 : i32
        %scan3A_481 = arith.constant 0 : i32
        %scan3A_482 = arith.constant 8 : i32
        %scan3A_483 = arith.addi %scan3A_481, %scan3A_482 : i32
        %scan3A_484 = arith.constant 1 : i32
        %scan3A_485 = scf.for %scan3A_488 = %scan3A_481 to %scan3A_483 step %scan3A_484 iter_args(%scan3A_489 = %scan3A_480) -> (i32)  : i32 {
          %mul3A_490 = arith.constant 16 : i32
          %mul3A_491 = arith.muli %scan3A_488, %mul3A_490 : i32
          %get3A_492 = arith.index_cast %mul3A_491 : i32 to index
          %get3A_493 = tpu.vector_load %arg17[%get3A_492] {strides = array<i32>} : memref<128xf32, #tpu.memory_space<vmem>>, vector<16xf32>,
          %slice3A = vector.extract_strided_slice %get3A_493 {offsets = [0], sizes = [1], strides = [1]} : vector<16xf32> to vector<1xf32>
          %squeeze3A = vector.extract %slice3A[0] : f32 from vector<1xf32>
          %mul3A_494 = arith.constant 16 : i32
          %mul3A_495 = arith.muli %scan3A_488, %mul3A_494 : i32
          %add3A_496 = arith.constant 0 : i32
          %add3A_497 = arith.addi %mul3A_495, %add3A_496 : i32
          %get3A_498 = arith.index_cast %add3A_497 : i32 to index
          %get3A_499 = arith.constant 0 : index
          %get3A_500 = tpu.vector_load %arg12[%get3A_498, %get3A_499] {strides = array<i32>} : memref<128x128xf32, #tpu.memory_space<vmem>>, vector<16xf32>,
          %mul3A_501 = vector.broadcast %squeeze3A : f32 to vector<16xf32>
          %mul3A_502 = arith.mulf %get3A_500, %mul3A_501 : vector<16xf32>
          %swap3A_503 = arith.index_cast %add3A_497 : i32 to index
          %swap3A_504 = arith.constant 0 : index
          %swap3A_505 = tpu.vector_load %arg12[%swap3A_503, %swap3A_504] {strides = array<i32>} : memref<128x128xf32, #tpu.memory_space<vmem>>, vector<16xf32>,
          tpu.vector_store %arg12[%swap3A_503, %swap3A_504], %mul3A_502 {strides = array<i32>} : memref<128x128xf32, #tpu.memory_space<vmem>>, vector<16xf32>,
          %get3A_506 = arith.index_cast %add3A_497 : i32 to index
          %get3A_507 = arith.constant 16 : index
          %get3A_508 = tpu.vector_load %arg12[%get3A_506, %get3A_507] {strides = array<i32>} : memref<128x128xf32, #tpu.memory_space<vmem>>, vector<16xf32>,
          %mul3A_509 = vector.broadcast %squeeze3A : f32 to vector<16xf32>
          %mul3A_510 = arith.mulf %get3A_508, %mul3A_509 : vector<16xf32>
          %swap3A_511 = arith.index_cast %add3A_497 : i32 to index
          %swap3A_512 = arith.constant 16 : index
          %swap3A_513 = tpu.vector_load %arg12[%swap3A_511, %swap3A_512] {strides = array<i32>} : memref<128x128xf32, #tpu.memory_space<vmem>>, vector<16xf32>,
          tpu.vector_store %arg12[%swap3A_511, %swap3A_512], %mul3A_510 {strides = array<i32>} : memref<128x128xf32, #tpu.memory_space<vmem>>, vector<16xf32>,
          %get3A_514 = arith.index_cast %add3A_497 : i32 to index
          %get3A_515 = arith.constant 32 : index
          %get3A_516 = tpu.vector_load %arg12[%get3A_514, %get3A_515] {strides = array<i32>} : memref<128x128xf32, #tpu.memory_space<vmem>>, vector<16xf32>,
          %mul3A_517 = vector.broadcast %squeeze3A : f32 to vector<16xf32>
          %mul3A_518 = arith.mulf %get3A_516, %mul3A_517 : vector<16xf32>
          %swap3A_519 = arith.index_cast %add3A_497 : i32 to index
          %swap3A_520 = arith.constant 32 : index
          %swap3A_521 = tpu.vector_load %arg12[%swap3A_519, %swap3A_520] {strides = array<i32>} : memref<128x128xf32, #tpu.memory_space<vmem>>, vector<16xf32>,
          tpu.vector_store %arg12[%swap3A_519, %swap3A_520], %mul3A_518 {strides = array<i32>} : memref<128x128xf32, #tpu.memory_space<vmem>>, vector<16xf32>,
          %get3A_522 = arith.index_cast %add3A_497 : i32 to index
          %get3A_523 = arith.constant 48 : index
          %get3A_524 = tpu.vector_load %arg12[%get3A_522, %get3A_523] {strides = array<i32>} : memref<128x128xf32, #tpu.memory_space<vmem>>, vector<16xf32>,
          %mul3A_525 = vector.broadcast %squeeze3A : f32 to vector<16xf32>
          %mul3A_526 = arith.mulf %get3A_524, %mul3A_525 : vector<16xf32>
          %swap3A_527 = arith.index_cast %add3A_497 : i32 to index
          %swap3A_528 = arith.constant 48 : index
          %swap3A_529 = tpu.vector_load %arg12[%swap3A_527, %swap3A_528] {strides = array<i32>} : memref<128x128xf32, #tpu.memory_space<vmem>>, vector<16xf32>,
          tpu.vector_store %arg12[%swap3A_527, %swap3A_528], %mul3A_526 {strides = array<i32>} : memref<128x128xf32, #tpu.memory_space<vmem>>, vector<16xf32>,
          %get3A_530 = arith.index_cast %add3A_497 : i32 to index
          %get3A_531 = arith.constant 64 : index
          %get3A_532 = tpu.vector_load %arg12[%get3A_530, %get3A_531] {strides = array<i32>} : memref<128x128xf32, #tpu.memory_space<vmem>>, vector<16xf32>,
          %mul3A_533 = vector.broadcast %squeeze3A : f32 to vector<16xf32>
          %mul3A_534 = arith.mulf %get3A_532, %mul3A_533 : vector<16xf32>
          %swap3A_535 = arith.index_cast %add3A_497 : i32 to index
          %swap3A_536 = arith.constant 64 : index
          %swap3A_537 = tpu.vector_load %arg12[%swap3A_535, %swap3A_536] {strides = array<i32>} : memref<128x128xf32, #tpu.memory_space<vmem>>, vector<16xf32>,
          tpu.vector_store %arg12[%swap3A_535, %swap3A_536], %mul3A_534 {strides = array<i32>} : memref<128x128xf32, #tpu.memory_space<vmem>>, vector<16xf32>,
          %get3A_538 = arith.index_cast %add3A_497 : i32 to index
          %get3A_539 = arith.constant 80 : index
          %get3A_540 = tpu.vector_load %arg12[%get3A_538, %get3A_539] {strides = array<i32>} : memref<128x128xf32, #tpu.memory_space<vmem>>, vector<16xf32>,
          %mul3A_541 = vector.broadcast %squeeze3A : f32 to vector<16xf32>
          %mul3A_542 = arith.mulf %get3A_540, %mul3A_541 : vector<16xf32>
          %swap3A_543 = arith.index_cast %add3A_497 : i32 to index
          %swap3A_544 = arith.constant 80 : index
          %swap3A_545 = tpu.vector_load %arg12[%swap3A_543, %swap3A_544] {strides = array<i32>} : memref<128x128xf32, #tpu.memory_space<vmem>>, vector<16xf32>,
          tpu.vector_store %arg12[%swap3A_543, %swap3A_544], %mul3A_542 {strides = array<i32>} : memref<128x128xf32, #tpu.memory_space<vmem>>, vector<16xf32>,
          %get3A_546 = arith.index_cast %add3A_497 : i32 to index
          %get3A_547 = arith.constant 96 : index
          %get3A_548 = tpu.vector_load %arg12[%get3A_546, %get3A_547] {strides = array<i32>} : memref<128x128xf32, #tpu.memory_space<vmem>>, vector<16xf32>,
          %mul3A_549 = vector.broadcast %squeeze3A : f32 to vector<16xf32>
          %mul3A_550 = arith.mulf %get3A_548, %mul3A_549 : vector<16xf32>
          %swap3A_551 = arith.index_cast %add3A_497 : i32 to index
          %swap3A_552 = arith.constant 96 : index
          %swap3A_553 = tpu.vector_load %arg12[%swap3A_551, %swap3A_552] {strides = array<i32>} : memref<128x128xf32, #tpu.memory_space<vmem>>, vector<16xf32>,
          tpu.vector_store %arg12[%swap3A_551, %swap3A_552], %mul3A_550 {strides = array<i32>} : memref<128x128xf32, #tpu.memory_space<vmem>>, vector<16xf32>,
          %get3A_554 = arith.index_cast %add3A_497 : i32 to index
          %get3A_555 = arith.constant 112 : index
          %get3A_556 = tpu.vector_load %arg12[%get3A_554, %get3A_555] {strides = array<i32>} : memref<128x128xf32, #tpu.memory_space<vmem>>, vector<16xf32>,
          %mul3A_557 = vector.broadcast %squeeze3A : f32 to vector<16xf32>
          %mul3A_558 = arith.mulf %get3A_556, %mul3A_557 : vector<16xf32>
          %swap3A_559 = arith.index_cast %add3A_497 : i32 to index
          %swap3A_560 = arith.constant 112 : index
          %swap3A_561 = tpu.vector_load %arg12[%swap3A_559, %swap3A_560] {strides = array<i32>} : memref<128x128xf32, #tpu.memory_space<vmem>>, vector<16xf32>,
          tpu.vector_store %arg12[%swap3A_559, %swap3A_560], %mul3A_558 {strides = array<i32>} : memref<128x128xf32, #tpu.memory_space<vmem>>, vector<16xf32>,
          %slice3A_562 = vector.extract_strided_slice %get3A_493 {offsets = [1], sizes = [1], strides = [1]} : vector<16xf32> to vector<1xf32>
          %squeeze3A_563 = vector.extract %slice3A_562[0] : f32 from vector<1xf32>
          %mul3A_564 = arith.constant 16 : i32
          %mul3A_565 = arith.muli %scan3A_488, %mul3A_564 : i32
          %add3A_566 = arith.constant 1 : i32
          %add3A_567 = arith.addi %mul3A_565, %add3A_566 : i32
          %get3A_568 = arith.index_cast %add3A_567 : i32 to index
          %get3A_569 = arith.constant 0 : index
          %get3A_570 = tpu.vector_load %arg12[%get3A_568, %get3A_569] {strides = array<i32>} : memref<128x128xf32, #tpu.memory_space<vmem>>, vector<16xf32>,
          %mul3A_571 = vector.broadcast %squeeze3A_563 : f32 to vector<16xf32>
          %mul3A_572 = arith.mulf %get3A_570, %mul3A_571 : vector<16xf32>
          %swap3A_573 = arith.index_cast %add3A_567 : i32 to index
          %swap3A_574 = arith.constant 0 : index
          %swap3A_575 = tpu.vector_load %arg12[%swap3A_573, %swap3A_574] {strides = array<i32>} : memref<128x128xf32, #tpu.memory_space<vmem>>, vector<16xf32>,
          tpu.vector_store %arg12[%swap3A_573, %swap3A_574], %mul3A_572 {strides = array<i32>} : memref<128x128xf32, #tpu.memory_space<vmem>>, vector<16xf32>,
          %get3A_576 = arith.index_cast %add3A_567 : i32 to index
          %get3A_577 = arith.constant 16 : index
          %get3A_578 = tpu.vector_load %arg12[%get3A_576, %get3A_577] {strides = array<i32>} : memref<128x128xf32, #tpu.memory_space<vmem>>, vector<16xf32>,
          %mul3A_579 = vector.broadcast %squeeze3A_563 : f32 to vector<16xf32>
          %mul3A_580 = arith.mulf %get3A_578, %mul3A_579 : vector<16xf32>
          %swap3A_581 = arith.index_cast %add3A_567 : i32 to index
          %swap3A_582 = arith.constant 16 : index
          %swap3A_583 = tpu.vector_load %arg12[%swap3A_581, %swap3A_582] {strides = array<i32>} : memref<128x128xf32, #tpu.memory_space<vmem>>, vector<16xf32>,
          tpu.vector_store %arg12[%swap3A_581, %swap3A_582], %mul3A_580 {strides = array<i32>} : memref<128x128xf32, #tpu.memory_space<vmem>>, vector<16xf32>,
          %get3A_584 = arith.index_cast %add3A_567 : i32 to index
          %get3A_585 = arith.constant 32 : index
          %get3A_586 = tpu.vector_load %arg12[%get3A_584, %get3A_585] {strides = array<i32>} : memref<128x128xf32, #tpu.memory_space<vmem>>, vector<16xf32>,
          %mul3A_587 = vector.broadcast %squeeze3A_563 : f32 to vector<16xf32>
          %mul3A_588 = arith.mulf %get3A_586, %mul3A_587 : vector<16xf32>
          %swap3A_589 = arith.index_cast %add3A_567 : i32 to index
          %swap3A_590 = arith.constant 32 : index
          %swap3A_591 = tpu.vector_load %arg12[%swap3A_589, %swap3A_590] {strides = array<i32>} : memref<128x128xf32, #tpu.memory_space<vmem>>, vector<16xf32>,
          tpu.vector_store %arg12[%swap3A_589, %swap3A_590], %mul3A_588 {strides = array<i32>} : memref<128x128xf32, #tpu.memory_space<vmem>>, vector<16xf32>,
          %get3A_592 = arith.index_cast %add3A_567 : i32 to index
          %get3A_593 = arith.constant 48 : index
          %get3A_594 = tpu.vector_load %arg12[%get3A_592, %get3A_593] {strides = array<i32>} : memref<128x128xf32, #tpu.memory_space<vmem>>, vector<16xf32>,
          %mul3A_595 = vector.broadcast %squeeze3A_563 : f32 to vector<16xf32>
          %mul3A_596 = arith.mulf %get3A_594, %mul3A_595 : vector<16xf32>
          %swap3A_597 = arith.index_cast %add3A_567 : i32 to index
          %swap3A_598 = arith.constant 48 : index
          %swap3A_599 = tpu.vector_load %arg12[%swap3A_597, %swap3A_598] {strides = array<i32>} : memref<128x128xf32, #tpu.memory_space<vmem>>, vector<16xf32>,
          tpu.vector_store %arg12[%swap3A_597, %swap3A_598], %mul3A_596 {strides = array<i32>} : memref<128x128xf32, #tpu.memory_space<vmem>>, vector<16xf32>,
          %get3A_600 = arith.index_cast %add3A_567 : i32 to index
          %get3A_601 = arith.constant 64 : index
          %get3A_602 = tpu.vector_load %arg12[%get3A_600, %get3A_601] {strides = array<i32>} : memref<128x128xf32, #tpu.memory_space<vmem>>, vector<16xf32>,
          %mul3A_603 = vector.broadcast %squeeze3A_563 : f32 to vector<16xf32>
          %mul3A_604 = arith.mulf %get3A_602, %mul3A_603 : vector<16xf32>
          %swap3A_605 = arith.index_cast %add3A_567 : i32 to index
          %swap3A_606 = arith.constant 64 : index
          %swap3A_607 = tpu.vector_load %arg12[%swap3A_605, %swap3A_606] {strides = array<i32>} : memref<128x128xf32, #tpu.memory_space<vmem>>, vector<16xf32>,
          tpu.vector_store %arg12[%swap3A_605, %swap3A_606], %mul3A_604 {strides = array<i32>} : memref<128x128xf32, #tpu.memory_space<vmem>>, vector<16xf32>,
          %get3A_608 = arith.index_cast %add3A_567 : i32 to index
          %get3A_609 = arith.constant 80 : index
          %get3A_610 = tpu.vector_load %arg12[%get3A_608, %get3A_609] {strides = array<i32>} : memref<128x128xf32, #tpu.memory_space<vmem>>, vector<16xf32>,
          %mul3A_611 = vector.broadcast %squeeze3A_563 : f32 to vector<16xf32>
          %mul3A_612 = arith.mulf %get3A_610, %mul3A_611 : vector<16xf32>
          %swap3A_613 = arith.index_cast %add3A_567 : i32 to index
          %swap3A_614 = arith.constant 80 : index
          %swap3A_615 = tpu.vector_load %arg12[%swap3A_613, %swap3A_614] {strides = array<i32>} : memref<128x128xf32, #tpu.memory_space<vmem>>, vector<16xf32>,
          tpu.vector_store %arg12[%swap3A_613, %swap3A_614], %mul3A_612 {strides = array<i32>} : memref<128x128xf32, #tpu.memory_space<vmem>>, vector<16xf32>,
          %get3A_616 = arith.index_cast %add3A_567 : i32 to index
          %get3A_617 = arith.constant 96 : index
          %get3A_618 = tpu.vector_load %arg12[%get3A_616, %get3A_617] {strides = array<i32>} : memref<128x128xf32, #tpu.memory_space<vmem>>, vector<16xf32>,
          %mul3A_619 = vector.broadcast %squeeze3A_563 : f32 to vector<16xf32>
          %mul3A_620 = arith.mulf %get3A_618, %mul3A_619 : vector<16xf32>
          %swap3A_621 = arith.index_cast %add3A_567 : i32 to index
          %swap3A_622 = arith.constant 96 : index
          %swap3A_623 = tpu.vector_load %arg12[%swap3A_621, %swap3A_622] {strides = array<i32>} : memref<128x128xf32, #tpu.memory_space<vmem>>, vector<16xf32>,
          tpu.vector_store %arg12[%swap3A_621, %swap3A_622], %mul3A_620 {strides = array<i32>} : memref<128x128xf32, #tpu.memory_space<vmem>>, vector<16xf32>,
          %get3A_624 = arith.index_cast %add3A_567 : i32 to index
          %get3A_625 = arith.constant 112 : index
          %get3A_626 = tpu.vector_load %arg12[%get3A_624, %get3A_625] {strides = array<i32>} : memref<128x128xf32, #tpu.memory_space<vmem>>, vector<16xf32>,
          %mul3A_627 = vector.broadcast %squeeze3A_563 : f32 to vector<16xf32>
          %mul3A_628 = arith.mulf %get3A_626, %mul3A_627 : vector<16xf32>
          %swap3A_629 = arith.index_cast %add3A_567 : i32 to index
          %swap3A_630 = arith.constant 112 : index
          %swap3A_631 = tpu.vector_load %arg12[%swap3A_629, %swap3A_630] {strides = array<i32>} : memref<128x128xf32, #tpu.memory_space<vmem>>, vector<16xf32>,
          tpu.vector_store %arg12[%swap3A_629, %swap3A_630], %mul3A_628 {strides = array<i32>} : memref<128x128xf32, #tpu.memory_space<vmem>>, vector<16xf32>,
          %slice3A_632 = vector.extract_strided_slice %get3A_493 {offsets = [2], sizes = [1], strides = [1]} : vector<16xf32> to vector<1xf32>
          %squeeze3A_633 = vector.extract %slice3A_632[0] : f32 from vector<1xf32>
          %mul3A_634 = arith.constant 16 : i32
          %mul3A_635 = arith.muli %scan3A_488, %mul3A_634 : i32
          %add3A_636 = arith.constant 2 : i32
          %add3A_637 = arith.addi %mul3A_635, %add3A_636 : i32
          %get3A_638 = arith.index_cast %add3A_637 : i32 to index
          %get3A_639 = arith.constant 0 : index
          %get3A_640 = tpu.vector_load %arg12[%get3A_638, %get3A_639] {strides = array<i32>} : memref<128x128xf32, #tpu.memory_space<vmem>>, vector<16xf32>,
          %mul3A_641 = vector.broadcast %squeeze3A_633 : f32 to vector<16xf32>
          %mul3A_642 = arith.mulf %get3A_640, %mul3A_641 : vector<16xf32>
          %swap3A_643 = arith.index_cast %add3A_637 : i32 to index
          %swap3A_644 = arith.constant 0 : index
          %swap3A_645 = tpu.vector_load %arg12[%swap3A_643, %swap3A_644] {strides = array<i32>} : memref<128x128xf32, #tpu.memory_space<vmem>>, vector<16xf32>,
          tpu.vector_store %arg12[%swap3A_643, %swap3A_644], %mul3A_642 {strides = array<i32>} : memref<128x128xf32, #tpu.memory_space<vmem>>, vector<16xf32>,
          %get3A_646 = arith.index_cast %add3A_637 : i32 to index
          %get3A_647 = arith.constant 16 : index
          %get3A_648 = tpu.vector_load %arg12[%get3A_646, %get3A_647] {strides = array<i32>} : memref<128x128xf32, #tpu.memory_space<vmem>>, vector<16xf32>,
          %mul3A_649 = vector.broadcast %squeeze3A_633 : f32 to vector<16xf32>
          %mul3A_650 = arith.mulf %get3A_648, %mul3A_649 : vector<16xf32>
          %swap3A_651 = arith.index_cast %add3A_637 : i32 to index
          %swap3A_652 = arith.constant 16 : index
          %swap3A_653 = tpu.vector_load %arg12[%swap3A_651, %swap3A_652] {strides = array<i32>} : memref<128x128xf32, #tpu.memory_space<vmem>>, vector<16xf32>,
          tpu.vector_store %arg12[%swap3A_651, %swap3A_652], %mul3A_650 {strides = array<i32>} : memref<128x128xf32, #tpu.memory_space<vmem>>, vector<16xf32>,
          %get3A_654 = arith.index_cast %add3A_637 : i32 to index
          %get3A_655 = arith.constant 32 : index
          %get3A_656 = tpu.vector_load %arg12[%get3A_654, %get3A_655] {strides = array<i32>} : memref<128x128xf32, #tpu.memory_space<vmem>>, vector<16xf32>,
          %mul3A_657 = vector.broadcast %squeeze3A_633 : f32 to vector<16xf32>
          %mul3A_658 = arith.mulf %get3A_656, %mul3A_657 : vector<16xf32>
          %swap3A_659 = arith.index_cast %add3A_637 : i32 to index
          %swap3A_660 = arith.constant 32 : index
          %swap3A_661 = tpu.vector_load %arg12[%swap3A_659, %swap3A_660] {strides = array<i32>} : memref<128x128xf32, #tpu.memory_space<vmem>>, vector<16xf32>,
          tpu.vector_store %arg12[%swap3A_659, %swap3A_660], %mul3A_658 {strides = array<i32>} : memref<128x128xf32, #tpu.memory_space<vmem>>, vector<16xf32>,
          %get3A_662 = arith.index_cast %add3A_637 : i32 to index
          %get3A_663 = arith.constant 48 : index
          %get3A_664 = tpu.vector_load %arg12[%get3A_662, %get3A_663] {strides = array<i32>} : memref<128x128xf32, #tpu.memory_space<vmem>>, vector<16xf32>,
          %mul3A_665 = vector.broadcast %squeeze3A_633 : f32 to vector<16xf32>
          %mul3A_666 = arith.mulf %get3A_664, %mul3A_665 : vector<16xf32>
          %swap3A_667 = arith.index_cast %add3A_637 : i32 to index
          %swap3A_668 = arith.constant 48 : index
          %swap3A_669 = tpu.vector_load %arg12[%swap3A_667, %swap3A_668] {strides = array<i32>} : memref<128x128xf32, #tpu.memory_space<vmem>>, vector<16xf32>,
          tpu.vector_store %arg12[%swap3A_667, %swap3A_668], %mul3A_666 {strides = array<i32>} : memref<128x128xf32, #tpu.memory_space<vmem>>, vector<16xf32>,
          %get3A_670 = arith.index_cast %add3A_637 : i32 to index
          %get3A_671 = arith.constant 64 : index
          %get3A_672 = tpu.vector_load %arg12[%get3A_670, %get3A_671] {strides = array<i32>} : memref<128x128xf32, #tpu.memory_space<vmem>>, vector<16xf32>,
          %mul3A_673 = vector.broadcast %squeeze3A_633 : f32 to vector<16xf32>
          %mul3A_674 = arith.mulf %get3A_672, %mul3A_673 : vector<16xf32>
          %swap3A_675 = arith.index_cast %add3A_637 : i32 to index
          %swap3A_676 = arith.constant 64 : index
          %swap3A_677 = tpu.vector_load %arg12[%swap3A_675, %swap3A_676] {strides = array<i32>} : memref<128x128xf32, #tpu.memory_space<vmem>>, vector<16xf32>,
          tpu.vector_store %arg12[%swap3A_675, %swap3A_676], %mul3A_674 {strides = array<i32>} : memref<128x128xf32, #tpu.memory_space<vmem>>, vector<16xf32>,
          %get3A_678 = arith.index_cast %add3A_637 : i32 to index
          %get3A_679 = arith.constant 80 : index
          %get3A_680 = tpu.vector_load %arg12[%get3A_678, %get3A_679] {strides = array<i32>} : memref<128x128xf32, #tpu.memory_space<vmem>>, vector<16xf32>,
          %mul3A_681 = vector.broadcast %squeeze3A_633 : f32 to vector<16xf32>
          %mul3A_682 = arith.mulf %get3A_680, %mul3A_681 : vector<16xf32>
          %swap3A_683 = arith.index_cast %add3A_637 : i32 to index
          %swap3A_684 = arith.constant 80 : index
          %swap3A_685 = tpu.vector_load %arg12[%swap3A_683, %swap3A_684] {strides = array<i32>} : memref<128x128xf32, #tpu.memory_space<vmem>>, vector<16xf32>,
          tpu.vector_store %arg12[%swap3A_683, %swap3A_684], %mul3A_682 {strides = array<i32>} : memref<128x128xf32, #tpu.memory_space<vmem>>, vector<16xf32>,
          %get3A_686 = arith.index_cast %add3A_637 : i32 to index
          %get3A_687 = arith.constant 96 : index
          %get3A_688 = tpu.vector_load %arg12[%get3A_686, %get3A_687] {strides = array<i32>} : memref<128x128xf32, #tpu.memory_space<vmem>>, vector<16xf32>,
          %mul3A_689 = vector.broadcast %squeeze3A_633 : f32 to vector<16xf32>
          %mul3A_690 = arith.mulf %get3A_688, %mul3A_689 : vector<16xf32>
          %swap3A_691 = arith.index_cast %add3A_637 : i32 to index
          %swap3A_692 = arith.constant 96 : index
          %swap3A_693 = tpu.vector_load %arg12[%swap3A_691, %swap3A_692] {strides = array<i32>} : memref<128x128xf32, #tpu.memory_space<vmem>>, vector<16xf32>,
          tpu.vector_store %arg12[%swap3A_691, %swap3A_692], %mul3A_690 {strides = array<i32>} : memref<128x128xf32, #tpu.memory_space<vmem>>, vector<16xf32>,
          %get3A_694 = arith.index_cast %add3A_637 : i32 to index
          %get3A_695 = arith.constant 112 : index
          %get3A_696 = tpu.vector_load %arg12[%get3A_694, %get3A_695] {strides = array<i32>} : memref<128x128xf32, #tpu.memory_space<vmem>>, vector<16xf32>,
          %mul3A_697 = vector.broadcast %squeeze3A_633 : f32 to vector<16xf32>
          %mul3A_698 = arith.mulf %get3A_696, %mul3A_697 : vector<16xf32>
          %swap3A_699 = arith.index_cast %add3A_637 : i32 to index
          %swap3A_700 = arith.constant 112 : index
          %swap3A_701 = tpu.vector_load %arg12[%swap3A_699, %swap3A_700] {strides = array<i32>} : memref<128x128xf32, #tpu.memory_space<vmem>>, vector<16xf32>,
          tpu.vector_store %arg12[%swap3A_699, %swap3A_700], %mul3A_698 {strides = array<i32>} : memref<128x128xf32, #tpu.memory_space<vmem>>, vector<16xf32>,
          %slice3A_702 = vector.extract_strided_slice %get3A_493 {offsets = [3], sizes = [1], strides = [1]} : vector<16xf32> to vector<1xf32>
          %squeeze3A_703 = vector.extract %slice3A_702[0] : f32 from vector<1xf32>
          %mul3A_704 = arith.constant 16 : i32
          %mul3A_705 = arith.muli %scan3A_488, %mul3A_704 : i32
          %add3A_706 = arith.constant 3 : i32
          %add3A_707 = arith.addi %mul3A_705, %add3A_706 : i32
          %get3A_708 = arith.index_cast %add3A_707 : i32 to index
          %get3A_709 = arith.constant 0 : index
          %get3A_710 = tpu.vector_load %arg12[%get3A_708, %get3A_709] {strides = array<i32>} : memref<128x128xf32, #tpu.memory_space<vmem>>, vector<16xf32>,
          %mul3A_711 = vector.broadcast %squeeze3A_703 : f32 to vector<16xf32>
          %mul3A_712 = arith.mulf %get3A_710, %mul3A_711 : vector<16xf32>
          %swap3A_713 = arith.index_cast %add3A_707 : i32 to index
          %swap3A_714 = arith.constant 0 : index
          %swap3A_715 = tpu.vector_load %arg12[%swap3A_713, %swap3A_714] {strides = array<i32>} : memref<128x128xf32, #tpu.memory_space<vmem>>, vector<16xf32>,
          tpu.vector_store %arg12[%swap3A_713, %swap3A_714], %mul3A_712 {strides = array<i32>} : memref<128x128xf32, #tpu.memory_space<vmem>>, vector<16xf32>,
          %get3A_716 = arith.index_cast %add3A_707 : i32 to index
          %get3A_717 = arith.constant 16 : index
          %get3A_718 = tpu.vector_load %arg12[%get3A_716, %get3A_717] {strides = array<i32>} : memref<128x128xf32, #tpu.memory_space<vmem>>, vector<16xf32>,
          %mul3A_719 = vector.broadcast %squeeze3A_703 : f32 to vector<16xf32>
          %mul3A_720 = arith.mulf %get3A_718, %mul3A_719 : vector<16xf32>
          %swap3A_721 = arith.index_cast %add3A_707 : i32 to index
          %swap3A_722 = arith.constant 16 : index
          %swap3A_723 = tpu.vector_load %arg12[%swap3A_721, %swap3A_722] {strides = array<i32>} : memref<128x128xf32, #tpu.memory_space<vmem>>, vector<16xf32>,
          tpu.vector_store %arg12[%swap3A_721, %swap3A_722], %mul3A_720 {strides = array<i32>} : memref<128x128xf32, #tpu.memory_space<vmem>>, vector<16xf32>,
          %get3A_724 = arith.index_cast %add3A_707 : i32 to index
          %get3A_725 = arith.constant 32 : index
          %get3A_726 = tpu.vector_load %arg12[%get3A_724, %get3A_725] {strides = array<i32>} : memref<128x128xf32, #tpu.memory_space<vmem>>, vector<16xf32>,
          %mul3A_727 = vector.broadcast %squeeze3A_703 : f32 to vector<16xf32>
          %mul3A_728 = arith.mulf %get3A_726, %mul3A_727 : vector<16xf32>
          %swap3A_729 = arith.index_cast %add3A_707 : i32 to index
          %swap3A_730 = arith.constant 32 : index
          %swap3A_731 = tpu.vector_load %arg12[%swap3A_729, %swap3A_730] {strides = array<i32>} : memref<128x128xf32, #tpu.memory_space<vmem>>, vector<16xf32>,
          tpu.vector_store %arg12[%swap3A_729, %swap3A_730], %mul3A_728 {strides = array<i32>} : memref<128x128xf32, #tpu.memory_space<vmem>>, vector<16xf32>,
          %get3A_732 = arith.index_cast %add3A_707 : i32 to index
          %get3A_733 = arith.constant 48 : index
          %get3A_734 = tpu.vector_load %arg12[%get3A_732, %get3A_733] {strides = array<i32>} : memref<128x128xf32, #tpu.memory_space<vmem>>, vector<16xf32>,
          %mul3A_735 = vector.broadcast %squeeze3A_703 : f32 to vector<16xf32>
          %mul3A_736 = arith.mulf %get3A_734, %mul3A_735 : vector<16xf32>
          %swap3A_737 = arith.index_cast %add3A_707 : i32 to index
          %swap3A_738 = arith.constant 48 : index
          %swap3A_739 = tpu.vector_load %arg12[%swap3A_737, %swap3A_738] {strides = array<i32>} : memref<128x128xf32, #tpu.memory_space<vmem>>, vector<16xf32>,
          tpu.vector_store %arg12[%swap3A_737, %swap3A_738], %mul3A_736 {strides = array<i32>} : memref<128x128xf32, #tpu.memory_space<vmem>>, vector<16xf32>,
          %get3A_740 = arith.index_cast %add3A_707 : i32 to index
          %get3A_741 = arith.constant 64 : index
          %get3A_742 = tpu.vector_load %arg12[%get3A_740, %get3A_741] {strides = array<i32>} : memref<128x128xf32, #tpu.memory_space<vmem>>, vector<16xf32>,
          %mul3A_743 = vector.broadcast %squeeze3A_703 : f32 to vector<16xf32>
          %mul3A_744 = arith.mulf %get3A_742, %mul3A_743 : vector<16xf32>
          %swap3A_745 = arith.index_cast %add3A_707 : i32 to index
          %swap3A_746 = arith.constant 64 : index
          %swap3A_747 = tpu.vector_load %arg12[%swap3A_745, %swap3A_746] {strides = array<i32>} : memref<128x128xf32, #tpu.memory_space<vmem>>, vector<16xf32>,
          tpu.vector_store %arg12[%swap3A_745, %swap3A_746], %mul3A_744 {strides = array<i32>} : memref<128x128xf32, #tpu.memory_space<vmem>>, vector<16xf32>,
          %get3A_748 = arith.index_cast %add3A_707 : i32 to index
          %get3A_749 = arith.constant 80 : index
          %get3A_750 = tpu.vector_load %arg12[%get3A_748, %get3A_749] {strides = array<i32>} : memref<128x128xf32, #tpu.memory_space<vmem>>, vector<16xf32>,
          %mul3A_751 = vector.broadcast %squeeze3A_703 : f32 to vector<16xf32>
          %mul3A_752 = arith.mulf %get3A_750, %mul3A_751 : vector<16xf32>
          %swap3A_753 = arith.index_cast %add3A_707 : i32 to index
          %swap3A_754 = arith.constant 80 : index
          %swap3A_755 = tpu.vector_load %arg12[%swap3A_753, %swap3A_754] {strides = array<i32>} : memref<128x128xf32, #tpu.memory_space<vmem>>, vector<16xf32>,
          tpu.vector_store %arg12[%swap3A_753, %swap3A_754], %mul3A_752 {strides = array<i32>} : memref<128x128xf32, #tpu.memory_space<vmem>>, vector<16xf32>,
          %get3A_756 = arith.index_cast %add3A_707 : i32 to index
          %get3A_757 = arith.constant 96 : index
          %get3A_758 = tpu.vector_load %arg12[%get3A_756, %get3A_757] {strides = array<i32>} : memref<128x128xf32, #tpu.memory_space<vmem>>, vector<16xf32>,
          %mul3A_759 = vector.broadcast %squeeze3A_703 : f32 to vector<16xf32>
          %mul3A_760 = arith.mulf %get3A_758, %mul3A_759 : vector<16xf32>
          %swap3A_761 = arith.index_cast %add3A_707 : i32 to index
          %swap3A_762 = arith.constant 96 : index
          %swap3A_763 = tpu.vector_load %arg12[%swap3A_761, %swap3A_762] {strides = array<i32>} : memref<128x128xf32, #tpu.memory_space<vmem>>, vector<16xf32>,
          tpu.vector_store %arg12[%swap3A_761, %swap3A_762], %mul3A_760 {strides = array<i32>} : memref<128x128xf32, #tpu.memory_space<vmem>>, vector<16xf32>,
          %get3A_764 = arith.index_cast %add3A_707 : i32 to index
          %get3A_765 = arith.constant 112 : index
          %get3A_766 = tpu.vector_load %arg12[%get3A_764, %get3A_765] {strides = array<i32>} : memref<128x128xf32, #tpu.memory_space<vmem>>, vector<16xf32>,
          %mul3A_767 = vector.broadcast %squeeze3A_703 : f32 to vector<16xf32>
          %mul3A_768 = arith.mulf %get3A_766, %mul3A_767 : vector<16xf32>
          %swap3A_769 = arith.index_cast %add3A_707 : i32 to index
          %swap3A_770 = arith.constant 112 : index
          %swap3A_771 = tpu.vector_load %arg12[%swap3A_769, %swap3A_770] {strides = array<i32>} : memref<128x128xf32, #tpu.memory_space<vmem>>, vector<16xf32>,
          tpu.vector_store %arg12[%swap3A_769, %swap3A_770], %mul3A_768 {strides = array<i32>} : memref<128x128xf32, #tpu.memory_space<vmem>>, vector<16xf32>,
          %slice3A_772 = vector.extract_strided_slice %get3A_493 {offsets = [4], sizes = [1], strides = [1]} : vector<16xf32> to vector<1xf32>
          %squeeze3A_773 = vector.extract %slice3A_772[0] : f32 from vector<1xf32>
          %mul3A_774 = arith.constant 16 : i32
          %mul3A_775 = arith.muli %scan3A_488, %mul3A_774 : i32
          %add3A_776 = arith.constant 4 : i32
          %add3A_777 = arith.addi %mul3A_775, %add3A_776 : i32
          %get3A_778 = arith.index_cast %add3A_777 : i32 to index
          %get3A_779 = arith.constant 0 : index
          %get3A_780 = tpu.vector_load %arg12[%get3A_778, %get3A_779] {strides = array<i32>} : memref<128x128xf32, #tpu.memory_space<vmem>>, vector<16xf32>,
          %mul3A_781 = vector.broadcast %squeeze3A_773 : f32 to vector<16xf32>
          %mul3A_782 = arith.mulf %get3A_780, %mul3A_781 : vector<16xf32>
          %swap3A_783 = arith.index_cast %add3A_777 : i32 to index
          %swap3A_784 = arith.constant 0 : index
          %swap3A_785 = tpu.vector_load %arg12[%swap3A_783, %swap3A_784] {strides = array<i32>} : memref<128x128xf32, #tpu.memory_space<vmem>>, vector<16xf32>,
          tpu.vector_store %arg12[%swap3A_783, %swap3A_784], %mul3A_782 {strides = array<i32>} : memref<128x128xf32, #tpu.memory_space<vmem>>, vector<16xf32>,
          %get3A_786 = arith.index_cast %add3A_777 : i32 to index
          %get3A_787 = arith.constant 16 : index
          %get3A_788 = tpu.vector_load %arg12[%get3A_786, %get3A_787] {strides = array<i32>} : memref<128x128xf32, #tpu.memory_space<vmem>>, vector<16xf32>,
          %mul3A_789 = vector.broadcast %squeeze3A_773 : f32 to vector<16xf32>
          %mul3A_790 = arith.mulf %get3A_788, %mul3A_789 : vector<16xf32>
          %swap3A_791 = arith.index_cast %add3A_777 : i32 to index
          %swap3A_792 = arith.constant 16 : index
          %swap3A_793 = tpu.vector_load %arg12[%swap3A_791, %swap3A_792] {strides = array<i32>} : memref<128x128xf32, #tpu.memory_space<vmem>>, vector<16xf32>,
          tpu.vector_store %arg12[%swap3A_791, %swap3A_792], %mul3A_790 {strides = array<i32>} : memref<128x128xf32, #tpu.memory_space<vmem>>, vector<16xf32>,
          %get3A_794 = arith.index_cast %add3A_777 : i32 to index
          %get3A_795 = arith.constant 32 : index
          %get3A_796 = tpu.vector_load %arg12[%get3A_794, %get3A_795] {strides = array<i32>} : memref<128x128xf32, #tpu.memory_space<vmem>>, vector<16xf32>,
          %mul3A_797 = vector.broadcast %squeeze3A_773 : f32 to vector<16xf32>
          %mul3A_798 = arith.mulf %get3A_796, %mul3A_797 : vector<16xf32>
          %swap3A_799 = arith.index_cast %add3A_777 : i32 to index
          %swap3A_800 = arith.constant 32 : index
          %swap3A_801 = tpu.vector_load %arg12[%swap3A_799, %swap3A_800] {strides = array<i32>} : memref<128x128xf32, #tpu.memory_space<vmem>>, vector<16xf32>,
          tpu.vector_store %arg12[%swap3A_799, %swap3A_800], %mul3A_798 {strides = array<i32>} : memref<128x128xf32, #tpu.memory_space<vmem>>, vector<16xf32>,
          %get3A_802 = arith.index_cast %add3A_777 : i32 to index
          %get3A_803 = arith.constant 48 : index
          %get3A_804 = tpu.vector_load %arg12[%get3A_802, %get3A_803] {strides = array<i32>} : memref<128x128xf32, #tpu.memory_space<vmem>>, vector<16xf32>,
          %mul3A_805 = vector.broadcast %squeeze3A_773 : f32 to vector<16xf32>
          %mul3A_806 = arith.mulf %get3A_804, %mul3A_805 : vector<16xf32>
          %swap3A_807 = arith.index_cast %add3A_777 : i32 to index
          %swap3A_808 = arith.constant 48 : index
          %swap3A_809 = tpu.vector_load %arg12[%swap3A_807, %swap3A_808] {strides = array<i32>} : memref<128x128xf32, #tpu.memory_space<vmem>>, vector<16xf32>,
          tpu.vector_store %arg12[%swap3A_807, %swap3A_808], %mul3A_806 {strides = array<i32>} : memref<128x128xf32, #tpu.memory_space<vmem>>, vector<16xf32>,
          %get3A_810 = arith.index_cast %add3A_777 : i32 to index
          %get3A_811 = arith.constant 64 : index
          %get3A_812 = tpu.vector_load %arg12[%get3A_810, %get3A_811] {strides = array<i32>} : memref<128x128xf32, #tpu.memory_space<vmem>>, vector<16xf32>,
          %mul3A_813 = vector.broadcast %squeeze3A_773 : f32 to vector<16xf32>
          %mul3A_814 = arith.mulf %get3A_812, %mul3A_813 : vector<16xf32>
          %swap3A_815 = arith.index_cast %add3A_777 : i32 to index
          %swap3A_816 = arith.constant 64 : index
          %swap3A_817 = tpu.vector_load %arg12[%swap3A_815, %swap3A_816] {strides = array<i32>} : memref<128x128xf32, #tpu.memory_space<vmem>>, vector<16xf32>,
          tpu.vector_store %arg12[%swap3A_815, %swap3A_816], %mul3A_814 {strides = array<i32>} : memref<128x128xf32, #tpu.memory_space<vmem>>, vector<16xf32>,
          %get3A_818 = arith.index_cast %add3A_777 : i32 to index
          %get3A_819 = arith.constant 80 : index
          %get3A_820 = tpu.vector_load %arg12[%get3A_818, %get3A_819] {strides = array<i32>} : memref<128x128xf32, #tpu.memory_space<vmem>>, vector<16xf32>,
          %mul3A_821 = vector.broadcast %squeeze3A_773 : f32 to vector<16xf32>
          %mul3A_822 = arith.mulf %get3A_820, %mul3A_821 : vector<16xf32>
          %swap3A_823 = arith.index_cast %add3A_777 : i32 to index
          %swap3A_824 = arith.constant 80 : index
          %swap3A_825 = tpu.vector_load %arg12[%swap3A_823, %swap3A_824] {strides = array<i32>} : memref<128x128xf32, #tpu.memory_space<vmem>>, vector<16xf32>,
          tpu.vector_store %arg12[%swap3A_823, %swap3A_824], %mul3A_822 {strides = array<i32>} : memref<128x128xf32, #tpu.memory_space<vmem>>, vector<16xf32>,
          %get3A_826 = arith.index_cast %add3A_777 : i32 to index
          %get3A_827 = arith.constant 96 : index
          %get3A_828 = tpu.vector_load %arg12[%get3A_826, %get3A_827] {strides = array<i32>} : memref<128x128xf32, #tpu.memory_space<vmem>>, vector<16xf32>,
          %mul3A_829 = vector.broadcast %squeeze3A_773 : f32 to vector<16xf32>
          %mul3A_830 = arith.mulf %get3A_828, %mul3A_829 : vector<16xf32>
          %swap3A_831 = arith.index_cast %add3A_777 : i32 to index
          %swap3A_832 = arith.constant 96 : index
          %swap3A_833 = tpu.vector_load %arg12[%swap3A_831, %swap3A_832] {strides = array<i32>} : memref<128x128xf32, #tpu.memory_space<vmem>>, vector<16xf32>,
          tpu.vector_store %arg12[%swap3A_831, %swap3A_832], %mul3A_830 {strides = array<i32>} : memref<128x128xf32, #tpu.memory_space<vmem>>, vector<16xf32>,
          %get3A_834 = arith.index_cast %add3A_777 : i32 to index
          %get3A_835 = arith.constant 112 : index
          %get3A_836 = tpu.vector_load %arg12[%get3A_834, %get3A_835] {strides = array<i32>} : memref<128x128xf32, #tpu.memory_space<vmem>>, vector<16xf32>,
          %mul3A_837 = vector.broadcast %squeeze3A_773 : f32 to vector<16xf32>
          %mul3A_838 = arith.mulf %get3A_836, %mul3A_837 : vector<16xf32>
          %swap3A_839 = arith.index_cast %add3A_777 : i32 to index
          %swap3A_840 = arith.constant 112 : index
          %swap3A_841 = tpu.vector_load %arg12[%swap3A_839, %swap3A_840] {strides = array<i32>} : memref<128x128xf32, #tpu.memory_space<vmem>>, vector<16xf32>,
          tpu.vector_store %arg12[%swap3A_839, %swap3A_840], %mul3A_838 {strides = array<i32>} : memref<128x128xf32, #tpu.memory_space<vmem>>, vector<16xf32>,
          %slice3A_842 = vector.extract_strided_slice %get3A_493 {offsets = [5], sizes = [1], strides = [1]} : vector<16xf32> to vector<1xf32>
          %squeeze3A_843 = vector.extract %slice3A_842[0] : f32 from vector<1xf32>
          %mul3A_844 = arith.constant 16 : i32
          %mul3A_845 = arith.muli %scan3A_488, %mul3A_844 : i32
          %add3A_846 = arith.constant 5 : i32
          %add3A_847 = arith.addi %mul3A_845, %add3A_846 : i32
          %get3A_848 = arith.index_cast %add3A_847 : i32 to index
          %get3A_849 = arith.constant 0 : index
          %get3A_850 = tpu.vector_load %arg12[%get3A_848, %get3A_849] {strides = array<i32>} : memref<128x128xf32, #tpu.memory_space<vmem>>, vector<16xf32>,
          %mul3A_851 = vector.broadcast %squeeze3A_843 : f32 to vector<16xf32>
          %mul3A_852 = arith.mulf %get3A_850, %mul3A_851 : vector<16xf32>
          %swap3A_853 = arith.index_cast %add3A_847 : i32 to index
          %swap3A_854 = arith.constant 0 : index
          %swap3A_855 = tpu.vector_load %arg12[%swap3A_853, %swap3A_854] {strides = array<i32>} : memref<128x128xf32, #tpu.memory_space<vmem>>, vector<16xf32>,
          tpu.vector_store %arg12[%swap3A_853, %swap3A_854], %mul3A_852 {strides = array<i32>} : memref<128x128xf32, #tpu.memory_space<vmem>>, vector<16xf32>,
          %get3A_856 = arith.index_cast %add3A_847 : i32 to index
          %get3A_857 = arith.constant 16 : index
          %get3A_858 = tpu.vector_load %arg12[%get3A_856, %get3A_857] {strides = array<i32>} : memref<128x128xf32, #tpu.memory_space<vmem>>, vector<16xf32>,
          %mul3A_859 = vector.broadcast %squeeze3A_843 : f32 to vector<16xf32>
          %mul3A_860 = arith.mulf %get3A_858, %mul3A_859 : vector<16xf32>
          %swap3A_861 = arith.index_cast %add3A_847 : i32 to index
          %swap3A_862 = arith.constant 16 : index
          %swap3A_863 = tpu.vector_load %arg12[%swap3A_861, %swap3A_862] {strides = array<i32>} : memref<128x128xf32, #tpu.memory_space<vmem>>, vector<16xf32>,
          tpu.vector_store %arg12[%swap3A_861, %swap3A_862], %mul3A_860 {strides = array<i32>} : memref<128x128xf32, #tpu.memory_space<vmem>>, vector<16xf32>,
          %get3A_864 = arith.index_cast %add3A_847 : i32 to index
          %get3A_865 = arith.constant 32 : index
          %get3A_866 = tpu.vector_load %arg12[%get3A_864, %get3A_865] {strides = array<i32>} : memref<128x128xf32, #tpu.memory_space<vmem>>, vector<16xf32>,
          %mul3A_867 = vector.broadcast %squeeze3A_843 : f32 to vector<16xf32>
          %mul3A_868 = arith.mulf %get3A_866, %mul3A_867 : vector<16xf32>
          %swap3A_869 = arith.index_cast %add3A_847 : i32 to index
          %swap3A_870 = arith.constant 32 : index
          %swap3A_871 = tpu.vector_load %arg12[%swap3A_869, %swap3A_870] {strides = array<i32>} : memref<128x128xf32, #tpu.memory_space<vmem>>, vector<16xf32>,
          tpu.vector_store %arg12[%swap3A_869, %swap3A_870], %mul3A_868 {strides = array<i32>} : memref<128x128xf32, #tpu.memory_space<vmem>>, vector<16xf32>,
          %get3A_872 = arith.index_cast %add3A_847 : i32 to index
          %get3A_873 = arith.constant 48 : index
          %get3A_874 = tpu.vector_load %arg12[%get3A_872, %get3A_873] {strides = array<i32>} : memref<128x128xf32, #tpu.memory_space<vmem>>, vector<16xf32>,
          %mul3A_875 = vector.broadcast %squeeze3A_843 : f32 to vector<16xf32>
          %mul3A_876 = arith.mulf %get3A_874, %mul3A_875 : vector<16xf32>
          %swap3A_877 = arith.index_cast %add3A_847 : i32 to index
          %swap3A_878 = arith.constant 48 : index
          %swap3A_879 = tpu.vector_load %arg12[%swap3A_877, %swap3A_878] {strides = array<i32>} : memref<128x128xf32, #tpu.memory_space<vmem>>, vector<16xf32>,
          tpu.vector_store %arg12[%swap3A_877, %swap3A_878], %mul3A_876 {strides = array<i32>} : memref<128x128xf32, #tpu.memory_space<vmem>>, vector<16xf32>,
          %get3A_880 = arith.index_cast %add3A_847 : i32 to index
          %get3A_881 = arith.constant 64 : index
          %get3A_882 = tpu.vector_load %arg12[%get3A_880, %get3A_881] {strides = array<i32>} : memref<128x128xf32, #tpu.memory_space<vmem>>, vector<16xf32>,
          %mul3A_883 = vector.broadcast %squeeze3A_843 : f32 to vector<16xf32>
          %mul3A_884 = arith.mulf %get3A_882, %mul3A_883 : vector<16xf32>
          %swap3A_885 = arith.index_cast %add3A_847 : i32 to index
          %swap3A_886 = arith.constant 64 : index
          %swap3A_887 = tpu.vector_load %arg12[%swap3A_885, %swap3A_886] {strides = array<i32>} : memref<128x128xf32, #tpu.memory_space<vmem>>, vector<16xf32>,
          tpu.vector_store %arg12[%swap3A_885, %swap3A_886], %mul3A_884 {strides = array<i32>} : memref<128x128xf32, #tpu.memory_space<vmem>>, vector<16xf32>,
          %get3A_888 = arith.index_cast %add3A_847 : i32 to index
          %get3A_889 = arith.constant 80 : index
          %get3A_890 = tpu.vector_load %arg12[%get3A_888, %get3A_889] {strides = array<i32>} : memref<128x128xf32, #tpu.memory_space<vmem>>, vector<16xf32>,
          %mul3A_891 = vector.broadcast %squeeze3A_843 : f32 to vector<16xf32>
          %mul3A_892 = arith.mulf %get3A_890, %mul3A_891 : vector<16xf32>
          %swap3A_893 = arith.index_cast %add3A_847 : i32 to index
          %swap3A_894 = arith.constant 80 : index
          %swap3A_895 = tpu.vector_load %arg12[%swap3A_893, %swap3A_894] {strides = array<i32>} : memref<128x128xf32, #tpu.memory_space<vmem>>, vector<16xf32>,
          tpu.vector_store %arg12[%swap3A_893, %swap3A_894], %mul3A_892 {strides = array<i32>} : memref<128x128xf32, #tpu.memory_space<vmem>>, vector<16xf32>,
          %get3A_896 = arith.index_cast %add3A_847 : i32 to index
          %get3A_897 = arith.constant 96 : index
          %get3A_898 = tpu.vector_load %arg12[%get3A_896, %get3A_897] {strides = array<i32>} : memref<128x128xf32, #tpu.memory_space<vmem>>, vector<16xf32>,
          %mul3A_899 = vector.broadcast %squeeze3A_843 : f32 to vector<16xf32>
          %mul3A_900 = arith.mulf %get3A_898, %mul3A_899 : vector<16xf32>
          %swap3A_901 = arith.index_cast %add3A_847 : i32 to index
          %swap3A_902 = arith.constant 96 : index
          %swap3A_903 = tpu.vector_load %arg12[%swap3A_901, %swap3A_902] {strides = array<i32>} : memref<128x128xf32, #tpu.memory_space<vmem>>, vector<16xf32>,
          tpu.vector_store %arg12[%swap3A_901, %swap3A_902], %mul3A_900 {strides = array<i32>} : memref<128x128xf32, #tpu.memory_space<vmem>>, vector<16xf32>,
          %get3A_904 = arith.index_cast %add3A_847 : i32 to index
          %get3A_905 = arith.constant 112 : index
          %get3A_906 = tpu.vector_load %arg12[%get3A_904, %get3A_905] {strides = array<i32>} : memref<128x128xf32, #tpu.memory_space<vmem>>, vector<16xf32>,
          %mul3A_907 = vector.broadcast %squeeze3A_843 : f32 to vector<16xf32>
          %mul3A_908 = arith.mulf %get3A_906, %mul3A_907 : vector<16xf32>
          %swap3A_909 = arith.index_cast %add3A_847 : i32 to index
          %swap3A_910 = arith.constant 112 : index
          %swap3A_911 = tpu.vector_load %arg12[%swap3A_909, %swap3A_910] {strides = array<i32>} : memref<128x128xf32, #tpu.memory_space<vmem>>, vector<16xf32>,
          tpu.vector_store %arg12[%swap3A_909, %swap3A_910], %mul3A_908 {strides = array<i32>} : memref<128x128xf32, #tpu.memory_space<vmem>>, vector<16xf32>,
          %slice3A_912 = vector.extract_strided_slice %get3A_493 {offsets = [6], sizes = [1], strides = [1]} : vector<16xf32> to vector<1xf32>
          %squeeze3A_913 = vector.extract %slice3A_912[0] : f32 from vector<1xf32>
          %mul3A_914 = arith.constant 16 : i32
          %mul3A_915 = arith.muli %scan3A_488, %mul3A_914 : i32
          %add3A_916 = arith.constant 6 : i32
          %add3A_917 = arith.addi %mul3A_915, %add3A_916 : i32
          %get3A_918 = arith.index_cast %add3A_917 : i32 to index
          %get3A_919 = arith.constant 0 : index
          %get3A_920 = tpu.vector_load %arg12[%get3A_918, %get3A_919] {strides = array<i32>} : memref<128x128xf32, #tpu.memory_space<vmem>>, vector<16xf32>,
          %mul3A_921 = vector.broadcast %squeeze3A_913 : f32 to vector<16xf32>
          %mul3A_922 = arith.mulf %get3A_920, %mul3A_921 : vector<16xf32>
          %swap3A_923 = arith.index_cast %add3A_917 : i32 to index
          %swap3A_924 = arith.constant 0 : index
          %swap3A_925 = tpu.vector_load %arg12[%swap3A_923, %swap3A_924] {strides = array<i32>} : memref<128x128xf32, #tpu.memory_space<vmem>>, vector<16xf32>,
          tpu.vector_store %arg12[%swap3A_923, %swap3A_924], %mul3A_922 {strides = array<i32>} : memref<128x128xf32, #tpu.memory_space<vmem>>, vector<16xf32>,
          %get3A_926 = arith.index_cast %add3A_917 : i32 to index
          %get3A_927 = arith.constant 16 : index
          %get3A_928 = tpu.vector_load %arg12[%get3A_926, %get3A_927] {strides = array<i32>} : memref<128x128xf32, #tpu.memory_space<vmem>>, vector<16xf32>,
          %mul3A_929 = vector.broadcast %squeeze3A_913 : f32 to vector<16xf32>
          %mul3A_930 = arith.mulf %get3A_928, %mul3A_929 : vector<16xf32>
          %swap3A_931 = arith.index_cast %add3A_917 : i32 to index
          %swap3A_932 = arith.constant 16 : index
          %swap3A_933 = tpu.vector_load %arg12[%swap3A_931, %swap3A_932] {strides = array<i32>} : memref<128x128xf32, #tpu.memory_space<vmem>>, vector<16xf32>,
          tpu.vector_store %arg12[%swap3A_931, %swap3A_932], %mul3A_930 {strides = array<i32>} : memref<128x128xf32, #tpu.memory_space<vmem>>, vector<16xf32>,
          %get3A_934 = arith.index_cast %add3A_917 : i32 to index
          %get3A_935 = arith.constant 32 : index
          %get3A_936 = tpu.vector_load %arg12[%get3A_934, %get3A_935] {strides = array<i32>} : memref<128x128xf32, #tpu.memory_space<vmem>>, vector<16xf32>,
          %mul3A_937 = vector.broadcast %squeeze3A_913 : f32 to vector<16xf32>
          %mul3A_938 = arith.mulf %get3A_936, %mul3A_937 : vector<16xf32>
          %swap3A_939 = arith.index_cast %add3A_917 : i32 to index
          %swap3A_940 = arith.constant 32 : index
          %swap3A_941 = tpu.vector_load %arg12[%swap3A_939, %swap3A_940] {strides = array<i32>} : memref<128x128xf32, #tpu.memory_space<vmem>>, vector<16xf32>,
          tpu.vector_store %arg12[%swap3A_939, %swap3A_940], %mul3A_938 {strides = array<i32>} : memref<128x128xf32, #tpu.memory_space<vmem>>, vector<16xf32>,
          %get3A_942 = arith.index_cast %add3A_917 : i32 to index
          %get3A_943 = arith.constant 48 : index
          %get3A_944 = tpu.vector_load %arg12[%get3A_942, %get3A_943] {strides = array<i32>} : memref<128x128xf32, #tpu.memory_space<vmem>>, vector<16xf32>,
          %mul3A_945 = vector.broadcast %squeeze3A_913 : f32 to vector<16xf32>
          %mul3A_946 = arith.mulf %get3A_944, %mul3A_945 : vector<16xf32>
          %swap3A_947 = arith.index_cast %add3A_917 : i32 to index
          %swap3A_948 = arith.constant 48 : index
          %swap3A_949 = tpu.vector_load %arg12[%swap3A_947, %swap3A_948] {strides = array<i32>} : memref<128x128xf32, #tpu.memory_space<vmem>>, vector<16xf32>,
          tpu.vector_store %arg12[%swap3A_947, %swap3A_948], %mul3A_946 {strides = array<i32>} : memref<128x128xf32, #tpu.memory_space<vmem>>, vector<16xf32>,
          %get3A_950 = arith.index_cast %add3A_917 : i32 to index
          %get3A_951 = arith.constant 64 : index
          %get3A_952 = tpu.vector_load %arg12[%get3A_950, %get3A_951] {strides = array<i32>} : memref<128x128xf32, #tpu.memory_space<vmem>>, vector<16xf32>,
          %mul3A_953 = vector.broadcast %squeeze3A_913 : f32 to vector<16xf32>
          %mul3A_954 = arith.mulf %get3A_952, %mul3A_953 : vector<16xf32>
          %swap3A_955 = arith.index_cast %add3A_917 : i32 to index
          %swap3A_956 = arith.constant 64 : index
          %swap3A_957 = tpu.vector_load %arg12[%swap3A_955, %swap3A_956] {strides = array<i32>} : memref<128x128xf32, #tpu.memory_space<vmem>>, vector<16xf32>,
          tpu.vector_store %arg12[%swap3A_955, %swap3A_956], %mul3A_954 {strides = array<i32>} : memref<128x128xf32, #tpu.memory_space<vmem>>, vector<16xf32>,
          %get3A_958 = arith.index_cast %add3A_917 : i32 to index
          %get3A_959 = arith.constant 80 : index
          %get3A_960 = tpu.vector_load %arg12[%get3A_958, %get3A_959] {strides = array<i32>} : memref<128x128xf32, #tpu.memory_space<vmem>>, vector<16xf32>,
          %mul3A_961 = vector.broadcast %squeeze3A_913 : f32 to vector<16xf32>
          %mul3A_962 = arith.mulf %get3A_960, %mul3A_961 : vector<16xf32>
          %swap3A_963 = arith.index_cast %add3A_917 : i32 to index
          %swap3A_964 = arith.constant 80 : index
          %swap3A_965 = tpu.vector_load %arg12[%swap3A_963, %swap3A_964] {strides = array<i32>} : memref<128x128xf32, #tpu.memory_space<vmem>>, vector<16xf32>,
          tpu.vector_store %arg12[%swap3A_963, %swap3A_964], %mul3A_962 {strides = array<i32>} : memref<128x128xf32, #tpu.memory_space<vmem>>, vector<16xf32>,
          %get3A_966 = arith.index_cast %add3A_917 : i32 to index
          %get3A_967 = arith.constant 96 : index
          %get3A_968 = tpu.vector_load %arg12[%get3A_966, %get3A_967] {strides = array<i32>} : memref<128x128xf32, #tpu.memory_space<vmem>>, vector<16xf32>,
          %mul3A_969 = vector.broadcast %squeeze3A_913 : f32 to vector<16xf32>
          %mul3A_970 = arith.mulf %get3A_968, %mul3A_969 : vector<16xf32>
          %swap3A_971 = arith.index_cast %add3A_917 : i32 to index
          %swap3A_972 = arith.constant 96 : index
          %swap3A_973 = tpu.vector_load %arg12[%swap3A_971, %swap3A_972] {strides = array<i32>} : memref<128x128xf32, #tpu.memory_space<vmem>>, vector<16xf32>,
          tpu.vector_store %arg12[%swap3A_971, %swap3A_972], %mul3A_970 {strides = array<i32>} : memref<128x128xf32, #tpu.memory_space<vmem>>, vector<16xf32>,
          %get3A_974 = arith.index_cast %add3A_917 : i32 to index
          %get3A_975 = arith.constant 112 : index
          %get3A_976 = tpu.vector_load %arg12[%get3A_974, %get3A_975] {strides = array<i32>} : memref<128x128xf32, #tpu.memory_space<vmem>>, vector<16xf32>,
          %mul3A_977 = vector.broadcast %squeeze3A_913 : f32 to vector<16xf32>
          %mul3A_978 = arith.mulf %get3A_976, %mul3A_977 : vector<16xf32>
          %swap3A_979 = arith.index_cast %add3A_917 : i32 to index
          %swap3A_980 = arith.constant 112 : index
          %swap3A_981 = tpu.vector_load %arg12[%swap3A_979, %swap3A_980] {strides = array<i32>} : memref<128x128xf32, #tpu.memory_space<vmem>>, vector<16xf32>,
          tpu.vector_store %arg12[%swap3A_979, %swap3A_980], %mul3A_978 {strides = array<i32>} : memref<128x128xf32, #tpu.memory_space<vmem>>, vector<16xf32>,
          %slice3A_982 = vector.extract_strided_slice %get3A_493 {offsets = [7], sizes = [1], strides = [1]} : vector<16xf32> to vector<1xf32>
          %squeeze3A_983 = vector.extract %slice3A_982[0] : f32 from vector<1xf32>
          %mul3A_984 = arith.constant 16 : i32
          %mul3A_985 = arith.muli %scan3A_488, %mul3A_984 : i32
          %add3A_986 = arith.constant 7 : i32
          %add3A_987 = arith.addi %mul3A_985, %add3A_986 : i32
          %get3A_988 = arith.index_cast %add3A_987 : i32 to index
          %get3A_989 = arith.constant 0 : index
          %get3A_990 = tpu.vector_load %arg12[%get3A_988, %get3A_989] {strides = array<i32>} : memref<128x128xf32, #tpu.memory_space<vmem>>, vector<16xf32>,
          %mul3A_991 = vector.broadcast %squeeze3A_983 : f32 to vector<16xf32>
          %mul3A_992 = arith.mulf %get3A_990, %mul3A_991 : vector<16xf32>
          %swap3A_993 = arith.index_cast %add3A_987 : i32 to index
          %swap3A_994 = arith.constant 0 : index
          %swap3A_995 = tpu.vector_load %arg12[%swap3A_993, %swap3A_994] {strides = array<i32>} : memref<128x128xf32, #tpu.memory_space<vmem>>, vector<16xf32>,
          tpu.vector_store %arg12[%swap3A_993, %swap3A_994], %mul3A_992 {strides = array<i32>} : memref<128x128xf32, #tpu.memory_space<vmem>>, vector<16xf32>,
          %get3A_996 = arith.index_cast %add3A_987 : i32 to index
          %get3A_997 = arith.constant 16 : index
          %get3A_998 = tpu.vector_load %arg12[%get3A_996, %get3A_997] {strides = array<i32>} : memref<128x128xf32, #tpu.memory_space<vmem>>, vector<16xf32>,
          %mul3A_999 = vector.broadcast %squeeze3A_983 : f32 to vector<16xf32>
          %mul3A_1000 = arith.mulf %get3A_998, %mul3A_999 : vector<16xf32>
          %swap3A_1001 = arith.index_cast %add3A_987 : i32 to index
          %swap3A_1002 = arith.constant 16 : index
          %swap3A_1003 = tpu.vector_load %arg12[%swap3A_1001, %swap3A_1002] {strides = array<i32>} : memref<128x128xf32, #tpu.memory_space<vmem>>, vector<16xf32>,
          tpu.vector_store %arg12[%swap3A_1001, %swap3A_1002], %mul3A_1000 {strides = array<i32>} : memref<128x128xf32, #tpu.memory_space<vmem>>, vector<16xf32>,
          %get3A_1004 = arith.index_cast %add3A_987 : i32 to index
          %get3A_1005 = arith.constant 32 : index
          %get3A_1006 = tpu.vector_load %arg12[%get3A_1004, %get3A_1005] {strides = array<i32>} : memref<128x128xf32, #tpu.memory_space<vmem>>, vector<16xf32>,
          %mul3A_1007 = vector.broadcast %squeeze3A_983 : f32 to vector<16xf32>
          %mul3A_1008 = arith.mulf %get3A_1006, %mul3A_1007 : vector<16xf32>
          %swap3A_1009 = arith.index_cast %add3A_987 : i32 to index
          %swap3A_1010 = arith.constant 32 : index
          %swap3A_1011 = tpu.vector_load %arg12[%swap3A_1009, %swap3A_1010] {strides = array<i32>} : memref<128x128xf32, #tpu.memory_space<vmem>>, vector<16xf32>,
          tpu.vector_store %arg12[%swap3A_1009, %swap3A_1010], %mul3A_1008 {strides = array<i32>} : memref<128x128xf32, #tpu.memory_space<vmem>>, vector<16xf32>,
          %get3A_1012 = arith.index_cast %add3A_987 : i32 to index
          %get3A_1013 = arith.constant 48 : index
          %get3A_1014 = tpu.vector_load %arg12[%get3A_1012, %get3A_1013] {strides = array<i32>} : memref<128x128xf32, #tpu.memory_space<vmem>>, vector<16xf32>,
          %mul3A_1015 = vector.broadcast %squeeze3A_983 : f32 to vector<16xf32>
          %mul3A_1016 = arith.mulf %get3A_1014, %mul3A_1015 : vector<16xf32>
          %swap3A_1017 = arith.index_cast %add3A_987 : i32 to index
          %swap3A_1018 = arith.constant 48 : index
          %swap3A_1019 = tpu.vector_load %arg12[%swap3A_1017, %swap3A_1018] {strides = array<i32>} : memref<128x128xf32, #tpu.memory_space<vmem>>, vector<16xf32>,
          tpu.vector_store %arg12[%swap3A_1017, %swap3A_1018], %mul3A_1016 {strides = array<i32>} : memref<128x128xf32, #tpu.memory_space<vmem>>, vector<16xf32>,
          %get3A_1020 = arith.index_cast %add3A_987 : i32 to index
          %get3A_1021 = arith.constant 64 : index
          %get3A_1022 = tpu.vector_load %arg12[%get3A_1020, %get3A_1021] {strides = array<i32>} : memref<128x128xf32, #tpu.memory_space<vmem>>, vector<16xf32>,
          %mul3A_1023 = vector.broadcast %squeeze3A_983 : f32 to vector<16xf32>
          %mul3A_1024 = arith.mulf %get3A_1022, %mul3A_1023 : vector<16xf32>
          %swap3A_1025 = arith.index_cast %add3A_987 : i32 to index
          %swap3A_1026 = arith.constant 64 : index
          %swap3A_1027 = tpu.vector_load %arg12[%swap3A_1025, %swap3A_1026] {strides = array<i32>} : memref<128x128xf32, #tpu.memory_space<vmem>>, vector<16xf32>,
          tpu.vector_store %arg12[%swap3A_1025, %swap3A_1026], %mul3A_1024 {strides = array<i32>} : memref<128x128xf32, #tpu.memory_space<vmem>>, vector<16xf32>,
          %get3A_1028 = arith.index_cast %add3A_987 : i32 to index
          %get3A_1029 = arith.constant 80 : index
          %get3A_1030 = tpu.vector_load %arg12[%get3A_1028, %get3A_1029] {strides = array<i32>} : memref<128x128xf32, #tpu.memory_space<vmem>>, vector<16xf32>,
          %mul3A_1031 = vector.broadcast %squeeze3A_983 : f32 to vector<16xf32>
          %mul3A_1032 = arith.mulf %get3A_1030, %mul3A_1031 : vector<16xf32>
          %swap3A_1033 = arith.index_cast %add3A_987 : i32 to index
          %swap3A_1034 = arith.constant 80 : index
          %swap3A_1035 = tpu.vector_load %arg12[%swap3A_1033, %swap3A_1034] {strides = array<i32>} : memref<128x128xf32, #tpu.memory_space<vmem>>, vector<16xf32>,
          tpu.vector_store %arg12[%swap3A_1033, %swap3A_1034], %mul3A_1032 {strides = array<i32>} : memref<128x128xf32, #tpu.memory_space<vmem>>, vector<16xf32>,
          %get3A_1036 = arith.index_cast %add3A_987 : i32 to index
          %get3A_1037 = arith.constant 96 : index
          %get3A_1038 = tpu.vector_load %arg12[%get3A_1036, %get3A_1037] {strides = array<i32>} : memref<128x128xf32, #tpu.memory_space<vmem>>, vector<16xf32>,
          %mul3A_1039 = vector.broadcast %squeeze3A_983 : f32 to vector<16xf32>
          %mul3A_1040 = arith.mulf %get3A_1038, %mul3A_1039 : vector<16xf32>
          %swap3A_1041 = arith.index_cast %add3A_987 : i32 to index
          %swap3A_1042 = arith.constant 96 : index
          %swap3A_1043 = tpu.vector_load %arg12[%swap3A_1041, %swap3A_1042] {strides = array<i32>} : memref<128x128xf32, #tpu.memory_space<vmem>>, vector<16xf32>,
          tpu.vector_store %arg12[%swap3A_1041, %swap3A_1042], %mul3A_1040 {strides = array<i32>} : memref<128x128xf32, #tpu.memory_space<vmem>>, vector<16xf32>,
          %get3A_1044 = arith.index_cast %add3A_987 : i32 to index
          %get3A_1045 = arith.constant 112 : index
          %get3A_1046 = tpu.vector_load %arg12[%get3A_1044, %get3A_1045] {strides = array<i32>} : memref<128x128xf32, #tpu.memory_space<vmem>>, vector<16xf32>,
          %mul3A_1047 = vector.broadcast %squeeze3A_983 : f32 to vector<16xf32>
          %mul3A_1048 = arith.mulf %get3A_1046, %mul3A_1047 : vector<16xf32>
          %swap3A_1049 = arith.index_cast %add3A_987 : i32 to index
          %swap3A_1050 = arith.constant 112 : index
          %swap3A_1051 = tpu.vector_load %arg12[%swap3A_1049, %swap3A_1050] {strides = array<i32>} : memref<128x128xf32, #tpu.memory_space<vmem>>, vector<16xf32>,
          tpu.vector_store %arg12[%swap3A_1049, %swap3A_1050], %mul3A_1048 {strides = array<i32>} : memref<128x128xf32, #tpu.memory_space<vmem>>, vector<16xf32>,
          %slice3A_1052 = vector.extract_strided_slice %get3A_493 {offsets = [8], sizes = [1], strides = [1]} : vector<16xf32> to vector<1xf32>
          %squeeze3A_1053 = vector.extract %slice3A_1052[0] : f32 from vector<1xf32>
          %mul3A_1054 = arith.constant 16 : i32
          %mul3A_1055 = arith.muli %scan3A_488, %mul3A_1054 : i32
          %add3A_1056 = arith.constant 8 : i32
          %add3A_1057 = arith.addi %mul3A_1055, %add3A_1056 : i32
          %get3A_1058 = arith.index_cast %add3A_1057 : i32 to index
          %get3A_1059 = arith.constant 0 : index
          %get3A_1060 = tpu.vector_load %arg12[%get3A_1058, %get3A_1059] {strides = array<i32>} : memref<128x128xf32, #tpu.memory_space<vmem>>, vector<16xf32>,
          %mul3A_1061 = vector.broadcast %squeeze3A_1053 : f32 to vector<16xf32>
          %mul3A_1062 = arith.mulf %get3A_1060, %mul3A_1061 : vector<16xf32>
          %swap3A_1063 = arith.index_cast %add3A_1057 : i32 to index
          %swap3A_1064 = arith.constant 0 : index
          %swap3A_1065 = tpu.vector_load %arg12[%swap3A_1063, %swap3A_1064] {strides = array<i32>} : memref<128x128xf32, #tpu.memory_space<vmem>>, vector<16xf32>,
          tpu.vector_store %arg12[%swap3A_1063, %swap3A_1064], %mul3A_1062 {strides = array<i32>} : memref<128x128xf32, #tpu.memory_space<vmem>>, vector<16xf32>,
          %get3A_1066 = arith.index_cast %add3A_1057 : i32 to index
          %get3A_1067 = arith.constant 16 : index
          %get3A_1068 = tpu.vector_load %arg12[%get3A_1066, %get3A_1067] {strides = array<i32>} : memref<128x128xf32, #tpu.memory_space<vmem>>, vector<16xf32>,
          %mul3A_1069 = vector.broadcast %squeeze3A_1053 : f32 to vector<16xf32>
          %mul3A_1070 = arith.mulf %get3A_1068, %mul3A_1069 : vector<16xf32>
          %swap3A_1071 = arith.index_cast %add3A_1057 : i32 to index
          %swap3A_1072 = arith.constant 16 : index
          %swap3A_1073 = tpu.vector_load %arg12[%swap3A_1071, %swap3A_1072] {strides = array<i32>} : memref<128x128xf32, #tpu.memory_space<vmem>>, vector<16xf32>,
          tpu.vector_store %arg12[%swap3A_1071, %swap3A_1072], %mul3A_1070 {strides = array<i32>} : memref<128x128xf32, #tpu.memory_space<vmem>>, vector<16xf32>,
          %get3A_1074 = arith.index_cast %add3A_1057 : i32 to index
          %get3A_1075 = arith.constant 32 : index
          %get3A_1076 = tpu.vector_load %arg12[%get3A_1074, %get3A_1075] {strides = array<i32>} : memref<128x128xf32, #tpu.memory_space<vmem>>, vector<16xf32>,
          %mul3A_1077 = vector.broadcast %squeeze3A_1053 : f32 to vector<16xf32>
          %mul3A_1078 = arith.mulf %get3A_1076, %mul3A_1077 : vector<16xf32>
          %swap3A_1079 = arith.index_cast %add3A_1057 : i32 to index
          %swap3A_1080 = arith.constant 32 : index
          %swap3A_1081 = tpu.vector_load %arg12[%swap3A_1079, %swap3A_1080] {strides = array<i32>} : memref<128x128xf32, #tpu.memory_space<vmem>>, vector<16xf32>,
          tpu.vector_store %arg12[%swap3A_1079, %swap3A_1080], %mul3A_1078 {strides = array<i32>} : memref<128x128xf32, #tpu.memory_space<vmem>>, vector<16xf32>,
          %get3A_1082 = arith.index_cast %add3A_1057 : i32 to index
          %get3A_1083 = arith.constant 48 : index
          %get3A_1084 = tpu.vector_load %arg12[%get3A_1082, %get3A_1083] {strides = array<i32>} : memref<128x128xf32, #tpu.memory_space<vmem>>, vector<16xf32>,
          %mul3A_1085 = vector.broadcast %squeeze3A_1053 : f32 to vector<16xf32>
          %mul3A_1086 = arith.mulf %get3A_1084, %mul3A_1085 : vector<16xf32>
          %swap3A_1087 = arith.index_cast %add3A_1057 : i32 to index
          %swap3A_1088 = arith.constant 48 : index
          %swap3A_1089 = tpu.vector_load %arg12[%swap3A_1087, %swap3A_1088] {strides = array<i32>} : memref<128x128xf32, #tpu.memory_space<vmem>>, vector<16xf32>,
          tpu.vector_store %arg12[%swap3A_1087, %swap3A_1088], %mul3A_1086 {strides = array<i32>} : memref<128x128xf32, #tpu.memory_space<vmem>>, vector<16xf32>,
          %get3A_1090 = arith.index_cast %add3A_1057 : i32 to index
          %get3A_1091 = arith.constant 64 : index
          %get3A_1092 = tpu.vector_load %arg12[%get3A_1090, %get3A_1091] {strides = array<i32>} : memref<128x128xf32, #tpu.memory_space<vmem>>, vector<16xf32>,
          %mul3A_1093 = vector.broadcast %squeeze3A_1053 : f32 to vector<16xf32>
          %mul3A_1094 = arith.mulf %get3A_1092, %mul3A_1093 : vector<16xf32>
          %swap3A_1095 = arith.index_cast %add3A_1057 : i32 to index
          %swap3A_1096 = arith.constant 64 : index
          %swap3A_1097 = tpu.vector_load %arg12[%swap3A_1095, %swap3A_1096] {strides = array<i32>} : memref<128x128xf32, #tpu.memory_space<vmem>>, vector<16xf32>,
          tpu.vector_store %arg12[%swap3A_1095, %swap3A_1096], %mul3A_1094 {strides = array<i32>} : memref<128x128xf32, #tpu.memory_space<vmem>>, vector<16xf32>,
          %get3A_1098 = arith.index_cast %add3A_1057 : i32 to index
          %get3A_1099 = arith.constant 80 : index
          %get3A_1100 = tpu.vector_load %arg12[%get3A_1098, %get3A_1099] {strides = array<i32>} : memref<128x128xf32, #tpu.memory_space<vmem>>, vector<16xf32>,
          %mul3A_1101 = vector.broadcast %squeeze3A_1053 : f32 to vector<16xf32>
          %mul3A_1102 = arith.mulf %get3A_1100, %mul3A_1101 : vector<16xf32>
          %swap3A_1103 = arith.index_cast %add3A_1057 : i32 to index
          %swap3A_1104 = arith.constant 80 : index
          %swap3A_1105 = tpu.vector_load %arg12[%swap3A_1103, %swap3A_1104] {strides = array<i32>} : memref<128x128xf32, #tpu.memory_space<vmem>>, vector<16xf32>,
          tpu.vector_store %arg12[%swap3A_1103, %swap3A_1104], %mul3A_1102 {strides = array<i32>} : memref<128x128xf32, #tpu.memory_space<vmem>>, vector<16xf32>,
          %get3A_1106 = arith.index_cast %add3A_1057 : i32 to index
          %get3A_1107 = arith.constant 96 : index
          %get3A_1108 = tpu.vector_load %arg12[%get3A_1106, %get3A_1107] {strides = array<i32>} : memref<128x128xf32, #tpu.memory_space<vmem>>, vector<16xf32>,
          %mul3A_1109 = vector.broadcast %squeeze3A_1053 : f32 to vector<16xf32>
          %mul3A_1110 = arith.mulf %get3A_1108, %mul3A_1109 : vector<16xf32>
          %swap3A_1111 = arith.index_cast %add3A_1057 : i32 to index
          %swap3A_1112 = arith.constant 96 : index
          %swap3A_1113 = tpu.vector_load %arg12[%swap3A_1111, %swap3A_1112] {strides = array<i32>} : memref<128x128xf32, #tpu.memory_space<vmem>>, vector<16xf32>,
          tpu.vector_store %arg12[%swap3A_1111, %swap3A_1112], %mul3A_1110 {strides = array<i32>} : memref<128x128xf32, #tpu.memory_space<vmem>>, vector<16xf32>,
          %get3A_1114 = arith.index_cast %add3A_1057 : i32 to index
          %get3A_1115 = arith.constant 112 : index
          %get3A_1116 = tpu.vector_load %arg12[%get3A_1114, %get3A_1115] {strides = array<i32>} : memref<128x128xf32, #tpu.memory_space<vmem>>, vector<16xf32>,
          %mul3A_1117 = vector.broadcast %squeeze3A_1053 : f32 to vector<16xf32>
          %mul3A_1118 = arith.mulf %get3A_1116, %mul3A_1117 : vector<16xf32>
          %swap3A_1119 = arith.index_cast %add3A_1057 : i32 to index
          %swap3A_1120 = arith.constant 112 : index
          %swap3A_1121 = tpu.vector_load %arg12[%swap3A_1119, %swap3A_1120] {strides = array<i32>} : memref<128x128xf32, #tpu.memory_space<vmem>>, vector<16xf32>,
          tpu.vector_store %arg12[%swap3A_1119, %swap3A_1120], %mul3A_1118 {strides = array<i32>} : memref<128x128xf32, #tpu.memory_space<vmem>>, vector<16xf32>,
          %slice3A_1122 = vector.extract_strided_slice %get3A_493 {offsets = [9], sizes = [1], strides = [1]} : vector<16xf32> to vector<1xf32>
          %squeeze3A_1123 = vector.extract %slice3A_1122[0] : f32 from vector<1xf32>
          %mul3A_1124 = arith.constant 16 : i32
          %mul3A_1125 = arith.muli %scan3A_488, %mul3A_1124 : i32
          %add3A_1126 = arith.constant 9 : i32
          %add3A_1127 = arith.addi %mul3A_1125, %add3A_1126 : i32
          %get3A_1128 = arith.index_cast %add3A_1127 : i32 to index
          %get3A_1129 = arith.constant 0 : index
          %get3A_1130 = tpu.vector_load %arg12[%get3A_1128, %get3A_1129] {strides = array<i32>} : memref<128x128xf32, #tpu.memory_space<vmem>>, vector<16xf32>,
          %mul3A_1131 = vector.broadcast %squeeze3A_1123 : f32 to vector<16xf32>
          %mul3A_1132 = arith.mulf %get3A_1130, %mul3A_1131 : vector<16xf32>
          %swap3A_1133 = arith.index_cast %add3A_1127 : i32 to index
          %swap3A_1134 = arith.constant 0 : index
          %swap3A_1135 = tpu.vector_load %arg12[%swap3A_1133, %swap3A_1134] {strides = array<i32>} : memref<128x128xf32, #tpu.memory_space<vmem>>, vector<16xf32>,
          tpu.vector_store %arg12[%swap3A_1133, %swap3A_1134], %mul3A_1132 {strides = array<i32>} : memref<128x128xf32, #tpu.memory_space<vmem>>, vector<16xf32>,
          %get3A_1136 = arith.index_cast %add3A_1127 : i32 to index
          %get3A_1137 = arith.constant 16 : index
          %get3A_1138 = tpu.vector_load %arg12[%get3A_1136, %get3A_1137] {strides = array<i32>} : memref<128x128xf32, #tpu.memory_space<vmem>>, vector<16xf32>,
          %mul3A_1139 = vector.broadcast %squeeze3A_1123 : f32 to vector<16xf32>
          %mul3A_1140 = arith.mulf %get3A_1138, %mul3A_1139 : vector<16xf32>
          %swap3A_1141 = arith.index_cast %add3A_1127 : i32 to index
          %swap3A_1142 = arith.constant 16 : index
          %swap3A_1143 = tpu.vector_load %arg12[%swap3A_1141, %swap3A_1142] {strides = array<i32>} : memref<128x128xf32, #tpu.memory_space<vmem>>, vector<16xf32>,
          tpu.vector_store %arg12[%swap3A_1141, %swap3A_1142], %mul3A_1140 {strides = array<i32>} : memref<128x128xf32, #tpu.memory_space<vmem>>, vector<16xf32>,
          %get3A_1144 = arith.index_cast %add3A_1127 : i32 to index
          %get3A_1145 = arith.constant 32 : index
          %get3A_1146 = tpu.vector_load %arg12[%get3A_1144, %get3A_1145] {strides = array<i32>} : memref<128x128xf32, #tpu.memory_space<vmem>>, vector<16xf32>,
          %mul3A_1147 = vector.broadcast %squeeze3A_1123 : f32 to vector<16xf32>
          %mul3A_1148 = arith.mulf %get3A_1146, %mul3A_1147 : vector<16xf32>
          %swap3A_1149 = arith.index_cast %add3A_1127 : i32 to index
          %swap3A_1150 = arith.constant 32 : index
          %swap3A_1151 = tpu.vector_load %arg12[%swap3A_1149, %swap3A_1150] {strides = array<i32>} : memref<128x128xf32, #tpu.memory_space<vmem>>, vector<16xf32>,
          tpu.vector_store %arg12[%swap3A_1149, %swap3A_1150], %mul3A_1148 {strides = array<i32>} : memref<128x128xf32, #tpu.memory_space<vmem>>, vector<16xf32>,
          %get3A_1152 = arith.index_cast %add3A_1127 : i32 to index
          %get3A_1153 = arith.constant 48 : index
          %get3A_1154 = tpu.vector_load %arg12[%get3A_1152, %get3A_1153] {strides = array<i32>} : memref<128x128xf32, #tpu.memory_space<vmem>>, vector<16xf32>,
          %mul3A_1155 = vector.broadcast %squeeze3A_1123 : f32 to vector<16xf32>
          %mul3A_1156 = arith.mulf %get3A_1154, %mul3A_1155 : vector<16xf32>
          %swap3A_1157 = arith.index_cast %add3A_1127 : i32 to index
          %swap3A_1158 = arith.constant 48 : index
          %swap3A_1159 = tpu.vector_load %arg12[%swap3A_1157, %swap3A_1158] {strides = array<i32>} : memref<128x128xf32, #tpu.memory_space<vmem>>, vector<16xf32>,
          tpu.vector_store %arg12[%swap3A_1157, %swap3A_1158], %mul3A_1156 {strides = array<i32>} : memref<128x128xf32, #tpu.memory_space<vmem>>, vector<16xf32>,
          %get3A_1160 = arith.index_cast %add3A_1127 : i32 to index
          %get3A_1161 = arith.constant 64 : index
          %get3A_1162 = tpu.vector_load %arg12[%get3A_1160, %get3A_1161] {strides = array<i32>} : memref<128x128xf32, #tpu.memory_space<vmem>>, vector<16xf32>,
          %mul3A_1163 = vector.broadcast %squeeze3A_1123 : f32 to vector<16xf32>
          %mul3A_1164 = arith.mulf %get3A_1162, %mul3A_1163 : vector<16xf32>
          %swap3A_1165 = arith.index_cast %add3A_1127 : i32 to index
          %swap3A_1166 = arith.constant 64 : index
          %swap3A_1167 = tpu.vector_load %arg12[%swap3A_1165, %swap3A_1166] {strides = array<i32>} : memref<128x128xf32, #tpu.memory_space<vmem>>, vector<16xf32>,
          tpu.vector_store %arg12[%swap3A_1165, %swap3A_1166], %mul3A_1164 {strides = array<i32>} : memref<128x128xf32, #tpu.memory_space<vmem>>, vector<16xf32>,
          %get3A_1168 = arith.index_cast %add3A_1127 : i32 to index
          %get3A_1169 = arith.constant 80 : index
          %get3A_1170 = tpu.vector_load %arg12[%get3A_1168, %get3A_1169] {strides = array<i32>} : memref<128x128xf32, #tpu.memory_space<vmem>>, vector<16xf32>,
          %mul3A_1171 = vector.broadcast %squeeze3A_1123 : f32 to vector<16xf32>
          %mul3A_1172 = arith.mulf %get3A_1170, %mul3A_1171 : vector<16xf32>
          %swap3A_1173 = arith.index_cast %add3A_1127 : i32 to index
          %swap3A_1174 = arith.constant 80 : index
          %swap3A_1175 = tpu.vector_load %arg12[%swap3A_1173, %swap3A_1174] {strides = array<i32>} : memref<128x128xf32, #tpu.memory_space<vmem>>, vector<16xf32>,
          tpu.vector_store %arg12[%swap3A_1173, %swap3A_1174], %mul3A_1172 {strides = array<i32>} : memref<128x128xf32, #tpu.memory_space<vmem>>, vector<16xf32>,
          %get3A_1176 = arith.index_cast %add3A_1127 : i32 to index
          %get3A_1177 = arith.constant 96 : index
          %get3A_1178 = tpu.vector_load %arg12[%get3A_1176, %get3A_1177] {strides = array<i32>} : memref<128x128xf32, #tpu.memory_space<vmem>>, vector<16xf32>,
          %mul3A_1179 = vector.broadcast %squeeze3A_1123 : f32 to vector<16xf32>
          %mul3A_1180 = arith.mulf %get3A_1178, %mul3A_1179 : vector<16xf32>
          %swap3A_1181 = arith.index_cast %add3A_1127 : i32 to index
          %swap3A_1182 = arith.constant 96 : index
          %swap3A_1183 = tpu.vector_load %arg12[%swap3A_1181, %swap3A_1182] {strides = array<i32>} : memref<128x128xf32, #tpu.memory_space<vmem>>, vector<16xf32>,
          tpu.vector_store %arg12[%swap3A_1181, %swap3A_1182], %mul3A_1180 {strides = array<i32>} : memref<128x128xf32, #tpu.memory_space<vmem>>, vector<16xf32>,
          %get3A_1184 = arith.index_cast %add3A_1127 : i32 to index
          %get3A_1185 = arith.constant 112 : index
          %get3A_1186 = tpu.vector_load %arg12[%get3A_1184, %get3A_1185] {strides = array<i32>} : memref<128x128xf32, #tpu.memory_space<vmem>>, vector<16xf32>,
          %mul3A_1187 = vector.broadcast %squeeze3A_1123 : f32 to vector<16xf32>
          %mul3A_1188 = arith.mulf %get3A_1186, %mul3A_1187 : vector<16xf32>
          %swap3A_1189 = arith.index_cast %add3A_1127 : i32 to index
          %swap3A_1190 = arith.constant 112 : index
          %swap3A_1191 = tpu.vector_load %arg12[%swap3A_1189, %swap3A_1190] {strides = array<i32>} : memref<128x128xf32, #tpu.memory_space<vmem>>, vector<16xf32>,
          tpu.vector_store %arg12[%swap3A_1189, %swap3A_1190], %mul3A_1188 {strides = array<i32>} : memref<128x128xf32, #tpu.memory_space<vmem>>, vector<16xf32>,
          %slice3A_1192 = vector.extract_strided_slice %get3A_493 {offsets = [10], sizes = [1], strides = [1]} : vector<16xf32> to vector<1xf32>
          %squeeze3A_1193 = vector.extract %slice3A_1192[0] : f32 from vector<1xf32>
          %mul3A_1194 = arith.constant 16 : i32
          %mul3A_1195 = arith.muli %scan3A_488, %mul3A_1194 : i32
          %add3A_1196 = arith.constant 10 : i32
          %add3A_1197 = arith.addi %mul3A_1195, %add3A_1196 : i32
          %get3A_1198 = arith.index_cast %add3A_1197 : i32 to index
          %get3A_1199 = arith.constant 0 : index
          %get3A_1200 = tpu.vector_load %arg12[%get3A_1198, %get3A_1199] {strides = array<i32>} : memref<128x128xf32, #tpu.memory_space<vmem>>, vector<16xf32>,
          %mul3A_1201 = vector.broadcast %squeeze3A_1193 : f32 to vector<16xf32>
          %mul3A_1202 = arith.mulf %get3A_1200, %mul3A_1201 : vector<16xf32>
          %swap3A_1203 = arith.index_cast %add3A_1197 : i32 to index
          %swap3A_1204 = arith.constant 0 : index
          %swap3A_1205 = tpu.vector_load %arg12[%swap3A_1203, %swap3A_1204] {strides = array<i32>} : memref<128x128xf32, #tpu.memory_space<vmem>>, vector<16xf32>,
          tpu.vector_store %arg12[%swap3A_1203, %swap3A_1204], %mul3A_1202 {strides = array<i32>} : memref<128x128xf32, #tpu.memory_space<vmem>>, vector<16xf32>,
          %get3A_1206 = arith.index_cast %add3A_1197 : i32 to index
          %get3A_1207 = arith.constant 16 : index
          %get3A_1208 = tpu.vector_load %arg12[%get3A_1206, %get3A_1207] {strides = array<i32>} : memref<128x128xf32, #tpu.memory_space<vmem>>, vector<16xf32>,
          %mul3A_1209 = vector.broadcast %squeeze3A_1193 : f32 to vector<16xf32>
          %mul3A_1210 = arith.mulf %get3A_1208, %mul3A_1209 : vector<16xf32>
          %swap3A_1211 = arith.index_cast %add3A_1197 : i32 to index
          %swap3A_1212 = arith.constant 16 : index
          %swap3A_1213 = tpu.vector_load %arg12[%swap3A_1211, %swap3A_1212] {strides = array<i32>} : memref<128x128xf32, #tpu.memory_space<vmem>>, vector<16xf32>,
          tpu.vector_store %arg12[%swap3A_1211, %swap3A_1212], %mul3A_1210 {strides = array<i32>} : memref<128x128xf32, #tpu.memory_space<vmem>>, vector<16xf32>,
          %get3A_1214 = arith.index_cast %add3A_1197 : i32 to index
          %get3A_1215 = arith.constant 32 : index
          %get3A_1216 = tpu.vector_load %arg12[%get3A_1214, %get3A_1215] {strides = array<i32>} : memref<128x128xf32, #tpu.memory_space<vmem>>, vector<16xf32>,
          %mul3A_1217 = vector.broadcast %squeeze3A_1193 : f32 to vector<16xf32>
          %mul3A_1218 = arith.mulf %get3A_1216, %mul3A_1217 : vector<16xf32>
          %swap3A_1219 = arith.index_cast %add3A_1197 : i32 to index
          %swap3A_1220 = arith.constant 32 : index
          %swap3A_1221 = tpu.vector_load %arg12[%swap3A_1219, %swap3A_1220] {strides = array<i32>} : memref<128x128xf32, #tpu.memory_space<vmem>>, vector<16xf32>,
          tpu.vector_store %arg12[%swap3A_1219, %swap3A_1220], %mul3A_1218 {strides = array<i32>} : memref<128x128xf32, #tpu.memory_space<vmem>>, vector<16xf32>,
          %get3A_1222 = arith.index_cast %add3A_1197 : i32 to index
          %get3A_1223 = arith.constant 48 : index
          %get3A_1224 = tpu.vector_load %arg12[%get3A_1222, %get3A_1223] {strides = array<i32>} : memref<128x128xf32, #tpu.memory_space<vmem>>, vector<16xf32>,
          %mul3A_1225 = vector.broadcast %squeeze3A_1193 : f32 to vector<16xf32>
          %mul3A_1226 = arith.mulf %get3A_1224, %mul3A_1225 : vector<16xf32>
          %swap3A_1227 = arith.index_cast %add3A_1197 : i32 to index
          %swap3A_1228 = arith.constant 48 : index
          %swap3A_1229 = tpu.vector_load %arg12[%swap3A_1227, %swap3A_1228] {strides = array<i32>} : memref<128x128xf32, #tpu.memory_space<vmem>>, vector<16xf32>,
          tpu.vector_store %arg12[%swap3A_1227, %swap3A_1228], %mul3A_1226 {strides = array<i32>} : memref<128x128xf32, #tpu.memory_space<vmem>>, vector<16xf32>,
          %get3A_1230 = arith.index_cast %add3A_1197 : i32 to index
          %get3A_1231 = arith.constant 64 : index
          %get3A_1232 = tpu.vector_load %arg12[%get3A_1230, %get3A_1231] {strides = array<i32>} : memref<128x128xf32, #tpu.memory_space<vmem>>, vector<16xf32>,
          %mul3A_1233 = vector.broadcast %squeeze3A_1193 : f32 to vector<16xf32>
          %mul3A_1234 = arith.mulf %get3A_1232, %mul3A_1233 : vector<16xf32>
          %swap3A_1235 = arith.index_cast %add3A_1197 : i32 to index
          %swap3A_1236 = arith.constant 64 : index
          %swap3A_1237 = tpu.vector_load %arg12[%swap3A_1235, %swap3A_1236] {strides = array<i32>} : memref<128x128xf32, #tpu.memory_space<vmem>>, vector<16xf32>,
          tpu.vector_store %arg12[%swap3A_1235, %swap3A_1236], %mul3A_1234 {strides = array<i32>} : memref<128x128xf32, #tpu.memory_space<vmem>>, vector<16xf32>,
          %get3A_1238 = arith.index_cast %add3A_1197 : i32 to index
          %get3A_1239 = arith.constant 80 : index
          %get3A_1240 = tpu.vector_load %arg12[%get3A_1238, %get3A_1239] {strides = array<i32>} : memref<128x128xf32, #tpu.memory_space<vmem>>, vector<16xf32>,
          %mul3A_1241 = vector.broadcast %squeeze3A_1193 : f32 to vector<16xf32>
          %mul3A_1242 = arith.mulf %get3A_1240, %mul3A_1241 : vector<16xf32>
          %swap3A_1243 = arith.index_cast %add3A_1197 : i32 to index
          %swap3A_1244 = arith.constant 80 : index
          %swap3A_1245 = tpu.vector_load %arg12[%swap3A_1243, %swap3A_1244] {strides = array<i32>} : memref<128x128xf32, #tpu.memory_space<vmem>>, vector<16xf32>,
          tpu.vector_store %arg12[%swap3A_1243, %swap3A_1244], %mul3A_1242 {strides = array<i32>} : memref<128x128xf32, #tpu.memory_space<vmem>>, vector<16xf32>,
          %get3A_1246 = arith.index_cast %add3A_1197 : i32 to index
          %get3A_1247 = arith.constant 96 : index
          %get3A_1248 = tpu.vector_load %arg12[%get3A_1246, %get3A_1247] {strides = array<i32>} : memref<128x128xf32, #tpu.memory_space<vmem>>, vector<16xf32>,
          %mul3A_1249 = vector.broadcast %squeeze3A_1193 : f32 to vector<16xf32>
          %mul3A_1250 = arith.mulf %get3A_1248, %mul3A_1249 : vector<16xf32>
          %swap3A_1251 = arith.index_cast %add3A_1197 : i32 to index
          %swap3A_1252 = arith.constant 96 : index
          %swap3A_1253 = tpu.vector_load %arg12[%swap3A_1251, %swap3A_1252] {strides = array<i32>} : memref<128x128xf32, #tpu.memory_space<vmem>>, vector<16xf32>,
          tpu.vector_store %arg12[%swap3A_1251, %swap3A_1252], %mul3A_1250 {strides = array<i32>} : memref<128x128xf32, #tpu.memory_space<vmem>>, vector<16xf32>,
          %get3A_1254 = arith.index_cast %add3A_1197 : i32 to index
          %get3A_1255 = arith.constant 112 : index
          %get3A_1256 = tpu.vector_load %arg12[%get3A_1254, %get3A_1255] {strides = array<i32>} : memref<128x128xf32, #tpu.memory_space<vmem>>, vector<16xf32>,
          %mul3A_1257 = vector.broadcast %squeeze3A_1193 : f32 to vector<16xf32>
          %mul3A_1258 = arith.mulf %get3A_1256, %mul3A_1257 : vector<16xf32>
          %swap3A_1259 = arith.index_cast %add3A_1197 : i32 to index
          %swap3A_1260 = arith.constant 112 : index
          %swap3A_1261 = tpu.vector_load %arg12[%swap3A_1259, %swap3A_1260] {strides = array<i32>} : memref<128x128xf32, #tpu.memory_space<vmem>>, vector<16xf32>,
          tpu.vector_store %arg12[%swap3A_1259, %swap3A_1260], %mul3A_1258 {strides = array<i32>} : memref<128x128xf32, #tpu.memory_space<vmem>>, vector<16xf32>,
          %slice3A_1262 = vector.extract_strided_slice %get3A_493 {offsets = [11], sizes = [1], strides = [1]} : vector<16xf32> to vector<1xf32>
          %squeeze3A_1263 = vector.extract %slice3A_1262[0] : f32 from vector<1xf32>
          %mul3A_1264 = arith.constant 16 : i32
          %mul3A_1265 = arith.muli %scan3A_488, %mul3A_1264 : i32
          %add3A_1266 = arith.constant 11 : i32
          %add3A_1267 = arith.addi %mul3A_1265, %add3A_1266 : i32
          %get3A_1268 = arith.index_cast %add3A_1267 : i32 to index
          %get3A_1269 = arith.constant 0 : index
          %get3A_1270 = tpu.vector_load %arg12[%get3A_1268, %get3A_1269] {strides = array<i32>} : memref<128x128xf32, #tpu.memory_space<vmem>>, vector<16xf32>,
          %mul3A_1271 = vector.broadcast %squeeze3A_1263 : f32 to vector<16xf32>
          %mul3A_1272 = arith.mulf %get3A_1270, %mul3A_1271 : vector<16xf32>
          %swap3A_1273 = arith.index_cast %add3A_1267 : i32 to index
          %swap3A_1274 = arith.constant 0 : index
          %swap3A_1275 = tpu.vector_load %arg12[%swap3A_1273, %swap3A_1274] {strides = array<i32>} : memref<128x128xf32, #tpu.memory_space<vmem>>, vector<16xf32>,
          tpu.vector_store %arg12[%swap3A_1273, %swap3A_1274], %mul3A_1272 {strides = array<i32>} : memref<128x128xf32, #tpu.memory_space<vmem>>, vector<16xf32>,
          %get3A_1276 = arith.index_cast %add3A_1267 : i32 to index
          %get3A_1277 = arith.constant 16 : index
          %get3A_1278 = tpu.vector_load %arg12[%get3A_1276, %get3A_1277] {strides = array<i32>} : memref<128x128xf32, #tpu.memory_space<vmem>>, vector<16xf32>,
          %mul3A_1279 = vector.broadcast %squeeze3A_1263 : f32 to vector<16xf32>
          %mul3A_1280 = arith.mulf %get3A_1278, %mul3A_1279 : vector<16xf32>
          %swap3A_1281 = arith.index_cast %add3A_1267 : i32 to index
          %swap3A_1282 = arith.constant 16 : index
          %swap3A_1283 = tpu.vector_load %arg12[%swap3A_1281, %swap3A_1282] {strides = array<i32>} : memref<128x128xf32, #tpu.memory_space<vmem>>, vector<16xf32>,
          tpu.vector_store %arg12[%swap3A_1281, %swap3A_1282], %mul3A_1280 {strides = array<i32>} : memref<128x128xf32, #tpu.memory_space<vmem>>, vector<16xf32>,
          %get3A_1284 = arith.index_cast %add3A_1267 : i32 to index
          %get3A_1285 = arith.constant 32 : index
          %get3A_1286 = tpu.vector_load %arg12[%get3A_1284, %get3A_1285] {strides = array<i32>} : memref<128x128xf32, #tpu.memory_space<vmem>>, vector<16xf32>,
          %mul3A_1287 = vector.broadcast %squeeze3A_1263 : f32 to vector<16xf32>
          %mul3A_1288 = arith.mulf %get3A_1286, %mul3A_1287 : vector<16xf32>
          %swap3A_1289 = arith.index_cast %add3A_1267 : i32 to index
          %swap3A_1290 = arith.constant 32 : index
          %swap3A_1291 = tpu.vector_load %arg12[%swap3A_1289, %swap3A_1290] {strides = array<i32>} : memref<128x128xf32, #tpu.memory_space<vmem>>, vector<16xf32>,
          tpu.vector_store %arg12[%swap3A_1289, %swap3A_1290], %mul3A_1288 {strides = array<i32>} : memref<128x128xf32, #tpu.memory_space<vmem>>, vector<16xf32>,
          %get3A_1292 = arith.index_cast %add3A_1267 : i32 to index
          %get3A_1293 = arith.constant 48 : index
          %get3A_1294 = tpu.vector_load %arg12[%get3A_1292, %get3A_1293] {strides = array<i32>} : memref<128x128xf32, #tpu.memory_space<vmem>>, vector<16xf32>,
          %mul3A_1295 = vector.broadcast %squeeze3A_1263 : f32 to vector<16xf32>
          %mul3A_1296 = arith.mulf %get3A_1294, %mul3A_1295 : vector<16xf32>
          %swap3A_1297 = arith.index_cast %add3A_1267 : i32 to index
          %swap3A_1298 = arith.constant 48 : index
          %swap3A_1299 = tpu.vector_load %arg12[%swap3A_1297, %swap3A_1298] {strides = array<i32>} : memref<128x128xf32, #tpu.memory_space<vmem>>, vector<16xf32>,
          tpu.vector_store %arg12[%swap3A_1297, %swap3A_1298], %mul3A_1296 {strides = array<i32>} : memref<128x128xf32, #tpu.memory_space<vmem>>, vector<16xf32>,
          %get3A_1300 = arith.index_cast %add3A_1267 : i32 to index
          %get3A_1301 = arith.constant 64 : index
          %get3A_1302 = tpu.vector_load %arg12[%get3A_1300, %get3A_1301] {strides = array<i32>} : memref<128x128xf32, #tpu.memory_space<vmem>>, vector<16xf32>,
          %mul3A_1303 = vector.broadcast %squeeze3A_1263 : f32 to vector<16xf32>
          %mul3A_1304 = arith.mulf %get3A_1302, %mul3A_1303 : vector<16xf32>
          %swap3A_1305 = arith.index_cast %add3A_1267 : i32 to index
          %swap3A_1306 = arith.constant 64 : index
          %swap3A_1307 = tpu.vector_load %arg12[%swap3A_1305, %swap3A_1306] {strides = array<i32>} : memref<128x128xf32, #tpu.memory_space<vmem>>, vector<16xf32>,
          tpu.vector_store %arg12[%swap3A_1305, %swap3A_1306], %mul3A_1304 {strides = array<i32>} : memref<128x128xf32, #tpu.memory_space<vmem>>, vector<16xf32>,
          %get3A_1308 = arith.index_cast %add3A_1267 : i32 to index
          %get3A_1309 = arith.constant 80 : index
          %get3A_1310 = tpu.vector_load %arg12[%get3A_1308, %get3A_1309] {strides = array<i32>} : memref<128x128xf32, #tpu.memory_space<vmem>>, vector<16xf32>,
          %mul3A_1311 = vector.broadcast %squeeze3A_1263 : f32 to vector<16xf32>
          %mul3A_1312 = arith.mulf %get3A_1310, %mul3A_1311 : vector<16xf32>
          %swap3A_1313 = arith.index_cast %add3A_1267 : i32 to index
          %swap3A_1314 = arith.constant 80 : index
          %swap3A_1315 = tpu.vector_load %arg12[%swap3A_1313, %swap3A_1314] {strides = array<i32>} : memref<128x128xf32, #tpu.memory_space<vmem>>, vector<16xf32>,
          tpu.vector_store %arg12[%swap3A_1313, %swap3A_1314], %mul3A_1312 {strides = array<i32>} : memref<128x128xf32, #tpu.memory_space<vmem>>, vector<16xf32>,
          %get3A_1316 = arith.index_cast %add3A_1267 : i32 to index
          %get3A_1317 = arith.constant 96 : index
          %get3A_1318 = tpu.vector_load %arg12[%get3A_1316, %get3A_1317] {strides = array<i32>} : memref<128x128xf32, #tpu.memory_space<vmem>>, vector<16xf32>,
          %mul3A_1319 = vector.broadcast %squeeze3A_1263 : f32 to vector<16xf32>
          %mul3A_1320 = arith.mulf %get3A_1318, %mul3A_1319 : vector<16xf32>
          %swap3A_1321 = arith.index_cast %add3A_1267 : i32 to index
          %swap3A_1322 = arith.constant 96 : index
          %swap3A_1323 = tpu.vector_load %arg12[%swap3A_1321, %swap3A_1322] {strides = array<i32>} : memref<128x128xf32, #tpu.memory_space<vmem>>, vector<16xf32>,
          tpu.vector_store %arg12[%swap3A_1321, %swap3A_1322], %mul3A_1320 {strides = array<i32>} : memref<128x128xf32, #tpu.memory_space<vmem>>, vector<16xf32>,
          %get3A_1324 = arith.index_cast %add3A_1267 : i32 to index
          %get3A_1325 = arith.constant 112 : index
          %get3A_1326 = tpu.vector_load %arg12[%get3A_1324, %get3A_1325] {strides = array<i32>} : memref<128x128xf32, #tpu.memory_space<vmem>>, vector<16xf32>,
          %mul3A_1327 = vector.broadcast %squeeze3A_1263 : f32 to vector<16xf32>
          %mul3A_1328 = arith.mulf %get3A_1326, %mul3A_1327 : vector<16xf32>
          %swap3A_1329 = arith.index_cast %add3A_1267 : i32 to index
          %swap3A_1330 = arith.constant 112 : index
          %swap3A_1331 = tpu.vector_load %arg12[%swap3A_1329, %swap3A_1330] {strides = array<i32>} : memref<128x128xf32, #tpu.memory_space<vmem>>, vector<16xf32>,
          tpu.vector_store %arg12[%swap3A_1329, %swap3A_1330], %mul3A_1328 {strides = array<i32>} : memref<128x128xf32, #tpu.memory_space<vmem>>, vector<16xf32>,
          %slice3A_1332 = vector.extract_strided_slice %get3A_493 {offsets = [12], sizes = [1], strides = [1]} : vector<16xf32> to vector<1xf32>
          %squeeze3A_1333 = vector.extract %slice3A_1332[0] : f32 from vector<1xf32>
          %mul3A_1334 = arith.constant 16 : i32
          %mul3A_1335 = arith.muli %scan3A_488, %mul3A_1334 : i32
          %add3A_1336 = arith.constant 12 : i32
          %add3A_1337 = arith.addi %mul3A_1335, %add3A_1336 : i32
          %get3A_1338 = arith.index_cast %add3A_1337 : i32 to index
          %get3A_1339 = arith.constant 0 : index
          %get3A_1340 = tpu.vector_load %arg12[%get3A_1338, %get3A_1339] {strides = array<i32>} : memref<128x128xf32, #tpu.memory_space<vmem>>, vector<16xf32>,
          %mul3A_1341 = vector.broadcast %squeeze3A_1333 : f32 to vector<16xf32>
          %mul3A_1342 = arith.mulf %get3A_1340, %mul3A_1341 : vector<16xf32>
          %swap3A_1343 = arith.index_cast %add3A_1337 : i32 to index
          %swap3A_1344 = arith.constant 0 : index
          %swap3A_1345 = tpu.vector_load %arg12[%swap3A_1343, %swap3A_1344] {strides = array<i32>} : memref<128x128xf32, #tpu.memory_space<vmem>>, vector<16xf32>,
          tpu.vector_store %arg12[%swap3A_1343, %swap3A_1344], %mul3A_1342 {strides = array<i32>} : memref<128x128xf32, #tpu.memory_space<vmem>>, vector<16xf32>,
          %get3A_1346 = arith.index_cast %add3A_1337 : i32 to index
          %get3A_1347 = arith.constant 16 : index
          %get3A_1348 = tpu.vector_load %arg12[%get3A_1346, %get3A_1347] {strides = array<i32>} : memref<128x128xf32, #tpu.memory_space<vmem>>, vector<16xf32>,
          %mul3A_1349 = vector.broadcast %squeeze3A_1333 : f32 to vector<16xf32>
          %mul3A_1350 = arith.mulf %get3A_1348, %mul3A_1349 : vector<16xf32>
          %swap3A_1351 = arith.index_cast %add3A_1337 : i32 to index
          %swap3A_1352 = arith.constant 16 : index
          %swap3A_1353 = tpu.vector_load %arg12[%swap3A_1351, %swap3A_1352] {strides = array<i32>} : memref<128x128xf32, #tpu.memory_space<vmem>>, vector<16xf32>,
          tpu.vector_store %arg12[%swap3A_1351, %swap3A_1352], %mul3A_1350 {strides = array<i32>} : memref<128x128xf32, #tpu.memory_space<vmem>>, vector<16xf32>,
          %get3A_1354 = arith.index_cast %add3A_1337 : i32 to index
          %get3A_1355 = arith.constant 32 : index
          %get3A_1356 = tpu.vector_load %arg12[%get3A_1354, %get3A_1355] {strides = array<i32>} : memref<128x128xf32, #tpu.memory_space<vmem>>, vector<16xf32>,
          %mul3A_1357 = vector.broadcast %squeeze3A_1333 : f32 to vector<16xf32>
          %mul3A_1358 = arith.mulf %get3A_1356, %mul3A_1357 : vector<16xf32>
          %swap3A_1359 = arith.index_cast %add3A_1337 : i32 to index
          %swap3A_1360 = arith.constant 32 : index
          %swap3A_1361 = tpu.vector_load %arg12[%swap3A_1359, %swap3A_1360] {strides = array<i32>} : memref<128x128xf32, #tpu.memory_space<vmem>>, vector<16xf32>,
          tpu.vector_store %arg12[%swap3A_1359, %swap3A_1360], %mul3A_1358 {strides = array<i32>} : memref<128x128xf32, #tpu.memory_space<vmem>>, vector<16xf32>,
          %get3A_1362 = arith.index_cast %add3A_1337 : i32 to index
          %get3A_1363 = arith.constant 48 : index
          %get3A_1364 = tpu.vector_load %arg12[%get3A_1362, %get3A_1363] {strides = array<i32>} : memref<128x128xf32, #tpu.memory_space<vmem>>, vector<16xf32>,
          %mul3A_1365 = vector.broadcast %squeeze3A_1333 : f32 to vector<16xf32>
          %mul3A_1366 = arith.mulf %get3A_1364, %mul3A_1365 : vector<16xf32>
          %swap3A_1367 = arith.index_cast %add3A_1337 : i32 to index
          %swap3A_1368 = arith.constant 48 : index
          %swap3A_1369 = tpu.vector_load %arg12[%swap3A_1367, %swap3A_1368] {strides = array<i32>} : memref<128x128xf32, #tpu.memory_space<vmem>>, vector<16xf32>,
          tpu.vector_store %arg12[%swap3A_1367, %swap3A_1368], %mul3A_1366 {strides = array<i32>} : memref<128x128xf32, #tpu.memory_space<vmem>>, vector<16xf32>,
          %get3A_1370 = arith.index_cast %add3A_1337 : i32 to index
          %get3A_1371 = arith.constant 64 : index
          %get3A_1372 = tpu.vector_load %arg12[%get3A_1370, %get3A_1371] {strides = array<i32>} : memref<128x128xf32, #tpu.memory_space<vmem>>, vector<16xf32>,
          %mul3A_1373 = vector.broadcast %squeeze3A_1333 : f32 to vector<16xf32>
          %mul3A_1374 = arith.mulf %get3A_1372, %mul3A_1373 : vector<16xf32>
          %swap3A_1375 = arith.index_cast %add3A_1337 : i32 to index
          %swap3A_1376 = arith.constant 64 : index
          %swap3A_1377 = tpu.vector_load %arg12[%swap3A_1375, %swap3A_1376] {strides = array<i32>} : memref<128x128xf32, #tpu.memory_space<vmem>>, vector<16xf32>,
          tpu.vector_store %arg12[%swap3A_1375, %swap3A_1376], %mul3A_1374 {strides = array<i32>} : memref<128x128xf32, #tpu.memory_space<vmem>>, vector<16xf32>,
          %get3A_1378 = arith.index_cast %add3A_1337 : i32 to index
          %get3A_1379 = arith.constant 80 : index
          %get3A_1380 = tpu.vector_load %arg12[%get3A_1378, %get3A_1379] {strides = array<i32>} : memref<128x128xf32, #tpu.memory_space<vmem>>, vector<16xf32>,
          %mul3A_1381 = vector.broadcast %squeeze3A_1333 : f32 to vector<16xf32>
          %mul3A_1382 = arith.mulf %get3A_1380, %mul3A_1381 : vector<16xf32>
          %swap3A_1383 = arith.index_cast %add3A_1337 : i32 to index
          %swap3A_1384 = arith.constant 80 : index
          %swap3A_1385 = tpu.vector_load %arg12[%swap3A_1383, %swap3A_1384] {strides = array<i32>} : memref<128x128xf32, #tpu.memory_space<vmem>>, vector<16xf32>,
          tpu.vector_store %arg12[%swap3A_1383, %swap3A_1384], %mul3A_1382 {strides = array<i32>} : memref<128x128xf32, #tpu.memory_space<vmem>>, vector<16xf32>,
          %get3A_1386 = arith.index_cast %add3A_1337 : i32 to index
          %get3A_1387 = arith.constant 96 : index
          %get3A_1388 = tpu.vector_load %arg12[%get3A_1386, %get3A_1387] {strides = array<i32>} : memref<128x128xf32, #tpu.memory_space<vmem>>, vector<16xf32>,
          %mul3A_1389 = vector.broadcast %squeeze3A_1333 : f32 to vector<16xf32>
          %mul3A_1390 = arith.mulf %get3A_1388, %mul3A_1389 : vector<16xf32>
          %swap3A_1391 = arith.index_cast %add3A_1337 : i32 to index
          %swap3A_1392 = arith.constant 96 : index
          %swap3A_1393 = tpu.vector_load %arg12[%swap3A_1391, %swap3A_1392] {strides = array<i32>} : memref<128x128xf32, #tpu.memory_space<vmem>>, vector<16xf32>,
          tpu.vector_store %arg12[%swap3A_1391, %swap3A_1392], %mul3A_1390 {strides = array<i32>} : memref<128x128xf32, #tpu.memory_space<vmem>>, vector<16xf32>,
          %get3A_1394 = arith.index_cast %add3A_1337 : i32 to index
          %get3A_1395 = arith.constant 112 : index
          %get3A_1396 = tpu.vector_load %arg12[%get3A_1394, %get3A_1395] {strides = array<i32>} : memref<128x128xf32, #tpu.memory_space<vmem>>, vector<16xf32>,
          %mul3A_1397 = vector.broadcast %squeeze3A_1333 : f32 to vector<16xf32>
          %mul3A_1398 = arith.mulf %get3A_1396, %mul3A_1397 : vector<16xf32>
          %swap3A_1399 = arith.index_cast %add3A_1337 : i32 to index
          %swap3A_1400 = arith.constant 112 : index
          %swap3A_1401 = tpu.vector_load %arg12[%swap3A_1399, %swap3A_1400] {strides = array<i32>} : memref<128x128xf32, #tpu.memory_space<vmem>>, vector<16xf32>,
          tpu.vector_store %arg12[%swap3A_1399, %swap3A_1400], %mul3A_1398 {strides = array<i32>} : memref<128x128xf32, #tpu.memory_space<vmem>>, vector<16xf32>,
          %slice3A_1402 = vector.extract_strided_slice %get3A_493 {offsets = [13], sizes = [1], strides = [1]} : vector<16xf32> to vector<1xf32>
          %squeeze3A_1403 = vector.extract %slice3A_1402[0] : f32 from vector<1xf32>
          %mul3A_1404 = arith.constant 16 : i32
          %mul3A_1405 = arith.muli %scan3A_488, %mul3A_1404 : i32
          %add3A_1406 = arith.constant 13 : i32
          %add3A_1407 = arith.addi %mul3A_1405, %add3A_1406 : i32
          %get3A_1408 = arith.index_cast %add3A_1407 : i32 to index
          %get3A_1409 = arith.constant 0 : index
          %get3A_1410 = tpu.vector_load %arg12[%get3A_1408, %get3A_1409] {strides = array<i32>} : memref<128x128xf32, #tpu.memory_space<vmem>>, vector<16xf32>,
          %mul3A_1411 = vector.broadcast %squeeze3A_1403 : f32 to vector<16xf32>
          %mul3A_1412 = arith.mulf %get3A_1410, %mul3A_1411 : vector<16xf32>
          %swap3A_1413 = arith.index_cast %add3A_1407 : i32 to index
          %swap3A_1414 = arith.constant 0 : index
          %swap3A_1415 = tpu.vector_load %arg12[%swap3A_1413, %swap3A_1414] {strides = array<i32>} : memref<128x128xf32, #tpu.memory_space<vmem>>, vector<16xf32>,
          tpu.vector_store %arg12[%swap3A_1413, %swap3A_1414], %mul3A_1412 {strides = array<i32>} : memref<128x128xf32, #tpu.memory_space<vmem>>, vector<16xf32>,
          %get3A_1416 = arith.index_cast %add3A_1407 : i32 to index
          %get3A_1417 = arith.constant 16 : index
          %get3A_1418 = tpu.vector_load %arg12[%get3A_1416, %get3A_1417] {strides = array<i32>} : memref<128x128xf32, #tpu.memory_space<vmem>>, vector<16xf32>,
          %mul3A_1419 = vector.broadcast %squeeze3A_1403 : f32 to vector<16xf32>
          %mul3A_1420 = arith.mulf %get3A_1418, %mul3A_1419 : vector<16xf32>
          %swap3A_1421 = arith.index_cast %add3A_1407 : i32 to index
          %swap3A_1422 = arith.constant 16 : index
          %swap3A_1423 = tpu.vector_load %arg12[%swap3A_1421, %swap3A_1422] {strides = array<i32>} : memref<128x128xf32, #tpu.memory_space<vmem>>, vector<16xf32>,
          tpu.vector_store %arg12[%swap3A_1421, %swap3A_1422], %mul3A_1420 {strides = array<i32>} : memref<128x128xf32, #tpu.memory_space<vmem>>, vector<16xf32>,
          %get3A_1424 = arith.index_cast %add3A_1407 : i32 to index
          %get3A_1425 = arith.constant 32 : index
          %get3A_1426 = tpu.vector_load %arg12[%get3A_1424, %get3A_1425] {strides = array<i32>} : memref<128x128xf32, #tpu.memory_space<vmem>>, vector<16xf32>,
          %mul3A_1427 = vector.broadcast %squeeze3A_1403 : f32 to vector<16xf32>
          %mul3A_1428 = arith.mulf %get3A_1426, %mul3A_1427 : vector<16xf32>
          %swap3A_1429 = arith.index_cast %add3A_1407 : i32 to index
          %swap3A_1430 = arith.constant 32 : index
          %swap3A_1431 = tpu.vector_load %arg12[%swap3A_1429, %swap3A_1430] {strides = array<i32>} : memref<128x128xf32, #tpu.memory_space<vmem>>, vector<16xf32>,
          tpu.vector_store %arg12[%swap3A_1429, %swap3A_1430], %mul3A_1428 {strides = array<i32>} : memref<128x128xf32, #tpu.memory_space<vmem>>, vector<16xf32>,
          %get3A_1432 = arith.index_cast %add3A_1407 : i32 to index
          %get3A_1433 = arith.constant 48 : index
          %get3A_1434 = tpu.vector_load %arg12[%get3A_1432, %get3A_1433] {strides = array<i32>} : memref<128x128xf32, #tpu.memory_space<vmem>>, vector<16xf32>,
          %mul3A_1435 = vector.broadcast %squeeze3A_1403 : f32 to vector<16xf32>
          %mul3A_1436 = arith.mulf %get3A_1434, %mul3A_1435 : vector<16xf32>
          %swap3A_1437 = arith.index_cast %add3A_1407 : i32 to index
          %swap3A_1438 = arith.constant 48 : index
          %swap3A_1439 = tpu.vector_load %arg12[%swap3A_1437, %swap3A_1438] {strides = array<i32>} : memref<128x128xf32, #tpu.memory_space<vmem>>, vector<16xf32>,
          tpu.vector_store %arg12[%swap3A_1437, %swap3A_1438], %mul3A_1436 {strides = array<i32>} : memref<128x128xf32, #tpu.memory_space<vmem>>, vector<16xf32>,
          %get3A_1440 = arith.index_cast %add3A_1407 : i32 to index
          %get3A_1441 = arith.constant 64 : index
          %get3A_1442 = tpu.vector_load %arg12[%get3A_1440, %get3A_1441] {strides = array<i32>} : memref<128x128xf32, #tpu.memory_space<vmem>>, vector<16xf32>,
          %mul3A_1443 = vector.broadcast %squeeze3A_1403 : f32 to vector<16xf32>
          %mul3A_1444 = arith.mulf %get3A_1442, %mul3A_1443 : vector<16xf32>
          %swap3A_1445 = arith.index_cast %add3A_1407 : i32 to index
          %swap3A_1446 = arith.constant 64 : index
          %swap3A_1447 = tpu.vector_load %arg12[%swap3A_1445, %swap3A_1446] {strides = array<i32>} : memref<128x128xf32, #tpu.memory_space<vmem>>, vector<16xf32>,
          tpu.vector_store %arg12[%swap3A_1445, %swap3A_1446], %mul3A_1444 {strides = array<i32>} : memref<128x128xf32, #tpu.memory_space<vmem>>, vector<16xf32>,
          %get3A_1448 = arith.index_cast %add3A_1407 : i32 to index
          %get3A_1449 = arith.constant 80 : index
          %get3A_1450 = tpu.vector_load %arg12[%get3A_1448, %get3A_1449] {strides = array<i32>} : memref<128x128xf32, #tpu.memory_space<vmem>>, vector<16xf32>,
          %mul3A_1451 = vector.broadcast %squeeze3A_1403 : f32 to vector<16xf32>
          %mul3A_1452 = arith.mulf %get3A_1450, %mul3A_1451 : vector<16xf32>
          %swap3A_1453 = arith.index_cast %add3A_1407 : i32 to index
          %swap3A_1454 = arith.constant 80 : index
          %swap3A_1455 = tpu.vector_load %arg12[%swap3A_1453, %swap3A_1454] {strides = array<i32>} : memref<128x128xf32, #tpu.memory_space<vmem>>, vector<16xf32>,
          tpu.vector_store %arg12[%swap3A_1453, %swap3A_1454], %mul3A_1452 {strides = array<i32>} : memref<128x128xf32, #tpu.memory_space<vmem>>, vector<16xf32>,
          %get3A_1456 = arith.index_cast %add3A_1407 : i32 to index
          %get3A_1457 = arith.constant 96 : index
          %get3A_1458 = tpu.vector_load %arg12[%get3A_1456, %get3A_1457] {strides = array<i32>} : memref<128x128xf32, #tpu.memory_space<vmem>>, vector<16xf32>,
          %mul3A_1459 = vector.broadcast %squeeze3A_1403 : f32 to vector<16xf32>
          %mul3A_1460 = arith.mulf %get3A_1458, %mul3A_1459 : vector<16xf32>
          %swap3A_1461 = arith.index_cast %add3A_1407 : i32 to index
          %swap3A_1462 = arith.constant 96 : index
          %swap3A_1463 = tpu.vector_load %arg12[%swap3A_1461, %swap3A_1462] {strides = array<i32>} : memref<128x128xf32, #tpu.memory_space<vmem>>, vector<16xf32>,
          tpu.vector_store %arg12[%swap3A_1461, %swap3A_1462], %mul3A_1460 {strides = array<i32>} : memref<128x128xf32, #tpu.memory_space<vmem>>, vector<16xf32>,
          %get3A_1464 = arith.index_cast %add3A_1407 : i32 to index
          %get3A_1465 = arith.constant 112 : index
          %get3A_1466 = tpu.vector_load %arg12[%get3A_1464, %get3A_1465] {strides = array<i32>} : memref<128x128xf32, #tpu.memory_space<vmem>>, vector<16xf32>,
          %mul3A_1467 = vector.broadcast %squeeze3A_1403 : f32 to vector<16xf32>
          %mul3A_1468 = arith.mulf %get3A_1466, %mul3A_1467 : vector<16xf32>
          %swap3A_1469 = arith.index_cast %add3A_1407 : i32 to index
          %swap3A_1470 = arith.constant 112 : index
          %swap3A_1471 = tpu.vector_load %arg12[%swap3A_1469, %swap3A_1470] {strides = array<i32>} : memref<128x128xf32, #tpu.memory_space<vmem>>, vector<16xf32>,
          tpu.vector_store %arg12[%swap3A_1469, %swap3A_1470], %mul3A_1468 {strides = array<i32>} : memref<128x128xf32, #tpu.memory_space<vmem>>, vector<16xf32>,
          %slice3A_1472 = vector.extract_strided_slice %get3A_493 {offsets = [14], sizes = [1], strides = [1]} : vector<16xf32> to vector<1xf32>
          %squeeze3A_1473 = vector.extract %slice3A_1472[0] : f32 from vector<1xf32>
          %mul3A_1474 = arith.constant 16 : i32
          %mul3A_1475 = arith.muli %scan3A_488, %mul3A_1474 : i32
          %add3A_1476 = arith.constant 14 : i32
          %add3A_1477 = arith.addi %mul3A_1475, %add3A_1476 : i32
          %get3A_1478 = arith.index_cast %add3A_1477 : i32 to index
          %get3A_1479 = arith.constant 0 : index
          %get3A_1480 = tpu.vector_load %arg12[%get3A_1478, %get3A_1479] {strides = array<i32>} : memref<128x128xf32, #tpu.memory_space<vmem>>, vector<16xf32>,
          %mul3A_1481 = vector.broadcast %squeeze3A_1473 : f32 to vector<16xf32>
          %mul3A_1482 = arith.mulf %get3A_1480, %mul3A_1481 : vector<16xf32>
          %swap3A_1483 = arith.index_cast %add3A_1477 : i32 to index
          %swap3A_1484 = arith.constant 0 : index
          %swap3A_1485 = tpu.vector_load %arg12[%swap3A_1483, %swap3A_1484] {strides = array<i32>} : memref<128x128xf32, #tpu.memory_space<vmem>>, vector<16xf32>,
          tpu.vector_store %arg12[%swap3A_1483, %swap3A_1484], %mul3A_1482 {strides = array<i32>} : memref<128x128xf32, #tpu.memory_space<vmem>>, vector<16xf32>,
          %get3A_1486 = arith.index_cast %add3A_1477 : i32 to index
          %get3A_1487 = arith.constant 16 : index
          %get3A_1488 = tpu.vector_load %arg12[%get3A_1486, %get3A_1487] {strides = array<i32>} : memref<128x128xf32, #tpu.memory_space<vmem>>, vector<16xf32>,
          %mul3A_1489 = vector.broadcast %squeeze3A_1473 : f32 to vector<16xf32>
          %mul3A_1490 = arith.mulf %get3A_1488, %mul3A_1489 : vector<16xf32>
          %swap3A_1491 = arith.index_cast %add3A_1477 : i32 to index
          %swap3A_1492 = arith.constant 16 : index
          %swap3A_1493 = tpu.vector_load %arg12[%swap3A_1491, %swap3A_1492] {strides = array<i32>} : memref<128x128xf32, #tpu.memory_space<vmem>>, vector<16xf32>,
          tpu.vector_store %arg12[%swap3A_1491, %swap3A_1492], %mul3A_1490 {strides = array<i32>} : memref<128x128xf32, #tpu.memory_space<vmem>>, vector<16xf32>,
          %get3A_1494 = arith.index_cast %add3A_1477 : i32 to index
          %get3A_1495 = arith.constant 32 : index
          %get3A_1496 = tpu.vector_load %arg12[%get3A_1494, %get3A_1495] {strides = array<i32>} : memref<128x128xf32, #tpu.memory_space<vmem>>, vector<16xf32>,
          %mul3A_1497 = vector.broadcast %squeeze3A_1473 : f32 to vector<16xf32>
          %mul3A_1498 = arith.mulf %get3A_1496, %mul3A_1497 : vector<16xf32>
          %swap3A_1499 = arith.index_cast %add3A_1477 : i32 to index
          %swap3A_1500 = arith.constant 32 : index
          %swap3A_1501 = tpu.vector_load %arg12[%swap3A_1499, %swap3A_1500] {strides = array<i32>} : memref<128x128xf32, #tpu.memory_space<vmem>>, vector<16xf32>,
          tpu.vector_store %arg12[%swap3A_1499, %swap3A_1500], %mul3A_1498 {strides = array<i32>} : memref<128x128xf32, #tpu.memory_space<vmem>>, vector<16xf32>,
          %get3A_1502 = arith.index_cast %add3A_1477 : i32 to index
          %get3A_1503 = arith.constant 48 : index
          %get3A_1504 = tpu.vector_load %arg12[%get3A_1502, %get3A_1503] {strides = array<i32>} : memref<128x128xf32, #tpu.memory_space<vmem>>, vector<16xf32>,
          %mul3A_1505 = vector.broadcast %squeeze3A_1473 : f32 to vector<16xf32>
          %mul3A_1506 = arith.mulf %get3A_1504, %mul3A_1505 : vector<16xf32>
          %swap3A_1507 = arith.index_cast %add3A_1477 : i32 to index
          %swap3A_1508 = arith.constant 48 : index
          %swap3A_1509 = tpu.vector_load %arg12[%swap3A_1507, %swap3A_1508] {strides = array<i32>} : memref<128x128xf32, #tpu.memory_space<vmem>>, vector<16xf32>,
          tpu.vector_store %arg12[%swap3A_1507, %swap3A_1508], %mul3A_1506 {strides = array<i32>} : memref<128x128xf32, #tpu.memory_space<vmem>>, vector<16xf32>,
          %get3A_1510 = arith.index_cast %add3A_1477 : i32 to index
          %get3A_1511 = arith.constant 64 : index
          %get3A_1512 = tpu.vector_load %arg12[%get3A_1510, %get3A_1511] {strides = array<i32>} : memref<128x128xf32, #tpu.memory_space<vmem>>, vector<16xf32>,
          %mul3A_1513 = vector.broadcast %squeeze3A_1473 : f32 to vector<16xf32>
          %mul3A_1514 = arith.mulf %get3A_1512, %mul3A_1513 : vector<16xf32>
          %swap3A_1515 = arith.index_cast %add3A_1477 : i32 to index
          %swap3A_1516 = arith.constant 64 : index
          %swap3A_1517 = tpu.vector_load %arg12[%swap3A_1515, %swap3A_1516] {strides = array<i32>} : memref<128x128xf32, #tpu.memory_space<vmem>>, vector<16xf32>,
          tpu.vector_store %arg12[%swap3A_1515, %swap3A_1516], %mul3A_1514 {strides = array<i32>} : memref<128x128xf32, #tpu.memory_space<vmem>>, vector<16xf32>,
          %get3A_1518 = arith.index_cast %add3A_1477 : i32 to index
          %get3A_1519 = arith.constant 80 : index
          %get3A_1520 = tpu.vector_load %arg12[%get3A_1518, %get3A_1519] {strides = array<i32>} : memref<128x128xf32, #tpu.memory_space<vmem>>, vector<16xf32>,
          %mul3A_1521 = vector.broadcast %squeeze3A_1473 : f32 to vector<16xf32>
          %mul3A_1522 = arith.mulf %get3A_1520, %mul3A_1521 : vector<16xf32>
          %swap3A_1523 = arith.index_cast %add3A_1477 : i32 to index
          %swap3A_1524 = arith.constant 80 : index
          %swap3A_1525 = tpu.vector_load %arg12[%swap3A_1523, %swap3A_1524] {strides = array<i32>} : memref<128x128xf32, #tpu.memory_space<vmem>>, vector<16xf32>,
          tpu.vector_store %arg12[%swap3A_1523, %swap3A_1524], %mul3A_1522 {strides = array<i32>} : memref<128x128xf32, #tpu.memory_space<vmem>>, vector<16xf32>,
          %get3A_1526 = arith.index_cast %add3A_1477 : i32 to index
          %get3A_1527 = arith.constant 96 : index
          %get3A_1528 = tpu.vector_load %arg12[%get3A_1526, %get3A_1527] {strides = array<i32>} : memref<128x128xf32, #tpu.memory_space<vmem>>, vector<16xf32>,
          %mul3A_1529 = vector.broadcast %squeeze3A_1473 : f32 to vector<16xf32>
          %mul3A_1530 = arith.mulf %get3A_1528, %mul3A_1529 : vector<16xf32>
          %swap3A_1531 = arith.index_cast %add3A_1477 : i32 to index
          %swap3A_1532 = arith.constant 96 : index
          %swap3A_1533 = tpu.vector_load %arg12[%swap3A_1531, %swap3A_1532] {strides = array<i32>} : memref<128x128xf32, #tpu.memory_space<vmem>>, vector<16xf32>,
          tpu.vector_store %arg12[%swap3A_1531, %swap3A_1532], %mul3A_1530 {strides = array<i32>} : memref<128x128xf32, #tpu.memory_space<vmem>>, vector<16xf32>,
          %get3A_1534 = arith.index_cast %add3A_1477 : i32 to index
          %get3A_1535 = arith.constant 112 : index
          %get3A_1536 = tpu.vector_load %arg12[%get3A_1534, %get3A_1535] {strides = array<i32>} : memref<128x128xf32, #tpu.memory_space<vmem>>, vector<16xf32>,
          %mul3A_1537 = vector.broadcast %squeeze3A_1473 : f32 to vector<16xf32>
          %mul3A_1538 = arith.mulf %get3A_1536, %mul3A_1537 : vector<16xf32>
          %swap3A_1539 = arith.index_cast %add3A_1477 : i32 to index
          %swap3A_1540 = arith.constant 112 : index
          %swap3A_1541 = tpu.vector_load %arg12[%swap3A_1539, %swap3A_1540] {strides = array<i32>} : memref<128x128xf32, #tpu.memory_space<vmem>>, vector<16xf32>,
          tpu.vector_store %arg12[%swap3A_1539, %swap3A_1540], %mul3A_1538 {strides = array<i32>} : memref<128x128xf32, #tpu.memory_space<vmem>>, vector<16xf32>,
          %slice3A_1542 = vector.extract_strided_slice %get3A_493 {offsets = [15], sizes = [1], strides = [1]} : vector<16xf32> to vector<1xf32>
          %squeeze3A_1543 = vector.extract %slice3A_1542[0] : f32 from vector<1xf32>
          %mul3A_1544 = arith.constant 16 : i32
          %mul3A_1545 = arith.muli %scan3A_488, %mul3A_1544 : i32
          %add3A_1546 = arith.constant 15 : i32
          %add3A_1547 = arith.addi %mul3A_1545, %add3A_1546 : i32
          %get3A_1548 = arith.index_cast %add3A_1547 : i32 to index
          %get3A_1549 = arith.constant 0 : index
          %get3A_1550 = tpu.vector_load %arg12[%get3A_1548, %get3A_1549] {strides = array<i32>} : memref<128x128xf32, #tpu.memory_space<vmem>>, vector<16xf32>,
          %mul3A_1551 = vector.broadcast %squeeze3A_1543 : f32 to vector<16xf32>
          %mul3A_1552 = arith.mulf %get3A_1550, %mul3A_1551 : vector<16xf32>
          %swap3A_1553 = arith.index_cast %add3A_1547 : i32 to index
          %swap3A_1554 = arith.constant 0 : index
          %swap3A_1555 = tpu.vector_load %arg12[%swap3A_1553, %swap3A_1554] {strides = array<i32>} : memref<128x128xf32, #tpu.memory_space<vmem>>, vector<16xf32>,
          tpu.vector_store %arg12[%swap3A_1553, %swap3A_1554], %mul3A_1552 {strides = array<i32>} : memref<128x128xf32, #tpu.memory_space<vmem>>, vector<16xf32>,
          %get3A_1556 = arith.index_cast %add3A_1547 : i32 to index
          %get3A_1557 = arith.constant 16 : index
          %get3A_1558 = tpu.vector_load %arg12[%get3A_1556, %get3A_1557] {strides = array<i32>} : memref<128x128xf32, #tpu.memory_space<vmem>>, vector<16xf32>,
          %mul3A_1559 = vector.broadcast %squeeze3A_1543 : f32 to vector<16xf32>
          %mul3A_1560 = arith.mulf %get3A_1558, %mul3A_1559 : vector<16xf32>
          %swap3A_1561 = arith.index_cast %add3A_1547 : i32 to index
          %swap3A_1562 = arith.constant 16 : index
          %swap3A_1563 = tpu.vector_load %arg12[%swap3A_1561, %swap3A_1562] {strides = array<i32>} : memref<128x128xf32, #tpu.memory_space<vmem>>, vector<16xf32>,
          tpu.vector_store %arg12[%swap3A_1561, %swap3A_1562], %mul3A_1560 {strides = array<i32>} : memref<128x128xf32, #tpu.memory_space<vmem>>, vector<16xf32>,
          %get3A_1564 = arith.index_cast %add3A_1547 : i32 to index
          %get3A_1565 = arith.constant 32 : index
          %get3A_1566 = tpu.vector_load %arg12[%get3A_1564, %get3A_1565] {strides = array<i32>} : memref<128x128xf32, #tpu.memory_space<vmem>>, vector<16xf32>,
          %mul3A_1567 = vector.broadcast %squeeze3A_1543 : f32 to vector<16xf32>
          %mul3A_1568 = arith.mulf %get3A_1566, %mul3A_1567 : vector<16xf32>
          %swap3A_1569 = arith.index_cast %add3A_1547 : i32 to index
          %swap3A_1570 = arith.constant 32 : index
          %swap3A_1571 = tpu.vector_load %arg12[%swap3A_1569, %swap3A_1570] {strides = array<i32>} : memref<128x128xf32, #tpu.memory_space<vmem>>, vector<16xf32>,
          tpu.vector_store %arg12[%swap3A_1569, %swap3A_1570], %mul3A_1568 {strides = array<i32>} : memref<128x128xf32, #tpu.memory_space<vmem>>, vector<16xf32>,
          %get3A_1572 = arith.index_cast %add3A_1547 : i32 to index
          %get3A_1573 = arith.constant 48 : index
          %get3A_1574 = tpu.vector_load %arg12[%get3A_1572, %get3A_1573] {strides = array<i32>} : memref<128x128xf32, #tpu.memory_space<vmem>>, vector<16xf32>,
          %mul3A_1575 = vector.broadcast %squeeze3A_1543 : f32 to vector<16xf32>
          %mul3A_1576 = arith.mulf %get3A_1574, %mul3A_1575 : vector<16xf32>
          %swap3A_1577 = arith.index_cast %add3A_1547 : i32 to index
          %swap3A_1578 = arith.constant 48 : index
          %swap3A_1579 = tpu.vector_load %arg12[%swap3A_1577, %swap3A_1578] {strides = array<i32>} : memref<128x128xf32, #tpu.memory_space<vmem>>, vector<16xf32>,
          tpu.vector_store %arg12[%swap3A_1577, %swap3A_1578], %mul3A_1576 {strides = array<i32>} : memref<128x128xf32, #tpu.memory_space<vmem>>, vector<16xf32>,
          %get3A_1580 = arith.index_cast %add3A_1547 : i32 to index
          %get3A_1581 = arith.constant 64 : index
          %get3A_1582 = tpu.vector_load %arg12[%get3A_1580, %get3A_1581] {strides = array<i32>} : memref<128x128xf32, #tpu.memory_space<vmem>>, vector<16xf32>,
          %mul3A_1583 = vector.broadcast %squeeze3A_1543 : f32 to vector<16xf32>
          %mul3A_1584 = arith.mulf %get3A_1582, %mul3A_1583 : vector<16xf32>
          %swap3A_1585 = arith.index_cast %add3A_1547 : i32 to index
          %swap3A_1586 = arith.constant 64 : index
          %swap3A_1587 = tpu.vector_load %arg12[%swap3A_1585, %swap3A_1586] {strides = array<i32>} : memref<128x128xf32, #tpu.memory_space<vmem>>, vector<16xf32>,
          tpu.vector_store %arg12[%swap3A_1585, %swap3A_1586], %mul3A_1584 {strides = array<i32>} : memref<128x128xf32, #tpu.memory_space<vmem>>, vector<16xf32>,
          %get3A_1588 = arith.index_cast %add3A_1547 : i32 to index
          %get3A_1589 = arith.constant 80 : index
          %get3A_1590 = tpu.vector_load %arg12[%get3A_1588, %get3A_1589] {strides = array<i32>} : memref<128x128xf32, #tpu.memory_space<vmem>>, vector<16xf32>,
          %mul3A_1591 = vector.broadcast %squeeze3A_1543 : f32 to vector<16xf32>
          %mul3A_1592 = arith.mulf %get3A_1590, %mul3A_1591 : vector<16xf32>
          %swap3A_1593 = arith.index_cast %add3A_1547 : i32 to index
          %swap3A_1594 = arith.constant 80 : index
          %swap3A_1595 = tpu.vector_load %arg12[%swap3A_1593, %swap3A_1594] {strides = array<i32>} : memref<128x128xf32, #tpu.memory_space<vmem>>, vector<16xf32>,
          tpu.vector_store %arg12[%swap3A_1593, %swap3A_1594], %mul3A_1592 {strides = array<i32>} : memref<128x128xf32, #tpu.memory_space<vmem>>, vector<16xf32>,
          %get3A_1596 = arith.index_cast %add3A_1547 : i32 to index
          %get3A_1597 = arith.constant 96 : index
          %get3A_1598 = tpu.vector_load %arg12[%get3A_1596, %get3A_1597] {strides = array<i32>} : memref<128x128xf32, #tpu.memory_space<vmem>>, vector<16xf32>,
          %mul3A_1599 = vector.broadcast %squeeze3A_1543 : f32 to vector<16xf32>
          %mul3A_1600 = arith.mulf %get3A_1598, %mul3A_1599 : vector<16xf32>
          %swap3A_1601 = arith.index_cast %add3A_1547 : i32 to index
          %swap3A_1602 = arith.constant 96 : index
          %swap3A_1603 = tpu.vector_load %arg12[%swap3A_1601, %swap3A_1602] {strides = array<i32>} : memref<128x128xf32, #tpu.memory_space<vmem>>, vector<16xf32>,
          tpu.vector_store %arg12[%swap3A_1601, %swap3A_1602], %mul3A_1600 {strides = array<i32>} : memref<128x128xf32, #tpu.memory_space<vmem>>, vector<16xf32>,
          %get3A_1604 = arith.index_cast %add3A_1547 : i32 to index
          %get3A_1605 = arith.constant 112 : index
          %get3A_1606 = tpu.vector_load %arg12[%get3A_1604, %get3A_1605] {strides = array<i32>} : memref<128x128xf32, #tpu.memory_space<vmem>>, vector<16xf32>,
          %mul3A_1607 = vector.broadcast %squeeze3A_1543 : f32 to vector<16xf32>
          %mul3A_1608 = arith.mulf %get3A_1606, %mul3A_1607 : vector<16xf32>
          %swap3A_1609 = arith.index_cast %add3A_1547 : i32 to index
          %swap3A_1610 = arith.constant 112 : index
          %swap3A_1611 = tpu.vector_load %arg12[%swap3A_1609, %swap3A_1610] {strides = array<i32>} : memref<128x128xf32, #tpu.memory_space<vmem>>, vector<16xf32>,
          tpu.vector_store %arg12[%swap3A_1609, %swap3A_1610], %mul3A_1608 {strides = array<i32>} : memref<128x128xf32, #tpu.memory_space<vmem>>, vector<16xf32>,
          %scan3A_1612 = arith.constant 0 : i32
          scf.yield %scan3A_1612 : i32
        }
        %scan3A_486 = arith.constant 8 : i32
        "tpu.region"() ({
          %run_scoped3A = tpu.sem_alloc : memref<!tpu.dma_semaphore, #tpu.memory_space<semaphore_mem>>
          %dma_start3A_488 = arith.constant 0 : i32
          %dma_start3A_489 = arith.constant 0 : i32
          %dma_start3A_490 = tpu.memref_slice %arg10[%dma_start3A_488, %dma_start3A_489] : memref<10240x128xf32, #tpu.memory_space<vmem_shared>> -> memref<10240x128xf32, #tpu.memory_space<vmem_shared>>
          tpu.enqueue_indirect_dma source(%arg12 : memref<128x128xf32, #tpu.memory_space<vmem>>) target(%dma_start3A_490 : memref<10240x128xf32, #tpu.memory_space<vmem_shared>>) offsets(%arg16 : memref<128xi32, #tpu.memory_space<vmem>>) semaphore(%run_scoped3A : memref<!tpu.dma_semaphore, #tpu.memory_space<semaphore_mem>>) {add = true}
          %dma_wait3A_491 = arith.constant 0 : i32
          %dma_wait3A_492 = arith.constant 0 : i32
          %dma_wait3A_493 = tpu.memref_slice %arg10[%dma_wait3A_491, %dma_wait3A_492] : memref<10240x128xf32, #tpu.memory_space<vmem_shared>> -> memref<10240x128xf32, #tpu.memory_space<vmem_shared>>
          tpu.wait_indirect_dma semaphore(%run_scoped3A : memref<!tpu.dma_semaphore, #tpu.memory_space<semaphore_mem>>) src(%arg12 : memref<128x128xf32, #tpu.memory_space<vmem>>) dst(%dma_wait3A_493 : memref<10240x128xf32, #tpu.memory_space<vmem_shared>>)
          tpu.yield
        }) : () -> ()
        %scan3A_487 = arith.constant 0 : i32
        scf.yield %scan3A_487 : i32
      }
      %scan3A_66 = arith.constant 79 : i32
    } else {
    }
    %eq3A_42 = arith.constant 1 : i32
    %eq3A_43 = arith.cmpi eq, %arg0, %eq3A_42 : i32
    %convert_element_type3A_44 = arith.extui %eq3A_43 : i1 to i32
    %cond3A_45 = arith.constant 0 : i32
    %cond3A_46 = arith.cmpi ne, %convert_element_type3A_44, %cond3A_45 : i32
    scf.if %cond3A_46 {
      %scan3A_60 = arith.constant 0 : i32
      %scan3A_61 = arith.constant 0 : i32
      %scan3A_62 = arith.constant 79 : i32
      %scan3A_63 = arith.addi %scan3A_61, %scan3A_62 : i32
      %scan3A_64 = arith.constant 1 : i32
      %scan3A_65 = scf.for %scan3A_67 = %scan3A_61 to %scan3A_63 step %scan3A_64 iter_args(%scan3A_68 = %scan3A_60) -> (i32)  : i32 {
        %mul3A_69 = arith.constant 2 : i32
        %mul3A_70 = arith.muli %mul3A_69, %scan3A_67 : i32
        %add3A_71 = arith.constant 0 : i32
        %add3A_72 = arith.addi %mul3A_70, %add3A_71 : i32
        %dma_wait3A = arith.constant 0 : i32
        %dma_wait3A_73 = arith.constant 0 : i32
        %dma_wait3A_74 = tpu.memref_slice %arg4[%dma_wait3A, %dma_wait3A_73] : memref<10000x128xf32, #tpu.memory_space<hbm>> -> memref<10000x128xf32, #tpu.memory_space<hbm>>
        tpu.wait_indirect_dma semaphore(%arg20 : memref<!tpu.dma_semaphore, #tpu.memory_space<semaphore_mem>>) src(%dma_wait3A_74 : memref<10000x128xf32, #tpu.memory_space<hbm>>) dst(%arg11 : memref<128x128xf32, #tpu.memory_space<vmem>>)
        %add3A_75 = arith.constant 1 : i32
        %add3A_76 = arith.addi %add3A_72, %add3A_75 : i32
        %lt3A = arith.constant 158 : i32
        %lt3A_77 = arith.cmpi slt, %add3A_76, %lt3A : i32
        %convert_element_type3A_78 = arith.extui %lt3A_77 : i1 to i32
        %cond3A_79 = arith.constant 0 : i32
        %cond3A_80 = arith.cmpi ne, %convert_element_type3A_78, %cond3A_79 : i32
        scf.if %cond3A_80 {
          %add3A_254 = arith.constant 1 : i32
          %add3A_255 = arith.addi %add3A_72, %add3A_254 : i32
          %mul3A_256 = arith.constant 128 : i32
          %mul3A_257 = arith.muli %add3A_255, %mul3A_256 : i32
          %add3A_258 = arith.addi %mul3A_32, %mul3A_257 : i32
          "tpu.region"() ({
            %run_scoped3A = tpu.sem_alloc : memref<!tpu.dma_semaphore, #tpu.memory_space<semaphore_mem>>
            %dma_start3A_262 = tpu.memref_slice %arg2[%add3A_258] : memref<323584xi32, #tpu.memory_space<hbm>> -> memref<128xi32, #tpu.memory_space<hbm>>
            %dma_start3A_263 = tpu.memref_slice %arg2[%add3A_258] : memref<323584xi32, #tpu.memory_space<hbm>> -> memref<128xi32, #tpu.memory_space<hbm>>
            tpu.enqueue_dma source(%dma_start3A_263 : memref<128xi32, #tpu.memory_space<hbm>>) target(%arg14 : memref<128xi32, #tpu.memory_space<vmem>>) target_semaphore(%run_scoped3A : memref<!tpu.dma_semaphore, #tpu.memory_space<semaphore_mem>>)
            %dma_wait3A_264 = tpu.memref_slice %arg2[%add3A_258] : memref<323584xi32, #tpu.memory_space<hbm>> -> memref<128xi32, #tpu.memory_space<hbm>>
            %dma_wait3A_265 = tpu.memref_slice %arg2[%add3A_258] : memref<323584xi32, #tpu.memory_space<hbm>> -> memref<128xi32, #tpu.memory_space<hbm>>
            tpu.wait_dma2 semaphore(%run_scoped3A : memref<!tpu.dma_semaphore, #tpu.memory_space<semaphore_mem>>) src(%dma_wait3A_265 : memref<128xi32, #tpu.memory_space<hbm>>) dst(%arg14 : memref<128xi32, #tpu.memory_space<vmem>>)
            tpu.yield
          }) : () -> ()
          "tpu.region"() ({
            %run_scoped3A = tpu.sem_alloc : memref<!tpu.dma_semaphore, #tpu.memory_space<semaphore_mem>>
            %dma_start3A_262 = tpu.memref_slice %arg3[%add3A_258] : memref<323584xi32, #tpu.memory_space<hbm>> -> memref<128xi32, #tpu.memory_space<hbm>>
            %dma_start3A_263 = tpu.memref_slice %arg3[%add3A_258] : memref<323584xi32, #tpu.memory_space<hbm>> -> memref<128xi32, #tpu.memory_space<hbm>>
            tpu.enqueue_dma source(%dma_start3A_263 : memref<128xi32, #tpu.memory_space<hbm>>) target(%arg16 : memref<128xi32, #tpu.memory_space<vmem>>) target_semaphore(%run_scoped3A : memref<!tpu.dma_semaphore, #tpu.memory_space<semaphore_mem>>)
            %dma_wait3A_264 = tpu.memref_slice %arg3[%add3A_258] : memref<323584xi32, #tpu.memory_space<hbm>> -> memref<128xi32, #tpu.memory_space<hbm>>
            %dma_wait3A_265 = tpu.memref_slice %arg3[%add3A_258] : memref<323584xi32, #tpu.memory_space<hbm>> -> memref<128xi32, #tpu.memory_space<hbm>>
            tpu.wait_dma2 semaphore(%run_scoped3A : memref<!tpu.dma_semaphore, #tpu.memory_space<semaphore_mem>>) src(%dma_wait3A_265 : memref<128xi32, #tpu.memory_space<hbm>>) dst(%arg16 : memref<128xi32, #tpu.memory_space<vmem>>)
            tpu.yield
          }) : () -> ()
          %dma_start3A_259 = arith.constant 0 : i32
          %dma_start3A_260 = arith.constant 0 : i32
          %dma_start3A_261 = tpu.memref_slice %arg4[%dma_start3A_259, %dma_start3A_260] : memref<10000x128xf32, #tpu.memory_space<hbm>> -> memref<10000x128xf32, #tpu.memory_space<hbm>>
          tpu.enqueue_indirect_dma source(%dma_start3A_261 : memref<10000x128xf32, #tpu.memory_space<hbm>>) target(%arg12 : memref<128x128xf32, #tpu.memory_space<vmem>>) offsets(%arg14 : memref<128xi32, #tpu.memory_space<vmem>>) semaphore(%arg21 : memref<!tpu.dma_semaphore, #tpu.memory_space<semaphore_mem>>)
        } else {
        }
        %broadcast_in_dim3A = arith.constant 1.000000e+00 : f32
        %broadcast_in_dim3A_81 = vector.broadcast %broadcast_in_dim3A : f32 to vector<16xf32>
        %get3A = arith.constant 0 : index
        %get3A_82 = tpu.vector_load %arg13[%get3A] {strides = array<i32>} : memref<128xi32, #tpu.memory_space<vmem>>, vector<16xi32>,
        %get3A_83 = arith.constant 0 : index
        %get3A_84 = tpu.vector_load %arg15[%get3A_83] {strides = array<i32>} : memref<128xi32, #tpu.memory_space<vmem>>, vector<16xi32>,
        %ne3A = arith.cmpi ne, %get3A_82, %get3A_84 : vector<16xi32>
        %jit3A = arith.constant 10000 : i32
        %broadcast_in_dim3A_85 = vector.broadcast %jit3A : i32 to vector<16xi32>
        %select_n3A = arith.select %ne3A, %get3A_84, %broadcast_in_dim3A_85 : vector<16xi1>, vector<16xi32>
        %swap3A = arith.constant 0 : index
        %swap3A_86 = tpu.vector_load %arg15[%swap3A] {strides = array<i32>} : memref<128xi32, #tpu.memory_space<vmem>>, vector<16xi32>,
        tpu.vector_store %arg15[%swap3A], %select_n3A {strides = array<i32>} : memref<128xi32, #tpu.memory_space<vmem>>, vector<16xi32>,
        tpu.vector_store_idx %arg18[%get3A_84], %broadcast_in_dim3A_81 masked %ne3A {add = true} : memref<10240xf32, #tpu.memory_space<vmem>>[vector<16xi32>], vector<16xf32>, vector<16xi1>
        %get3A_87 = arith.constant 16 : index
        %get3A_88 = tpu.vector_load %arg13[%get3A_87] {strides = array<i32>} : memref<128xi32, #tpu.memory_space<vmem>>, vector<16xi32>,
        %get3A_89 = arith.constant 16 : index
        %get3A_90 = tpu.vector_load %arg15[%get3A_89] {strides = array<i32>} : memref<128xi32, #tpu.memory_space<vmem>>, vector<16xi32>,
        %ne3A_91 = arith.cmpi ne, %get3A_88, %get3A_90 : vector<16xi32>
        %jit3A_92 = arith.constant 10000 : i32
        %broadcast_in_dim3A_93 = vector.broadcast %jit3A_92 : i32 to vector<16xi32>
        %select_n3A_94 = arith.select %ne3A_91, %get3A_90, %broadcast_in_dim3A_93 : vector<16xi1>, vector<16xi32>
        %swap3A_95 = arith.constant 16 : index
        %swap3A_96 = tpu.vector_load %arg15[%swap3A_95] {strides = array<i32>} : memref<128xi32, #tpu.memory_space<vmem>>, vector<16xi32>,
        tpu.vector_store %arg15[%swap3A_95], %select_n3A_94 {strides = array<i32>} : memref<128xi32, #tpu.memory_space<vmem>>, vector<16xi32>,
        tpu.vector_store_idx %arg18[%get3A_90], %broadcast_in_dim3A_81 masked %ne3A_91 {add = true} : memref<10240xf32, #tpu.memory_space<vmem>>[vector<16xi32>], vector<16xf32>, vector<16xi1>
        %get3A_97 = arith.constant 32 : index
        %get3A_98 = tpu.vector_load %arg13[%get3A_97] {strides = array<i32>} : memref<128xi32, #tpu.memory_space<vmem>>, vector<16xi32>,
        %get3A_99 = arith.constant 32 : index
        %get3A_100 = tpu.vector_load %arg15[%get3A_99] {strides = array<i32>} : memref<128xi32, #tpu.memory_space<vmem>>, vector<16xi32>,
        %ne3A_101 = arith.cmpi ne, %get3A_98, %get3A_100 : vector<16xi32>
        %jit3A_102 = arith.constant 10000 : i32
        %broadcast_in_dim3A_103 = vector.broadcast %jit3A_102 : i32 to vector<16xi32>
        %select_n3A_104 = arith.select %ne3A_101, %get3A_100, %broadcast_in_dim3A_103 : vector<16xi1>, vector<16xi32>
        %swap3A_105 = arith.constant 32 : index
        %swap3A_106 = tpu.vector_load %arg15[%swap3A_105] {strides = array<i32>} : memref<128xi32, #tpu.memory_space<vmem>>, vector<16xi32>,
        tpu.vector_store %arg15[%swap3A_105], %select_n3A_104 {strides = array<i32>} : memref<128xi32, #tpu.memory_space<vmem>>, vector<16xi32>,
        tpu.vector_store_idx %arg18[%get3A_100], %broadcast_in_dim3A_81 masked %ne3A_101 {add = true} : memref<10240xf32, #tpu.memory_space<vmem>>[vector<16xi32>], vector<16xf32>, vector<16xi1>
        %get3A_107 = arith.constant 48 : index
        %get3A_108 = tpu.vector_load %arg13[%get3A_107] {strides = array<i32>} : memref<128xi32, #tpu.memory_space<vmem>>, vector<16xi32>,
        %get3A_109 = arith.constant 48 : index
        %get3A_110 = tpu.vector_load %arg15[%get3A_109] {strides = array<i32>} : memref<128xi32, #tpu.memory_space<vmem>>, vector<16xi32>,
        %ne3A_111 = arith.cmpi ne, %get3A_108, %get3A_110 : vector<16xi32>
        %jit3A_112 = arith.constant 10000 : i32
        %broadcast_in_dim3A_113 = vector.broadcast %jit3A_112 : i32 to vector<16xi32>
        %select_n3A_114 = arith.select %ne3A_111, %get3A_110, %broadcast_in_dim3A_113 : vector<16xi1>, vector<16xi32>
        %swap3A_115 = arith.constant 48 : index
        %swap3A_116 = tpu.vector_load %arg15[%swap3A_115] {strides = array<i32>} : memref<128xi32, #tpu.memory_space<vmem>>, vector<16xi32>,
        tpu.vector_store %arg15[%swap3A_115], %select_n3A_114 {strides = array<i32>} : memref<128xi32, #tpu.memory_space<vmem>>, vector<16xi32>,
        tpu.vector_store_idx %arg18[%get3A_110], %broadcast_in_dim3A_81 masked %ne3A_111 {add = true} : memref<10240xf32, #tpu.memory_space<vmem>>[vector<16xi32>], vector<16xf32>, vector<16xi1>
        %get3A_117 = arith.constant 64 : index
        %get3A_118 = tpu.vector_load %arg13[%get3A_117] {strides = array<i32>} : memref<128xi32, #tpu.memory_space<vmem>>, vector<16xi32>,
        %get3A_119 = arith.constant 64 : index
        %get3A_120 = tpu.vector_load %arg15[%get3A_119] {strides = array<i32>} : memref<128xi32, #tpu.memory_space<vmem>>, vector<16xi32>,
        %ne3A_121 = arith.cmpi ne, %get3A_118, %get3A_120 : vector<16xi32>
        %jit3A_122 = arith.constant 10000 : i32
        %broadcast_in_dim3A_123 = vector.broadcast %jit3A_122 : i32 to vector<16xi32>
        %select_n3A_124 = arith.select %ne3A_121, %get3A_120, %broadcast_in_dim3A_123 : vector<16xi1>, vector<16xi32>
        %swap3A_125 = arith.constant 64 : index
        %swap3A_126 = tpu.vector_load %arg15[%swap3A_125] {strides = array<i32>} : memref<128xi32, #tpu.memory_space<vmem>>, vector<16xi32>,
        tpu.vector_store %arg15[%swap3A_125], %select_n3A_124 {strides = array<i32>} : memref<128xi32, #tpu.memory_space<vmem>>, vector<16xi32>,
        tpu.vector_store_idx %arg18[%get3A_120], %broadcast_in_dim3A_81 masked %ne3A_121 {add = true} : memref<10240xf32, #tpu.memory_space<vmem>>[vector<16xi32>], vector<16xf32>, vector<16xi1>
        %get3A_127 = arith.constant 80 : index
        %get3A_128 = tpu.vector_load %arg13[%get3A_127] {strides = array<i32>} : memref<128xi32, #tpu.memory_space<vmem>>, vector<16xi32>,
        %get3A_129 = arith.constant 80 : index
        %get3A_130 = tpu.vector_load %arg15[%get3A_129] {strides = array<i32>} : memref<128xi32, #tpu.memory_space<vmem>>, vector<16xi32>,
        %ne3A_131 = arith.cmpi ne, %get3A_128, %get3A_130 : vector<16xi32>
        %jit3A_132 = arith.constant 10000 : i32
        %broadcast_in_dim3A_133 = vector.broadcast %jit3A_132 : i32 to vector<16xi32>
        %select_n3A_134 = arith.select %ne3A_131, %get3A_130, %broadcast_in_dim3A_133 : vector<16xi1>, vector<16xi32>
        %swap3A_135 = arith.constant 80 : index
        %swap3A_136 = tpu.vector_load %arg15[%swap3A_135] {strides = array<i32>} : memref<128xi32, #tpu.memory_space<vmem>>, vector<16xi32>,
        tpu.vector_store %arg15[%swap3A_135], %select_n3A_134 {strides = array<i32>} : memref<128xi32, #tpu.memory_space<vmem>>, vector<16xi32>,
        tpu.vector_store_idx %arg18[%get3A_130], %broadcast_in_dim3A_81 masked %ne3A_131 {add = true} : memref<10240xf32, #tpu.memory_space<vmem>>[vector<16xi32>], vector<16xf32>, vector<16xi1>
        %get3A_137 = arith.constant 96 : index
        %get3A_138 = tpu.vector_load %arg13[%get3A_137] {strides = array<i32>} : memref<128xi32, #tpu.memory_space<vmem>>, vector<16xi32>,
        %get3A_139 = arith.constant 96 : index
        %get3A_140 = tpu.vector_load %arg15[%get3A_139] {strides = array<i32>} : memref<128xi32, #tpu.memory_space<vmem>>, vector<16xi32>,
        %ne3A_141 = arith.cmpi ne, %get3A_138, %get3A_140 : vector<16xi32>
        %jit3A_142 = arith.constant 10000 : i32
        %broadcast_in_dim3A_143 = vector.broadcast %jit3A_142 : i32 to vector<16xi32>
        %select_n3A_144 = arith.select %ne3A_141, %get3A_140, %broadcast_in_dim3A_143 : vector<16xi1>, vector<16xi32>
        %swap3A_145 = arith.constant 96 : index
        %swap3A_146 = tpu.vector_load %arg15[%swap3A_145] {strides = array<i32>} : memref<128xi32, #tpu.memory_space<vmem>>, vector<16xi32>,
        tpu.vector_store %arg15[%swap3A_145], %select_n3A_144 {strides = array<i32>} : memref<128xi32, #tpu.memory_space<vmem>>, vector<16xi32>,
        tpu.vector_store_idx %arg18[%get3A_140], %broadcast_in_dim3A_81 masked %ne3A_141 {add = true} : memref<10240xf32, #tpu.memory_space<vmem>>[vector<16xi32>], vector<16xf32>, vector<16xi1>
        %get3A_147 = arith.constant 112 : index
        %get3A_148 = tpu.vector_load %arg13[%get3A_147] {strides = array<i32>} : memref<128xi32, #tpu.memory_space<vmem>>, vector<16xi32>,
        %get3A_149 = arith.constant 112 : index
        %get3A_150 = tpu.vector_load %arg15[%get3A_149] {strides = array<i32>} : memref<128xi32, #tpu.memory_space<vmem>>, vector<16xi32>,
        %ne3A_151 = arith.cmpi ne, %get3A_148, %get3A_150 : vector<16xi32>
        %jit3A_152 = arith.constant 10000 : i32
        %broadcast_in_dim3A_153 = vector.broadcast %jit3A_152 : i32 to vector<16xi32>
        %select_n3A_154 = arith.select %ne3A_151, %get3A_150, %broadcast_in_dim3A_153 : vector<16xi1>, vector<16xi32>
        %swap3A_155 = arith.constant 112 : index
        %swap3A_156 = tpu.vector_load %arg15[%swap3A_155] {strides = array<i32>} : memref<128xi32, #tpu.memory_space<vmem>>, vector<16xi32>,
        tpu.vector_store %arg15[%swap3A_155], %select_n3A_154 {strides = array<i32>} : memref<128xi32, #tpu.memory_space<vmem>>, vector<16xi32>,
        tpu.vector_store_idx %arg18[%get3A_150], %broadcast_in_dim3A_81 masked %ne3A_151 {add = true} : memref<10240xf32, #tpu.memory_space<vmem>>[vector<16xi32>], vector<16xf32>, vector<16xi1>
        "tpu.region"() ({
          %run_scoped3A = tpu.sem_alloc : memref<!tpu.dma_semaphore, #tpu.memory_space<semaphore_mem>>
          %dma_start3A_254 = arith.constant 0 : i32
          %dma_start3A_255 = arith.constant 0 : i32
          %dma_start3A_256 = tpu.memref_slice %arg10[%dma_start3A_254, %dma_start3A_255] : memref<10240x128xf32, #tpu.memory_space<vmem_shared>> -> memref<10240x128xf32, #tpu.memory_space<vmem_shared>>
          tpu.enqueue_indirect_dma source(%arg11 : memref<128x128xf32, #tpu.memory_space<vmem>>) target(%dma_start3A_256 : memref<10240x128xf32, #tpu.memory_space<vmem_shared>>) offsets(%arg15 : memref<128xi32, #tpu.memory_space<vmem>>) semaphore(%run_scoped3A : memref<!tpu.dma_semaphore, #tpu.memory_space<semaphore_mem>>) {add = true}
          %dma_wait3A_257 = arith.constant 0 : i32
          %dma_wait3A_258 = arith.constant 0 : i32
          %dma_wait3A_259 = tpu.memref_slice %arg10[%dma_wait3A_257, %dma_wait3A_258] : memref<10240x128xf32, #tpu.memory_space<vmem_shared>> -> memref<10240x128xf32, #tpu.memory_space<vmem_shared>>
          tpu.wait_indirect_dma semaphore(%run_scoped3A : memref<!tpu.dma_semaphore, #tpu.memory_space<semaphore_mem>>) src(%arg11 : memref<128x128xf32, #tpu.memory_space<vmem>>) dst(%dma_wait3A_259 : memref<10240x128xf32, #tpu.memory_space<vmem_shared>>)
          tpu.yield
        }) : () -> ()
        %mul3A_157 = arith.constant 2 : i32
        %mul3A_158 = arith.muli %mul3A_157, %scan3A_67 : i32
        %add3A_159 = arith.constant 1 : i32
        %add3A_160 = arith.addi %mul3A_158, %add3A_159 : i32
        %dma_wait3A_161 = arith.constant 0 : i32
        %dma_wait3A_162 = arith.constant 0 : i32
        %dma_wait3A_163 = tpu.memref_slice %arg4[%dma_wait3A_161, %dma_wait3A_162] : memref<10000x128xf32, #tpu.memory_space<hbm>> -> memref<10000x128xf32, #tpu.memory_space<hbm>>
        tpu.wait_indirect_dma semaphore(%arg21 : memref<!tpu.dma_semaphore, #tpu.memory_space<semaphore_mem>>) src(%dma_wait3A_163 : memref<10000x128xf32, #tpu.memory_space<hbm>>) dst(%arg12 : memref<128x128xf32, #tpu.memory_space<vmem>>)
        %add3A_164 = arith.constant 1 : i32
        %add3A_165 = arith.addi %add3A_160, %add3A_164 : i32
        %lt3A_166 = arith.constant 158 : i32
        %lt3A_167 = arith.cmpi slt, %add3A_165, %lt3A_166 : i32
        %convert_element_type3A_168 = arith.extui %lt3A_167 : i1 to i32
        %cond3A_169 = arith.constant 0 : i32
        %cond3A_170 = arith.cmpi ne, %convert_element_type3A_168, %cond3A_169 : i32
        scf.if %cond3A_170 {
          %add3A_254 = arith.constant 1 : i32
          %add3A_255 = arith.addi %add3A_160, %add3A_254 : i32
          %mul3A_256 = arith.constant 128 : i32
          %mul3A_257 = arith.muli %add3A_255, %mul3A_256 : i32
          %add3A_258 = arith.addi %mul3A_32, %mul3A_257 : i32
          "tpu.region"() ({
            %run_scoped3A = tpu.sem_alloc : memref<!tpu.dma_semaphore, #tpu.memory_space<semaphore_mem>>
            %dma_start3A_262 = tpu.memref_slice %arg2[%add3A_258] : memref<323584xi32, #tpu.memory_space<hbm>> -> memref<128xi32, #tpu.memory_space<hbm>>
            %dma_start3A_263 = tpu.memref_slice %arg2[%add3A_258] : memref<323584xi32, #tpu.memory_space<hbm>> -> memref<128xi32, #tpu.memory_space<hbm>>
            tpu.enqueue_dma source(%dma_start3A_263 : memref<128xi32, #tpu.memory_space<hbm>>) target(%arg13 : memref<128xi32, #tpu.memory_space<vmem>>) target_semaphore(%run_scoped3A : memref<!tpu.dma_semaphore, #tpu.memory_space<semaphore_mem>>)
            %dma_wait3A_264 = tpu.memref_slice %arg2[%add3A_258] : memref<323584xi32, #tpu.memory_space<hbm>> -> memref<128xi32, #tpu.memory_space<hbm>>
            %dma_wait3A_265 = tpu.memref_slice %arg2[%add3A_258] : memref<323584xi32, #tpu.memory_space<hbm>> -> memref<128xi32, #tpu.memory_space<hbm>>
            tpu.wait_dma2 semaphore(%run_scoped3A : memref<!tpu.dma_semaphore, #tpu.memory_space<semaphore_mem>>) src(%dma_wait3A_265 : memref<128xi32, #tpu.memory_space<hbm>>) dst(%arg13 : memref<128xi32, #tpu.memory_space<vmem>>)
            tpu.yield
          }) : () -> ()
          "tpu.region"() ({
            %run_scoped3A = tpu.sem_alloc : memref<!tpu.dma_semaphore, #tpu.memory_space<semaphore_mem>>
            %dma_start3A_262 = tpu.memref_slice %arg3[%add3A_258] : memref<323584xi32, #tpu.memory_space<hbm>> -> memref<128xi32, #tpu.memory_space<hbm>>
            %dma_start3A_263 = tpu.memref_slice %arg3[%add3A_258] : memref<323584xi32, #tpu.memory_space<hbm>> -> memref<128xi32, #tpu.memory_space<hbm>>
            tpu.enqueue_dma source(%dma_start3A_263 : memref<128xi32, #tpu.memory_space<hbm>>) target(%arg15 : memref<128xi32, #tpu.memory_space<vmem>>) target_semaphore(%run_scoped3A : memref<!tpu.dma_semaphore, #tpu.memory_space<semaphore_mem>>)
            %dma_wait3A_264 = tpu.memref_slice %arg3[%add3A_258] : memref<323584xi32, #tpu.memory_space<hbm>> -> memref<128xi32, #tpu.memory_space<hbm>>
            %dma_wait3A_265 = tpu.memref_slice %arg3[%add3A_258] : memref<323584xi32, #tpu.memory_space<hbm>> -> memref<128xi32, #tpu.memory_space<hbm>>
            tpu.wait_dma2 semaphore(%run_scoped3A : memref<!tpu.dma_semaphore, #tpu.memory_space<semaphore_mem>>) src(%dma_wait3A_265 : memref<128xi32, #tpu.memory_space<hbm>>) dst(%arg15 : memref<128xi32, #tpu.memory_space<vmem>>)
            tpu.yield
          }) : () -> ()
          %dma_start3A_259 = arith.constant 0 : i32
          %dma_start3A_260 = arith.constant 0 : i32
          %dma_start3A_261 = tpu.memref_slice %arg4[%dma_start3A_259, %dma_start3A_260] : memref<10000x128xf32, #tpu.memory_space<hbm>> -> memref<10000x128xf32, #tpu.memory_space<hbm>>
          tpu.enqueue_indirect_dma source(%dma_start3A_261 : memref<10000x128xf32, #tpu.memory_space<hbm>>) target(%arg11 : memref<128x128xf32, #tpu.memory_space<vmem>>) offsets(%arg13 : memref<128xi32, #tpu.memory_space<vmem>>) semaphore(%arg20 : memref<!tpu.dma_semaphore, #tpu.memory_space<semaphore_mem>>)
        } else {
        }
        %broadcast_in_dim3A_171 = arith.constant 1.000000e+00 : f32
        %broadcast_in_dim3A_172 = vector.broadcast %broadcast_in_dim3A_171 : f32 to vector<16xf32>
        %get3A_173 = arith.constant 0 : index
        %get3A_174 = tpu.vector_load %arg14[%get3A_173] {strides = array<i32>} : memref<128xi32, #tpu.memory_space<vmem>>, vector<16xi32>,
        %get3A_175 = arith.constant 0 : index
        %get3A_176 = tpu.vector_load %arg16[%get3A_175] {strides = array<i32>} : memref<128xi32, #tpu.memory_space<vmem>>, vector<16xi32>,
        %ne3A_177 = arith.cmpi ne, %get3A_174, %get3A_176 : vector<16xi32>
        %jit3A_178 = arith.constant 10000 : i32
        %broadcast_in_dim3A_179 = vector.broadcast %jit3A_178 : i32 to vector<16xi32>
        %select_n3A_180 = arith.select %ne3A_177, %get3A_176, %broadcast_in_dim3A_179 : vector<16xi1>, vector<16xi32>
        %swap3A_181 = arith.constant 0 : index
        %swap3A_182 = tpu.vector_load %arg16[%swap3A_181] {strides = array<i32>} : memref<128xi32, #tpu.memory_space<vmem>>, vector<16xi32>,
        tpu.vector_store %arg16[%swap3A_181], %select_n3A_180 {strides = array<i32>} : memref<128xi32, #tpu.memory_space<vmem>>, vector<16xi32>,
        tpu.vector_store_idx %arg18[%get3A_176], %broadcast_in_dim3A_172 masked %ne3A_177 {add = true} : memref<10240xf32, #tpu.memory_space<vmem>>[vector<16xi32>], vector<16xf32>, vector<16xi1>
        %get3A_183 = arith.constant 16 : index
        %get3A_184 = tpu.vector_load %arg14[%get3A_183] {strides = array<i32>} : memref<128xi32, #tpu.memory_space<vmem>>, vector<16xi32>,
        %get3A_185 = arith.constant 16 : index
        %get3A_186 = tpu.vector_load %arg16[%get3A_185] {strides = array<i32>} : memref<128xi32, #tpu.memory_space<vmem>>, vector<16xi32>,
        %ne3A_187 = arith.cmpi ne, %get3A_184, %get3A_186 : vector<16xi32>
        %jit3A_188 = arith.constant 10000 : i32
        %broadcast_in_dim3A_189 = vector.broadcast %jit3A_188 : i32 to vector<16xi32>
        %select_n3A_190 = arith.select %ne3A_187, %get3A_186, %broadcast_in_dim3A_189 : vector<16xi1>, vector<16xi32>
        %swap3A_191 = arith.constant 16 : index
        %swap3A_192 = tpu.vector_load %arg16[%swap3A_191] {strides = array<i32>} : memref<128xi32, #tpu.memory_space<vmem>>, vector<16xi32>,
        tpu.vector_store %arg16[%swap3A_191], %select_n3A_190 {strides = array<i32>} : memref<128xi32, #tpu.memory_space<vmem>>, vector<16xi32>,
        tpu.vector_store_idx %arg18[%get3A_186], %broadcast_in_dim3A_172 masked %ne3A_187 {add = true} : memref<10240xf32, #tpu.memory_space<vmem>>[vector<16xi32>], vector<16xf32>, vector<16xi1>
        %get3A_193 = arith.constant 32 : index
        %get3A_194 = tpu.vector_load %arg14[%get3A_193] {strides = array<i32>} : memref<128xi32, #tpu.memory_space<vmem>>, vector<16xi32>,
        %get3A_195 = arith.constant 32 : index
        %get3A_196 = tpu.vector_load %arg16[%get3A_195] {strides = array<i32>} : memref<128xi32, #tpu.memory_space<vmem>>, vector<16xi32>,
        %ne3A_197 = arith.cmpi ne, %get3A_194, %get3A_196 : vector<16xi32>
        %jit3A_198 = arith.constant 10000 : i32
        %broadcast_in_dim3A_199 = vector.broadcast %jit3A_198 : i32 to vector<16xi32>
        %select_n3A_200 = arith.select %ne3A_197, %get3A_196, %broadcast_in_dim3A_199 : vector<16xi1>, vector<16xi32>
        %swap3A_201 = arith.constant 32 : index
        %swap3A_202 = tpu.vector_load %arg16[%swap3A_201] {strides = array<i32>} : memref<128xi32, #tpu.memory_space<vmem>>, vector<16xi32>,
        tpu.vector_store %arg16[%swap3A_201], %select_n3A_200 {strides = array<i32>} : memref<128xi32, #tpu.memory_space<vmem>>, vector<16xi32>,
        tpu.vector_store_idx %arg18[%get3A_196], %broadcast_in_dim3A_172 masked %ne3A_197 {add = true} : memref<10240xf32, #tpu.memory_space<vmem>>[vector<16xi32>], vector<16xf32>, vector<16xi1>
        %get3A_203 = arith.constant 48 : index
        %get3A_204 = tpu.vector_load %arg14[%get3A_203] {strides = array<i32>} : memref<128xi32, #tpu.memory_space<vmem>>, vector<16xi32>,
        %get3A_205 = arith.constant 48 : index
        %get3A_206 = tpu.vector_load %arg16[%get3A_205] {strides = array<i32>} : memref<128xi32, #tpu.memory_space<vmem>>, vector<16xi32>,
        %ne3A_207 = arith.cmpi ne, %get3A_204, %get3A_206 : vector<16xi32>
        %jit3A_208 = arith.constant 10000 : i32
        %broadcast_in_dim3A_209 = vector.broadcast %jit3A_208 : i32 to vector<16xi32>
        %select_n3A_210 = arith.select %ne3A_207, %get3A_206, %broadcast_in_dim3A_209 : vector<16xi1>, vector<16xi32>
        %swap3A_211 = arith.constant 48 : index
        %swap3A_212 = tpu.vector_load %arg16[%swap3A_211] {strides = array<i32>} : memref<128xi32, #tpu.memory_space<vmem>>, vector<16xi32>,
        tpu.vector_store %arg16[%swap3A_211], %select_n3A_210 {strides = array<i32>} : memref<128xi32, #tpu.memory_space<vmem>>, vector<16xi32>,
        tpu.vector_store_idx %arg18[%get3A_206], %broadcast_in_dim3A_172 masked %ne3A_207 {add = true} : memref<10240xf32, #tpu.memory_space<vmem>>[vector<16xi32>], vector<16xf32>, vector<16xi1>
        %get3A_213 = arith.constant 64 : index
        %get3A_214 = tpu.vector_load %arg14[%get3A_213] {strides = array<i32>} : memref<128xi32, #tpu.memory_space<vmem>>, vector<16xi32>,
        %get3A_215 = arith.constant 64 : index
        %get3A_216 = tpu.vector_load %arg16[%get3A_215] {strides = array<i32>} : memref<128xi32, #tpu.memory_space<vmem>>, vector<16xi32>,
        %ne3A_217 = arith.cmpi ne, %get3A_214, %get3A_216 : vector<16xi32>
        %jit3A_218 = arith.constant 10000 : i32
        %broadcast_in_dim3A_219 = vector.broadcast %jit3A_218 : i32 to vector<16xi32>
        %select_n3A_220 = arith.select %ne3A_217, %get3A_216, %broadcast_in_dim3A_219 : vector<16xi1>, vector<16xi32>
        %swap3A_221 = arith.constant 64 : index
        %swap3A_222 = tpu.vector_load %arg16[%swap3A_221] {strides = array<i32>} : memref<128xi32, #tpu.memory_space<vmem>>, vector<16xi32>,
        tpu.vector_store %arg16[%swap3A_221], %select_n3A_220 {strides = array<i32>} : memref<128xi32, #tpu.memory_space<vmem>>, vector<16xi32>,
        tpu.vector_store_idx %arg18[%get3A_216], %broadcast_in_dim3A_172 masked %ne3A_217 {add = true} : memref<10240xf32, #tpu.memory_space<vmem>>[vector<16xi32>], vector<16xf32>, vector<16xi1>
        %get3A_223 = arith.constant 80 : index
        %get3A_224 = tpu.vector_load %arg14[%get3A_223] {strides = array<i32>} : memref<128xi32, #tpu.memory_space<vmem>>, vector<16xi32>,
        %get3A_225 = arith.constant 80 : index
        %get3A_226 = tpu.vector_load %arg16[%get3A_225] {strides = array<i32>} : memref<128xi32, #tpu.memory_space<vmem>>, vector<16xi32>,
        %ne3A_227 = arith.cmpi ne, %get3A_224, %get3A_226 : vector<16xi32>
        %jit3A_228 = arith.constant 10000 : i32
        %broadcast_in_dim3A_229 = vector.broadcast %jit3A_228 : i32 to vector<16xi32>
        %select_n3A_230 = arith.select %ne3A_227, %get3A_226, %broadcast_in_dim3A_229 : vector<16xi1>, vector<16xi32>
        %swap3A_231 = arith.constant 80 : index
        %swap3A_232 = tpu.vector_load %arg16[%swap3A_231] {strides = array<i32>} : memref<128xi32, #tpu.memory_space<vmem>>, vector<16xi32>,
        tpu.vector_store %arg16[%swap3A_231], %select_n3A_230 {strides = array<i32>} : memref<128xi32, #tpu.memory_space<vmem>>, vector<16xi32>,
        tpu.vector_store_idx %arg18[%get3A_226], %broadcast_in_dim3A_172 masked %ne3A_227 {add = true} : memref<10240xf32, #tpu.memory_space<vmem>>[vector<16xi32>], vector<16xf32>, vector<16xi1>
        %get3A_233 = arith.constant 96 : index
        %get3A_234 = tpu.vector_load %arg14[%get3A_233] {strides = array<i32>} : memref<128xi32, #tpu.memory_space<vmem>>, vector<16xi32>,
        %get3A_235 = arith.constant 96 : index
        %get3A_236 = tpu.vector_load %arg16[%get3A_235] {strides = array<i32>} : memref<128xi32, #tpu.memory_space<vmem>>, vector<16xi32>,
        %ne3A_237 = arith.cmpi ne, %get3A_234, %get3A_236 : vector<16xi32>
        %jit3A_238 = arith.constant 10000 : i32
        %broadcast_in_dim3A_239 = vector.broadcast %jit3A_238 : i32 to vector<16xi32>
        %select_n3A_240 = arith.select %ne3A_237, %get3A_236, %broadcast_in_dim3A_239 : vector<16xi1>, vector<16xi32>
        %swap3A_241 = arith.constant 96 : index
        %swap3A_242 = tpu.vector_load %arg16[%swap3A_241] {strides = array<i32>} : memref<128xi32, #tpu.memory_space<vmem>>, vector<16xi32>,
        tpu.vector_store %arg16[%swap3A_241], %select_n3A_240 {strides = array<i32>} : memref<128xi32, #tpu.memory_space<vmem>>, vector<16xi32>,
        tpu.vector_store_idx %arg18[%get3A_236], %broadcast_in_dim3A_172 masked %ne3A_237 {add = true} : memref<10240xf32, #tpu.memory_space<vmem>>[vector<16xi32>], vector<16xf32>, vector<16xi1>
        %get3A_243 = arith.constant 112 : index
        %get3A_244 = tpu.vector_load %arg14[%get3A_243] {strides = array<i32>} : memref<128xi32, #tpu.memory_space<vmem>>, vector<16xi32>,
        %get3A_245 = arith.constant 112 : index
        %get3A_246 = tpu.vector_load %arg16[%get3A_245] {strides = array<i32>} : memref<128xi32, #tpu.memory_space<vmem>>, vector<16xi32>,
        %ne3A_247 = arith.cmpi ne, %get3A_244, %get3A_246 : vector<16xi32>
        %jit3A_248 = arith.constant 10000 : i32
        %broadcast_in_dim3A_249 = vector.broadcast %jit3A_248 : i32 to vector<16xi32>
        %select_n3A_250 = arith.select %ne3A_247, %get3A_246, %broadcast_in_dim3A_249 : vector<16xi1>, vector<16xi32>
        %swap3A_251 = arith.constant 112 : index
        %swap3A_252 = tpu.vector_load %arg16[%swap3A_251] {strides = array<i32>} : memref<128xi32, #tpu.memory_space<vmem>>, vector<16xi32>,
        tpu.vector_store %arg16[%swap3A_251], %select_n3A_250 {strides = array<i32>} : memref<128xi32, #tpu.memory_space<vmem>>, vector<16xi32>,
        tpu.vector_store_idx %arg18[%get3A_246], %broadcast_in_dim3A_172 masked %ne3A_247 {add = true} : memref<10240xf32, #tpu.memory_space<vmem>>[vector<16xi32>], vector<16xf32>, vector<16xi1>
        "tpu.region"() ({
          %run_scoped3A = tpu.sem_alloc : memref<!tpu.dma_semaphore, #tpu.memory_space<semaphore_mem>>
          %dma_start3A_254 = arith.constant 0 : i32
          %dma_start3A_255 = arith.constant 0 : i32
          %dma_start3A_256 = tpu.memref_slice %arg10[%dma_start3A_254, %dma_start3A_255] : memref<10240x128xf32, #tpu.memory_space<vmem_shared>> -> memref<10240x128xf32, #tpu.memory_space<vmem_shared>>
          tpu.enqueue_indirect_dma source(%arg12 : memref<128x128xf32, #tpu.memory_space<vmem>>) target(%dma_start3A_256 : memref<10240x128xf32, #tpu.memory_space<vmem_shared>>) offsets(%arg16 : memref<128xi32, #tpu.memory_space<vmem>>) semaphore(%run_scoped3A : memref<!tpu.dma_semaphore, #tpu.memory_space<semaphore_mem>>) {add = true}
          %dma_wait3A_257 = arith.constant 0 : i32
          %dma_wait3A_258 = arith.constant 0 : i32
          %dma_wait3A_259 = tpu.memref_slice %arg10[%dma_wait3A_257, %dma_wait3A_258] : memref<10240x128xf32, #tpu.memory_space<vmem_shared>> -> memref<10240x128xf32, #tpu.memory_space<vmem_shared>>
          tpu.wait_indirect_dma semaphore(%run_scoped3A : memref<!tpu.dma_semaphore, #tpu.memory_space<semaphore_mem>>) src(%arg12 : memref<128x128xf32, #tpu.memory_space<vmem>>) dst(%dma_wait3A_259 : memref<10240x128xf32, #tpu.memory_space<vmem_shared>>)
          tpu.yield
        }) : () -> ()
        %scan3A_253 = arith.constant 0 : i32
        scf.yield %scan3A_253 : i32
      }
      %scan3A_66 = arith.constant 79 : i32
    } else {
    }
    %barrier3A_47 = arith.constant 0 : index
    tpu.barrier barrier_id(%barrier3A_47)
    %mul3A_48 = arith.constant 640 : i32
    %mul3A_49 = arith.muli %arg1, %mul3A_48 : i32
    %eq3A_50 = arith.constant 0 : i32
    %eq3A_51 = arith.cmpi eq, %arg0, %eq3A_50 : i32
    %convert_element_type3A_52 = arith.extui %eq3A_51 : i1 to i32
    %cond3A_53 = arith.constant 0 : i32
    %cond3A_54 = arith.cmpi ne, %convert_element_type3A_52, %cond3A_53 : i32
    scf.if %cond3A_54 {
      "tpu.region"() ({
        %run_scoped3A = tpu.sem_alloc : memref<!tpu.dma_semaphore, #tpu.memory_space<semaphore_mem>>
        %dma_start3A_60 = arith.constant 0 : i32
        %dma_start3A_61 = tpu.memref_slice %arg7[%mul3A_49, %dma_start3A_60] : memref<10240x128xf32, #tpu.memory_space<hbm>> -> memref<640x128xf32, #tpu.memory_space<hbm>>
        %dma_start3A_62 = arith.constant 0 : i32
        %dma_start3A_63 = tpu.memref_slice %arg10[%mul3A_49, %dma_start3A_62] : memref<10240x128xf32, #tpu.memory_space<vmem_shared>> -> memref<640x128xf32, #tpu.memory_space<vmem_shared>>
        tpu.enqueue_dma source(%dma_start3A_63 : memref<640x128xf32, #tpu.memory_space<vmem_shared>>) target(%dma_start3A_61 : memref<640x128xf32, #tpu.memory_space<hbm>>) target_semaphore(%run_scoped3A : memref<!tpu.dma_semaphore, #tpu.memory_space<semaphore_mem>>)
        %dma_wait3A = arith.constant 0 : i32
        %dma_wait3A_64 = tpu.memref_slice %arg7[%mul3A_49, %dma_wait3A] : memref<10240x128xf32, #tpu.memory_space<hbm>> -> memref<640x128xf32, #tpu.memory_space<hbm>>
        %dma_wait3A_65 = arith.constant 0 : i32
        %dma_wait3A_66 = tpu.memref_slice %arg10[%mul3A_49, %dma_wait3A_65] : memref<10240x128xf32, #tpu.memory_space<vmem_shared>> -> memref<640x128xf32, #tpu.memory_space<vmem_shared>>
        tpu.wait_dma2 semaphore(%run_scoped3A : memref<!tpu.dma_semaphore, #tpu.memory_space<semaphore_mem>>) src(%dma_wait3A_66 : memref<640x128xf32, #tpu.memory_space<vmem_shared>>) dst(%dma_wait3A_64 : memref<640x128xf32, #tpu.memory_space<hbm>>)
        tpu.yield
      }) : () -> ()
    } else {
    }
    %eq3A_55 = arith.constant 1 : i32
    %eq3A_56 = arith.cmpi eq, %arg0, %eq3A_55 : i32
    %convert_element_type3A_57 = arith.extui %eq3A_56 : i1 to i32
    %cond3A_58 = arith.constant 0 : i32
    %cond3A_59 = arith.cmpi ne, %convert_element_type3A_57, %cond3A_58 : i32
    scf.if %cond3A_59 {
      "tpu.region"() ({
        %run_scoped3A = tpu.sem_alloc : memref<!tpu.dma_semaphore, #tpu.memory_space<semaphore_mem>>
        %dma_start3A_60 = arith.constant 0 : i32
        %dma_start3A_61 = tpu.memref_slice %arg8[%mul3A_49, %dma_start3A_60] : memref<10240x128xf32, #tpu.memory_space<hbm>> -> memref<640x128xf32, #tpu.memory_space<hbm>>
        %dma_start3A_62 = arith.constant 0 : i32
        %dma_start3A_63 = tpu.memref_slice %arg10[%mul3A_49, %dma_start3A_62] : memref<10240x128xf32, #tpu.memory_space<vmem_shared>> -> memref<640x128xf32, #tpu.memory_space<vmem_shared>>
        tpu.enqueue_dma source(%dma_start3A_63 : memref<640x128xf32, #tpu.memory_space<vmem_shared>>) target(%dma_start3A_61 : memref<640x128xf32, #tpu.memory_space<hbm>>) target_semaphore(%run_scoped3A : memref<!tpu.dma_semaphore, #tpu.memory_space<semaphore_mem>>)
        %dma_wait3A = arith.constant 0 : i32
        %dma_wait3A_64 = tpu.memref_slice %arg8[%mul3A_49, %dma_wait3A] : memref<10240x128xf32, #tpu.memory_space<hbm>> -> memref<640x128xf32, #tpu.memory_space<hbm>>
        %dma_wait3A_65 = arith.constant 0 : i32
        %dma_wait3A_66 = tpu.memref_slice %arg10[%mul3A_49, %dma_wait3A_65] : memref<10240x128xf32, #tpu.memory_space<vmem_shared>> -> memref<640x128xf32, #tpu.memory_space<vmem_shared>>
        tpu.wait_dma2 semaphore(%run_scoped3A : memref<!tpu.dma_semaphore, #tpu.memory_space<semaphore_mem>>) src(%dma_wait3A_66 : memref<640x128xf32, #tpu.memory_space<vmem_shared>>) dst(%dma_wait3A_64 : memref<640x128xf32, #tpu.memory_space<hbm>>)
        tpu.yield
      }) : () -> ()
      "tpu.region"() ({
        %run_scoped3A = tpu.sem_alloc : memref<!tpu.dma_semaphore, #tpu.memory_space<semaphore_mem>>
        %dma_start3A_60 = arith.constant 0 : i32
        %dma_start3A_61 = tpu.memref_slice %arg9[%arg1, %dma_start3A_60] : memref<16x10240xf32, #tpu.memory_space<hbm>> -> memref<1x10240xf32, #tpu.memory_space<hbm>>
        %dma_start3A_62 = tpu.memref_squeeze %dma_start3A_61 : memref<1x10240xf32, #tpu.memory_space<hbm>> -> memref<10240xf32, #tpu.memory_space<hbm>>
        %dma_start3A_63 = arith.constant 0 : i32
        %dma_start3A_64 = tpu.memref_slice %arg9[%arg1, %dma_start3A_63] : memref<16x10240xf32, #tpu.memory_space<hbm>> -> memref<1x10240xf32, #tpu.memory_space<hbm>>
        %dma_start3A_65 = tpu.memref_squeeze %dma_start3A_64 : memref<1x10240xf32, #tpu.memory_space<hbm>> -> memref<10240xf32, #tpu.memory_space<hbm>>
        tpu.enqueue_dma source(%arg18 : memref<10240xf32, #tpu.memory_space<vmem>>) target(%dma_start3A_65 : memref<10240xf32, #tpu.memory_space<hbm>>) target_semaphore(%run_scoped3A : memref<!tpu.dma_semaphore, #tpu.memory_space<semaphore_mem>>)
        %dma_wait3A = arith.constant 0 : i32
        %dma_wait3A_66 = tpu.memref_slice %arg9[%arg1, %dma_wait3A] : memref<16x10240xf32, #tpu.memory_space<hbm>> -> memref<1x10240xf32, #tpu.memory_space<hbm>>
        %dma_wait3A_67 = tpu.memref_squeeze %dma_wait3A_66 : memref<1x10240xf32, #tpu.memory_space<hbm>> -> memref<10240xf32, #tpu.memory_space<hbm>>
        %dma_wait3A_68 = arith.constant 0 : i32
        %dma_wait3A_69 = tpu.memref_slice %arg9[%arg1, %dma_wait3A_68] : memref<16x10240xf32, #tpu.memory_space<hbm>> -> memref<1x10240xf32, #tpu.memory_space<hbm>>
        %dma_wait3A_70 = tpu.memref_squeeze %dma_wait3A_69 : memref<1x10240xf32, #tpu.memory_space<hbm>> -> memref<10240xf32, #tpu.memory_space<hbm>>
        tpu.wait_dma2 semaphore(%run_scoped3A : memref<!tpu.dma_semaphore, #tpu.memory_space<semaphore_mem>>) src(%arg18 : memref<10240xf32, #tpu.memory_space<vmem>>) dst(%dma_wait3A_70 : memref<10240xf32, #tpu.memory_space<hbm>>)
        tpu.yield
      }) : () -> ()
    } else {
    }
    return
  }
}

module attributes {stable_mosaic.version = 14 : i64} {
  func.func @_d_body(%arg0: i32, %arg1: memref<400x128xf32, #tpu.memory_space<vmem>>, %arg2: memref<128x128xf32, #tpu.memory_space<vmem>>, %arg3: memref<400x128xf32, #tpu.memory_space<vmem>>) attributes {dimension_semantics = [#tpu.dimension_semantics<arbitrary>], iteration_bounds = array<i64: 25>, scalar_prefetch = 0 : i64, scratch_operands = 0 : i64, tpu.core_type = #tpu.core_type<tc>, window_params = [{transform_indices = @transform_0, window_bounds = array<i64: 400, 128>}, {pipeline_mode = #tpu.pipeline_mode<synchronous>, transform_indices = @transform_1, window_bounds = array<i64: 128, 128>}, {transform_indices = @transform_2, window_bounds = array<i64: 400, 128>}]} {
    %get3A = arith.constant 0 : index
    %get3A_0 = arith.constant 0 : index
    %get3A_1 = vector.load %arg1[%get3A, %get3A_0] : memref<400x128xf32, #tpu.memory_space<vmem>>, vector<400x128xf32>
    %get3A_2 = arith.constant 0 : index
    %get3A_3 = arith.constant 0 : index
    %get3A_4 = vector.load %arg2[%get3A_2, %get3A_3] : memref<128x128xf32, #tpu.memory_space<vmem>>, vector<128x128xf32>
    %dot_general3A = arith.constant dense<0.000000e+00> : vector<400x128xf32>
    %dot_general3A_5 = tpu.matmul %get3A_1, %get3A_4, %dot_general3A {dimension_numbers = #tpu.dot_dimension_numbers<[1], [0], [0], [1], [0, 0, 1, 1], [], []>, transpose_lhs_hint = false} : vector<400x128xf32>, vector<128x128xf32>, vector<400x128xf32> -> vector<400x128xf32>
    %swap3A = arith.constant 0 : index
    %swap3A_6 = arith.constant 0 : index
    %swap3A_7 = vector.load %arg3[%swap3A, %swap3A_6] : memref<400x128xf32, #tpu.memory_space<vmem>>, vector<400x128xf32>
    tpu.vector_store %arg3[%swap3A, %swap3A_6], %dot_general3A_5 {strides = array<i32>} : memref<400x128xf32, #tpu.memory_space<vmem>>, vector<400x128xf32>,
    return
  }
  func.func @transform_0(%arg0: i32) -> (i32, i32) {
    %c0_i32 = arith.constant 0 : i32
    %c0_i32_0 = arith.constant 0 : i32
    return %arg0, %c0_i32 : i32, i32
  }
  func.func @transform_1(%arg0: i32) -> (i32, i32) {
    %c0_i32 = arith.constant 0 : i32
    %c0_i32_0 = arith.constant 0 : i32
    %c0_i32_1 = arith.constant 0 : i32
    return %c0_i32, %c0_i32_0 : i32, i32
  }
  func.func @transform_2(%arg0: i32) -> (i32, i32) {
    %c0_i32 = arith.constant 0 : i32
    %c0_i32_0 = arith.constant 0 : i32
    return %arg0, %c0_i32 : i32, i32
  }
}

module attributes {stable_mosaic.version = 14 : i64} {
  func.func @_final_body(%arg0: i32, %arg1: memref<512x128xf32, #tpu.memory_space<vmem>>, %arg2: memref<512x128xf32, #tpu.memory_space<vmem>>, %arg3: memref<512x128xf32, #tpu.memory_space<vmem>>, %arg4: memref<16x512xf32, #tpu.memory_space<vmem>>, %arg5: memref<128x128xf32, #tpu.memory_space<vmem>>, %arg6: memref<128x128xf32, #tpu.memory_space<vmem>>, %arg7: memref<128x128xf32, #tpu.memory_space<vmem>>, %arg8: memref<1x128xf32, #tpu.memory_space<vmem>>, %arg9: memref<512x128xf32, #tpu.memory_space<vmem>>) attributes {dimension_semantics = [#tpu.dimension_semantics<arbitrary>], iteration_bounds = array<i64: 20>, scalar_prefetch = 0 : i64, scratch_operands = 0 : i64, tpu.core_type = #tpu.core_type<tc>, window_params = [{transform_indices = @transform_0, window_bounds = array<i64: 512, 128>}, {transform_indices = @transform_1, window_bounds = array<i64: 512, 128>}, {transform_indices = @transform_2, window_bounds = array<i64: 512, 128>}, {transform_indices = @transform_3, window_bounds = array<i64: 16, 512>}, {pipeline_mode = #tpu.pipeline_mode<synchronous>, transform_indices = @transform_4, window_bounds = array<i64: 128, 128>}, {pipeline_mode = #tpu.pipeline_mode<synchronous>, transform_indices = @transform_5, window_bounds = array<i64: 128, 128>}, {pipeline_mode = #tpu.pipeline_mode<synchronous>, transform_indices = @transform_6, window_bounds = array<i64: 128, 128>}, {pipeline_mode = #tpu.pipeline_mode<synchronous>, transform_indices = @transform_7, window_bounds = array<i64: 1, 128>}, {transform_indices = @transform_8, window_bounds = array<i64: 512, 128>}]} {
    %get3A = arith.constant 0 : index
    %get3A_0 = arith.constant 0 : index
    %get3A_1 = vector.load %arg2[%get3A, %get3A_0] : memref<512x128xf32, #tpu.memory_space<vmem>>, vector<512x128xf32>
    %get3A_2 = arith.constant 0 : index
    %get3A_3 = arith.constant 0 : index
    %get3A_4 = vector.load %arg5[%get3A_2, %get3A_3] : memref<128x128xf32, #tpu.memory_space<vmem>>, vector<128x128xf32>
    %dot_general3A = arith.constant dense<0.000000e+00> : vector<512x128xf32>
    %dot_general3A_5 = tpu.matmul %get3A_1, %get3A_4, %dot_general3A {dimension_numbers = #tpu.dot_dimension_numbers<[1], [0], [0], [1], [0, 0, 1, 1], [], []>, transpose_lhs_hint = false} : vector<512x128xf32>, vector<128x128xf32>, vector<512x128xf32> -> vector<512x128xf32>
    %get3A_6 = arith.constant 0 : index
    %get3A_7 = arith.constant 0 : index
    %get3A_8 = vector.load %arg3[%get3A_6, %get3A_7] : memref<512x128xf32, #tpu.memory_space<vmem>>, vector<512x128xf32>
    %get3A_9 = arith.constant 0 : index
    %get3A_10 = arith.constant 0 : index
    %get3A_11 = vector.load %arg6[%get3A_9, %get3A_10] : memref<128x128xf32, #tpu.memory_space<vmem>>, vector<128x128xf32>
    %dot_general3A_12 = arith.constant dense<0.000000e+00> : vector<512x128xf32>
    %dot_general3A_13 = tpu.matmul %get3A_8, %get3A_11, %dot_general3A_12 {dimension_numbers = #tpu.dot_dimension_numbers<[1], [0], [0], [1], [0, 0, 1, 1], [], []>, transpose_lhs_hint = false} : vector<512x128xf32>, vector<128x128xf32>, vector<512x128xf32> -> vector<512x128xf32>
    %add3A = arith.addf %dot_general3A_5, %dot_general3A_13 : vector<512x128xf32>
    %get3A_14 = arith.constant 0 : index
    %get3A_15 = arith.constant 0 : index
    %get3A_16 = vector.load %arg1[%get3A_14, %get3A_15] : memref<512x128xf32, #tpu.memory_space<vmem>>, vector<512x128xf32>
    %get3A_17 = arith.constant 0 : index
    %get3A_18 = arith.constant 0 : index
    %get3A_19 = vector.load %arg7[%get3A_17, %get3A_18] : memref<128x128xf32, #tpu.memory_space<vmem>>, vector<128x128xf32>
    %dot_general3A_20 = arith.constant dense<0.000000e+00> : vector<512x128xf32>
    %dot_general3A_21 = tpu.matmul %get3A_16, %get3A_19, %dot_general3A_20 {dimension_numbers = #tpu.dot_dimension_numbers<[1], [0], [0], [1], [0, 0, 1, 1], [], []>, transpose_lhs_hint = false} : vector<512x128xf32>, vector<128x128xf32>, vector<512x128xf32> -> vector<512x128xf32>
    %add3A_22 = arith.addf %add3A, %dot_general3A_21 : vector<512x128xf32>
    %get3A_23 = arith.constant 0 : index
    %get3A_24 = arith.constant 0 : index
    %get3A_25 = vector.load %arg4[%get3A_23, %get3A_24] : memref<16x512xf32, #tpu.memory_space<vmem>>, vector<16x512xf32>
    %reduce_sum3A = arith.constant dense<0.000000e+00> : vector<512xf32>
    %reduce_sum3A_26 = vector.multi_reduction <add>, %get3A_25, %reduce_sum3A [0] : vector<16x512xf32> to vector<512xf32>
    %broadcast_in_dim3A = vector.shape_cast %reduce_sum3A_26 : vector<512xf32> to vector<512x1xf32>
    %add3A_27 = arith.constant 1.000000e+00 : f32
    %add3A_28 = vector.broadcast %add3A_27 : f32 to vector<512x1xf32>
    %add3A_29 = arith.addf %broadcast_in_dim3A, %add3A_28 : vector<512x1xf32>
    %div3A = vector.broadcast %add3A_29 : vector<512x1xf32> to vector<512x128xf32>
    %div3A_30 = arith.divf %add3A_22, %div3A : vector<512x128xf32>
    %get3A_31 = arith.constant 0 : index
    %get3A_32 = arith.constant 0 : index
    %get3A_33 = vector.load %arg8[%get3A_31, %get3A_32] : memref<1x128xf32, #tpu.memory_space<vmem>>, vector<1x128xf32>
    %add3A_34 = vector.broadcast %get3A_33 : vector<1x128xf32> to vector<512x128xf32>
    %add3A_35 = arith.addf %div3A_30, %add3A_34 : vector<512x128xf32>
    %get3A_36 = arith.constant 0 : index
    %get3A_37 = arith.constant 0 : index
    %get3A_38 = vector.load %arg1[%get3A_36, %get3A_37] : memref<512x128xf32, #tpu.memory_space<vmem>>, vector<512x128xf32>
    %max3A = arith.constant 0.000000e+00 : f32
    %max3A_39 = vector.broadcast %max3A : f32 to vector<512x128xf32>
    %max3A_40 = arith.maximumf %add3A_35, %max3A_39 : vector<512x128xf32>
    %add3A_41 = arith.addf %get3A_38, %max3A_40 : vector<512x128xf32>
    %swap3A = arith.constant 0 : index
    %swap3A_42 = arith.constant 0 : index
    %swap3A_43 = vector.load %arg9[%swap3A, %swap3A_42] : memref<512x128xf32, #tpu.memory_space<vmem>>, vector<512x128xf32>
    tpu.vector_store %arg9[%swap3A, %swap3A_42], %add3A_41 {strides = array<i32>} : memref<512x128xf32, #tpu.memory_space<vmem>>, vector<512x128xf32>,
    return
  }
  func.func @transform_0(%arg0: i32) -> (i32, i32) {
    %c0_i32 = arith.constant 0 : i32
    %c0_i32_0 = arith.constant 0 : i32
    return %arg0, %c0_i32 : i32, i32
  }
  func.func @transform_1(%arg0: i32) -> (i32, i32) {
    %c0_i32 = arith.constant 0 : i32
    %c0_i32_0 = arith.constant 0 : i32
    return %arg0, %c0_i32 : i32, i32
  }
  func.func @transform_2(%arg0: i32) -> (i32, i32) {
    %c0_i32 = arith.constant 0 : i32
    %c0_i32_0 = arith.constant 0 : i32
    return %arg0, %c0_i32 : i32, i32
  }
  func.func @transform_3(%arg0: i32) -> (i32, i32) {
    %c0_i32 = arith.constant 0 : i32
    %c0_i32_0 = arith.constant 0 : i32
    return %c0_i32, %arg0 : i32, i32
  }
  func.func @transform_4(%arg0: i32) -> (i32, i32) {
    %c0_i32 = arith.constant 0 : i32
    %c0_i32_0 = arith.constant 0 : i32
    %c0_i32_1 = arith.constant 0 : i32
    return %c0_i32, %c0_i32_0 : i32, i32
  }
  func.func @transform_5(%arg0: i32) -> (i32, i32) {
    %c0_i32 = arith.constant 0 : i32
    %c0_i32_0 = arith.constant 0 : i32
    %c0_i32_1 = arith.constant 0 : i32
    return %c0_i32, %c0_i32_0 : i32, i32
  }
  func.func @transform_6(%arg0: i32) -> (i32, i32) {
    %c0_i32 = arith.constant 0 : i32
    %c0_i32_0 = arith.constant 0 : i32
    %c0_i32_1 = arith.constant 0 : i32
    return %c0_i32, %c0_i32_0 : i32, i32
  }
  func.func @transform_7(%arg0: i32) -> (i32, i32) {
    %c0_i32 = arith.constant 0 : i32
    %c0_i32_0 = arith.constant 0 : i32
    %c0_i32_1 = arith.constant 0 : i32
    return %c0_i32, %c0_i32_0 : i32, i32
  }
  func.func @transform_8(%arg0: i32) -> (i32, i32) {
    %c0_i32 = arith.constant 0 : i32
    %c0_i32_0 = arith.constant 0 : i32
    return %arg0, %c0_i32 : i32, i32
  }
}

</mosaic_0001>

<sc_bundles>
// kernel: kernel.5.cloned.1.call-start
scs
__scs_entry_jumppad:
0x0: {  	(pc) =	sbr.rel $0x88, $3  }
0x1: {  	(tag) =	ssettag $0x0;
	lr =	simm.s32 $0x1  }
0x2: {  	[smem:$0x3F9B] =	sst lr;
	_ =	strace $0xD0000000  }
0x3: {  	_ = 	snop  }
0x4: {  	_ = 	snop  }
0x5: {  	_ = 	snop  }
0x6: {  	_ = 	snop  }
0x7: {  	_ = 	snop  }
__scs_overlays_trampoline_lowered:
0x8: {  	[smem:$0x3FAA] =	sst s0  }
0x9: {  	[smem:$0x3FAB] =	sst s1  }
0xa: {  	[smem:$0x3FAC] =	sst s2  }
0xb: {  	[smem:$0x3FAD] =	sst s3  }
0xc: {  	[smem:$0x3FAE] =	sst s4  }
0xd: {  	[smem:$0x3FAF] =	sst s5  }
0xe: {  	[smem:$0x3FB0] =	sst s6  }
0xf: {  	[smem:$0x3FB1] =	sst s7  }
0x10: {  	[smem:$0x3FB2] =	sst s8  }
0x11: {  	[smem:$0x3FB3] =	sst s9;
	s0 =	simm.s32 @!p0 $0x0  }
0x12: {  	s1 =	sld [smem:$0x3F99];
	s0 =	simm.s32 @p0 $0x1  }
0x13: {  	[smem:$0x3FB4] =	sst s0;
	s0 =	simm.s32 @!p1 $0x0  }
0x14: {  	s2 =	sld [smem:$0x3F98];
	s0 =	simm.s32 @p1 $0x1  }
0x15: {  	[smem:$0x3FB5] =	sst s0;
	s0 =	simm.s32 @!p2 $0x0  }
0x16: {  	s3 =	sld [smem:$0x3FDB];
	s0 =	simm.s32 @p2 $0x1  }
0x17: {  	s4 =	simm.s32 $0x1BF5;
	[smem:$0x3FB7] =	sst s0  }
0x18: {  	s0 =	sld [smem:$0x3F9A];
	_ =	swait.ge [sflag:s4], $0x0  }
0x19: {  	s7 =	sld [smem:$0x3F9B]  }
0x1a: {  	s8 =	sadd.s32 $0xFFFFE003, lr  }
0x1b: {  	s9 =	sadd.s32 $0xFFFFFEF7, lr;
	s5 =	simm.s32 $0xFFFFFFFF;
	p2 =	slt.u32 s8, $0xFFFFF086  }
0x1c: {  	p1 =	slt.u32 s9, $0xF7A;
	s5 =	simm.s32 @!p2 $0x0  }
0x1d: {  	s5 =	simm.s32 @p1 $0x1;
	p0 =	seq.s32 s7, s2  }
0x1e: {  	s7 =	smul.u32 @!p0 $0xF7A, s2;
	p2 =	seq.s32 @!p0 s5, $0x0  }
0x1f: {  	s9 =	smul.u32 $0xF7A, s1;
	s8 =	simm.s32 @!p0 $0x1BF5;
	p2 =	por !p2, p0  }
0x20: {  	[sflag:s8] =	ssyncset.s32 @!p0 $0xFFFFF086;
	s6 =	sadd.s32 @!p0 s3, s7;
	s7 =	simm.s32 @!p0 $0x108  }
0x21: {  	s3 =	sadd.s32 s3, s9;
	s6 =	sadd.s32 @!p0 $0x88, s6;
	s7 =	simm.s32 @p2 $0x1082  }
0x22: {  	[simem:s7], [sflag:s8] =	dma.local @!p0 [hbm:s6], $0xF7A  }
0x23: {  	s9 =	sor.u32 $0xD0000000, s2;
	s6 =	simm.s32 $0x108;
	_ =	swait.ge @!p0 [sflag:s8], $0x0  }
0x24: {  	s3 =	sadd.s32 $0x88, s3;
	s6 =	simm.s32 @!p1 $0x1082;
	[sflag:s4] =	ssyncset.s32 $0xFFFFF086  }
0x25: {  	[simem:s6], [sflag:s4] =	dma.local [hbm:s3], $0xF7A  }
0x26: {  	[smem:$0x3F9B] =	sst s1;
	(tag) =	ssettag s2;
	_ =	strace s9  }
0x27: {  	s1 =	sld [smem:$0x3FAB]  }
0x28: {  	s2 =	sld [smem:$0x3FAC]  }
0x29: {  	s4 =	sld [smem:$0x3FAE]  }
0x2a: {  	p0 =	seq.s32 s5, $0x0;
	s5 =	sld [smem:$0x3FAF]  }
0x2b: {  	s6 =	sld [smem:$0x3FB0]  }
0x2c: {  	s7 =	sld [smem:$0x3FB1]  }
0x2d: {  	s3 =	simm.s32 $0x108;
	s8 =	sld [smem:$0x3FB2]  }
0x2e: {  	s3 =	simm.s32 @!p0 $0x1082;
	s9 =	sld [smem:$0x3FB3]  }
0x2f: {  	lr =	sadd.s32 s0, s3;
	s0 =	sld [smem:$0x3FAA]  }
0x30: {  	s3 =	sld [smem:$0x3FAD]  }
0x31: {  	[smem:$0x3FB6] =	sst s10  }
0x32: {  	s10 =	sld [smem:$0x3FB4];
	_ =	sdelay $0x3  }
0x33: {  	p0 =	seq.s32 s10, $0x1;
	s10 =	sld [smem:$0x3FB6];
	_ =	sdelay $0x3  }
0x34: {  	[smem:$0x3FB6] =	sst s10  }
0x35: {  	s10 =	sld [smem:$0x3FB5];
	_ =	sdelay $0x3  }
0x36: {  	p1 =	seq.s32 s10, $0x1;
	s10 =	sld [smem:$0x3FB6];
	_ =	sdelay $0x3  }
0x37: {  	[smem:$0x3FB6] =	sst s10  }
0x38: {  	s10 =	sld [smem:$0x3FB7]  }
0x39: {  	_ = 	snop;
	(pc) =	sbr.ind lr, $3  }
0x3a: {  	_ = 	snop  }
0x3b: {  	_ = 	snop  }
0x3c: {  	p2 =	seq.s32 s10, $0x1;
	s10 =	sld [smem:$0x3FB6]  }
0x3d: {  	_ =	shalt  }
0x3e: {  	_ =	shalt  }
0x3f: {  	_ =	shalt  }
0x40: {  	_ =	shalt  }
0x41: {  	_ =	shalt  }
0x42: {  	_ =	shalt  }
0x43: {  	_ =	shalt  }
0x44: {  	_ =	shalt  }
0x45: {  	_ =	shalt  }
0x46: {  	_ =	shalt  }
0x47: {  	_ =	shalt  }
0x48: {  	_ =	shalt  }
0x49: {  	_ =	shalt  }
0x4a: {  	_ =	shalt  }
0x4b: {  	_ =	shalt  }
0x4c: {  	_ =	shalt  }
0x4d: {  	_ =	shalt  }
0x4e: {  	_ =	shalt  }
0x4f: {  	_ =	shalt  }
0x50: {  	_ =	shalt  }
0x51: {  	_ =	shalt  }
0x52: {  	_ =	shalt  }
0x53: {  	_ =	shalt  }
0x54: {  	_ =	shalt  }
0x55: {  	_ =	shalt  }
0x56: {  	_ =	shalt  }
0x57: {  	_ =	shalt  }
0x58: {  	_ =	shalt  }
0x59: {  	_ =	shalt  }
0x5a: {  	_ =	shalt  }
0x5b: {  	_ =	shalt  }
0x5c: {  	_ =	shalt  }
0x5d: {  	_ =	shalt  }
0x5e: {  	_ =	shalt  }
0x5f: {  	_ =	shalt  }
0x60: {  	_ =	shalt  }
0x61: {  	_ =	shalt  }
0x62: {  	_ =	shalt  }
0x63: {  	_ =	shalt  }
0x64: {  	_ =	shalt  }
0x65: {  	_ =	shalt  }
0x66: {  	_ =	shalt  }
0x67: {  	_ =	shalt  }
0x68: {  	_ =	shalt  }
0x69: {  	_ =	shalt  }
0x6a: {  	_ =	shalt  }
0x6b: {  	_ =	shalt  }
0x6c: {  	_ =	shalt  }
0x6d: {  	_ =	shalt  }
0x6e: {  	_ =	shalt  }
0x6f: {  	_ =	shalt  }
0x70: {  	_ =	shalt  }
0x71: {  	_ =	shalt  }
0x72: {  	_ =	shalt  }
0x73: {  	_ =	shalt  }
0x74: {  	_ =	shalt  }
0x75: {  	_ =	shalt  }
0x76: {  	_ =	shalt  }
0x77: {  	_ =	shalt  }
0x78: {  	_ =	shalt  }
0x79: {  	_ =	shalt  }
0x7a: {  	_ =	shalt  }
0x7b: {  	_ =	shalt  }
0x7c: {  	_ =	shalt  }
0x7d: {  	_ =	shalt  }
0x7e: {  	_ =	shalt  }
0x7f: {  	_ =	shalt  }
0x80: {  	_ =	shalt  }
0x81: {  	_ =	shalt  }
0x82: {  	_ =	shalt  }
0x83: {  	_ =	shalt  }
0x84: {  	_ =	shalt  }
0x85: {  	_ =	shalt  }
0x86: {  	_ =	shalt  }
0x87: {  	_ =	shalt  }
.Lfunc_end0:
.L_simem_size_0:
called_computation_lowered:
.L_overlay_start_0:
0x88: {  	s2 =	sld [smem:$0x3FD9]  }
0x89: {  	s3 =	sld [smem:$0x3FFE];
	_ =	sdelay $0x1  }
0x8a: {  	s1 =	srdreg.scid  }
0x8b: {  	s0 =	sand.u32 $0x1, s1  }
0x8c: {  	s17 =	sshll.u32 s0, $0xA;
	s2 =	sadd.s32 s3, s2  }
0x8d: {  	s2 =	sadd.s32 s2, s17  }
0x8e: {  	[smem:$0x3FC2] =	sst s2  }
0x8f: {  	_ = 	snop  }
0x90: {  	s2 =	sld [smem:$0x3FC9]  }
0x91: {  	s18 =	sld [smem:$0x3FD0];
	(tm) =	ssettm $0x1  }
0x92: {  	s4 =	sld [smem:$0x3FFB];
	_ =	sdelay $0x3  }
0x93: {  	_ =	strace s4  }
0x94: {  	s4 =	sld [smem:$0x3FFC];
	_ =	sdelay $0x3  }
0x95: {  	_ =	strace s4  }
0x96: {  	s4 =	sld [smem:$0x3FFD];
	_ =	sdelay $0x3  }
0x97: {  	_ =	strace s4  }
0x98: {  	_ =	strace $0x8FFFFFFF  }
0x99: {  	s19 =	sld [smem:$0x3FDB];
	_ =	sdelay $0x1  }
0x9a: {  	s5 =	simm.s32 $_scs_section_size  }
0x9b: {  	s6 =	simm.s32 $_size__tile_overlayer_lowered;
	s7 =	simm.s32 $_tile_overlayer_lowered  }
0x9c: {  	s22 =	simm.s32 $0x1BFF;
	s21 =	sshll.u32 s7, $0x1;
	s4 =	sadd.s32 s5, s19  }
0x9d: {  	s8 =	simm.s32 $0x0;
	s20 =	sshll.u32 s6, $0x1;
	s6 =	sadd.s32 s21, s4  }
0x9e: {  	[timem:s8], [sflag:s22] =	dma.local [hbm:s6], s20  }
0x9f: {  	_ =	swait.ge [sflag:s22], s20  }
0xa0: {  	s5 =	ssub.s32 $0x0, s20;
	[sflag:s22] =	ssyncset.done $0x0  }
0xa1: {  	[sflag:s22] =	ssyncadd.s32 s5;
	_ =	sdelay $0x1  }
0xa2: {  	s23 =	simm.s32 $0x1B8B  }
0xa3: {  	_ =	swait.ge [sflag:s23], $0x1  }
0xa4: {  	[sflag:s23] =	ssyncset.done $0x0  }
0xa5: {  	s25 =	simm.s32 $0x1B8E;
	s24 =	sld [smem:$0x3FFE];
	[sflag:s23] =	ssyncadd.s32 $0xFFFFFFFF  }
0xa6: {  	s26 =	simm.s32 $execute0_lowered;
	[smem:$0x3FD2] =	sst s25  }
0xa7: {  	s6 =	sshll.u32 s26, $0x1;
	_ =	strace $0x80000046;
	[dreg:$0x1] =	wrdreg $0xFFFFFFFF  }
0xa8: {  	s28 =	simm.s32 $_size_execute0_lowered;
	s4 =	sadd.s32 s4, s6;
	[dreg:$0x0] =	wrdreg $0x0  }
0xa9: {  	s6 =	sshll.u32 s28, $0x1;
	[dreg:$0x2] =	wrdreg s4  }
0xaa: {  	[dreg:$0x3] =	wrdreg s6  }
0xab: {  	[dreg:$0x4] =	wrdreg $0xC0  }
0xac: {  	_ =	task [dreg:s8], $0x5FFFF  }
0xad: {  	[dreg:$0x1] =	wrdreg $0xFFFFFFFF  }
0xae: {  	[dreg:$0x0] =	wrdreg $0x60  }
0xaf: {  	[dreg:$0x2] =	wrdreg s18  }
0xb0: {  	[dreg:$0x3] =	wrdreg s24  }
0xb1: {  	[dreg:$0x4] =	wrdreg s2  }
0xb2: {  	[dreg:$0x5] =	wrdreg $0x0  }
0xb3: {  	[dreg:$0x6] =	wrdreg $0x9  }
0xb4: {  	_ =	task.clear_ibuf [dreg:s8], $0x7FFFF;
	_ =	strace $0x90000046  }
0xb5: {  	s29 =	simm.s32 $0x9;
	_ =	strace $0x80000048  }
0xb6: {  	_ =	swait.ge [sflag:s29], $0x1  }
0xb7: {  	[sflag:s29] =	ssyncadd.s32 $0xFFFFFFFF  }
0xb8: {  	_ =	strace $0x90000048  }
0xb9: {  	_ =	sfence  }
0xba: {  	s30 =	sld [smem:$0x0];
	_ =	sdelay $0x2  }
0xbb: {  	s31 =	sshll.u32 s1, $0xD;
	s1 =	sshrl.u32 s1, $0x2  }
0xbc: {  	s3 =	sand.u32 $0x4000, s31;
	s1 =	sadd.s32 s1, s30  }
0xbd: {  	s0 =	sor.u32 s3, s0;
	s1 =	sshll.u32 s1, $0x11  }
0xbe: {  	s0 =	sor.u32 s1, s0  }
0xbf: {  	s0 =	sadd.s32 $0x8F2B, s0  }
0xc0: {  	[sflag:s0] =	ssyncadd.remote.s32 $0x1  }
0xc1: {  	_ =	sfence.sel $0xFFFF  }
0xc2: {  	[dreg:$0x0] =	wrdreg $0xFFFFFFFF;
	(pc) =	sbr.abs _section_cstart, $3  }
0xc3: {  	[dreg:$0x1] =	wrdreg $0xFFFFFFFF  }
0xc4: {  	_ =	task.clear_ibuf [dreg:s8], $0x2FFFF;
	_ =	strace $0x9FFFFFFF  }
0xc5: {  	(tm) =	ssettm $0x7FFFFFFF  }
tec
execute0_lowered:
.L_overlay_start_1:
0x0: {  	(tag) =	ssettag $0x1  }
0x1: {  	s1 =	rddreg [dreg:$0x0]  }
0x2: {  	s0 =	rddreg [dreg:$0x1]  }
0x3: {  	s2 =	rddreg [dreg:$0x2]  }
0x4: {  	s3 =	rddreg [dreg:$0x3]  }
0x5: {  	s5 =	simm.s32 $0x0;
	s12 =	stileid.u32;
	s9 =	srdreg.scid  }
0x6: {  	s30 =	simm.s32 $0x1C100;
	s31 =	simm.s32 $0x80;
	s28 =	simm.s32 $0x1C080  }
0x7: {  	[smem:$0x7FF] =	sst s5;
	s6 =	sadd.s32 $0xA00, s0;
	s4 =	sadd.s32 $0xA800, s0  }
0x8: {  	s29 =	smul.u32 $0x2800, s12;
	s7 =	sshrl.u32 s12, $0x3;
	s8 =	sadd.s32 $0x600, s0  }
0x9: {  	s11 =	sshll.u32 s12, $0x7;
	s10 =	smul.u32 $0x50000, s12;
	s13 =	sand.u32 $0x1, s9  }
0xa: {  	s25 =	smul.u32 $0x9E0, s12;
	_ =	strace $0x80000047;
	[dreg:$0x5] =	wrdreg s4  }
0xb: {  	[dreg:$0x6] =	wrdreg s8;
	s7 =	smul.u32 $0x14000, s7;
	s8 =	sand.u32 $0x380, s11  }
0xc: {  	s11 =	ssub.s32 $0x2, s13;
	p0 =	sne.s32 s13, $0x0;
	s4 =	sadd.s32 s29, s0  }
0xd: {  	s17 =	sshrl.u32 s10, $0x2;
	s18 =	sshrl.u32 s11, $0x1;
	s7 =	sor.u32 s8, s7  }
0xe: {  	s9 =	sadd.s32 s17, s3;
	s17 =	smul.u32 $0x4F00, s12;
	s26 =	sadd.s32 $0x32E00, s4  }
0xf: {  	s19 =	ssub.s32 s11, s18;
	s29 =	sadd.s32 $0xAE00, s4;
	[dreg:$0xb] =	wrdreg s26  }
0x10: {  	s18 =	simm.s32 $0x18000;
	s20 =	sadd.s32 $0x4000, s9;
	[dreg:$0xd] =	wrdreg s29  }
0x11: {  	s7 =	sshrl.u32 s7, $0x3;
	s21 =	sadd.s32 $0x8000, s9;
	[dreg:$0x7] =	wrdreg s20  }
0x12: {  	s22 =	sadd.s32 $0xC000, s9;
	s24 =	sadd.s32 $0x10000, s9;
	[dreg:$0x8] =	wrdreg s21  }
0x13: {  	s26 =	simm.s32 $0x1C280;
	s0 =	sadd.s32 s7, s0;
	[dreg:$0x9] =	wrdreg s22  }
0x14: {  	s23 =	sshrl.u32 s17, $0x3;
	[dreg:$0xa] =	wrdreg s24;
	s16 =	sor.u32 $0x80, s17  }
.Ltmp0:
0x15: {  	s17 =	sadd.s32 $0x100, s17;
	s21 =	smax.u32 s19, $0x1;
	(pc) =	sbr.rel .LBB2_1-.Ltmp0, $4  }
0x16: {  	s22 =	sadd.s32 s25, s6;
	s24 =	simm.s32 $0x14000;
	s7 =	simm.s32 $0x1C180  }
0x17: {  	s19 =	simm.s32 $0x2;
	s20 =	simm.s32 $0x0;
	s14 =	sadd.s32 s1, s23  }
0x18: {  	s15 =	sadd.s32 s6, s23;
	s0 =	sadd.s32 $0x5AE00, s0;
	s23 =	sadd.s32 s25, s1  }
0x19: {  	v0 =	vimm.f32 $0.0e+00;
	v1 =	vimm.f32 $1.000000000e+00;
	s25 =	simm.s32 $0x3;
	[dreg:$0xc] =	wrdreg s0;
	s0 =	simm.s32 $0x1  }
.LBB2_17:
0x1a: {  	s20 =	sadd.s32 $0x1, s20  }
0x1b: {  	p1 =	sne.s32 s20, s21  }
.Ltmp1:
0x1c: {  	_ = 	snop;
	(pc) =	sbr.rel @!p1 .LBB2_18-.Ltmp1, $4  }
0x1d: {  	_ = 	snop  }
0x1e: {  	_ =	swait.ge [sflag:s25], $0x2800  }
0x1f: {  	[sflag:s25] =	ssyncset.done $0x0  }
0x20: {  	[sflag:s25] =	ssyncadd.s32 $0xFFFFD800  }
.LBB2_1:
0x21: {  	s4 =	simm.s32 $0x0;
	s8 =	simm.s32 $0x200  }
.LBB2_2:
0x22: {  	p1 =	sne.s32 s8, $0xFE00;
	[tilespmem:s4+$0x14070] =	vst v0  }
0x23: {  	[tilespmem:s4+$0x14000] =	vst v0  }
0x24: {  	[tilespmem:s4+$0x14010] =	vst v0  }
.Ltmp2:
0x25: {  	[tilespmem:s4+$0x14020] =	vst v0;
	(pc) =	sbr.rel @p1 .LBB2_2-.Ltmp2, $4  }
0x26: {  	[tilespmem:s4+$0x14030] =	vst v0  }
0x27: {  	[tilespmem:s4+$0x14040] =	vst v0  }
0x28: {  	[tilespmem:s4+$0x14050] =	vst v0  }
0x29: {  	[tilespmem:s4+$0x14060] =	vst v0;
	s4 =	sshra.s32 s8, $0x2;
	s8 =	sadd.s32 $0x200, s8  }
0x2a: {  	[tilespmem:s4+$0x14070] =	vst v0  }
0x2b: {  	[tilespmem:s4+$0x14000] =	vst v0  }
0x2c: {  	[tilespmem:s4+$0x14010] =	vst v0  }
0x2d: {  	[tilespmem:s4+$0x14020] =	vst v0  }
0x2e: {  	[tilespmem:s4+$0x14030] =	vst v0  }
0x2f: {  	[tilespmem:s4+$0x14040] =	vst v0  }
0x30: {  	[tilespmem:s4+$0x14050] =	vst v0  }
0x31: {  	[tilespmem:s4+$0x14060] =	vst v0  }
0x32: {  	[spmem:s9] =	stream.linear.scatter [tilespmem:s24], [sflag:$0x3], $0x4000, $0x38;
	[tilespmem:$0x1EB00] =	vst v63  }
0x33: {  	_ =	swait.ge [sflag:s25], $0x4000  }
0x34: {  	[sflag:s25] =	ssyncset.done $0x0  }
0x35: {  	s11 =	rddreg [dreg:$0x7];
	[sflag:s25] =	ssyncadd.s32 $0xFFFFC000  }
0x36: {  	[spmem:s11] =	stream.linear.scatter [tilespmem:s24], [sflag:$0x3], $0x4000, $0x38;
	[tilespmem:$0x1EB00] =	vst v63  }
0x37: {  	_ =	swait.ge [sflag:s25], $0x4000  }
0x38: {  	[sflag:s25] =	ssyncset.done $0x0  }
0x39: {  	s12 =	rddreg [dreg:$0x8];
	[sflag:s25] =	ssyncadd.s32 $0xFFFFC000  }
0x3a: {  	[spmem:s12] =	stream.linear.scatter [tilespmem:s24], [sflag:$0x3], $0x4000, $0x38;
	[tilespmem:$0x1EB00] =	vst v63  }
0x3b: {  	_ =	swait.ge [sflag:s25], $0x4000  }
0x3c: {  	[sflag:s25] =	ssyncset.done $0x0  }
0x3d: {  	s13 =	rddreg [dreg:$0x9];
	[sflag:s25] =	ssyncadd.s32 $0xFFFFC000  }
0x3e: {  	[spmem:s13] =	stream.linear.scatter [tilespmem:s24], [sflag:$0x3], $0x4000, $0x38;
	[tilespmem:$0x1EB00] =	vst v63  }
0x3f: {  	_ =	swait.ge [sflag:s25], $0x4000  }
0x40: {  	[sflag:s25] =	ssyncset.done $0x0  }
.Ltmp3:
0x41: {  	s29 =	rddreg [dreg:$0xa];
	[sflag:s25] =	ssyncadd.s32 $0xFFFFC000;
	(pc) =	sbr.rel @p0 .LBB2_5-.Ltmp3, $4  }
0x42: {  	[spmem:s29] =	stream.linear.scatter [tilespmem:s24], [sflag:$0x3], $0x4000, $0x38;
	[tilespmem:$0x1EB00] =	vst v63  }
0x43: {  	_ =	swait.ge [sflag:s25], $0x4000  }
0x44: {  	[sflag:s25] =	ssyncset.done $0x0  }
0x45: {  	[sflag:s25] =	ssyncadd.s32 $0xFFFFC000  }
.Ltmp4:
0x46: {  	s4 =	rddreg [dreg:$0x5];
	(pc) =	sbr.rel .LBB2_8-.Ltmp4, $4  }
0x47: {  	[tilespmem:s26], [sflag:$0x3] =	stream.linear.gather [hbm4b:s4+s5], $0x2710, $0x38;
	[tilespmem:$0x1EB00] =	vst v63  }
0x48: {  	_ =	swait.ge [sflag:s25], $0x2710  }
0x49: {  	[sflag:s25] =	ssyncset.done $0x0  }
0x4a: {  	[sflag:s25] =	ssyncadd.s32 $0xFFFFD8F0  }
.LBB2_5:
0x4b: {  	s4 =	simm.s32 $0x40;
	s8 =	simm.s32 $0x0  }
.LBB2_6:
0x4c: {  	p1 =	sne.s32 s4, $0x9FC0;
	[tilespmem:s8+$0x1C280] =	vst v0;
	s8 =	smov.u32 s4;
	s4 =	sadd.s32 $0x40, s4  }
.Ltmp5:
0x4d: {  	(pc) =	sbr.rel @p1 .LBB2_6-.Ltmp5, $2  }
0x4e: {  	_ =	sdelay $0x2  }
0x4f: {  	s8 =	sshra.s32 s8, $0x2  }
0x50: {  	[tilespmem:s8+$0x1C280] =	vst v0  }
.LBB2_8:
0x51: {  	s4 =	simm.s32 $0x0;
	s8 =	rddreg [dreg:$0x6];
	s10 =	simm.s32 $0x1EA80  }
0x52: {  	[tilespmem:s10], [sflag:$0x3] =	stream.linear.gather [hbm4b:s8+s4], $0x80, $0x38;
	[tilespmem:$0x1EB00] =	vst v63  }
0x53: {  	_ =	swait.ge [sflag:s25], $0x80  }
0x54: {  	[sflag:s25] =	ssyncset.done $0x0  }
0x55: {  	[sflag:s25] =	ssyncadd.s32 $0xFFFFFF80  }
0x56: {  	s13 =	simm.s32 $0x1C000;
	[bflag:$0x0] =	sbarrier.arrive $0xFFFF  }
0x57: {  	[tilespmem:s13], [sflag:$0x3] =	stream.linear.gather [hbm4b:s14+s4], $0x80, $0x38;
	[tilespmem:$0x1EB00] =	vst v63  }
0x58: {  	_ =	swait.ge [sflag:s25], $0x80  }
0x59: {  	[sflag:s25] =	ssyncset.done $0x0  }
0x5a: {  	[sflag:s25] =	ssyncadd.s32 $0xFFFFFF80  }
0x5b: {  	[tilespmem:s30], [sflag:$0x3] =	stream.linear.gather [hbm4b:s15+s4], $0x80, $0x38;
	[tilespmem:$0x1EB00] =	vst v63  }
.Ltmp6:
0x5c: {  	_ = 	snop;
	(pc) =	sbr.rel @p0 .LBB2_15-.Ltmp6, $4  }
0x5d: {  	_ =	swait.ge [sflag:s25], $0x80  }
0x5e: {  	[sflag:s25] =	ssyncset.done $0x0  }
0x5f: {  	s29 =	simm.s32 $0x0;
	[sflag:s25] =	ssyncadd.s32 $0xFFFFFF80  }
0x60: {  	[tilespmem:s24], [sflag:$0x1] =	stream.indirect.gather [hbm4b:s2+s31], $0x80, s13, s31, $0xb8;
	[tilespmem:$0x1EB00] =	vst v63  }
.LBB2_9:
0x61: {  	s8 =	sshll.u32 s29, $0x8  }
0x62: {  	_ =	swait.ge [sflag:s0], $0x4000;
	s10 =	sadd.s32 s8, s16  }
0x63: {  	[sflag:s0] =	ssyncset.done $0x0;
	s10 =	sshrl.u32 s10, $0x3  }
0x64: {  	[sflag:s0] =	ssyncadd.s32 $0xFFFFC000;
	s11 =	sadd.s32 s1, s10  }
0x65: {  	[tilespmem:s28], [sflag:$0x3] =	stream.linear.gather [hbm4b:s11+s4], $0x80, $0x38;
	[tilespmem:$0x1EB00] =	vst v63  }
0x66: {  	_ =	swait.ge [sflag:s25], $0x80  }
0x67: {  	[sflag:s25] =	ssyncset.done $0x0  }
0x68: {  	s10 =	sadd.s32 s6, s10;
	[sflag:s25] =	ssyncadd.s32 $0xFFFFFF80  }
0x69: {  	[tilespmem:s7], [sflag:$0x3] =	stream.linear.gather [hbm4b:s10+s4], $0x80, $0x38;
	[tilespmem:$0x1EB00] =	vst v63  }
0x6a: {  	_ =	swait.ge [sflag:s25], $0x80  }
0x6b: {  	[sflag:s25] =	ssyncset.done $0x0  }
0x6c: {  	[sflag:s25] =	ssyncadd.s32 $0xFFFFFF80  }
0x6d: {  	[tilespmem:s18], [sflag:$0x2] =	stream.indirect.gather [hbm4b:s2+s31], $0x80, s28, s31, $0xb8;
	[tilespmem:$0x1EB00] =	vst v63  }
0x6e: {  	v2 =	vld [tilespmem:$0x1C000]  }
0x6f: {  	v3 =	vld [tilespmem:$0x1C100];
	_ =	sdelay $0x6  }
0x70: {  	v4 =	vld.idx.msk [tilespmem:v2+s26+$0x0], $0xffff  }
0x71: {  	v5 =	vld.idx.msk [tilespmem:v3+s26+$0x0], $0xffff;
	_ =	sdelay $0x1  }
0x72: {  	v6 =	vld [tilespmem:$0x1EA80];
	_ =	sdelay $0x2  }
0x73: {  	v4 =	vsub.f32 v4, v5;
	_ =	sdelay $0x1  }
0x74: {  	v4 =	vadd.f32 v4, v6;
	_ =	sdelay $0x1  }
0x75: {  	v4 =	vsub.f32 $0.0e+00, v4;
	_ =	sdelay $0x1  }
0x76: {  	v4 =	vmul.f32 $1.442695020e+00, v4;
	_ =	sdelay $0x1  }
0x77: {  	(erf) = vpow2.f32 v4;
	_ =	sdelay $0x8  }
0x78: {  	v4 =	vpop (erf)  }
0x79: {  	v4 =	vadd.f32 $1.000000000e+00, v4;
	_ =	sdelay $0x1  }
0x7a: {  	(erf) = vrcp.f32 v4;
	_ =	sdelay $0x3  }
0x7b: {  	v4 =	vld [tilespmem:$0x1C010]  }
0x7c: {  	v5 =	vld [tilespmem:$0x1C110];
	_ =	sdelay $0x3  }
0x7d: {  	vm0 =	veq.s32 v2, v3;
	v7 =	vpop (erf)  }
0x7e: {  	v2 =	vsel vm0, $0x0, v7  }
0x7f: {  	[tilespmem:$0x1C200] =	vst v2  }
0x80: {  	v2 =	vld.idx.msk [tilespmem:v4+s26+$0x0], $0xffff  }
0x81: {  	v3 =	vld.idx.msk [tilespmem:v5+s26+$0x0], $0xffff;
	_ =	sdelay $0x4  }
0x82: {  	v2 =	vsub.f32 v2, v3;
	_ =	sdelay $0x1  }
0x83: {  	v2 =	vadd.f32 v2, v6;
	_ =	sdelay $0x1  }
0x84: {  	v2 =	vsub.f32 $0.0e+00, v2;
	_ =	sdelay $0x1  }
0x85: {  	v2 =	vmul.f32 $1.442695020e+00, v2;
	_ =	sdelay $0x1  }
0x86: {  	(erf) = vpow2.f32 v2;
	_ =	sdelay $0x8  }
0x87: {  	v2 =	vpop (erf)  }
0x88: {  	v2 =	vadd.f32 $1.000000000e+00, v2;
	_ =	sdelay $0x1  }
0x89: {  	(erf) = vrcp.f32 v2;
	_ =	sdelay $0x3  }
0x8a: {  	v2 =	vld [tilespmem:$0x1C020]  }
0x8b: {  	v3 =	vld [tilespmem:$0x1C120];
	_ =	sdelay $0x3  }
0x8c: {  	vm9 =	veq.s32 v4, v5;
	v13 =	vpop (erf)  }
0x8d: {  	v4 =	vsel vm9, $0x0, v13  }
0x8e: {  	[tilespmem:$0x1C210] =	vst v4  }
0x8f: {  	v4 =	vld.idx.msk [tilespmem:v2+s26+$0x0], $0xffff  }
0x90: {  	v5 =	vld.idx.msk [tilespmem:v3+s26+$0x0], $0xffff;
	_ =	sdelay $0x4  }
0x91: {  	v4 =	vsub.f32 v4, v5;
	_ =	sdelay $0x1  }
0x92: {  	v4 =	vadd.f32 v4, v6;
	_ =	sdelay $0x1  }
0x93: {  	v4 =	vsub.f32 $0.0e+00, v4;
	_ =	sdelay $0x1  }
0x94: {  	v4 =	vmul.f32 $1.442695020e+00, v4;
	_ =	sdelay $0x1  }
0x95: {  	(erf) = vpow2.f32 v4;
	_ =	sdelay $0x8  }
0x96: {  	v4 =	vpop (erf)  }
0x97: {  	v4 =	vadd.f32 $1.000000000e+00, v4;
	_ =	sdelay $0x1  }
0x98: {  	(erf) = vrcp.f32 v4;
	_ =	sdelay $0x3  }
0x99: {  	v4 =	vld [tilespmem:$0x1C030]  }
0x9a: {  	v5 =	vld [tilespmem:$0x1C130];
	_ =	sdelay $0x3  }
0x9b: {  	vm10 =	veq.s32 v2, v3;
	v14 =	vpop (erf)  }
0x9c: {  	v2 =	vsel vm10, $0x0, v14  }
0x9d: {  	[tilespmem:$0x1C220] =	vst v2  }
0x9e: {  	v2 =	vld.idx.msk [tilespmem:v4+s26+$0x0], $0xffff  }
0x9f: {  	v3 =	vld.idx.msk [tilespmem:v5+s26+$0x0], $0xffff;
	_ =	sdelay $0x4  }
0xa0: {  	v2 =	vsub.f32 v2, v3;
	_ =	sdelay $0x1  }
0xa1: {  	v2 =	vadd.f32 v2, v6;
	_ =	sdelay $0x1  }
0xa2: {  	v2 =	vsub.f32 $0.0e+00, v2;
	_ =	sdelay $0x1  }
0xa3: {  	v2 =	vmul.f32 $1.442695020e+00, v2;
	_ =	sdelay $0x1  }
0xa4: {  	(erf) = vpow2.f32 v2;
	_ =	sdelay $0x8  }
0xa5: {  	v2 =	vpop (erf)  }
0xa6: {  	v2 =	vadd.f32 $1.000000000e+00, v2;
	_ =	sdelay $0x1  }
0xa7: {  	(erf) = vrcp.f32 v2;
	_ =	sdelay $0x3  }
0xa8: {  	v2 =	vld [tilespmem:$0x1C040]  }
0xa9: {  	v3 =	vld [tilespmem:$0x1C140];
	_ =	sdelay $0x3  }
0xaa: {  	vm11 =	veq.s32 v4, v5;
	v15 =	vpop (erf)  }
0xab: {  	v4 =	vsel vm11, $0x0, v15  }
0xac: {  	[tilespmem:$0x1C230] =	vst v4  }
0xad: {  	v4 =	vld.idx.msk [tilespmem:v2+s26+$0x0], $0xffff  }
0xae: {  	v5 =	vld.idx.msk [tilespmem:v3+s26+$0x0], $0xffff;
	_ =	sdelay $0x4  }
0xaf: {  	v4 =	vsub.f32 v4, v5;
	_ =	sdelay $0x1  }
0xb0: {  	v4 =	vadd.f32 v4, v6;
	_ =	sdelay $0x1  }
0xb1: {  	v4 =	vsub.f32 $0.0e+00, v4;
	_ =	sdelay $0x1  }
0xb2: {  	v4 =	vmul.f32 $1.442695020e+00, v4;
	_ =	sdelay $0x1  }
0xb3: {  	(erf) = vpow2.f32 v4;
	_ =	sdelay $0x8  }
0xb4: {  	v4 =	vpop (erf)  }
0xb5: {  	v4 =	vadd.f32 $1.000000000e+00, v4;
	_ =	sdelay $0x1  }
0xb6: {  	(erf) = vrcp.f32 v4;
	_ =	sdelay $0x3  }
0xb7: {  	v4 =	vld [tilespmem:$0x1C050]  }
0xb8: {  	v5 =	vld [tilespmem:$0x1C150];
	_ =	sdelay $0x3  }
0xb9: {  	vm12 =	veq.s32 v2, v3;
	v16 =	vpop (erf)  }
0xba: {  	v2 =	vsel vm12, $0x0, v16  }
0xbb: {  	[tilespmem:$0x1C240] =	vst v2  }
0xbc: {  	v2 =	vld.idx.msk [tilespmem:v4+s26+$0x0], $0xffff  }
0xbd: {  	v3 =	vld.idx.msk [tilespmem:v5+s26+$0x0], $0xffff;
	_ =	sdelay $0x4  }
0xbe: {  	v2 =	vsub.f32 v2, v3;
	_ =	sdelay $0x1  }
0xbf: {  	v2 =	vadd.f32 v2, v6;
	_ =	sdelay $0x1  }
0xc0: {  	v2 =	vsub.f32 $0.0e+00, v2;
	_ =	sdelay $0x1  }
0xc1: {  	v2 =	vmul.f32 $1.442695020e+00, v2;
	_ =	sdelay $0x1  }
0xc2: {  	(erf) = vpow2.f32 v2;
	_ =	sdelay $0x8  }
0xc3: {  	v2 =	vpop (erf)  }
0xc4: {  	v2 =	vadd.f32 $1.000000000e+00, v2;
	_ =	sdelay $0x1  }
0xc5: {  	(erf) = vrcp.f32 v2;
	_ =	sdelay $0x3  }
0xc6: {  	v2 =	vld [tilespmem:$0x1C060]  }
0xc7: {  	v3 =	vld [tilespmem:$0x1C160];
	_ =	sdelay $0x3  }
0xc8: {  	vm13 =	veq.s32 v4, v5;
	v17 =	vpop (erf)  }
0xc9: {  	v4 =	vsel vm13, $0x0, v17  }
0xca: {  	[tilespmem:$0x1C250] =	vst v4  }
0xcb: {  	v4 =	vld.idx.msk [tilespmem:v2+s26+$0x0], $0xffff  }
0xcc: {  	v5 =	vld.idx.msk [tilespmem:v3+s26+$0x0], $0xffff;
	_ =	sdelay $0x4  }
0xcd: {  	v4 =	vsub.f32 v4, v5;
	_ =	sdelay $0x1  }
0xce: {  	v4 =	vadd.f32 v4, v6;
	_ =	sdelay $0x1  }
0xcf: {  	v4 =	vsub.f32 $0.0e+00, v4;
	_ =	sdelay $0x1  }
0xd0: {  	v4 =	vmul.f32 $1.442695020e+00, v4;
	_ =	sdelay $0x1  }
0xd1: {  	(erf) = vpow2.f32 v4;
	_ =	sdelay $0x8  }
0xd2: {  	v4 =	vpop (erf)  }
0xd3: {  	v4 =	vadd.f32 $1.000000000e+00, v4;
	_ =	sdelay $0x1  }
0xd4: {  	(erf) = vrcp.f32 v4;
	_ =	sdelay $0x3  }
0xd5: {  	v4 =	vld [tilespmem:$0x1C070]  }
0xd6: {  	v5 =	vld [tilespmem:$0x1C170];
	_ =	sdelay $0x3  }
0xd7: {  	vm14 =	veq.s32 v2, v3;
	v18 =	vpop (erf)  }
0xd8: {  	v2 =	vsel vm14, $0x0, v18  }
0xd9: {  	[tilespmem:$0x1C260] =	vst v2  }
0xda: {  	v2 =	vld.idx.msk [tilespmem:v4+s26+$0x0], $0xffff  }
0xdb: {  	v3 =	vld.idx.msk [tilespmem:v5+s26+$0x0], $0xffff;
	_ =	sdelay $0x4  }
0xdc: {  	v2 =	vsub.f32 v2, v3;
	_ =	sdelay $0x1  }
0xdd: {  	v2 =	vadd.f32 v2, v6;
	_ =	sdelay $0x1  }
0xde: {  	v2 =	vsub.f32 $0.0e+00, v2;
	_ =	sdelay $0x1  }
0xdf: {  	v2 =	vmul.f32 $1.442695020e+00, v2;
	_ =	sdelay $0x1  }
0xe0: {  	(erf) = vpow2.f32 v2;
	_ =	sdelay $0x8  }
0xe1: {  	v2 =	vpop (erf)  }
0xe2: {  	v2 =	vadd.f32 $1.000000000e+00, v2;
	_ =	sdelay $0x1  }
0xe3: {  	(erf) = vrcp.f32 v2;
	_ =	sdelay $0x8  }
0xe4: {  	vm15 =	veq.s32 v4, v5;
	v2 =	vpop (erf)  }
0xe5: {  	s12 =	simm.s32 $0x0;
	v2 =	vsel vm15, $0x0, v2  }
0xe6: {  	s13 =	simm.s32 $0x0;
	s10 =	sand.u32 $0x3FFFFFF0, s12;
	[tilespmem:$0x1C270] =	vst v2  }
0xe7: {  	v2 =	vld [tilespmem:s10+$0x1C200];
	s10 =	sand.u32 $0x3FFFF800, s13  }
0xe8: {  	v8 =	vld [tilespmem:s10+$0x140C0]  }
0xe9: {  	v4 =	vld [tilespmem:s10+$0x14020]  }
0xea: {  	v5 =	vld [tilespmem:s10+$0x14030]  }
0xeb: {  	v11 =	vld [tilespmem:s10+$0x14060]  }
0xec: {  	v12 =	vld [tilespmem:s10+$0x14070];
	v3 =	vbroadcast v2, $0x0  }
0xed: {  	v13 =	vld [tilespmem:s10+$0x14080]  }
0xee: {  	v14 =	vld [tilespmem:s10+$0x14090];
	v4 =	vmul.f32 v4, v3  }
0xef: {  	v15 =	vld [tilespmem:s10+$0x140A0];
	v5 =	vmul.f32 v5, v3  }
0xf0: {  	v10 =	vld [tilespmem:s10+$0x140B0];
	v21 =	vbroadcast v2, $0x1;
	v20 =	vmul.f32 v11, v3;
	[tilespmem:s10+$0x14020] =	vst v4  }
0xf1: {  	v9 =	vld [tilespmem:s10+$0x140D0];
	v12 =	vmul.f32 v12, v3;
	[tilespmem:s10+$0x14030] =	vst v5  }
0xf2: {  	v19 =	vld [tilespmem:s10+$0x14570];
	v13 =	vmul.f32 v13, v21;
	[tilespmem:s10+$0x14060] =	vst v20  }
0xf3: {  	v23 =	vld [tilespmem:s10+$0x140F0];
	v14 =	vmul.f32 v14, v21;
	[tilespmem:s10+$0x14070] =	vst v12  }
0xf4: {  	v24 =	vld [tilespmem:s10+$0x14100];
	v15 =	vmul.f32 v15, v21;
	[tilespmem:s10+$0x14080] =	vst v13  }
0xf5: {  	v25 =	vld [tilespmem:s10+$0x14110];
	v10 =	vmul.f32 v10, v21;
	[tilespmem:s10+$0x14090] =	vst v14  }
0xf6: {  	v7 =	vld [tilespmem:s10+$0x14590];
	v8 =	vmul.f32 v8, v21;
	[tilespmem:s10+$0x140A0] =	vst v15  }
0xf7: {  	v22 =	vld [tilespmem:s10+$0x140E0];
	v16 =	vbroadcast v2, $0x2;
	v9 =	vmul.f32 v9, v21;
	[tilespmem:s10+$0x140B0] =	vst v10  }
0xf8: {  	v26 =	vld [tilespmem:s10+$0x14120];
	v11 =	vmul.f32 v23, v21;
	[tilespmem:s10+$0x140C0] =	vst v8  }
0xf9: {  	v27 =	vld [tilespmem:s10+$0x14130];
	v6 =	vbroadcast v2, $0xA;
	v30 =	vmul.f32 v24, v16;
	[tilespmem:s10+$0x140D0] =	vst v9  }
0xfa: {  	v28 =	vld [tilespmem:s10+$0x14140];
	v32 =	vmul.f32 v25, v16;
	[tilespmem:s10+$0x140F0] =	vst v11  }
0xfb: {  	v31 =	vld [tilespmem:s10+$0x14160];
	v4 =	vmul.f32 v19, v6;
	[tilespmem:s10+$0x14100] =	vst v30  }
0xfc: {  	v33 =	vld [tilespmem:s10+$0x14170];
	v12 =	vmul.f32 v22, v21;
	[tilespmem:s10+$0x14110] =	vst v32  }
0xfd: {  	v34 =	vld [tilespmem:s10+$0x14180];
	v10 =	vmul.f32 v26, v16;
	[tilespmem:s10+$0x14570] =	vst v4  }
0xfe: {  	v29 =	vld [tilespmem:s10+$0x14150];
	v8 =	vmul.f32 v27, v16;
	[tilespmem:s10+$0x140E0] =	vst v12  }
0xff: {  	v35 =	vld [tilespmem:s10+$0x14190];
	v9 =	vmul.f32 v28, v16;
	[tilespmem:s10+$0x14120] =	vst v10  }
0x100: {  	v36 =	vld [tilespmem:s10+$0x141A0];
	v39 =	vbroadcast v2, $0x3;
	v11 =	vmul.f32 v31, v16;
	[tilespmem:s10+$0x14130] =	vst v8  }
0x101: {  	v37 =	vld [tilespmem:s10+$0x141B0];
	v13 =	vmul.f32 v33, v16;
	[tilespmem:s10+$0x14140] =	vst v9  }
0x102: {  	v40 =	vld [tilespmem:s10+$0x141D0];
	v14 =	vmul.f32 v34, v39;
	[tilespmem:s10+$0x14160] =	vst v11  }
0x103: {  	v41 =	vld [tilespmem:s10+$0x141E0];
	v12 =	vmul.f32 v29, v16;
	[tilespmem:s10+$0x14170] =	vst v13  }
0x104: {  	v42 =	vld [tilespmem:s10+$0x141F0];
	v10 =	vmul.f32 v35, v39;
	[tilespmem:s10+$0x14180] =	vst v14  }
0x105: {  	v38 =	vld [tilespmem:s10+$0x141C0];
	v8 =	vmul.f32 v36, v39;
	[tilespmem:s10+$0x14150] =	vst v12  }
0x106: {  	v43 =	vld [tilespmem:s10+$0x14200];
	v9 =	vmul.f32 v37, v39;
	[tilespmem:s10+$0x14190] =	vst v10  }
0x107: {  	v44 =	vld [tilespmem:s10+$0x14210];
	v11 =	vmul.f32 v40, v39;
	[tilespmem:s10+$0x141A0] =	vst v8  }
0x108: {  	v45 =	vld [tilespmem:s10+$0x14220];
	v13 =	vmul.f32 v41, v39;
	[tilespmem:s10+$0x141B0] =	vst v9  }
0x109: {  	v47 =	vld [tilespmem:s10+$0x14240];
	v48 =	vbroadcast v2, $0x4;
	v14 =	vmul.f32 v42, v39;
	[tilespmem:s10+$0x141D0] =	vst v11  }
0x10a: {  	v49 =	vld [tilespmem:s10+$0x14250];
	v12 =	vmul.f32 v38, v39;
	[tilespmem:s10+$0x141E0] =	vst v13  }
0x10b: {  	v50 =	vld [tilespmem:s10+$0x14260];
	v10 =	vmul.f32 v43, v48;
	[tilespmem:s10+$0x141F0] =	vst v14  }
0x10c: {  	v46 =	vld [tilespmem:s10+$0x14230];
	v8 =	vmul.f32 v44, v48;
	[tilespmem:s10+$0x141C0] =	vst v12  }
0x10d: {  	v51 =	vld [tilespmem:s10+$0x14270];
	v9 =	vmul.f32 v45, v48;
	[tilespmem:s10+$0x14200] =	vst v10  }
0x10e: {  	v52 =	vld [tilespmem:s10+$0x14280];
	v11 =	vmul.f32 v47, v48;
	[tilespmem:s10+$0x14210] =	vst v8  }
0x10f: {  	v53 =	vld [tilespmem:s10+$0x14290];
	v13 =	vmul.f32 v49, v48;
	[tilespmem:s10+$0x14220] =	vst v9  }
0x110: {  	v55 =	vld [tilespmem:s10+$0x142B0];
	v14 =	vmul.f32 v50, v48;
	[tilespmem:s10+$0x14240] =	vst v11  }
0x111: {  	v56 =	vld [tilespmem:s10+$0x142C0];
	v57 =	vbroadcast v2, $0x5;
	v12 =	vmul.f32 v46, v48;
	[tilespmem:s10+$0x14250] =	vst v13  }
0x112: {  	v58 =	vld [tilespmem:s10+$0x142D0];
	v10 =	vmul.f32 v51, v48;
	[tilespmem:s10+$0x14260] =	vst v14  }
0x113: {  	v54 =	vld [tilespmem:s10+$0x142A0];
	v8 =	vmul.f32 v52, v57;
	[tilespmem:s10+$0x14230] =	vst v12  }
0x114: {  	v59 =	vld [tilespmem:s10+$0x142E0];
	v9 =	vmul.f32 v53, v57;
	[tilespmem:s10+$0x14270] =	vst v10  }
0x115: {  	v60 =	vld [tilespmem:s10+$0x142F0];
	v11 =	vmul.f32 v55, v57;
	[tilespmem:s10+$0x14280] =	vst v8  }
0x116: {  	v61 =	vld [tilespmem:s10+$0x14300];
	v13 =	vmul.f32 v56, v57;
	[tilespmem:s10+$0x14290] =	vst v9  }
0x117: {  	v63 =	vld [tilespmem:s10+$0x14320];
	v14 =	vmul.f32 v58, v57;
	[tilespmem:s10+$0x142B0] =	vst v11  }
0x118: {  	v20 =	vld [tilespmem:s10+$0x14330];
	v12 =	vmul.f32 v54, v57;
	[tilespmem:s10+$0x142C0] =	vst v13  }
0x119: {  	v21 =	vld [tilespmem:s10+$0x14340];
	v22 =	vbroadcast v2, $0x6;
	v10 =	vmul.f32 v59, v57;
	[tilespmem:s10+$0x142D0] =	vst v14  }
0x11a: {  	v62 =	vld [tilespmem:s10+$0x14310];
	v8 =	vmul.f32 v60, v57;
	[tilespmem:s10+$0x142A0] =	vst v12  }
0x11b: {  	v23 =	vld [tilespmem:s10+$0x14350];
	v9 =	vmul.f32 v61, v22;
	[tilespmem:s10+$0x142E0] =	vst v10  }
0x11c: {  	v24 =	vld [tilespmem:s10+$0x14360];
	v11 =	vmul.f32 v63, v22;
	[tilespmem:s10+$0x142F0] =	vst v8  }
0x11d: {  	v25 =	vld [tilespmem:s10+$0x14370];
	v13 =	vmul.f32 v20, v22;
	[tilespmem:s10+$0x14300] =	vst v9  }
0x11e: {  	v27 =	vld [tilespmem:s10+$0x14390];
	v14 =	vmul.f32 v21, v22;
	[tilespmem:s10+$0x14320] =	vst v11  }
0x11f: {  	v28 =	vld [tilespmem:s10+$0x143A0];
	v12 =	vmul.f32 v62, v22;
	[tilespmem:s10+$0x14330] =	vst v13  }
0x120: {  	v29 =	vld [tilespmem:s10+$0x143B0];
	v10 =	vmul.f32 v23, v22;
	[tilespmem:s10+$0x14340] =	vst v14  }
0x121: {  	v31 =	vbroadcast v2, $0x7;
	v53 =	vld [tilespmem:s10+$0x14500];
	v8 =	vmul.f32 v24, v22;
	[tilespmem:s10+$0x14310] =	vst v12  }
0x122: {  	v58 =	vld [tilespmem:s10+$0x14550];
	v9 =	vmul.f32 v25, v22;
	[tilespmem:s10+$0x14350] =	vst v10  }
0x123: {  	v26 =	vld [tilespmem:s10+$0x14380];
	v11 =	vmul.f32 v27, v31;
	[tilespmem:s10+$0x14360] =	vst v8  }
0x124: {  	v30 =	vld [tilespmem:s10+$0x143C0];
	v13 =	vmul.f32 v28, v31;
	[tilespmem:s10+$0x14370] =	vst v9  }
0x125: {  	v32 =	vld [tilespmem:s10+$0x143D0];
	v14 =	vmul.f32 v29, v31;
	[tilespmem:s10+$0x14390] =	vst v11  }
0x126: {  	v33 =	vld [tilespmem:s10+$0x143E0];
	v59 =	vmul.f32 v53, v6;
	[tilespmem:s10+$0x143A0] =	vst v13  }
0x127: {  	v35 =	vld [tilespmem:s10+$0x14400];
	v21 =	vmul.f32 v58, v6;
	[tilespmem:s10+$0x143B0] =	vst v14  }
0x128: {  	v36 =	vld [tilespmem:s10+$0x14410];
	v12 =	vmul.f32 v26, v31;
	[tilespmem:s10+$0x14500] =	vst v59  }
0x129: {  	v37 =	vld [tilespmem:s10+$0x14420];
	v10 =	vmul.f32 v30, v31;
	[tilespmem:s10+$0x14550] =	vst v21  }
0x12a: {  	v5 =	vld [tilespmem:s10+$0x14580];
	v40 =	vbroadcast v2, $0x8;
	v8 =	vmul.f32 v32, v31;
	[tilespmem:s10+$0x14380] =	vst v12  }
0x12b: {  	v34 =	vld [tilespmem:s10+$0x143F0];
	v9 =	vmul.f32 v33, v31;
	[tilespmem:s10+$0x143C0] =	vst v10  }
0x12c: {  	v57 =	vld [tilespmem:s10+$0x14540];
	v11 =	vmul.f32 v35, v40;
	[tilespmem:s10+$0x143D0] =	vst v8  }
0x12d: {  	v61 =	vld [tilespmem:s10+$0x14000];
	v24 =	vbroadcast v2, $0xB;
	v13 =	vmul.f32 v36, v40;
	[tilespmem:s10+$0x143E0] =	vst v9  }
0x12e: {  	v4 =	vld [tilespmem:s10+$0x147D0];
	v14 =	vmul.f32 v37, v40;
	[tilespmem:s10+$0x14400] =	vst v11  }
0x12f: {  	v38 =	vld [tilespmem:s10+$0x14430];
	v5 =	vmul.f32 v5, v24;
	[tilespmem:s10+$0x14410] =	vst v13  }
0x130: {  	v39 =	vld [tilespmem:s10+$0x14440];
	v7 =	vmul.f32 v7, v24;
	[tilespmem:s10+$0x14420] =	vst v14  }
0x131: {  	v41 =	vld [tilespmem:s10+$0x14450];
	v19 =	vmul.f32 v57, v6;
	[tilespmem:s10+$0x14580] =	vst v5  }
0x132: {  	v43 =	vld [tilespmem:s10+$0x14470];
	v25 =	vmul.f32 v3, v61;
	[tilespmem:s10+$0x14590] =	vst v7  }
0x133: {  	v44 =	vld [tilespmem:s10+$0x14480];
	v12 =	vmul.f32 v34, v31;
	[tilespmem:s10+$0x14540] =	vst v19  }
0x134: {  	v45 =	vld [tilespmem:s10+$0x14490];
	v10 =	vmul.f32 v38, v40;
	[tilespmem:s10+$0x14000] =	vst v25  }
0x135: {  	v27 =	vld [tilespmem:s10+$0x145D0];
	v8 =	vmul.f32 v39, v40;
	[tilespmem:s10+$0x143F0] =	vst v12  }
0x136: {  	v49 =	vbroadcast v2, $0x9;
	v29 =	vld [tilespmem:s10+$0x145F0];
	v9 =	vmul.f32 v41, v40;
	[tilespmem:s10+$0x14430] =	vst v10  }
0x137: {  	v42 =	vld [tilespmem:s10+$0x14460];
	v11 =	vmul.f32 v43, v40;
	[tilespmem:s10+$0x14440] =	vst v8  }
0x138: {  	v46 =	vld [tilespmem:s10+$0x144A0];
	v13 =	vmul.f32 v44, v49;
	[tilespmem:s10+$0x14450] =	vst v9  }
0x139: {  	v47 =	vld [tilespmem:s10+$0x144B0];
	v14 =	vmul.f32 v45, v49;
	[tilespmem:s10+$0x14470] =	vst v11  }
0x13a: {  	v48 =	vld [tilespmem:s10+$0x144C0];
	v32 =	vmul.f32 v27, v24;
	[tilespmem:s10+$0x14480] =	vst v13  }
0x13b: {  	v51 =	vld [tilespmem:s10+$0x144E0];
	v7 =	vmul.f32 v29, v24;
	[tilespmem:s10+$0x14490] =	vst v14  }
0x13c: {  	v52 =	vld [tilespmem:s10+$0x144F0];
	v12 =	vmul.f32 v42, v40;
	[tilespmem:s10+$0x145D0] =	vst v32  }
0x13d: {  	v10 =	vmul.f32 v46, v49;
	[tilespmem:s10+$0x145F0] =	vst v7  }
0x13e: {  	v28 =	vld [tilespmem:s10+$0x145E0];
	v8 =	vmul.f32 v47, v49;
	[tilespmem:s10+$0x14460] =	vst v12  }
0x13f: {  	v30 =	vld [tilespmem:s10+$0x14600];
	v9 =	vmul.f32 v48, v49;
	[tilespmem:s10+$0x144A0] =	vst v10  }
0x140: {  	v50 =	vld [tilespmem:s10+$0x144D0];
	v5 =	vbroadcast v2, $0xF;
	v11 =	vmul.f32 v51, v49;
	[tilespmem:s10+$0x144B0] =	vst v8  }
0x141: {  	v54 =	vld [tilespmem:s10+$0x14510];
	v13 =	vmul.f32 v52, v49;
	[tilespmem:s10+$0x144C0] =	vst v9  }
0x142: {  	v55 =	vld [tilespmem:s10+$0x14520];
	v35 =	vbroadcast v2, $0xC;
	v4 =	vmul.f32 v4, v5;
	[tilespmem:s10+$0x144E0] =	vst v11  }
0x143: {  	v56 =	vld [tilespmem:s10+$0x14530];
	v40 =	vmul.f32 v28, v24;
	[tilespmem:s10+$0x144F0] =	vst v13  }
0x144: {  	v60 =	vld [tilespmem:s10+$0x14560];
	v16 =	vmul.f32 v30, v35;
	[tilespmem:s10+$0x147D0] =	vst v4  }
0x145: {  	v62 =	vld [tilespmem:s10+$0x14010];
	v12 =	vmul.f32 v50, v49;
	[tilespmem:s10+$0x145E0] =	vst v40  }
0x146: {  	v63 =	vld [tilespmem:s10+$0x14040];
	v10 =	vmul.f32 v54, v6;
	[tilespmem:s10+$0x14600] =	vst v16  }
0x147: {  	v20 =	vld [tilespmem:s10+$0x14050];
	v8 =	vmul.f32 v55, v6;
	[tilespmem:s10+$0x144D0] =	vst v12  }
0x148: {  	v33 =	vld [tilespmem:s10+$0x14630];
	v9 =	vmul.f32 v56, v6;
	[tilespmem:s10+$0x14510] =	vst v10  }
0x149: {  	v61 =	vld [tilespmem:s10+$0x147F0];
	v6 =	vmul.f32 v60, v6;
	[tilespmem:s10+$0x14520] =	vst v8  }
0x14a: {  	v38 =	vld [tilespmem:s10+$0x14670];
	v13 =	vmul.f32 v62, v3;
	[tilespmem:s10+$0x14530] =	vst v9  }
0x14b: {  	v22 =	vld [tilespmem:s10+$0x145A0];
	v4 =	vmul.f32 v63, v3;
	[tilespmem:s10+$0x14560] =	vst v6  }
0x14c: {  	v23 =	vld [tilespmem:s10+$0x145B0];
	v3 =	vmul.f32 v20, v3;
	[tilespmem:s10+$0x14010] =	vst v13  }
0x14d: {  	v26 =	vld [tilespmem:s10+$0x145C0];
	v62 =	vmul.f32 v33, v35;
	[tilespmem:s10+$0x14040] =	vst v4  }
0x14e: {  	v31 =	vld [tilespmem:s10+$0x14610];
	v63 =	vmul.f32 v61, v5;
	[tilespmem:s10+$0x14050] =	vst v3  }
0x14f: {  	v34 =	vld [tilespmem:s10+$0x14640];
	v16 =	vmul.f32 v38, v35;
	[tilespmem:s10+$0x14630] =	vst v62  }
0x150: {  	v41 =	vld [tilespmem:s10+$0x146A0];
	v8 =	vmul.f32 v22, v24;
	[tilespmem:s10+$0x147F0] =	vst v63  }
0x151: {  	v46 =	vld [tilespmem:s10+$0x146E0];
	v9 =	vmul.f32 v23, v24;
	[tilespmem:s10+$0x14670] =	vst v16  }
0x152: {  	v6 =	vmul.f32 v26, v24;
	v3 =	vld [tilespmem:s10+$0x14690];
	[tilespmem:s10+$0x145A0] =	vst v8  }
0x153: {  	v36 =	vld [tilespmem:s10+$0x14650];
	v44 =	vbroadcast v2, $0xD;
	v10 =	vmul.f32 v31, v35;
	[tilespmem:s10+$0x145B0] =	vst v9  }
0x154: {  	v37 =	vld [tilespmem:s10+$0x14660];
	v13 =	vmul.f32 v34, v35;
	[tilespmem:s10+$0x145C0] =	vst v6  }
0x155: {  	v39 =	vld [tilespmem:s10+$0x14680];
	v12 =	vmul.f32 v41, v44;
	[tilespmem:s10+$0x14610] =	vst v10  }
0x156: {  	v42 =	vld [tilespmem:s10+$0x146B0];
	v51 =	vmul.f32 v46, v44;
	[tilespmem:s10+$0x14640] =	vst v13  }
0x157: {  	v48 =	vld [tilespmem:s10+$0x14710];
	[tilespmem:s10+$0x146A0] =	vst v12;
	v3 =	vmul.f32 v3, v44  }
0x158: {  	v49 =	vld [tilespmem:s10+$0x14720];
	v9 =	vmul.f32 v36, v35;
	[tilespmem:s10+$0x146E0] =	vst v51  }
0x159: {  	v6 =	vmul.f32 v37, v35;
	[tilespmem:s10+$0x14690] =	vst v3;
	v3 =	vld [tilespmem:s10+$0x14700]  }
0x15a: {  	v2 =	vbroadcast v2, $0xE;
	v50 =	vld [tilespmem:s10+$0x14730];
	v10 =	vmul.f32 v39, v44;
	[tilespmem:s10+$0x14650] =	vst v9  }
0x15b: {  	v45 =	vld [tilespmem:s10+$0x146D0];
	v13 =	vmul.f32 v42, v44;
	[tilespmem:s10+$0x14660] =	vst v6  }
0x15c: {  	v47 =	vld [tilespmem:s10+$0x146F0];
	v12 =	vmul.f32 v48, v2;
	[tilespmem:s10+$0x14680] =	vst v10  }
0x15d: {  	v43 =	vld [tilespmem:s10+$0x146C0];
	v11 =	vmul.f32 v49, v2;
	[tilespmem:s10+$0x146B0] =	vst v13  }
0x15e: {  	v55 =	vld [tilespmem:s10+$0x14780];
	[tilespmem:s10+$0x14710] =	vst v12;
	v3 =	vmul.f32 v3, v2  }
0x15f: {  	v57 =	vld [tilespmem:s10+$0x147A0];
	v7 =	vmul.f32 v50, v2;
	[tilespmem:s10+$0x14720] =	vst v11  }
0x160: {  	v6 =	vmul.f32 v45, v44;
	[tilespmem:s10+$0x14700] =	vst v3;
	v3 =	vld [tilespmem:s10+$0x14770]  }
0x161: {  	v52 =	vld [tilespmem:s10+$0x14740];
	v10 =	vmul.f32 v47, v44;
	[tilespmem:s10+$0x14730] =	vst v7  }
0x162: {  	v56 =	vld [tilespmem:s10+$0x14790];
	v9 =	vmul.f32 v43, v44;
	[tilespmem:s10+$0x146D0] =	vst v6  }
0x163: {  	v54 =	vld [tilespmem:s10+$0x14760];
	v12 =	vmul.f32 v55, v5;
	[tilespmem:s10+$0x146F0] =	vst v10  }
0x164: {  	v58 =	vld [tilespmem:s10+$0x147B0];
	v7 =	vmul.f32 v57, v5;
	[tilespmem:s10+$0x146C0] =	vst v9  }
0x165: {  	v53 =	vld [tilespmem:s10+$0x14750];
	[tilespmem:s10+$0x14780] =	vst v12;
	v3 =	vmul.f32 v3, v2  }
0x166: {  	v59 =	vld [tilespmem:s10+$0x147C0];
	v6 =	vmul.f32 v52, v2;
	[tilespmem:s10+$0x147A0] =	vst v7  }
0x167: {  	v60 =	vld [tilespmem:s10+$0x147E0];
	[tilespmem:s10+$0x14770] =	vst v3;
	v3 =	vmul.f32 v56, v5  }
0x168: {  	v10 =	vmul.f32 v54, v2;
	[tilespmem:s10+$0x14740] =	vst v6  }
0x169: {  	v4 =	vld [tilespmem:s10+$0x14620];
	[tilespmem:s10+$0x14790] =	vst v3;
	v3 =	vmul.f32 v58, v5  }
0x16a: {  	[tilespmem:s10+$0x14760] =	vst v10;
	v2 =	vmul.f32 v53, v2  }
0x16b: {  	[tilespmem:s10+$0x147B0] =	vst v3;
	v3 =	vmul.f32 v59, v5  }
0x16c: {  	[tilespmem:s10+$0x14750] =	vst v2;
	v5 =	vmul.f32 v60, v5  }
0x16d: {  	[tilespmem:s10+$0x147C0] =	vst v3  }
0x16e: {  	s11 =	simm.s32 $0x1;
	v3 =	vmul.f32 v4, v35;
	[tilespmem:s10+$0x147E0] =	vst v5  }
.LBB2_10:
0x16f: {  	s12 =	sshll.u32 s11, $0x4  }
0x170: {  	p1 =	sne.s32 s11, $0x7;
	[tilespmem:s10+$0x14620] =	vst v3;
	s10 =	smov.u32 s11;
	s11 =	sadd.s32 $0x1, s11  }
0x171: {  	s12 =	sand.u32 $0x3FFFFFF0, s12  }
0x172: {  	s10 =	sshll.u32 s10, $0xB;
	v2 =	vld [tilespmem:s12+$0x1C200]  }
0x173: {  	s10 =	sand.u32 $0x3FFFF800, s10  }
0x174: {  	v9 =	vld [tilespmem:s10+$0x140C0]  }
0x175: {  	v10 =	vld [tilespmem:s10+$0x140D0]  }
0x176: {  	v11 =	vld [tilespmem:s10+$0x140B0]  }
0x177: {  	v3 =	vbroadcast v2, $0x0;
	v4 =	vld [tilespmem:s10+$0x14020];
	v8 =	vbroadcast v2, $0x4  }
0x178: {  	v6 =	vld [tilespmem:s10+$0x14030]  }
0x179: {  	v7 =	vld [tilespmem:s10+$0x14570]  }
0x17a: {  	v12 =	vld [tilespmem:s10+$0x14060]  }
0x17b: {  	v13 =	vld [tilespmem:s10+$0x14070]  }
0x17c: {  	v5 =	vbroadcast v2, $0xA;
	v4 =	vmul.f32 v4, v3;
	v14 =	vld [tilespmem:s10+$0x14080]  }
0x17d: {  	v6 =	vmul.f32 v6, v3;
	v15 =	vld [tilespmem:s10+$0x14090]  }
0x17e: {  	[tilespmem:s10+$0x14020] =	vst v4;
	v16 =	vld [tilespmem:s10+$0x140A0];
	v4 =	vmul.f32 v7, v5  }
0x17f: {  	[tilespmem:s10+$0x14030] =	vst v6;
	v7 =	vmul.f32 v12, v3;
	v12 =	vbroadcast v2, $0x1;
	v6 =	vld [tilespmem:s10+$0x14580]  }
0x180: {  	v13 =	vmul.f32 v13, v3;
	[tilespmem:s10+$0x14570] =	vst v4;
	v4 =	vld [tilespmem:s10+$0x147D0]  }
0x181: {  	[tilespmem:s10+$0x14060] =	vst v7;
	v14 =	vmul.f32 v14, v12;
	v7 =	vld [tilespmem:s10+$0x14590]  }
0x182: {  	[tilespmem:s10+$0x14070] =	vst v13;
	v13 =	vmul.f32 v15, v12;
	v15 =	vld [tilespmem:s10+$0x140E0]  }
0x183: {  	[tilespmem:s10+$0x14080] =	vst v14;
	v14 =	vmul.f32 v16, v12;
	v16 =	vld [tilespmem:s10+$0x140F0]  }
0x184: {  	v11 =	vmul.f32 v11, v12;
	[tilespmem:s10+$0x14090] =	vst v13;
	v13 =	vld [tilespmem:s10+$0x14100]  }
0x185: {  	v9 =	vmul.f32 v9, v12;
	[tilespmem:s10+$0x140A0] =	vst v14;
	v14 =	vld [tilespmem:s10+$0x14110]  }
0x186: {  	v10 =	vmul.f32 v10, v12;
	[tilespmem:s10+$0x140B0] =	vst v11;
	v11 =	vld [tilespmem:s10+$0x14120]  }
0x187: {  	[tilespmem:s10+$0x140C0] =	vst v9;
	v9 =	vmul.f32 v15, v12;
	v15 =	vbroadcast v2, $0x2;
	v17 =	vld [tilespmem:s10+$0x14130]  }
0x188: {  	[tilespmem:s10+$0x140D0] =	vst v10;
	v10 =	vmul.f32 v16, v12;
	v12 =	vld [tilespmem:s10+$0x14140]  }
0x189: {  	[tilespmem:s10+$0x140E0] =	vst v9;
	v9 =	vmul.f32 v13, v15;
	v13 =	vld [tilespmem:s10+$0x14150]  }
0x18a: {  	[tilespmem:s10+$0x140F0] =	vst v10;
	v10 =	vmul.f32 v14, v15;
	v14 =	vld [tilespmem:s10+$0x14160]  }
0x18b: {  	[tilespmem:s10+$0x14100] =	vst v9;
	v9 =	vmul.f32 v11, v15;
	v11 =	vld [tilespmem:s10+$0x14170]  }
0x18c: {  	[tilespmem:s10+$0x14110] =	vst v10;
	v10 =	vmul.f32 v17, v15;
	v16 =	vld [tilespmem:s10+$0x14180]  }
0x18d: {  	[tilespmem:s10+$0x14120] =	vst v9;
	v9 =	vmul.f32 v12, v15;
	v12 =	vld [tilespmem:s10+$0x14190]  }
0x18e: {  	[tilespmem:s10+$0x14130] =	vst v10;
	v10 =	vmul.f32 v13, v15;
	v13 =	vld [tilespmem:s10+$0x141A0]  }
0x18f: {  	[tilespmem:s10+$0x14140] =	vst v9;
	v9 =	vmul.f32 v14, v15;
	v14 =	vbroadcast v2, $0x3;
	v17 =	vld [tilespmem:s10+$0x141B0]  }
0x190: {  	[tilespmem:s10+$0x14150] =	vst v10;
	v10 =	vmul.f32 v11, v15;
	v11 =	vld [tilespmem:s10+$0x141C0]  }
0x191: {  	[tilespmem:s10+$0x14160] =	vst v9;
	v9 =	vmul.f32 v16, v14;
	v15 =	vld [tilespmem:s10+$0x141D0]  }
0x192: {  	[tilespmem:s10+$0x14170] =	vst v10;
	v10 =	vmul.f32 v12, v14;
	v12 =	vld [tilespmem:s10+$0x141E0]  }
0x193: {  	[tilespmem:s10+$0x14180] =	vst v9;
	v9 =	vmul.f32 v13, v14;
	v13 =	vld [tilespmem:s10+$0x141F0]  }
0x194: {  	[tilespmem:s10+$0x14190] =	vst v10;
	v10 =	vmul.f32 v17, v14;
	v16 =	vld [tilespmem:s10+$0x14200]  }
0x195: {  	[tilespmem:s10+$0x141A0] =	vst v9;
	v9 =	vmul.f32 v11, v14;
	v11 =	vld [tilespmem:s10+$0x14210]  }
0x196: {  	[tilespmem:s10+$0x141B0] =	vst v10;
	v10 =	vmul.f32 v15, v14;
	v15 =	vld [tilespmem:s10+$0x14220]  }
0x197: {  	[tilespmem:s10+$0x141C0] =	vst v9;
	v9 =	vmul.f32 v12, v14;
	v12 =	vld [tilespmem:s10+$0x14230]  }
0x198: {  	[tilespmem:s10+$0x141D0] =	vst v10;
	v10 =	vmul.f32 v13, v14;
	v13 =	vld [tilespmem:s10+$0x14240]  }
0x199: {  	[tilespmem:s10+$0x141E0] =	vst v9;
	v9 =	vmul.f32 v16, v8;
	v14 =	vld [tilespmem:s10+$0x14250]  }
0x19a: {  	[tilespmem:s10+$0x141F0] =	vst v10;
	v10 =	vmul.f32 v11, v8;
	v11 =	vld [tilespmem:s10+$0x14260]  }
0x19b: {  	[tilespmem:s10+$0x14200] =	vst v9;
	v9 =	vmul.f32 v15, v8;
	v15 =	vld [tilespmem:s10+$0x14270]  }
0x19c: {  	[tilespmem:s10+$0x14210] =	vst v10;
	v10 =	vmul.f32 v12, v8;
	v12 =	vld [tilespmem:s10+$0x14280]  }
0x19d: {  	[tilespmem:s10+$0x14220] =	vst v9;
	v9 =	vmul.f32 v13, v8;
	v13 =	vld [tilespmem:s10+$0x14290]  }
0x19e: {  	[tilespmem:s10+$0x14230] =	vst v10;
	v10 =	vmul.f32 v14, v8;
	v14 =	vld [tilespmem:s10+$0x142A0]  }
0x19f: {  	[tilespmem:s10+$0x14240] =	vst v9;
	v9 =	vmul.f32 v11, v8;
	v11 =	vbroadcast v2, $0x5;
	v16 =	vld [tilespmem:s10+$0x142B0]  }
0x1a0: {  	[tilespmem:s10+$0x14250] =	vst v10;
	v8 =	vmul.f32 v15, v8;
	v10 =	vld [tilespmem:s10+$0x142C0]  }
0x1a1: {  	[tilespmem:s10+$0x14260] =	vst v9;
	v9 =	vmul.f32 v12, v11;
	v12 =	vld [tilespmem:s10+$0x142D0]  }
0x1a2: {  	[tilespmem:s10+$0x14270] =	vst v8;
	v8 =	vmul.f32 v13, v11;
	v13 =	vld [tilespmem:s10+$0x142E0]  }
0x1a3: {  	[tilespmem:s10+$0x14280] =	vst v9;
	v9 =	vmul.f32 v14, v11;
	v14 =	vld [tilespmem:s10+$0x142F0]  }
0x1a4: {  	[tilespmem:s10+$0x14290] =	vst v8;
	v8 =	vmul.f32 v16, v11;
	v15 =	vld [tilespmem:s10+$0x14300]  }
0x1a5: {  	[tilespmem:s10+$0x142A0] =	vst v9;
	v9 =	vmul.f32 v10, v11;
	v10 =	vld [tilespmem:s10+$0x14310]  }
0x1a6: {  	[tilespmem:s10+$0x142B0] =	vst v8;
	v8 =	vmul.f32 v12, v11;
	v12 =	vld [tilespmem:s10+$0x14320]  }
0x1a7: {  	[tilespmem:s10+$0x142C0] =	vst v9;
	v9 =	vmul.f32 v13, v11;
	v13 =	vbroadcast v2, $0x6;
	v16 =	vld [tilespmem:s10+$0x14330]  }
0x1a8: {  	[tilespmem:s10+$0x142D0] =	vst v8;
	v8 =	vmul.f32 v14, v11;
	v11 =	vld [tilespmem:s10+$0x14340]  }
0x1a9: {  	[tilespmem:s10+$0x142E0] =	vst v9;
	v9 =	vmul.f32 v15, v13;
	v14 =	vld [tilespmem:s10+$0x14350]  }
0x1aa: {  	[tilespmem:s10+$0x142F0] =	vst v8;
	v8 =	vmul.f32 v10, v13;
	v10 =	vld [tilespmem:s10+$0x14360]  }
0x1ab: {  	[tilespmem:s10+$0x14300] =	vst v9;
	v9 =	vmul.f32 v12, v13;
	v12 =	vld [tilespmem:s10+$0x14370]  }
0x1ac: {  	[tilespmem:s10+$0x14310] =	vst v8;
	v8 =	vmul.f32 v16, v13;
	v15 =	vld [tilespmem:s10+$0x14380]  }
0x1ad: {  	[tilespmem:s10+$0x14320] =	vst v9;
	v9 =	vmul.f32 v11, v13;
	v11 =	vld [tilespmem:s10+$0x14390]  }
0x1ae: {  	[tilespmem:s10+$0x14330] =	vst v8;
	v8 =	vmul.f32 v14, v13;
	v14 =	vld [tilespmem:s10+$0x143A0]  }
0x1af: {  	[tilespmem:s10+$0x14340] =	vst v9;
	v9 =	vmul.f32 v10, v13;
	v10 =	vbroadcast v2, $0x7;
	v16 =	vld [tilespmem:s10+$0x143B0]  }
0x1b0: {  	[tilespmem:s10+$0x14350] =	vst v8;
	v8 =	vmul.f32 v12, v13;
	v12 =	vld [tilespmem:s10+$0x143C0]  }
0x1b1: {  	[tilespmem:s10+$0x14360] =	vst v9;
	v9 =	vmul.f32 v15, v10;
	v13 =	vld [tilespmem:s10+$0x143D0]  }
0x1b2: {  	[tilespmem:s10+$0x14370] =	vst v8;
	v8 =	vmul.f32 v11, v10;
	v11 =	vld [tilespmem:s10+$0x143E0]  }
0x1b3: {  	[tilespmem:s10+$0x14380] =	vst v9;
	v9 =	vmul.f32 v14, v10;
	v14 =	vld [tilespmem:s10+$0x143F0]  }
0x1b4: {  	[tilespmem:s10+$0x14390] =	vst v8;
	v8 =	vmul.f32 v16, v10;
	v15 =	vld [tilespmem:s10+$0x14400]  }
0x1b5: {  	[tilespmem:s10+$0x143A0] =	vst v9;
	v9 =	vmul.f32 v12, v10;
	v12 =	vld [tilespmem:s10+$0x14410]  }
0x1b6: {  	[tilespmem:s10+$0x143B0] =	vst v8;
	v8 =	vmul.f32 v13, v10;
	v13 =	vld [tilespmem:s10+$0x14420]  }
0x1b7: {  	[tilespmem:s10+$0x143C0] =	vst v9;
	v9 =	vmul.f32 v11, v10;
	v11 =	vbroadcast v2, $0x8;
	v16 =	vld [tilespmem:s10+$0x14430]  }
0x1b8: {  	[tilespmem:s10+$0x143D0] =	vst v8;
	v8 =	vmul.f32 v14, v10;
	v10 =	vld [tilespmem:s10+$0x14440]  }
0x1b9: {  	[tilespmem:s10+$0x143E0] =	vst v9;
	v9 =	vmul.f32 v15, v11;
	v14 =	vld [tilespmem:s10+$0x14450]  }
0x1ba: {  	[tilespmem:s10+$0x143F0] =	vst v8;
	v8 =	vmul.f32 v12, v11;
	v12 =	vld [tilespmem:s10+$0x14460]  }
0x1bb: {  	[tilespmem:s10+$0x14400] =	vst v9;
	v9 =	vmul.f32 v13, v11;
	v13 =	vld [tilespmem:s10+$0x14470]  }
0x1bc: {  	[tilespmem:s10+$0x14410] =	vst v8;
	v8 =	vmul.f32 v16, v11;
	v15 =	vld [tilespmem:s10+$0x14480]  }
0x1bd: {  	[tilespmem:s10+$0x14420] =	vst v9;
	v9 =	vmul.f32 v10, v11;
	v10 =	vld [tilespmem:s10+$0x14490]  }
0x1be: {  	[tilespmem:s10+$0x14430] =	vst v8;
	v8 =	vmul.f32 v14, v11;
	v14 =	vld [tilespmem:s10+$0x144A0]  }
0x1bf: {  	[tilespmem:s10+$0x14440] =	vst v9;
	v9 =	vmul.f32 v12, v11;
	v12 =	vbroadcast v2, $0x9;
	v16 =	vld [tilespmem:s10+$0x144B0]  }
0x1c0: {  	[tilespmem:s10+$0x14450] =	vst v8;
	v8 =	vmul.f32 v13, v11;
	v11 =	vld [tilespmem:s10+$0x144C0]  }
0x1c1: {  	[tilespmem:s10+$0x14460] =	vst v9;
	v9 =	vmul.f32 v15, v12;
	v13 =	vld [tilespmem:s10+$0x144D0]  }
0x1c2: {  	[tilespmem:s10+$0x14470] =	vst v8;
	v8 =	vmul.f32 v10, v12;
	v10 =	vld [tilespmem:s10+$0x144E0]  }
0x1c3: {  	[tilespmem:s10+$0x14480] =	vst v9;
	v9 =	vmul.f32 v14, v12;
	v14 =	vld [tilespmem:s10+$0x144F0]  }
0x1c4: {  	[tilespmem:s10+$0x14490] =	vst v8;
	v8 =	vmul.f32 v16, v12;
	v15 =	vld [tilespmem:s10+$0x14500]  }
0x1c5: {  	[tilespmem:s10+$0x144A0] =	vst v9;
	v9 =	vmul.f32 v11, v12;
	v11 =	vld [tilespmem:s10+$0x14510]  }
0x1c6: {  	[tilespmem:s10+$0x144B0] =	vst v8;
	v8 =	vmul.f32 v13, v12;
	v13 =	vld [tilespmem:s10+$0x14520]  }
0x1c7: {  	[tilespmem:s10+$0x144C0] =	vst v9;
	v9 =	vmul.f32 v10, v12;
	v10 =	vld [tilespmem:s10+$0x14530]  }
0x1c8: {  	[tilespmem:s10+$0x144D0] =	vst v8;
	v8 =	vmul.f32 v14, v12;
	v12 =	vld [tilespmem:s10+$0x14540]  }
0x1c9: {  	[tilespmem:s10+$0x144E0] =	vst v9;
	v9 =	vmul.f32 v15, v5;
	v14 =	vld [tilespmem:s10+$0x14550]  }
0x1ca: {  	[tilespmem:s10+$0x144F0] =	vst v8;
	v8 =	vmul.f32 v11, v5;
	v11 =	vld [tilespmem:s10+$0x14560]  }
0x1cb: {  	v15 =	vld [tilespmem:s10+$0x14000];
	[tilespmem:s10+$0x14500] =	vst v9;
	v9 =	vmul.f32 v13, v5  }
0x1cc: {  	v13 =	vld [tilespmem:s10+$0x14010];
	[tilespmem:s10+$0x14510] =	vst v8;
	v8 =	vmul.f32 v10, v5  }
0x1cd: {  	v10 =	vld [tilespmem:s10+$0x14040];
	[tilespmem:s10+$0x14520] =	vst v9;
	v9 =	vmul.f32 v12, v5  }
0x1ce: {  	v12 =	vld [tilespmem:s10+$0x14050];
	[tilespmem:s10+$0x14530] =	vst v8;
	v8 =	vmul.f32 v14, v5  }
0x1cf: {  	[tilespmem:s10+$0x14540] =	vst v9;
	v9 =	vmul.f32 v11, v5;
	v11 =	vbroadcast v2, $0xB;
	v14 =	vld [tilespmem:s10+$0x145A0]  }
0x1d0: {  	v5 =	vbroadcast v2, $0xF;
	v15 =	vmul.f32 v3, v15;
	[tilespmem:s10+$0x14550] =	vst v8;
	v8 =	vld [tilespmem:s10+$0x145B0]  }
0x1d1: {  	v13 =	vmul.f32 v13, v3;
	[tilespmem:s10+$0x14560] =	vst v9;
	v6 =	vmul.f32 v6, v11;
	v9 =	vld [tilespmem:s10+$0x145C0]  }
0x1d2: {  	v7 =	vmul.f32 v7, v11;
	[tilespmem:s10+$0x14000] =	vst v15;
	v10 =	vmul.f32 v10, v3;
	v15 =	vld [tilespmem:s10+$0x145D0]  }
0x1d3: {  	v4 =	vmul.f32 v4, v5;
	v12 =	vmul.f32 v12, v3;
	[tilespmem:s10+$0x14580] =	vst v6;
	v3 =	vld [tilespmem:s10+$0x145E0]  }
0x1d4: {  	[tilespmem:s10+$0x14590] =	vst v7;
	v6 =	vmul.f32 v14, v11;
	v7 =	vld [tilespmem:s10+$0x145F0]  }
0x1d5: {  	v8 =	vmul.f32 v8, v11;
	v14 =	vld [tilespmem:s10+$0x14600];
	[tilespmem:s10+$0x147D0] =	vst v4  }
0x1d6: {  	[tilespmem:s10+$0x14010] =	vst v13;
	v4 =	vmul.f32 v9, v11;
	v9 =	vld [tilespmem:s10+$0x14610]  }
0x1d7: {  	[tilespmem:s10+$0x14040] =	vst v10;
	v10 =	vmul.f32 v15, v11;
	v13 =	vld [tilespmem:s10+$0x14620]  }
0x1d8: {  	v15 =	vbroadcast v2, $0xC;
	[tilespmem:s10+$0x145A0] =	vst v6;
	v6 =	vmul.f32 v3, v11;
	v16 =	vld [tilespmem:s10+$0x14630]  }
0x1d9: {  	[tilespmem:s10+$0x145D0] =	vst v10;
	v7 =	vmul.f32 v7, v11;
	v10 =	vld [tilespmem:s10+$0x14640]  }
0x1da: {  	[tilespmem:s10+$0x145B0] =	vst v8;
	v3 =	vmul.f32 v14, v15;
	v8 =	vld [tilespmem:s10+$0x14650]  }
0x1db: {  	[tilespmem:s10+$0x145C0] =	vst v4;
	v4 =	vmul.f32 v9, v15;
	v9 =	vld [tilespmem:s10+$0x14660]  }
0x1dc: {  	[tilespmem:s10+$0x14600] =	vst v3;
	v3 =	vmul.f32 v13, v15;
	v11 =	vld [tilespmem:s10+$0x14670]  }
0x1dd: {  	[tilespmem:s10+$0x14610] =	vst v4;
	v4 =	vld [tilespmem:s10+$0x14680]  }
0x1de: {  	[tilespmem:s10+$0x14050] =	vst v12;
	v10 =	vmul.f32 v10, v15;
	v12 =	vld [tilespmem:s10+$0x14690]  }
0x1df: {  	[tilespmem:s10+$0x145E0] =	vst v6;
	v6 =	vmul.f32 v8, v15;
	v8 =	vld [tilespmem:s10+$0x146A0]  }
0x1e0: {  	[tilespmem:s10+$0x14640] =	vst v10;
	v9 =	vmul.f32 v9, v15;
	v10 =	vbroadcast v2, $0xD;
	v13 =	vld [tilespmem:s10+$0x146B0]  }
0x1e1: {  	[tilespmem:s10+$0x14650] =	vst v6;
	v6 =	vmul.f32 v11, v15;
	v11 =	vld [tilespmem:s10+$0x146C0]  }
0x1e2: {  	[tilespmem:s10+$0x14660] =	vst v9;
	v4 =	vmul.f32 v4, v10;
	v9 =	vld [tilespmem:s10+$0x146D0]  }
0x1e3: {  	[tilespmem:s10+$0x14670] =	vst v6;
	v6 =	vmul.f32 v12, v10;
	v12 =	vld [tilespmem:s10+$0x146E0]  }
0x1e4: {  	[tilespmem:s10+$0x14680] =	vst v4;
	v4 =	vmul.f32 v8, v10;
	v8 =	vld [tilespmem:s10+$0x146F0]  }
0x1e5: {  	[tilespmem:s10+$0x14690] =	vst v6;
	v6 =	vmul.f32 v13, v10;
	v13 =	vld [tilespmem:s10+$0x14700]  }
0x1e6: {  	[tilespmem:s10+$0x146A0] =	vst v4;
	v4 =	vmul.f32 v11, v10;
	v11 =	vld [tilespmem:s10+$0x14710]  }
0x1e7: {  	[tilespmem:s10+$0x146B0] =	vst v6;
	v6 =	vmul.f32 v9, v10;
	v9 =	vld [tilespmem:s10+$0x14720]  }
0x1e8: {  	v2 =	vbroadcast v2, $0xE;
	[tilespmem:s10+$0x145F0] =	vst v7;
	v7 =	vmul.f32 v12, v10;
	v12 =	vld [tilespmem:s10+$0x14730]  }
0x1e9: {  	[tilespmem:s10+$0x146D0] =	vst v6;
	v6 =	vmul.f32 v8, v10;
	v8 =	vld [tilespmem:s10+$0x14740]  }
0x1ea: {  	[tilespmem:s10+$0x146E0] =	vst v7;
	v7 =	vmul.f32 v13, v2;
	v10 =	vld [tilespmem:s10+$0x14750]  }
0x1eb: {  	[tilespmem:s10+$0x146F0] =	vst v6;
	v6 =	vmul.f32 v11, v2;
	v11 =	vld [tilespmem:s10+$0x14760]  }
0x1ec: {  	[tilespmem:s10+$0x14700] =	vst v7;
	v7 =	vmul.f32 v9, v2;
	v9 =	vld [tilespmem:s10+$0x14770]  }
0x1ed: {  	[tilespmem:s10+$0x14710] =	vst v6;
	v6 =	vmul.f32 v12, v2;
	v12 =	vld [tilespmem:s10+$0x14780]  }
0x1ee: {  	[tilespmem:s10+$0x14720] =	vst v7;
	v7 =	vmul.f32 v8, v2;
	v8 =	vld [tilespmem:s10+$0x14790]  }
0x1ef: {  	[tilespmem:s10+$0x14730] =	vst v6;
	v6 =	vmul.f32 v10, v2;
	v10 =	vld [tilespmem:s10+$0x147A0]  }
0x1f0: {  	[tilespmem:s10+$0x14740] =	vst v7;
	v7 =	vmul.f32 v11, v2;
	v11 =	vld [tilespmem:s10+$0x147B0]  }
0x1f1: {  	[tilespmem:s10+$0x146C0] =	vst v4;
	v2 =	vmul.f32 v9, v2;
	v4 =	vld [tilespmem:s10+$0x147C0]  }
0x1f2: {  	[tilespmem:s10+$0x14760] =	vst v7;
	v7 =	vmul.f32 v12, v5;
	v9 =	vld [tilespmem:s10+$0x147E0]  }
0x1f3: {  	[tilespmem:s10+$0x14770] =	vst v2;
	v2 =	vmul.f32 v8, v5;
	v8 =	vld [tilespmem:s10+$0x147F0]  }
0x1f4: {  	[tilespmem:s10+$0x14780] =	vst v7;
	v7 =	vmul.f32 v10, v5  }
0x1f5: {  	[tilespmem:s10+$0x14790] =	vst v2;
	v2 =	vmul.f32 v11, v5  }
0x1f6: {  	v10 =	vmul.f32 v16, v15;
	[tilespmem:s10+$0x147A0] =	vst v7  }
0x1f7: {  	[tilespmem:s10+$0x147B0] =	vst v2;
	v2 =	vmul.f32 v4, v5  }
.Ltmp7:
0x1f8: {  	[tilespmem:s10+$0x14630] =	vst v10;
	v4 =	vmul.f32 v8, v5;
	(pc) =	sbr.rel @p1 .LBB2_10-.Ltmp7, $4  }
0x1f9: {  	[tilespmem:s10+$0x147C0] =	vst v2  }
0x1fa: {  	v2 =	vmul.f32 v9, v5;
	[tilespmem:s10+$0x147F0] =	vst v4  }
0x1fb: {  	[tilespmem:s10+$0x14750] =	vst v6  }
0x1fc: {  	[tilespmem:s10+$0x147E0] =	vst v2  }
0x1fd: {  	[tilespmem:s10+$0x14620] =	vst v3  }
0x1fe: {  	[spmem:s3] =	stream.indirect.scatter.add.f32 [tilespmem:s24], [sflag:$0x3], $0x80, s30, s31, $0xb8;
	[tilespmem:$0x1EB00] =	vst v63  }
0x1ff: {  	_ =	swait.ge [sflag:s25], $0x4000  }
0x200: {  	[sflag:s25] =	ssyncset.done $0x0  }
0x201: {  	p1 =	seq.s32 s29, $0x4E;
	[sflag:s25] =	ssyncadd.s32 $0xFFFFC000  }
0x202: {  	s8 =	sadd.s32 @!p1 s8, s17;
	_ =	swait.ge [sflag:s19], $0x4000  }
0x203: {  	s11 =	simm.s32 @!p1 $0x0;
	s8 =	sshrl.u32 @!p1 s8, $0x3;
	[sflag:s19] =	ssyncset.done $0x0  }
0x204: {  	s12 =	simm.s32 @!p1 $0x1C000;
	s10 =	sadd.s32 @!p1 s1, s8;
	[sflag:s19] =	ssyncadd.s32 $0xFFFFC000  }
0x205: {  	[tilespmem:s12], [sflag:$0x3] =	stream.linear.gather @!p1 [hbm4b:s10+s11], $0x80, $0x38;
	[tilespmem:$0x1EB00] =	vst v63  }
0x206: {  	s10 =	simm.s32 @!p1 $0x3  }
0x207: {  	_ =	swait.ge @!p1 [sflag:s10], $0x80  }
0x208: {  	[sflag:s10] =	ssyncset.done @!p1 $0x0  }
0x209: {  	s13 =	simm.s32 @!p1 $0x1C100;
	s8 =	sadd.s32 @!p1 s6, s8;
	[sflag:s10] =	ssyncadd.s32 @!p1 $0xFFFFFF80  }
0x20a: {  	[tilespmem:s13], [sflag:$0x3] =	stream.linear.gather @!p1 [hbm4b:s8+s11], $0x80, $0x38;
	[tilespmem:$0x1EB00] =	vst v63  }
0x20b: {  	_ =	swait.ge @!p1 [sflag:s10], $0x80  }
0x20c: {  	[sflag:s10] =	ssyncset.done @!p1 $0x0  }
0x20d: {  	s8 =	simm.s32 @!p1 $0x80;
	[sflag:s10] =	ssyncadd.s32 @!p1 $0xFFFFFF80;
	s10 =	simm.s32 @!p1 $0x14000  }
0x20e: {  	[tilespmem:s10], [sflag:$0x1] =	stream.indirect.gather @!p1 [hbm4b:s2+s8], $0x80, s12, s8, $0xb8;
	[tilespmem:$0x1EB00] =	vst v63  }
0x20f: {  	v2 =	vld [tilespmem:$0x1C080]  }
0x210: {  	v3 =	vld [tilespmem:$0x1C180];
	_ =	sdelay $0x6  }
0x211: {  	v4 =	vld.idx.msk [tilespmem:v2+s26+$0x0], $0xffff  }
0x212: {  	v5 =	vld.idx.msk [tilespmem:v3+s26+$0x0], $0xffff;
	_ =	sdelay $0x1  }
0x213: {  	v6 =	vld [tilespmem:$0x1EA80];
	_ =	sdelay $0x2  }
0x214: {  	v4 =	vsub.f32 v4, v5;
	_ =	sdelay $0x1  }
0x215: {  	v4 =	vadd.f32 v4, v6;
	_ =	sdelay $0x1  }
0x216: {  	v4 =	vsub.f32 $0.0e+00, v4;
	_ =	sdelay $0x1  }
0x217: {  	v4 =	vmul.f32 $1.442695020e+00, v4;
	_ =	sdelay $0x1  }
0x218: {  	(erf) = vpow2.f32 v4;
	_ =	sdelay $0x8  }
0x219: {  	v4 =	vpop (erf)  }
0x21a: {  	v4 =	vadd.f32 $1.000000000e+00, v4;
	_ =	sdelay $0x1  }
0x21b: {  	(erf) = vrcp.f32 v4;
	_ =	sdelay $0x3  }
0x21c: {  	v4 =	vld [tilespmem:$0x1C090]  }
0x21d: {  	v5 =	vld [tilespmem:$0x1C190];
	_ =	sdelay $0x3  }
0x21e: {  	vm0 =	veq.s32 v2, v3;
	v7 =	vpop (erf)  }
0x21f: {  	v2 =	vsel vm0, $0x0, v7  }
0x220: {  	[tilespmem:$0x1C200] =	vst v2  }
0x221: {  	v2 =	vld.idx.msk [tilespmem:v4+s26+$0x0], $0xffff  }
0x222: {  	v3 =	vld.idx.msk [tilespmem:v5+s26+$0x0], $0xffff;
	_ =	sdelay $0x4  }
0x223: {  	v2 =	vsub.f32 v2, v3;
	_ =	sdelay $0x1  }
0x224: {  	v2 =	vadd.f32 v2, v6;
	_ =	sdelay $0x1  }
0x225: {  	v2 =	vsub.f32 $0.0e+00, v2;
	_ =	sdelay $0x1  }
0x226: {  	v2 =	vmul.f32 $1.442695020e+00, v2;
	_ =	sdelay $0x1  }
0x227: {  	(erf) = vpow2.f32 v2;
	_ =	sdelay $0x8  }
0x228: {  	v2 =	vpop (erf)  }
0x229: {  	v2 =	vadd.f32 $1.000000000e+00, v2;
	_ =	sdelay $0x1  }
0x22a: {  	(erf) = vrcp.f32 v2;
	_ =	sdelay $0x3  }
0x22b: {  	v2 =	vld [tilespmem:$0x1C0A0]  }
0x22c: {  	v3 =	vld [tilespmem:$0x1C1A0];
	_ =	sdelay $0x3  }
0x22d: {  	vm9 =	veq.s32 v4, v5;
	v13 =	vpop (erf)  }
0x22e: {  	v4 =	vsel vm9, $0x0, v13  }
0x22f: {  	[tilespmem:$0x1C210] =	vst v4  }
0x230: {  	v4 =	vld.idx.msk [tilespmem:v2+s26+$0x0], $0xffff  }
0x231: {  	v5 =	vld.idx.msk [tilespmem:v3+s26+$0x0], $0xffff;
	_ =	sdelay $0x4  }
0x232: {  	v4 =	vsub.f32 v4, v5;
	_ =	sdelay $0x1  }
0x233: {  	v4 =	vadd.f32 v4, v6;
	_ =	sdelay $0x1  }
0x234: {  	v4 =	vsub.f32 $0.0e+00, v4;
	_ =	sdelay $0x1  }
0x235: {  	v4 =	vmul.f32 $1.442695020e+00, v4;
	_ =	sdelay $0x1  }
0x236: {  	(erf) = vpow2.f32 v4;
	_ =	sdelay $0x8  }
0x237: {  	v4 =	vpop (erf)  }
0x238: {  	v4 =	vadd.f32 $1.000000000e+00, v4;
	_ =	sdelay $0x1  }
0x239: {  	(erf) = vrcp.f32 v4;
	_ =	sdelay $0x3  }
0x23a: {  	v4 =	vld [tilespmem:$0x1C0B0]  }
0x23b: {  	v5 =	vld [tilespmem:$0x1C1B0];
	_ =	sdelay $0x3  }
0x23c: {  	vm10 =	veq.s32 v2, v3;
	v14 =	vpop (erf)  }
0x23d: {  	v2 =	vsel vm10, $0x0, v14  }
0x23e: {  	[tilespmem:$0x1C220] =	vst v2  }
0x23f: {  	v2 =	vld.idx.msk [tilespmem:v4+s26+$0x0], $0xffff  }
0x240: {  	v3 =	vld.idx.msk [tilespmem:v5+s26+$0x0], $0xffff;
	_ =	sdelay $0x4  }
0x241: {  	v2 =	vsub.f32 v2, v3;
	_ =	sdelay $0x1  }
0x242: {  	v2 =	vadd.f32 v2, v6;
	_ =	sdelay $0x1  }
0x243: {  	v2 =	vsub.f32 $0.0e+00, v2;
	_ =	sdelay $0x1  }
0x244: {  	v2 =	vmul.f32 $1.442695020e+00, v2;
	_ =	sdelay $0x1  }
0x245: {  	(erf) = vpow2.f32 v2;
	_ =	sdelay $0x8  }
0x246: {  	v2 =	vpop (erf)  }
0x247: {  	v2 =	vadd.f32 $1.000000000e+00, v2;
	_ =	sdelay $0x1  }
0x248: {  	(erf) = vrcp.f32 v2;
	_ =	sdelay $0x3  }
0x249: {  	v2 =	vld [tilespmem:$0x1C0C0]  }
0x24a: {  	v3 =	vld [tilespmem:$0x1C1C0];
	_ =	sdelay $0x3  }
0x24b: {  	vm11 =	veq.s32 v4, v5;
	v15 =	vpop (erf)  }
0x24c: {  	v4 =	vsel vm11, $0x0, v15  }
0x24d: {  	[tilespmem:$0x1C230] =	vst v4  }
0x24e: {  	v4 =	vld.idx.msk [tilespmem:v2+s26+$0x0], $0xffff  }
0x24f: {  	v5 =	vld.idx.msk [tilespmem:v3+s26+$0x0], $0xffff;
	_ =	sdelay $0x4  }
0x250: {  	v4 =	vsub.f32 v4, v5;
	_ =	sdelay $0x1  }
0x251: {  	v4 =	vadd.f32 v4, v6;
	_ =	sdelay $0x1  }
0x252: {  	v4 =	vsub.f32 $0.0e+00, v4;
	_ =	sdelay $0x1  }
0x253: {  	v4 =	vmul.f32 $1.442695020e+00, v4;
	_ =	sdelay $0x1  }
0x254: {  	(erf) = vpow2.f32 v4;
	_ =	sdelay $0x8  }
0x255: {  	v4 =	vpop (erf)  }
0x256: {  	v4 =	vadd.f32 $1.000000000e+00, v4;
	_ =	sdelay $0x1  }
0x257: {  	(erf) = vrcp.f32 v4;
	_ =	sdelay $0x3  }
0x258: {  	v4 =	vld [tilespmem:$0x1C0D0]  }
0x259: {  	v5 =	vld [tilespmem:$0x1C1D0];
	_ =	sdelay $0x3  }
0x25a: {  	vm12 =	veq.s32 v2, v3;
	v16 =	vpop (erf)  }
0x25b: {  	v2 =	vsel vm12, $0x0, v16  }
0x25c: {  	[tilespmem:$0x1C240] =	vst v2  }
0x25d: {  	v2 =	vld.idx.msk [tilespmem:v4+s26+$0x0], $0xffff  }
0x25e: {  	v3 =	vld.idx.msk [tilespmem:v5+s26+$0x0], $0xffff;
	_ =	sdelay $0x4  }
0x25f: {  	v2 =	vsub.f32 v2, v3;
	_ =	sdelay $0x1  }
0x260: {  	v2 =	vadd.f32 v2, v6;
	_ =	sdelay $0x1  }
0x261: {  	v2 =	vsub.f32 $0.0e+00, v2;
	_ =	sdelay $0x1  }
0x262: {  	v2 =	vmul.f32 $1.442695020e+00, v2;
	_ =	sdelay $0x1  }
0x263: {  	(erf) = vpow2.f32 v2;
	_ =	sdelay $0x8  }
0x264: {  	v2 =	vpop (erf)  }
0x265: {  	v2 =	vadd.f32 $1.000000000e+00, v2;
	_ =	sdelay $0x1  }
0x266: {  	(erf) = vrcp.f32 v2;
	_ =	sdelay $0x3  }
0x267: {  	v2 =	vld [tilespmem:$0x1C0E0]  }
0x268: {  	v3 =	vld [tilespmem:$0x1C1E0];
	_ =	sdelay $0x3  }
0x269: {  	vm13 =	veq.s32 v4, v5;
	v17 =	vpop (erf)  }
0x26a: {  	v4 =	vsel vm13, $0x0, v17  }
0x26b: {  	[tilespmem:$0x1C250] =	vst v4  }
0x26c: {  	v4 =	vld.idx.msk [tilespmem:v2+s26+$0x0], $0xffff  }
0x26d: {  	v5 =	vld.idx.msk [tilespmem:v3+s26+$0x0], $0xffff;
	_ =	sdelay $0x4  }
0x26e: {  	v4 =	vsub.f32 v4, v5;
	_ =	sdelay $0x1  }
0x26f: {  	v4 =	vadd.f32 v4, v6;
	_ =	sdelay $0x1  }
0x270: {  	v4 =	vsub.f32 $0.0e+00, v4;
	_ =	sdelay $0x1  }
0x271: {  	v4 =	vmul.f32 $1.442695020e+00, v4;
	_ =	sdelay $0x1  }
0x272: {  	(erf) = vpow2.f32 v4;
	_ =	sdelay $0x8  }
0x273: {  	v4 =	vpop (erf)  }
0x274: {  	v4 =	vadd.f32 $1.000000000e+00, v4;
	_ =	sdelay $0x1  }
0x275: {  	(erf) = vrcp.f32 v4;
	_ =	sdelay $0x3  }
0x276: {  	v4 =	vld [tilespmem:$0x1C0F0]  }
0x277: {  	v5 =	vld [tilespmem:$0x1C1F0];
	_ =	sdelay $0x3  }
0x278: {  	vm14 =	veq.s32 v2, v3;
	v18 =	vpop (erf)  }
0x279: {  	v2 =	vsel vm14, $0x0, v18  }
0x27a: {  	[tilespmem:$0x1C260] =	vst v2  }
0x27b: {  	v2 =	vld.idx.msk [tilespmem:v4+s26+$0x0], $0xffff  }
0x27c: {  	v3 =	vld.idx.msk [tilespmem:v5+s26+$0x0], $0xffff;
	_ =	sdelay $0x4  }
0x27d: {  	v2 =	vsub.f32 v2, v3;
	_ =	sdelay $0x1  }
0x27e: {  	v2 =	vadd.f32 v2, v6;
	_ =	sdelay $0x1  }
0x27f: {  	v2 =	vsub.f32 $0.0e+00, v2;
	_ =	sdelay $0x1  }
0x280: {  	v2 =	vmul.f32 $1.442695020e+00, v2;
	_ =	sdelay $0x1  }
0x281: {  	(erf) = vpow2.f32 v2;
	_ =	sdelay $0x8  }
0x282: {  	v2 =	vpop (erf)  }
0x283: {  	v2 =	vadd.f32 $1.000000000e+00, v2;
	_ =	sdelay $0x1  }
0x284: {  	(erf) = vrcp.f32 v2;
	_ =	sdelay $0x8  }
0x285: {  	vm15 =	veq.s32 v4, v5;
	v2 =	vpop (erf)  }
0x286: {  	s12 =	simm.s32 $0x0;
	v2 =	vsel vm15, $0x0, v2  }
0x287: {  	s13 =	simm.s32 $0x0;
	s8 =	sand.u32 $0x3FFFFFF0, s12;
	[tilespmem:$0x1C270] =	vst v2  }
0x288: {  	v2 =	vld [tilespmem:s8+$0x1C200];
	s8 =	sand.u32 $0x3FFFF800, s13  }
0x289: {  	v8 =	vld [tilespmem:s8+$0x180C0]  }
0x28a: {  	v4 =	vld [tilespmem:s8+$0x18020]  }
0x28b: {  	v5 =	vld [tilespmem:s8+$0x18030]  }
0x28c: {  	v11 =	vld [tilespmem:s8+$0x18060]  }
0x28d: {  	v12 =	vld [tilespmem:s8+$0x18070];
	v3 =	vbroadcast v2, $0x0  }
0x28e: {  	v13 =	vld [tilespmem:s8+$0x18080]  }
0x28f: {  	v14 =	vld [tilespmem:s8+$0x18090];
	v4 =	vmul.f32 v4, v3  }
0x290: {  	v15 =	vld [tilespmem:s8+$0x180A0];
	v5 =	vmul.f32 v5, v3  }
0x291: {  	v10 =	vld [tilespmem:s8+$0x180B0];
	v21 =	vbroadcast v2, $0x1;
	v20 =	vmul.f32 v11, v3;
	[tilespmem:s8+$0x18020] =	vst v4  }
0x292: {  	v9 =	vld [tilespmem:s8+$0x180D0];
	v12 =	vmul.f32 v12, v3;
	[tilespmem:s8+$0x18030] =	vst v5  }
0x293: {  	v19 =	vld [tilespmem:s8+$0x18570];
	v13 =	vmul.f32 v13, v21;
	[tilespmem:s8+$0x18060] =	vst v20  }
0x294: {  	v23 =	vld [tilespmem:s8+$0x180F0];
	v14 =	vmul.f32 v14, v21;
	[tilespmem:s8+$0x18070] =	vst v12  }
0x295: {  	v24 =	vld [tilespmem:s8+$0x18100];
	v15 =	vmul.f32 v15, v21;
	[tilespmem:s8+$0x18080] =	vst v13  }
0x296: {  	v25 =	vld [tilespmem:s8+$0x18110];
	v10 =	vmul.f32 v10, v21;
	[tilespmem:s8+$0x18090] =	vst v14  }
0x297: {  	v7 =	vld [tilespmem:s8+$0x18590];
	v8 =	vmul.f32 v8, v21;
	[tilespmem:s8+$0x180A0] =	vst v15  }
0x298: {  	v22 =	vld [tilespmem:s8+$0x180E0];
	v16 =	vbroadcast v2, $0x2;
	v9 =	vmul.f32 v9, v21;
	[tilespmem:s8+$0x180B0] =	vst v10  }
0x299: {  	v26 =	vld [tilespmem:s8+$0x18120];
	v11 =	vmul.f32 v23, v21;
	[tilespmem:s8+$0x180C0] =	vst v8  }
0x29a: {  	v27 =	vld [tilespmem:s8+$0x18130];
	v6 =	vbroadcast v2, $0xA;
	v30 =	vmul.f32 v24, v16;
	[tilespmem:s8+$0x180D0] =	vst v9  }
0x29b: {  	v28 =	vld [tilespmem:s8+$0x18140];
	v32 =	vmul.f32 v25, v16;
	[tilespmem:s8+$0x180F0] =	vst v11  }
0x29c: {  	v31 =	vld [tilespmem:s8+$0x18160];
	v4 =	vmul.f32 v19, v6;
	[tilespmem:s8+$0x18100] =	vst v30  }
0x29d: {  	v33 =	vld [tilespmem:s8+$0x18170];
	v12 =	vmul.f32 v22, v21;
	[tilespmem:s8+$0x18110] =	vst v32  }
0x29e: {  	v34 =	vld [tilespmem:s8+$0x18180];
	v10 =	vmul.f32 v26, v16;
	[tilespmem:s8+$0x18570] =	vst v4  }
0x29f: {  	v29 =	vld [tilespmem:s8+$0x18150];
	v8 =	vmul.f32 v27, v16;
	[tilespmem:s8+$0x180E0] =	vst v12  }
0x2a0: {  	v35 =	vld [tilespmem:s8+$0x18190];
	v9 =	vmul.f32 v28, v16;
	[tilespmem:s8+$0x18120] =	vst v10  }
0x2a1: {  	v36 =	vld [tilespmem:s8+$0x181A0];
	v39 =	vbroadcast v2, $0x3;
	v11 =	vmul.f32 v31, v16;
	[tilespmem:s8+$0x18130] =	vst v8  }
0x2a2: {  	v37 =	vld [tilespmem:s8+$0x181B0];
	v13 =	vmul.f32 v33, v16;
	[tilespmem:s8+$0x18140] =	vst v9  }
0x2a3: {  	v40 =	vld [tilespmem:s8+$0x181D0];
	v14 =	vmul.f32 v34, v39;
	[tilespmem:s8+$0x18160] =	vst v11  }
0x2a4: {  	v41 =	vld [tilespmem:s8+$0x181E0];
	v12 =	vmul.f32 v29, v16;
	[tilespmem:s8+$0x18170] =	vst v13  }
0x2a5: {  	v42 =	vld [tilespmem:s8+$0x181F0];
	v10 =	vmul.f32 v35, v39;
	[tilespmem:s8+$0x18180] =	vst v14  }
0x2a6: {  	v38 =	vld [tilespmem:s8+$0x181C0];
	v8 =	vmul.f32 v36, v39;
	[tilespmem:s8+$0x18150] =	vst v12  }
0x2a7: {  	v43 =	vld [tilespmem:s8+$0x18200];
	v9 =	vmul.f32 v37, v39;
	[tilespmem:s8+$0x18190] =	vst v10  }
0x2a8: {  	v44 =	vld [tilespmem:s8+$0x18210];
	v11 =	vmul.f32 v40, v39;
	[tilespmem:s8+$0x181A0] =	vst v8  }
0x2a9: {  	v45 =	vld [tilespmem:s8+$0x18220];
	v13 =	vmul.f32 v41, v39;
	[tilespmem:s8+$0x181B0] =	vst v9  }
0x2aa: {  	v47 =	vld [tilespmem:s8+$0x18240];
	v48 =	vbroadcast v2, $0x4;
	v14 =	vmul.f32 v42, v39;
	[tilespmem:s8+$0x181D0] =	vst v11  }
0x2ab: {  	v49 =	vld [tilespmem:s8+$0x18250];
	v12 =	vmul.f32 v38, v39;
	[tilespmem:s8+$0x181E0] =	vst v13  }
0x2ac: {  	v50 =	vld [tilespmem:s8+$0x18260];
	v10 =	vmul.f32 v43, v48;
	[tilespmem:s8+$0x181F0] =	vst v14  }
0x2ad: {  	v46 =	vld [tilespmem:s8+$0x18230];
	v8 =	vmul.f32 v44, v48;
	[tilespmem:s8+$0x181C0] =	vst v12  }
0x2ae: {  	v51 =	vld [tilespmem:s8+$0x18270];
	v9 =	vmul.f32 v45, v48;
	[tilespmem:s8+$0x18200] =	vst v10  }
0x2af: {  	v52 =	vld [tilespmem:s8+$0x18280];
	v11 =	vmul.f32 v47, v48;
	[tilespmem:s8+$0x18210] =	vst v8  }
0x2b0: {  	v53 =	vld [tilespmem:s8+$0x18290];
	v13 =	vmul.f32 v49, v48;
	[tilespmem:s8+$0x18220] =	vst v9  }
0x2b1: {  	v55 =	vld [tilespmem:s8+$0x182B0];
	v14 =	vmul.f32 v50, v48;
	[tilespmem:s8+$0x18240] =	vst v11  }
0x2b2: {  	v56 =	vld [tilespmem:s8+$0x182C0];
	v57 =	vbroadcast v2, $0x5;
	v12 =	vmul.f32 v46, v48;
	[tilespmem:s8+$0x18250] =	vst v13  }
0x2b3: {  	v58 =	vld [tilespmem:s8+$0x182D0];
	v10 =	vmul.f32 v51, v48;
	[tilespmem:s8+$0x18260] =	vst v14  }
0x2b4: {  	v54 =	vld [tilespmem:s8+$0x182A0];
	v8 =	vmul.f32 v52, v57;
	[tilespmem:s8+$0x18230] =	vst v12  }
0x2b5: {  	v59 =	vld [tilespmem:s8+$0x182E0];
	v9 =	vmul.f32 v53, v57;
	[tilespmem:s8+$0x18270] =	vst v10  }
0x2b6: {  	v60 =	vld [tilespmem:s8+$0x182F0];
	v11 =	vmul.f32 v55, v57;
	[tilespmem:s8+$0x18280] =	vst v8  }
0x2b7: {  	v61 =	vld [tilespmem:s8+$0x18300];
	v13 =	vmul.f32 v56, v57;
	[tilespmem:s8+$0x18290] =	vst v9  }
0x2b8: {  	v63 =	vld [tilespmem:s8+$0x18320];
	v14 =	vmul.f32 v58, v57;
	[tilespmem:s8+$0x182B0] =	vst v11  }
0x2b9: {  	v20 =	vld [tilespmem:s8+$0x18330];
	v12 =	vmul.f32 v54, v57;
	[tilespmem:s8+$0x182C0] =	vst v13  }
0x2ba: {  	v21 =	vld [tilespmem:s8+$0x18340];
	v22 =	vbroadcast v2, $0x6;
	v10 =	vmul.f32 v59, v57;
	[tilespmem:s8+$0x182D0] =	vst v14  }
0x2bb: {  	v62 =	vld [tilespmem:s8+$0x18310];
	v8 =	vmul.f32 v60, v57;
	[tilespmem:s8+$0x182A0] =	vst v12  }
0x2bc: {  	v23 =	vld [tilespmem:s8+$0x18350];
	v9 =	vmul.f32 v61, v22;
	[tilespmem:s8+$0x182E0] =	vst v10  }
0x2bd: {  	v24 =	vld [tilespmem:s8+$0x18360];
	v11 =	vmul.f32 v63, v22;
	[tilespmem:s8+$0x182F0] =	vst v8  }
0x2be: {  	v25 =	vld [tilespmem:s8+$0x18370];
	v13 =	vmul.f32 v20, v22;
	[tilespmem:s8+$0x18300] =	vst v9  }
0x2bf: {  	v27 =	vld [tilespmem:s8+$0x18390];
	v14 =	vmul.f32 v21, v22;
	[tilespmem:s8+$0x18320] =	vst v11  }
0x2c0: {  	v28 =	vld [tilespmem:s8+$0x183A0];
	v12 =	vmul.f32 v62, v22;
	[tilespmem:s8+$0x18330] =	vst v13  }
0x2c1: {  	v29 =	vld [tilespmem:s8+$0x183B0];
	v10 =	vmul.f32 v23, v22;
	[tilespmem:s8+$0x18340] =	vst v14  }
0x2c2: {  	v31 =	vbroadcast v2, $0x7;
	v53 =	vld [tilespmem:s8+$0x18500];
	v8 =	vmul.f32 v24, v22;
	[tilespmem:s8+$0x18310] =	vst v12  }
0x2c3: {  	v58 =	vld [tilespmem:s8+$0x18550];
	v9 =	vmul.f32 v25, v22;
	[tilespmem:s8+$0x18350] =	vst v10  }
0x2c4: {  	v26 =	vld [tilespmem:s8+$0x18380];
	v11 =	vmul.f32 v27, v31;
	[tilespmem:s8+$0x18360] =	vst v8  }
0x2c5: {  	v30 =	vld [tilespmem:s8+$0x183C0];
	v13 =	vmul.f32 v28, v31;
	[tilespmem:s8+$0x18370] =	vst v9  }
0x2c6: {  	v32 =	vld [tilespmem:s8+$0x183D0];
	v14 =	vmul.f32 v29, v31;
	[tilespmem:s8+$0x18390] =	vst v11  }
0x2c7: {  	v33 =	vld [tilespmem:s8+$0x183E0];
	v59 =	vmul.f32 v53, v6;
	[tilespmem:s8+$0x183A0] =	vst v13  }
0x2c8: {  	v35 =	vld [tilespmem:s8+$0x18400];
	v21 =	vmul.f32 v58, v6;
	[tilespmem:s8+$0x183B0] =	vst v14  }
0x2c9: {  	v36 =	vld [tilespmem:s8+$0x18410];
	v12 =	vmul.f32 v26, v31;
	[tilespmem:s8+$0x18500] =	vst v59  }
0x2ca: {  	v37 =	vld [tilespmem:s8+$0x18420];
	v10 =	vmul.f32 v30, v31;
	[tilespmem:s8+$0x18550] =	vst v21  }
0x2cb: {  	v5 =	vld [tilespmem:s8+$0x18580];
	v40 =	vbroadcast v2, $0x8;
	v8 =	vmul.f32 v32, v31;
	[tilespmem:s8+$0x18380] =	vst v12  }
0x2cc: {  	v34 =	vld [tilespmem:s8+$0x183F0];
	v9 =	vmul.f32 v33, v31;
	[tilespmem:s8+$0x183C0] =	vst v10  }
0x2cd: {  	v57 =	vld [tilespmem:s8+$0x18540];
	v11 =	vmul.f32 v35, v40;
	[tilespmem:s8+$0x183D0] =	vst v8  }
0x2ce: {  	v61 =	vld [tilespmem:s8+$0x18000];
	v24 =	vbroadcast v2, $0xB;
	v13 =	vmul.f32 v36, v40;
	[tilespmem:s8+$0x183E0] =	vst v9  }
0x2cf: {  	v4 =	vld [tilespmem:s8+$0x187D0];
	v14 =	vmul.f32 v37, v40;
	[tilespmem:s8+$0x18400] =	vst v11  }
0x2d0: {  	v38 =	vld [tilespmem:s8+$0x18430];
	v5 =	vmul.f32 v5, v24;
	[tilespmem:s8+$0x18410] =	vst v13  }
0x2d1: {  	v39 =	vld [tilespmem:s8+$0x18440];
	v7 =	vmul.f32 v7, v24;
	[tilespmem:s8+$0x18420] =	vst v14  }
0x2d2: {  	v41 =	vld [tilespmem:s8+$0x18450];
	v19 =	vmul.f32 v57, v6;
	[tilespmem:s8+$0x18580] =	vst v5  }
0x2d3: {  	v43 =	vld [tilespmem:s8+$0x18470];
	v25 =	vmul.f32 v3, v61;
	[tilespmem:s8+$0x18590] =	vst v7  }
0x2d4: {  	v44 =	vld [tilespmem:s8+$0x18480];
	v12 =	vmul.f32 v34, v31;
	[tilespmem:s8+$0x18540] =	vst v19  }
0x2d5: {  	v45 =	vld [tilespmem:s8+$0x18490];
	v10 =	vmul.f32 v38, v40;
	[tilespmem:s8+$0x18000] =	vst v25  }
0x2d6: {  	v27 =	vld [tilespmem:s8+$0x185D0];
	v8 =	vmul.f32 v39, v40;
	[tilespmem:s8+$0x183F0] =	vst v12  }
0x2d7: {  	v49 =	vbroadcast v2, $0x9;
	v29 =	vld [tilespmem:s8+$0x185F0];
	v9 =	vmul.f32 v41, v40;
	[tilespmem:s8+$0x18430] =	vst v10  }
0x2d8: {  	v42 =	vld [tilespmem:s8+$0x18460];
	v11 =	vmul.f32 v43, v40;
	[tilespmem:s8+$0x18440] =	vst v8  }
0x2d9: {  	v46 =	vld [tilespmem:s8+$0x184A0];
	v13 =	vmul.f32 v44, v49;
	[tilespmem:s8+$0x18450] =	vst v9  }
0x2da: {  	v47 =	vld [tilespmem:s8+$0x184B0];
	v14 =	vmul.f32 v45, v49;
	[tilespmem:s8+$0x18470] =	vst v11  }
0x2db: {  	v48 =	vld [tilespmem:s8+$0x184C0];
	v32 =	vmul.f32 v27, v24;
	[tilespmem:s8+$0x18480] =	vst v13  }
0x2dc: {  	v51 =	vld [tilespmem:s8+$0x184E0];
	v7 =	vmul.f32 v29, v24;
	[tilespmem:s8+$0x18490] =	vst v14  }
0x2dd: {  	v52 =	vld [tilespmem:s8+$0x184F0];
	v12 =	vmul.f32 v42, v40;
	[tilespmem:s8+$0x185D0] =	vst v32  }
0x2de: {  	v10 =	vmul.f32 v46, v49;
	[tilespmem:s8+$0x185F0] =	vst v7  }
0x2df: {  	v28 =	vld [tilespmem:s8+$0x185E0];
	v8 =	vmul.f32 v47, v49;
	[tilespmem:s8+$0x18460] =	vst v12  }
0x2e0: {  	v30 =	vld [tilespmem:s8+$0x18600];
	v9 =	vmul.f32 v48, v49;
	[tilespmem:s8+$0x184A0] =	vst v10  }
0x2e1: {  	v50 =	vld [tilespmem:s8+$0x184D0];
	v5 =	vbroadcast v2, $0xF;
	v11 =	vmul.f32 v51, v49;
	[tilespmem:s8+$0x184B0] =	vst v8  }
0x2e2: {  	v54 =	vld [tilespmem:s8+$0x18510];
	v13 =	vmul.f32 v52, v49;
	[tilespmem:s8+$0x184C0] =	vst v9  }
0x2e3: {  	v55 =	vld [tilespmem:s8+$0x18520];
	v35 =	vbroadcast v2, $0xC;
	v4 =	vmul.f32 v4, v5;
	[tilespmem:s8+$0x184E0] =	vst v11  }
0x2e4: {  	v56 =	vld [tilespmem:s8+$0x18530];
	v40 =	vmul.f32 v28, v24;
	[tilespmem:s8+$0x184F0] =	vst v13  }
0x2e5: {  	v60 =	vld [tilespmem:s8+$0x18560];
	v16 =	vmul.f32 v30, v35;
	[tilespmem:s8+$0x187D0] =	vst v4  }
0x2e6: {  	v62 =	vld [tilespmem:s8+$0x18010];
	v12 =	vmul.f32 v50, v49;
	[tilespmem:s8+$0x185E0] =	vst v40  }
0x2e7: {  	v63 =	vld [tilespmem:s8+$0x18040];
	v10 =	vmul.f32 v54, v6;
	[tilespmem:s8+$0x18600] =	vst v16  }
0x2e8: {  	v20 =	vld [tilespmem:s8+$0x18050];
	v8 =	vmul.f32 v55, v6;
	[tilespmem:s8+$0x184D0] =	vst v12  }
0x2e9: {  	v33 =	vld [tilespmem:s8+$0x18630];
	v9 =	vmul.f32 v56, v6;
	[tilespmem:s8+$0x18510] =	vst v10  }
0x2ea: {  	v61 =	vld [tilespmem:s8+$0x187F0];
	v6 =	vmul.f32 v60, v6;
	[tilespmem:s8+$0x18520] =	vst v8  }
0x2eb: {  	v38 =	vld [tilespmem:s8+$0x18670];
	v13 =	vmul.f32 v62, v3;
	[tilespmem:s8+$0x18530] =	vst v9  }
0x2ec: {  	v22 =	vld [tilespmem:s8+$0x185A0];
	v4 =	vmul.f32 v63, v3;
	[tilespmem:s8+$0x18560] =	vst v6  }
0x2ed: {  	v23 =	vld [tilespmem:s8+$0x185B0];
	v3 =	vmul.f32 v20, v3;
	[tilespmem:s8+$0x18010] =	vst v13  }
0x2ee: {  	v26 =	vld [tilespmem:s8+$0x185C0];
	v62 =	vmul.f32 v33, v35;
	[tilespmem:s8+$0x18040] =	vst v4  }
0x2ef: {  	v31 =	vld [tilespmem:s8+$0x18610];
	v63 =	vmul.f32 v61, v5;
	[tilespmem:s8+$0x18050] =	vst v3  }
0x2f0: {  	v34 =	vld [tilespmem:s8+$0x18640];
	v16 =	vmul.f32 v38, v35;
	[tilespmem:s8+$0x18630] =	vst v62  }
0x2f1: {  	v41 =	vld [tilespmem:s8+$0x186A0];
	v8 =	vmul.f32 v22, v24;
	[tilespmem:s8+$0x187F0] =	vst v63  }
0x2f2: {  	v46 =	vld [tilespmem:s8+$0x186E0];
	v9 =	vmul.f32 v23, v24;
	[tilespmem:s8+$0x18670] =	vst v16  }
0x2f3: {  	v6 =	vmul.f32 v26, v24;
	v3 =	vld [tilespmem:s8+$0x18690];
	[tilespmem:s8+$0x185A0] =	vst v8  }
0x2f4: {  	v36 =	vld [tilespmem:s8+$0x18650];
	v44 =	vbroadcast v2, $0xD;
	v10 =	vmul.f32 v31, v35;
	[tilespmem:s8+$0x185B0] =	vst v9  }
0x2f5: {  	v37 =	vld [tilespmem:s8+$0x18660];
	v13 =	vmul.f32 v34, v35;
	[tilespmem:s8+$0x185C0] =	vst v6  }
0x2f6: {  	v39 =	vld [tilespmem:s8+$0x18680];
	v12 =	vmul.f32 v41, v44;
	[tilespmem:s8+$0x18610] =	vst v10  }
0x2f7: {  	v42 =	vld [tilespmem:s8+$0x186B0];
	v51 =	vmul.f32 v46, v44;
	[tilespmem:s8+$0x18640] =	vst v13  }
0x2f8: {  	v48 =	vld [tilespmem:s8+$0x18710];
	[tilespmem:s8+$0x186A0] =	vst v12;
	v3 =	vmul.f32 v3, v44  }
0x2f9: {  	v49 =	vld [tilespmem:s8+$0x18720];
	v9 =	vmul.f32 v36, v35;
	[tilespmem:s8+$0x186E0] =	vst v51  }
0x2fa: {  	v6 =	vmul.f32 v37, v35;
	[tilespmem:s8+$0x18690] =	vst v3;
	v3 =	vld [tilespmem:s8+$0x18700]  }
0x2fb: {  	v2 =	vbroadcast v2, $0xE;
	v50 =	vld [tilespmem:s8+$0x18730];
	v10 =	vmul.f32 v39, v44;
	[tilespmem:s8+$0x18650] =	vst v9  }
0x2fc: {  	v45 =	vld [tilespmem:s8+$0x186D0];
	v13 =	vmul.f32 v42, v44;
	[tilespmem:s8+$0x18660] =	vst v6  }
0x2fd: {  	v47 =	vld [tilespmem:s8+$0x186F0];
	v12 =	vmul.f32 v48, v2;
	[tilespmem:s8+$0x18680] =	vst v10  }
0x2fe: {  	v43 =	vld [tilespmem:s8+$0x186C0];
	v11 =	vmul.f32 v49, v2;
	[tilespmem:s8+$0x186B0] =	vst v13  }
0x2ff: {  	v55 =	vld [tilespmem:s8+$0x18780];
	[tilespmem:s8+$0x18710] =	vst v12;
	v3 =	vmul.f32 v3, v2  }
0x300: {  	v57 =	vld [tilespmem:s8+$0x187A0];
	v7 =	vmul.f32 v50, v2;
	[tilespmem:s8+$0x18720] =	vst v11  }
0x301: {  	v6 =	vmul.f32 v45, v44;
	[tilespmem:s8+$0x18700] =	vst v3;
	v3 =	vld [tilespmem:s8+$0x18770]  }
0x302: {  	v52 =	vld [tilespmem:s8+$0x18740];
	v10 =	vmul.f32 v47, v44;
	[tilespmem:s8+$0x18730] =	vst v7  }
0x303: {  	v56 =	vld [tilespmem:s8+$0x18790];
	v9 =	vmul.f32 v43, v44;
	[tilespmem:s8+$0x186D0] =	vst v6  }
0x304: {  	v54 =	vld [tilespmem:s8+$0x18760];
	v12 =	vmul.f32 v55, v5;
	[tilespmem:s8+$0x186F0] =	vst v10  }
0x305: {  	v58 =	vld [tilespmem:s8+$0x187B0];
	v7 =	vmul.f32 v57, v5;
	[tilespmem:s8+$0x186C0] =	vst v9  }
0x306: {  	v53 =	vld [tilespmem:s8+$0x18750];
	[tilespmem:s8+$0x18780] =	vst v12;
	v3 =	vmul.f32 v3, v2  }
0x307: {  	v59 =	vld [tilespmem:s8+$0x187C0];
	v6 =	vmul.f32 v52, v2;
	[tilespmem:s8+$0x187A0] =	vst v7  }
0x308: {  	v60 =	vld [tilespmem:s8+$0x187E0];
	[tilespmem:s8+$0x18770] =	vst v3;
	v3 =	vmul.f32 v56, v5  }
0x309: {  	v10 =	vmul.f32 v54, v2;
	[tilespmem:s8+$0x18740] =	vst v6  }
0x30a: {  	v4 =	vld [tilespmem:s8+$0x18620];
	[tilespmem:s8+$0x18790] =	vst v3;
	v3 =	vmul.f32 v58, v5  }
0x30b: {  	[tilespmem:s8+$0x18760] =	vst v10;
	v2 =	vmul.f32 v53, v2  }
0x30c: {  	[tilespmem:s8+$0x187B0] =	vst v3;
	v3 =	vmul.f32 v59, v5  }
0x30d: {  	[tilespmem:s8+$0x18750] =	vst v2;
	v5 =	vmul.f32 v60, v5  }
0x30e: {  	[tilespmem:s8+$0x187C0] =	vst v3  }
0x30f: {  	s10 =	simm.s32 $0x1;
	v3 =	vmul.f32 v4, v35;
	[tilespmem:s8+$0x187E0] =	vst v5  }
.LBB2_12:
0x310: {  	s11 =	sshll.u32 s10, $0x4  }
0x311: {  	p1 =	sne.s32 s10, $0x7;
	[tilespmem:s8+$0x18620] =	vst v3;
	s8 =	smov.u32 s10;
	s10 =	sadd.s32 $0x1, s10  }
0x312: {  	s11 =	sand.u32 $0x3FFFFFF0, s11  }
0x313: {  	s8 =	sshll.u32 s8, $0xB;
	v2 =	vld [tilespmem:s11+$0x1C200]  }
0x314: {  	s8 =	sand.u32 $0x3FFFF800, s8  }
0x315: {  	v9 =	vld [tilespmem:s8+$0x180C0]  }
0x316: {  	v10 =	vld [tilespmem:s8+$0x180D0]  }
0x317: {  	v11 =	vld [tilespmem:s8+$0x180B0]  }
0x318: {  	v3 =	vbroadcast v2, $0x0;
	v4 =	vld [tilespmem:s8+$0x18020];
	v8 =	vbroadcast v2, $0x4  }
0x319: {  	v6 =	vld [tilespmem:s8+$0x18030]  }
0x31a: {  	v7 =	vld [tilespmem:s8+$0x18570]  }
0x31b: {  	v12 =	vld [tilespmem:s8+$0x18060]  }
0x31c: {  	v13 =	vld [tilespmem:s8+$0x18070]  }
0x31d: {  	v5 =	vbroadcast v2, $0xA;
	v4 =	vmul.f32 v4, v3;
	v14 =	vld [tilespmem:s8+$0x18080]  }
0x31e: {  	v6 =	vmul.f32 v6, v3;
	v15 =	vld [tilespmem:s8+$0x18090]  }
0x31f: {  	[tilespmem:s8+$0x18020] =	vst v4;
	v16 =	vld [tilespmem:s8+$0x180A0];
	v4 =	vmul.f32 v7, v5  }
0x320: {  	[tilespmem:s8+$0x18030] =	vst v6;
	v7 =	vmul.f32 v12, v3;
	v12 =	vbroadcast v2, $0x1;
	v6 =	vld [tilespmem:s8+$0x18580]  }
0x321: {  	v13 =	vmul.f32 v13, v3;
	[tilespmem:s8+$0x18570] =	vst v4;
	v4 =	vld [tilespmem:s8+$0x187D0]  }
0x322: {  	[tilespmem:s8+$0x18060] =	vst v7;
	v14 =	vmul.f32 v14, v12;
	v7 =	vld [tilespmem:s8+$0x18590]  }
0x323: {  	[tilespmem:s8+$0x18070] =	vst v13;
	v13 =	vmul.f32 v15, v12;
	v15 =	vld [tilespmem:s8+$0x180E0]  }
0x324: {  	[tilespmem:s8+$0x18080] =	vst v14;
	v14 =	vmul.f32 v16, v12;
	v16 =	vld [tilespmem:s8+$0x180F0]  }
0x325: {  	v11 =	vmul.f32 v11, v12;
	[tilespmem:s8+$0x18090] =	vst v13;
	v13 =	vld [tilespmem:s8+$0x18100]  }
0x326: {  	v9 =	vmul.f32 v9, v12;
	[tilespmem:s8+$0x180A0] =	vst v14;
	v14 =	vld [tilespmem:s8+$0x18110]  }
0x327: {  	v10 =	vmul.f32 v10, v12;
	[tilespmem:s8+$0x180B0] =	vst v11;
	v11 =	vld [tilespmem:s8+$0x18120]  }
0x328: {  	[tilespmem:s8+$0x180C0] =	vst v9;
	v9 =	vmul.f32 v15, v12;
	v15 =	vbroadcast v2, $0x2;
	v17 =	vld [tilespmem:s8+$0x18130]  }
0x329: {  	[tilespmem:s8+$0x180D0] =	vst v10;
	v10 =	vmul.f32 v16, v12;
	v12 =	vld [tilespmem:s8+$0x18140]  }
0x32a: {  	[tilespmem:s8+$0x180E0] =	vst v9;
	v9 =	vmul.f32 v13, v15;
	v13 =	vld [tilespmem:s8+$0x18150]  }
0x32b: {  	[tilespmem:s8+$0x180F0] =	vst v10;
	v10 =	vmul.f32 v14, v15;
	v14 =	vld [tilespmem:s8+$0x18160]  }
0x32c: {  	[tilespmem:s8+$0x18100] =	vst v9;
	v9 =	vmul.f32 v11, v15;
	v11 =	vld [tilespmem:s8+$0x18170]  }
0x32d: {  	[tilespmem:s8+$0x18110] =	vst v10;
	v10 =	vmul.f32 v17, v15;
	v16 =	vld [tilespmem:s8+$0x18180]  }
0x32e: {  	[tilespmem:s8+$0x18120] =	vst v9;
	v9 =	vmul.f32 v12, v15;
	v12 =	vld [tilespmem:s8+$0x18190]  }
0x32f: {  	[tilespmem:s8+$0x18130] =	vst v10;
	v10 =	vmul.f32 v13, v15;
	v13 =	vld [tilespmem:s8+$0x181A0]  }
0x330: {  	[tilespmem:s8+$0x18140] =	vst v9;
	v9 =	vmul.f32 v14, v15;
	v14 =	vbroadcast v2, $0x3;
	v17 =	vld [tilespmem:s8+$0x181B0]  }
0x331: {  	[tilespmem:s8+$0x18150] =	vst v10;
	v10 =	vmul.f32 v11, v15;
	v11 =	vld [tilespmem:s8+$0x181C0]  }
0x332: {  	[tilespmem:s8+$0x18160] =	vst v9;
	v9 =	vmul.f32 v16, v14;
	v15 =	vld [tilespmem:s8+$0x181D0]  }
0x333: {  	[tilespmem:s8+$0x18170] =	vst v10;
	v10 =	vmul.f32 v12, v14;
	v12 =	vld [tilespmem:s8+$0x181E0]  }
0x334: {  	[tilespmem:s8+$0x18180] =	vst v9;
	v9 =	vmul.f32 v13, v14;
	v13 =	vld [tilespmem:s8+$0x181F0]  }
0x335: {  	[tilespmem:s8+$0x18190] =	vst v10;
	v10 =	vmul.f32 v17, v14;
	v16 =	vld [tilespmem:s8+$0x18200]  }
0x336: {  	[tilespmem:s8+$0x181A0] =	vst v9;
	v9 =	vmul.f32 v11, v14;
	v11 =	vld [tilespmem:s8+$0x18210]  }
0x337: {  	[tilespmem:s8+$0x181B0] =	vst v10;
	v10 =	vmul.f32 v15, v14;
	v15 =	vld [tilespmem:s8+$0x18220]  }
0x338: {  	[tilespmem:s8+$0x181C0] =	vst v9;
	v9 =	vmul.f32 v12, v14;
	v12 =	vld [tilespmem:s8+$0x18230]  }
0x339: {  	[tilespmem:s8+$0x181D0] =	vst v10;
	v10 =	vmul.f32 v13, v14;
	v13 =	vld [tilespmem:s8+$0x18240]  }
0x33a: {  	[tilespmem:s8+$0x181E0] =	vst v9;
	v9 =	vmul.f32 v16, v8;
	v14 =	vld [tilespmem:s8+$0x18250]  }
0x33b: {  	[tilespmem:s8+$0x181F0] =	vst v10;
	v10 =	vmul.f32 v11, v8;
	v11 =	vld [tilespmem:s8+$0x18260]  }
0x33c: {  	[tilespmem:s8+$0x18200] =	vst v9;
	v9 =	vmul.f32 v15, v8;
	v15 =	vld [tilespmem:s8+$0x18270]  }
0x33d: {  	[tilespmem:s8+$0x18210] =	vst v10;
	v10 =	vmul.f32 v12, v8;
	v12 =	vld [tilespmem:s8+$0x18280]  }
0x33e: {  	[tilespmem:s8+$0x18220] =	vst v9;
	v9 =	vmul.f32 v13, v8;
	v13 =	vld [tilespmem:s8+$0x18290]  }
0x33f: {  	[tilespmem:s8+$0x18230] =	vst v10;
	v10 =	vmul.f32 v14, v8;
	v14 =	vld [tilespmem:s8+$0x182A0]  }
0x340: {  	[tilespmem:s8+$0x18240] =	vst v9;
	v9 =	vmul.f32 v11, v8;
	v11 =	vbroadcast v2, $0x5;
	v16 =	vld [tilespmem:s8+$0x182B0]  }
0x341: {  	[tilespmem:s8+$0x18250] =	vst v10;
	v8 =	vmul.f32 v15, v8;
	v10 =	vld [tilespmem:s8+$0x182C0]  }
0x342: {  	[tilespmem:s8+$0x18260] =	vst v9;
	v9 =	vmul.f32 v12, v11;
	v12 =	vld [tilespmem:s8+$0x182D0]  }
0x343: {  	[tilespmem:s8+$0x18270] =	vst v8;
	v8 =	vmul.f32 v13, v11;
	v13 =	vld [tilespmem:s8+$0x182E0]  }
0x344: {  	[tilespmem:s8+$0x18280] =	vst v9;
	v9 =	vmul.f32 v14, v11;
	v14 =	vld [tilespmem:s8+$0x182F0]  }
0x345: {  	[tilespmem:s8+$0x18290] =	vst v8;
	v8 =	vmul.f32 v16, v11;
	v15 =	vld [tilespmem:s8+$0x18300]  }
0x346: {  	[tilespmem:s8+$0x182A0] =	vst v9;
	v9 =	vmul.f32 v10, v11;
	v10 =	vld [tilespmem:s8+$0x18310]  }
0x347: {  	[tilespmem:s8+$0x182B0] =	vst v8;
	v8 =	vmul.f32 v12, v11;
	v12 =	vld [tilespmem:s8+$0x18320]  }
0x348: {  	[tilespmem:s8+$0x182C0] =	vst v9;
	v9 =	vmul.f32 v13, v11;
	v13 =	vbroadcast v2, $0x6;
	v16 =	vld [tilespmem:s8+$0x18330]  }
0x349: {  	[tilespmem:s8+$0x182D0] =	vst v8;
	v8 =	vmul.f32 v14, v11;
	v11 =	vld [tilespmem:s8+$0x18340]  }
0x34a: {  	[tilespmem:s8+$0x182E0] =	vst v9;
	v9 =	vmul.f32 v15, v13;
	v14 =	vld [tilespmem:s8+$0x18350]  }
0x34b: {  	[tilespmem:s8+$0x182F0] =	vst v8;
	v8 =	vmul.f32 v10, v13;
	v10 =	vld [tilespmem:s8+$0x18360]  }
0x34c: {  	[tilespmem:s8+$0x18300] =	vst v9;
	v9 =	vmul.f32 v12, v13;
	v12 =	vld [tilespmem:s8+$0x18370]  }
0x34d: {  	[tilespmem:s8+$0x18310] =	vst v8;
	v8 =	vmul.f32 v16, v13;
	v15 =	vld [tilespmem:s8+$0x18380]  }
0x34e: {  	[tilespmem:s8+$0x18320] =	vst v9;
	v9 =	vmul.f32 v11, v13;
	v11 =	vld [tilespmem:s8+$0x18390]  }
0x34f: {  	[tilespmem:s8+$0x18330] =	vst v8;
	v8 =	vmul.f32 v14, v13;
	v14 =	vld [tilespmem:s8+$0x183A0]  }
0x350: {  	[tilespmem:s8+$0x18340] =	vst v9;
	v9 =	vmul.f32 v10, v13;
	v10 =	vbroadcast v2, $0x7;
	v16 =	vld [tilespmem:s8+$0x183B0]  }
0x351: {  	[tilespmem:s8+$0x18350] =	vst v8;
	v8 =	vmul.f32 v12, v13;
	v12 =	vld [tilespmem:s8+$0x183C0]  }
0x352: {  	[tilespmem:s8+$0x18360] =	vst v9;
	v9 =	vmul.f32 v15, v10;
	v13 =	vld [tilespmem:s8+$0x183D0]  }
0x353: {  	[tilespmem:s8+$0x18370] =	vst v8;
	v8 =	vmul.f32 v11, v10;
	v11 =	vld [tilespmem:s8+$0x183E0]  }
0x354: {  	[tilespmem:s8+$0x18380] =	vst v9;
	v9 =	vmul.f32 v14, v10;
	v14 =	vld [tilespmem:s8+$0x183F0]  }
0x355: {  	[tilespmem:s8+$0x18390] =	vst v8;
	v8 =	vmul.f32 v16, v10;
	v15 =	vld [tilespmem:s8+$0x18400]  }
0x356: {  	[tilespmem:s8+$0x183A0] =	vst v9;
	v9 =	vmul.f32 v12, v10;
	v12 =	vld [tilespmem:s8+$0x18410]  }
0x357: {  	[tilespmem:s8+$0x183B0] =	vst v8;
	v8 =	vmul.f32 v13, v10;
	v13 =	vld [tilespmem:s8+$0x18420]  }
0x358: {  	[tilespmem:s8+$0x183C0] =	vst v9;
	v9 =	vmul.f32 v11, v10;
	v11 =	vbroadcast v2, $0x8;
	v16 =	vld [tilespmem:s8+$0x18430]  }
0x359: {  	[tilespmem:s8+$0x183D0] =	vst v8;
	v8 =	vmul.f32 v14, v10;
	v10 =	vld [tilespmem:s8+$0x18440]  }
0x35a: {  	[tilespmem:s8+$0x183E0] =	vst v9;
	v9 =	vmul.f32 v15, v11;
	v14 =	vld [tilespmem:s8+$0x18450]  }
0x35b: {  	[tilespmem:s8+$0x183F0] =	vst v8;
	v8 =	vmul.f32 v12, v11;
	v12 =	vld [tilespmem:s8+$0x18460]  }
0x35c: {  	[tilespmem:s8+$0x18400] =	vst v9;
	v9 =	vmul.f32 v13, v11;
	v13 =	vld [tilespmem:s8+$0x18470]  }
0x35d: {  	[tilespmem:s8+$0x18410] =	vst v8;
	v8 =	vmul.f32 v16, v11;
	v15 =	vld [tilespmem:s8+$0x18480]  }
0x35e: {  	[tilespmem:s8+$0x18420] =	vst v9;
	v9 =	vmul.f32 v10, v11;
	v10 =	vld [tilespmem:s8+$0x18490]  }
0x35f: {  	[tilespmem:s8+$0x18430] =	vst v8;
	v8 =	vmul.f32 v14, v11;
	v14 =	vld [tilespmem:s8+$0x184A0]  }
0x360: {  	[tilespmem:s8+$0x18440] =	vst v9;
	v9 =	vmul.f32 v12, v11;
	v12 =	vbroadcast v2, $0x9;
	v16 =	vld [tilespmem:s8+$0x184B0]  }
0x361: {  	[tilespmem:s8+$0x18450] =	vst v8;
	v8 =	vmul.f32 v13, v11;
	v11 =	vld [tilespmem:s8+$0x184C0]  }
0x362: {  	[tilespmem:s8+$0x18460] =	vst v9;
	v9 =	vmul.f32 v15, v12;
	v13 =	vld [tilespmem:s8+$0x184D0]  }
0x363: {  	[tilespmem:s8+$0x18470] =	vst v8;
	v8 =	vmul.f32 v10, v12;
	v10 =	vld [tilespmem:s8+$0x184E0]  }
0x364: {  	[tilespmem:s8+$0x18480] =	vst v9;
	v9 =	vmul.f32 v14, v12;
	v14 =	vld [tilespmem:s8+$0x184F0]  }
0x365: {  	[tilespmem:s8+$0x18490] =	vst v8;
	v8 =	vmul.f32 v16, v12;
	v15 =	vld [tilespmem:s8+$0x18500]  }
0x366: {  	[tilespmem:s8+$0x184A0] =	vst v9;
	v9 =	vmul.f32 v11, v12;
	v11 =	vld [tilespmem:s8+$0x18510]  }
0x367: {  	[tilespmem:s8+$0x184B0] =	vst v8;
	v8 =	vmul.f32 v13, v12;
	v13 =	vld [tilespmem:s8+$0x18520]  }
0x368: {  	[tilespmem:s8+$0x184C0] =	vst v9;
	v9 =	vmul.f32 v10, v12;
	v10 =	vld [tilespmem:s8+$0x18530]  }
0x369: {  	[tilespmem:s8+$0x184D0] =	vst v8;
	v8 =	vmul.f32 v14, v12;
	v12 =	vld [tilespmem:s8+$0x18540]  }
0x36a: {  	[tilespmem:s8+$0x184E0] =	vst v9;
	v9 =	vmul.f32 v15, v5;
	v14 =	vld [tilespmem:s8+$0x18550]  }
0x36b: {  	[tilespmem:s8+$0x184F0] =	vst v8;
	v8 =	vmul.f32 v11, v5;
	v11 =	vld [tilespmem:s8+$0x18560]  }
0x36c: {  	v15 =	vld [tilespmem:s8+$0x18000];
	[tilespmem:s8+$0x18500] =	vst v9;
	v9 =	vmul.f32 v13, v5  }
0x36d: {  	v13 =	vld [tilespmem:s8+$0x18010];
	[tilespmem:s8+$0x18510] =	vst v8;
	v8 =	vmul.f32 v10, v5  }
0x36e: {  	v10 =	vld [tilespmem:s8+$0x18040];
	[tilespmem:s8+$0x18520] =	vst v9;
	v9 =	vmul.f32 v12, v5  }
0x36f: {  	v12 =	vld [tilespmem:s8+$0x18050];
	[tilespmem:s8+$0x18530] =	vst v8;
	v8 =	vmul.f32 v14, v5  }
0x370: {  	[tilespmem:s8+$0x18540] =	vst v9;
	v9 =	vmul.f32 v11, v5;
	v11 =	vbroadcast v2, $0xB;
	v14 =	vld [tilespmem:s8+$0x185A0]  }
0x371: {  	v5 =	vbroadcast v2, $0xF;
	v15 =	vmul.f32 v3, v15;
	[tilespmem:s8+$0x18550] =	vst v8;
	v8 =	vld [tilespmem:s8+$0x185B0]  }
0x372: {  	v13 =	vmul.f32 v13, v3;
	[tilespmem:s8+$0x18560] =	vst v9;
	v6 =	vmul.f32 v6, v11;
	v9 =	vld [tilespmem:s8+$0x185C0]  }
0x373: {  	v7 =	vmul.f32 v7, v11;
	[tilespmem:s8+$0x18000] =	vst v15;
	v10 =	vmul.f32 v10, v3;
	v15 =	vld [tilespmem:s8+$0x185D0]  }
0x374: {  	v4 =	vmul.f32 v4, v5;
	v12 =	vmul.f32 v12, v3;
	[tilespmem:s8+$0x18580] =	vst v6;
	v3 =	vld [tilespmem:s8+$0x185E0]  }
0x375: {  	[tilespmem:s8+$0x18590] =	vst v7;
	v6 =	vmul.f32 v14, v11;
	v7 =	vld [tilespmem:s8+$0x185F0]  }
0x376: {  	v8 =	vmul.f32 v8, v11;
	v14 =	vld [tilespmem:s8+$0x18600];
	[tilespmem:s8+$0x187D0] =	vst v4  }
0x377: {  	[tilespmem:s8+$0x18010] =	vst v13;
	v4 =	vmul.f32 v9, v11;
	v9 =	vld [tilespmem:s8+$0x18610]  }
0x378: {  	[tilespmem:s8+$0x18040] =	vst v10;
	v10 =	vmul.f32 v15, v11;
	v13 =	vld [tilespmem:s8+$0x18620]  }
0x379: {  	v15 =	vbroadcast v2, $0xC;
	[tilespmem:s8+$0x185A0] =	vst v6;
	v6 =	vmul.f32 v3, v11;
	v16 =	vld [tilespmem:s8+$0x18630]  }
0x37a: {  	[tilespmem:s8+$0x185D0] =	vst v10;
	v7 =	vmul.f32 v7, v11;
	v10 =	vld [tilespmem:s8+$0x18640]  }
0x37b: {  	[tilespmem:s8+$0x185B0] =	vst v8;
	v3 =	vmul.f32 v14, v15;
	v8 =	vld [tilespmem:s8+$0x18650]  }
0x37c: {  	[tilespmem:s8+$0x185C0] =	vst v4;
	v4 =	vmul.f32 v9, v15;
	v9 =	vld [tilespmem:s8+$0x18660]  }
0x37d: {  	[tilespmem:s8+$0x18600] =	vst v3;
	v3 =	vmul.f32 v13, v15;
	v11 =	vld [tilespmem:s8+$0x18670]  }
0x37e: {  	[tilespmem:s8+$0x18610] =	vst v4;
	v4 =	vld [tilespmem:s8+$0x18680]  }
0x37f: {  	[tilespmem:s8+$0x18050] =	vst v12;
	v10 =	vmul.f32 v10, v15;
	v12 =	vld [tilespmem:s8+$0x18690]  }
0x380: {  	[tilespmem:s8+$0x185E0] =	vst v6;
	v6 =	vmul.f32 v8, v15;
	v8 =	vld [tilespmem:s8+$0x186A0]  }
0x381: {  	[tilespmem:s8+$0x18640] =	vst v10;
	v9 =	vmul.f32 v9, v15;
	v10 =	vbroadcast v2, $0xD;
	v13 =	vld [tilespmem:s8+$0x186B0]  }
0x382: {  	[tilespmem:s8+$0x18650] =	vst v6;
	v6 =	vmul.f32 v11, v15;
	v11 =	vld [tilespmem:s8+$0x186C0]  }
0x383: {  	[tilespmem:s8+$0x18660] =	vst v9;
	v4 =	vmul.f32 v4, v10;
	v9 =	vld [tilespmem:s8+$0x186D0]  }
0x384: {  	[tilespmem:s8+$0x18670] =	vst v6;
	v6 =	vmul.f32 v12, v10;
	v12 =	vld [tilespmem:s8+$0x186E0]  }
0x385: {  	[tilespmem:s8+$0x18680] =	vst v4;
	v4 =	vmul.f32 v8, v10;
	v8 =	vld [tilespmem:s8+$0x186F0]  }
0x386: {  	[tilespmem:s8+$0x18690] =	vst v6;
	v6 =	vmul.f32 v13, v10;
	v13 =	vld [tilespmem:s8+$0x18700]  }
0x387: {  	[tilespmem:s8+$0x186A0] =	vst v4;
	v4 =	vmul.f32 v11, v10;
	v11 =	vld [tilespmem:s8+$0x18710]  }
0x388: {  	[tilespmem:s8+$0x186B0] =	vst v6;
	v6 =	vmul.f32 v9, v10;
	v9 =	vld [tilespmem:s8+$0x18720]  }
0x389: {  	v2 =	vbroadcast v2, $0xE;
	[tilespmem:s8+$0x185F0] =	vst v7;
	v7 =	vmul.f32 v12, v10;
	v12 =	vld [tilespmem:s8+$0x18730]  }
0x38a: {  	[tilespmem:s8+$0x186D0] =	vst v6;
	v6 =	vmul.f32 v8, v10;
	v8 =	vld [tilespmem:s8+$0x18740]  }
0x38b: {  	[tilespmem:s8+$0x186E0] =	vst v7;
	v7 =	vmul.f32 v13, v2;
	v10 =	vld [tilespmem:s8+$0x18750]  }
0x38c: {  	[tilespmem:s8+$0x186F0] =	vst v6;
	v6 =	vmul.f32 v11, v2;
	v11 =	vld [tilespmem:s8+$0x18760]  }
0x38d: {  	[tilespmem:s8+$0x18700] =	vst v7;
	v7 =	vmul.f32 v9, v2;
	v9 =	vld [tilespmem:s8+$0x18770]  }
0x38e: {  	[tilespmem:s8+$0x18710] =	vst v6;
	v6 =	vmul.f32 v12, v2;
	v12 =	vld [tilespmem:s8+$0x18780]  }
0x38f: {  	[tilespmem:s8+$0x18720] =	vst v7;
	v7 =	vmul.f32 v8, v2;
	v8 =	vld [tilespmem:s8+$0x18790]  }
0x390: {  	[tilespmem:s8+$0x18730] =	vst v6;
	v6 =	vmul.f32 v10, v2;
	v10 =	vld [tilespmem:s8+$0x187A0]  }
0x391: {  	[tilespmem:s8+$0x18740] =	vst v7;
	v7 =	vmul.f32 v11, v2;
	v11 =	vld [tilespmem:s8+$0x187B0]  }
0x392: {  	[tilespmem:s8+$0x186C0] =	vst v4;
	v2 =	vmul.f32 v9, v2;
	v4 =	vld [tilespmem:s8+$0x187C0]  }
0x393: {  	[tilespmem:s8+$0x18760] =	vst v7;
	v7 =	vmul.f32 v12, v5;
	v9 =	vld [tilespmem:s8+$0x187E0]  }
0x394: {  	[tilespmem:s8+$0x18770] =	vst v2;
	v2 =	vmul.f32 v8, v5;
	v8 =	vld [tilespmem:s8+$0x187F0]  }
0x395: {  	[tilespmem:s8+$0x18780] =	vst v7;
	v7 =	vmul.f32 v10, v5  }
0x396: {  	[tilespmem:s8+$0x18790] =	vst v2;
	v2 =	vmul.f32 v11, v5  }
0x397: {  	v10 =	vmul.f32 v16, v15;
	[tilespmem:s8+$0x187A0] =	vst v7  }
0x398: {  	[tilespmem:s8+$0x187B0] =	vst v2;
	v2 =	vmul.f32 v4, v5  }
.Ltmp8:
0x399: {  	[tilespmem:s8+$0x18630] =	vst v10;
	v4 =	vmul.f32 v8, v5;
	(pc) =	sbr.rel @p1 .LBB2_12-.Ltmp8, $4  }
0x39a: {  	[tilespmem:s8+$0x187C0] =	vst v2  }
0x39b: {  	v2 =	vmul.f32 v9, v5;
	[tilespmem:s8+$0x187F0] =	vst v4  }
0x39c: {  	[tilespmem:s8+$0x18750] =	vst v6  }
0x39d: {  	[tilespmem:s8+$0x187E0] =	vst v2  }
0x39e: {  	s29 =	sadd.s32 $0x1, s29  }
0x39f: {  	p1 =	sne.s32 s29, $0x4F  }
.Ltmp9:
0x3a0: {  	[tilespmem:s8+$0x18620] =	vst v3;
	(pc) =	sbr.rel @p1 .LBB2_9-.Ltmp9, $4  }
0x3a1: {  	[spmem:s3] =	stream.indirect.scatter.add.f32 [tilespmem:s18], [sflag:$0x3], $0x80, s7, s31, $0xb8;
	[tilespmem:$0x1EB00] =	vst v63  }
0x3a2: {  	_ =	swait.ge [sflag:s25], $0x4000  }
0x3a3: {  	[sflag:s25] =	ssyncset.done $0x0  }
0x3a4: {  	[sflag:s25] =	ssyncadd.s32 $0xFFFFC000  }
.Ltmp10:
0x3a5: {  	(pc) =	sbr.rel .LBB2_17-.Ltmp10, $4  }
0x3a6: {  	s4 =	stileid.u32  }
0x3a7: {  	[bflag:$0x0] =	sbarrier.arrive $0xFFFF;
	s4 =	sshll.u32 s4, $0x6  }
0x3a8: {  	s8 =	sshrl.u32 s9, $0x3;
	s10 =	rddreg [dreg:$0xd];
	s4 =	sor.u32 $0x1C03, s4  }
0x3a9: {  	[hbm:s10], [sflag:s4] =	dma.local [spmem:s8], $0x2800  }
.LBB2_15:
0x3aa: {  	_ =	swait.ge [sflag:s0], $0x4000  }
0x3ab: {  	s8 =	sadd.s32 s4, s23;
	[sflag:s0] =	ssyncset.done $0x0  }
0x3ac: {  	s8 =	sadd.s32 $0x10, s8;
	[sflag:s0] =	ssyncadd.s32 $0xFFFFC000  }
0x3ad: {  	[tilespmem:s28], [sflag:$0x3] =	stream.linear.gather [hbm4b:s8+s5], $0x80, $0x38;
	[tilespmem:$0x1EB00] =	vst v63  }
0x3ae: {  	_ =	swait.ge [sflag:s25], $0x80  }
0x3af: {  	s29 =	sadd.s32 s4, s22;
	[sflag:s25] =	ssyncset.done $0x0  }
0x3b0: {  	s8 =	sadd.s32 $0x10, s29;
	[sflag:s25] =	ssyncadd.s32 $0xFFFFFF80  }
0x3b1: {  	[tilespmem:s7], [sflag:$0x3] =	stream.linear.gather [hbm4b:s8+s5], $0x80, $0x38;
	[tilespmem:$0x1EB00] =	vst v63  }
0x3b2: {  	_ =	swait.ge [sflag:s25], $0x80  }
0x3b3: {  	[sflag:s25] =	ssyncset.done $0x0  }
0x3b4: {  	[sflag:s25] =	ssyncadd.s32 $0xFFFFFF80  }
0x3b5: {  	[tilespmem:s18], [sflag:$0x2] =	stream.indirect.gather [hbm4b:s2+s31], $0x80, s28, s31, $0xb8;
	[tilespmem:$0x1EB00] =	vst v63  }
0x3b6: {  	v2 =	vld [tilespmem:$0x1C000]  }
0x3b7: {  	v3 =	vld [tilespmem:$0x1C100];
	_ =	sdelay $0x4  }
0x3b8: {  	vm0 =	vne.s32 v2, v3;
	_ =	sdelay $0x3  }
0x3b9: {  	v2 =	vnsel vm0, $0x2710, v3  }
0x3ba: {  	[tilespmem:$0x1C100] =	vst v2  }
0x3bb: {  	[tilespmem:v3+s26+$0x0] =	vst.idx.add.f32.msk vm0, v1  }
0x3bc: {  	v2 =	vld [tilespmem:$0x1C010]  }
0x3bd: {  	v3 =	vld [tilespmem:$0x1C110];
	_ =	sdelay $0x4  }
0x3be: {  	vm13 =	vne.s32 v2, v3;
	_ =	sdelay $0x3  }
0x3bf: {  	v2 =	vnsel vm13, $0x2710, v3  }
0x3c0: {  	[tilespmem:$0x1C110] =	vst v2  }
0x3c1: {  	[tilespmem:v3+s26+$0x0] =	vst.idx.add.f32.msk vm13, v1  }
0x3c2: {  	v2 =	vld [tilespmem:$0x1C020]  }
0x3c3: {  	v3 =	vld [tilespmem:$0x1C120];
	_ =	sdelay $0x4  }
0x3c4: {  	vm14 =	vne.s32 v2, v3;
	_ =	sdelay $0x3  }
0x3c5: {  	v2 =	vnsel vm14, $0x2710, v3  }
0x3c6: {  	[tilespmem:$0x1C120] =	vst v2  }
0x3c7: {  	[tilespmem:v3+s26+$0x0] =	vst.idx.add.f32.msk vm14, v1  }
0x3c8: {  	v2 =	vld [tilespmem:$0x1C030]  }
0x3c9: {  	v3 =	vld [tilespmem:$0x1C130];
	_ =	sdelay $0x4  }
0x3ca: {  	vm15 =	vne.s32 v2, v3;
	_ =	sdelay $0x3  }
0x3cb: {  	v2 =	vnsel vm15, $0x2710, v3  }
0x3cc: {  	[tilespmem:$0x1C130] =	vst v2  }
0x3cd: {  	[tilespmem:v3+s26+$0x0] =	vst.idx.add.f32.msk vm15, v1  }
0x3ce: {  	v2 =	vld [tilespmem:$0x1C040]  }
0x3cf: {  	v3 =	vld [tilespmem:$0x1C140];
	_ =	sdelay $0x4  }
0x3d0: {  	vm4 =	vne.s32 v2, v3;
	_ =	sdelay $0x3  }
0x3d1: {  	v2 =	vnsel vm4, $0x2710, v3  }
0x3d2: {  	[tilespmem:$0x1C140] =	vst v2  }
0x3d3: {  	[tilespmem:v3+s26+$0x0] =	vst.idx.add.f32.msk vm4, v1  }
0x3d4: {  	v2 =	vld [tilespmem:$0x1C050]  }
0x3d5: {  	v3 =	vld [tilespmem:$0x1C150];
	_ =	sdelay $0x4  }
0x3d6: {  	vm5 =	vne.s32 v2, v3;
	_ =	sdelay $0x3  }
0x3d7: {  	v2 =	vnsel vm5, $0x2710, v3  }
0x3d8: {  	[tilespmem:$0x1C150] =	vst v2  }
0x3d9: {  	[tilespmem:v3+s26+$0x0] =	vst.idx.add.f32.msk vm5, v1  }
0x3da: {  	v2 =	vld [tilespmem:$0x1C060]  }
0x3db: {  	v3 =	vld [tilespmem:$0x1C160];
	_ =	sdelay $0x4  }
0x3dc: {  	vm6 =	vne.s32 v2, v3;
	_ =	sdelay $0x3  }
0x3dd: {  	v2 =	vnsel vm6, $0x2710, v3  }
0x3de: {  	[tilespmem:$0x1C160] =	vst v2  }
0x3df: {  	[tilespmem:v3+s26+$0x0] =	vst.idx.add.f32.msk vm6, v1  }
0x3e0: {  	v2 =	vld [tilespmem:$0x1C070]  }
0x3e1: {  	v3 =	vld [tilespmem:$0x1C170];
	_ =	sdelay $0x4  }
0x3e2: {  	vm7 =	vne.s32 v2, v3;
	_ =	sdelay $0x3  }
0x3e3: {  	v2 =	vnsel vm7, $0x2710, v3  }
0x3e4: {  	[tilespmem:$0x1C170] =	vst v2  }
0x3e5: {  	[tilespmem:v3+s26+$0x0] =	vst.idx.add.f32.msk vm7, v1  }
0x3e6: {  	[spmem:s3] =	stream.indirect.scatter.add.f32 [tilespmem:s24], [sflag:$0x3], $0x80, s30, s31, $0xb8;
	[tilespmem:$0x1EB00] =	vst v63  }
0x3e7: {  	_ =	swait.ge [sflag:s25], $0x4000  }
0x3e8: {  	[sflag:s25] =	ssyncset.done $0x0  }
0x3e9: {  	[sflag:s25] =	ssyncadd.s32 $0xFFFFC000  }
0x3ea: {  	p1 =	seq.s32 s4, $0x9C0;
	_ =	swait.ge [sflag:s19], $0x4000  }
0x3eb: {  	s10 =	simm.s32 @!p1 $0x0;
	s8 =	sadd.s32 @!p1 s4, s23;
	[sflag:s19] =	ssyncset.done $0x0  }
0x3ec: {  	s11 =	simm.s32 @!p1 $0x1C000;
	s8 =	sadd.s32 @!p1 $0x20, s8;
	[sflag:s19] =	ssyncadd.s32 $0xFFFFC000  }
0x3ed: {  	[tilespmem:s11], [sflag:$0x3] =	stream.linear.gather @!p1 [hbm4b:s8+s10], $0x80, $0x38;
	[tilespmem:$0x1EB00] =	vst v63  }
0x3ee: {  	s8 =	simm.s32 @!p1 $0x3  }
0x3ef: {  	_ =	swait.ge @!p1 [sflag:s8], $0x80  }
0x3f0: {  	s12 =	sadd.s32 @!p1 s4, s22;
	[sflag:s8] =	ssyncset.done @!p1 $0x0  }
0x3f1: {  	s13 =	simm.s32 @!p1 $0x1C100;
	s12 =	sadd.s32 @!p1 $0x20, s12;
	[sflag:s8] =	ssyncadd.s32 @!p1 $0xFFFFFF80  }
0x3f2: {  	[tilespmem:s13], [sflag:$0x3] =	stream.linear.gather @!p1 [hbm4b:s12+s10], $0x80, $0x38;
	[tilespmem:$0x1EB00] =	vst v63  }
0x3f3: {  	_ =	swait.ge @!p1 [sflag:s8], $0x80  }
0x3f4: {  	[sflag:s8] =	ssyncset.done @!p1 $0x0  }
0x3f5: {  	s10 =	simm.s32 @!p1 $0x14000;
	[sflag:s8] =	ssyncadd.s32 @!p1 $0xFFFFFF80;
	s8 =	simm.s32 @!p1 $0x80  }
0x3f6: {  	[tilespmem:s10], [sflag:$0x1] =	stream.indirect.gather @!p1 [hbm4b:s2+s8], $0x80, s11, s8, $0xb8;
	[tilespmem:$0x1EB00] =	vst v63  }
0x3f7: {  	v2 =	vld [tilespmem:$0x1C080]  }
0x3f8: {  	v3 =	vld [tilespmem:$0x1C180];
	_ =	sdelay $0x4  }
0x3f9: {  	vm8 =	vne.s32 v2, v3;
	_ =	sdelay $0x3  }
0x3fa: {  	v2 =	vnsel vm8, $0x2710, v3  }
0x3fb: {  	[tilespmem:$0x1C180] =	vst v2  }
0x3fc: {  	[tilespmem:v3+s26+$0x0] =	vst.idx.add.f32.msk vm8, v1  }
0x3fd: {  	v2 =	vld [tilespmem:$0x1C090]  }
0x3fe: {  	v3 =	vld [tilespmem:$0x1C190];
	_ =	sdelay $0x4  }
0x3ff: {  	vm9 =	vne.s32 v2, v3;
	_ =	sdelay $0x3  }
0x400: {  	v2 =	vnsel vm9, $0x2710, v3  }
0x401: {  	[tilespmem:$0x1C190] =	vst v2  }
0x402: {  	[tilespmem:v3+s26+$0x0] =	vst.idx.add.f32.msk vm9, v1  }
0x403: {  	v2 =	vld [tilespmem:$0x1C0A0]  }
0x404: {  	v3 =	vld [tilespmem:$0x1C1A0];
	_ =	sdelay $0x4  }
0x405: {  	vm10 =	vne.s32 v2, v3;
	_ =	sdelay $0x3  }
0x406: {  	v2 =	vnsel vm10, $0x2710, v3  }
0x407: {  	[tilespmem:$0x1C1A0] =	vst v2  }
0x408: {  	[tilespmem:v3+s26+$0x0] =	vst.idx.add.f32.msk vm10, v1  }
0x409: {  	v2 =	vld [tilespmem:$0x1C0B0]  }
0x40a: {  	v3 =	vld [tilespmem:$0x1C1B0];
	_ =	sdelay $0x4  }
0x40b: {  	vm11 =	vne.s32 v2, v3;
	_ =	sdelay $0x3  }
0x40c: {  	v2 =	vnsel vm11, $0x2710, v3  }
0x40d: {  	[tilespmem:$0x1C1B0] =	vst v2  }
0x40e: {  	[tilespmem:v3+s26+$0x0] =	vst.idx.add.f32.msk vm11, v1  }
0x40f: {  	v2 =	vld [tilespmem:$0x1C0C0]  }
0x410: {  	v3 =	vld [tilespmem:$0x1C1C0];
	_ =	sdelay $0x4  }
0x411: {  	vm12 =	vne.s32 v2, v3;
	_ =	sdelay $0x3  }
0x412: {  	v2 =	vnsel vm12, $0x2710, v3  }
0x413: {  	[tilespmem:$0x1C1C0] =	vst v2  }
0x414: {  	[tilespmem:v3+s26+$0x0] =	vst.idx.add.f32.msk vm12, v1  }
0x415: {  	v2 =	vld [tilespmem:$0x1C0D0]  }
0x416: {  	v3 =	vld [tilespmem:$0x1C1D0];
	_ =	sdelay $0x4  }
0x417: {  	vm13 =	vne.s32 v2, v3;
	_ =	sdelay $0x3  }
0x418: {  	v2 =	vnsel vm13, $0x2710, v3  }
0x419: {  	[tilespmem:$0x1C1D0] =	vst v2  }
0x41a: {  	[tilespmem:v3+s26+$0x0] =	vst.idx.add.f32.msk vm13, v1  }
0x41b: {  	v2 =	vld [tilespmem:$0x1C0E0]  }
0x41c: {  	v3 =	vld [tilespmem:$0x1C1E0];
	_ =	sdelay $0x4  }
0x41d: {  	vm14 =	vne.s32 v2, v3;
	_ =	sdelay $0x3  }
0x41e: {  	v2 =	vnsel vm14, $0x2710, v3  }
0x41f: {  	[tilespmem:$0x1C1E0] =	vst v2  }
0x420: {  	[tilespmem:v3+s26+$0x0] =	vst.idx.add.f32.msk vm14, v1  }
0x421: {  	v2 =	vld [tilespmem:$0x1C0F0]  }
0x422: {  	v3 =	vld [tilespmem:$0x1C1F0];
	_ =	sdelay $0x4  }
0x423: {  	vm15 =	vne.s32 v2, v3;
	_ =	sdelay $0x3  }
0x424: {  	s4 =	sadd.s32 $0x20, s4;
	v2 =	vnsel vm15, $0x2710, v3  }
0x425: {  	p1 =	sne.s32 s4, $0x9E0;
	[tilespmem:$0x1C1F0] =	vst v2  }
.Ltmp11:
0x426: {  	[tilespmem:v3+s26+$0x0] =	vst.idx.add.f32.msk vm15, v1;
	(pc) =	sbr.rel @p1 .LBB2_15-.Ltmp11, $4  }
0x427: {  	[spmem:s3] =	stream.indirect.scatter.add.f32 [tilespmem:s18], [sflag:$0x3], $0x80, s7, s31, $0xb8;
	[tilespmem:$0x1EB00] =	vst v63  }
0x428: {  	_ =	swait.ge [sflag:s25], $0x4000  }
0x429: {  	[sflag:s25] =	ssyncset.done $0x0  }
0x42a: {  	[sflag:s25] =	ssyncadd.s32 $0xFFFFC000  }
0x42b: {  	s4 =	stileid.u32  }
0x42c: {  	[bflag:$0x0] =	sbarrier.arrive $0xFFFF;
	s4 =	sshll.u32 s4, $0x6  }
0x42d: {  	s8 =	sshrl.u32 s9, $0x3;
	s10 =	rddreg [dreg:$0xb];
	s4 =	sor.u32 $0x1C03, s4  }
0x42e: {  	[hbm:s10], [sflag:s4] =	dma.local [spmem:s8], $0x2800  }
.Ltmp12:
0x42f: {  	_ = 	snop;
	(pc) =	sbr.rel .LBB2_17-.Ltmp12, $4  }
0x430: {  	_ =	swait.ge [sflag:s25], $0x2800  }
0x431: {  	[sflag:s25] =	ssyncset.done $0x0  }
0x432: {  	s29 =	simm.s32 $0x400;
	s13 =	rddreg [dreg:$0xc];
	[sflag:s25] =	ssyncadd.s32 $0xFFFFD800  }
0x433: {  	[hbm4b:s13+s31] =	stream.strided.scatter [tilespmem:s26], [sflag:$0x3], $0x2800, s29, s31, $0x38;
	[tilespmem:$0x1EB00] =	vst v63  }
.LBB2_18:
0x434: {  	_ =	sfence.sel $0x180000  }
0x435: {  	[bflag:$0x0] =	sbarrier.arrive $0xFFFF  }
0x436: {  	_ =	strace $0x90000047  }
0x437: {  	s0 =	stileid.u32;
	[bflag:$0x2] =	sbarrier.arrive $0xFFFF  }
0x438: {  	p0 =	sne.s32 s0, $0x0;
	s0 =	rddreg [dreg:$0x4]  }
0x439: {  	s0 =	sadd.s32 @!p0 $0x100000, s0  }
0x43a: {  	[sflag:s0] =	ssyncadd.tile.s32 @!p0 $0x1;
	_ =	shalt  }
.Lfunc_end2:
_tile_overlayer_lowered:
.L_overlay_start_2:
0x43b: {  	(tag) =	ssettag $0x2  }
0x43c: {  	s0 =	rddreg [dreg:$0x0];
	s2 =	stileid.u32  }
0x43d: {  	s1 =	rddreg [dreg:$0x1];
	p0 =	sne.s32 s2, $0x0  }
0x43e: {  	s3 =	rddreg [dreg:$0x2];
	[bflag:$0x3] =	sbarrier.arrive $0xFFFF;
	s2 =	simm.s32 @!p0 $0x1C03  }
0x43f: {  	[timem:s3], [sflag:s2] =	dma.local @!p0 [hbm:s0], s1  }
0x440: {  	s0 =	simm.s32 @!p0 $0x3  }
0x441: {  	_ =	swait.ge @!p0 [sflag:s0], s1  }
0x442: {  	s1 =	ssub.s32 @!p0 $0x0, s1;
	[sflag:s0] =	ssyncset.done @!p0 $0x0  }
0x443: {  	[sflag:s0] =	ssyncadd.s32 @!p0 s1  }
0x444: {  	[bflag:$0x3] =	sbarrier.arrive $0xFFFF  }
0x445: {  	_ =	shalt  }

</sc_bundles>
